<compile_context>
chip_gen: v7x
topology: tpu7x:2x2x1
jax: 0.10.2.dev20260603
libtpu: 0.0.44.dev20260713+nightly
codegen_flags: <defaults>
</compile_context>

<pallas_src>
import functools

import jax
import jax.numpy as jnp
from jax import lax
from jax.experimental import pallas as pl
from jax.experimental.pallas import tpu as pltpu
from jax.experimental.pallas import tpu_sc as plsc

CATE_NUM = 1000
SHOTS = 16
FEAT_DIM = 1024
FEAT_NUM = 512

CB = 40
RB = CB * SHOTS

_F16_SCALE = 1.925929944387236e-34

_SC_ROWS = 40
_SC_ACTIVE = CATE_NUM // _SC_ROWS


def _sc_scatter_res_full(res, indices):
    mesh = plsc.VectorSubcoreMesh(core_axis_name="c", subcore_axis_name="s")

    @functools.partial(
        pl.kernel,
        out_type=jax.ShapeDtypeStruct((CATE_NUM, FEAT_DIM), jnp.float32),
        mesh=mesh,
        scratch_types=[
            pltpu.VMEM((FEAT_NUM,), jnp.int32),
            pltpu.VMEM((_SC_ROWS, FEAT_NUM), jnp.float32),
            pltpu.VMEM((_SC_ROWS, FEAT_DIM), jnp.float32),
        ],
        compiler_params=pltpu.CompilerParams(use_tc_tiling_on_sc=False,
                                             needs_layout_passes=False),
    )
    def sc_kernel(res_hbm, idx_hbm, out_hbm, idx_v, rows_v, buf_v):
        w = lax.axis_index("s") * 2 + lax.axis_index("c")

        @pl.when(w < _SC_ACTIVE)
        def _():
            lo = w * _SC_ROWS
            pltpu.sync_copy(idx_hbm, idx_v)
            pltpu.sync_copy(res_hbm.at[pl.ds(lo, _SC_ROWS)], rows_v)

            zeros16 = jnp.zeros((16,), jnp.float32)

            def zbody(z, _):
                for u in range(FEAT_DIM // 16):
                    buf_v[z, pl.ds(u * 16, 16)] = zeros16
                return _

            lax.fori_loop(0, _SC_ROWS, zbody, None)

            idxs = [idx_v[pl.ds(16 * j, 16)] for j in range(FEAT_NUM // 16)]

            def row_body(t, _):
                t_vec = jnp.full((16,), t, jnp.int32)
                for j in range(FEAT_NUM // 16):
                    plsc.store_scatter(buf_v, [t_vec, idxs[j]],
                                       rows_v[t, pl.ds(16 * j, 16)])
                return _

            lax.fori_loop(0, _SC_ROWS, row_body, None)

            pltpu.sync_copy(buf_v, out_hbm.at[pl.ds(lo, _SC_ROWS)])

    return sc_kernel(res, indices)


def _bits_to_f16(b):
    h = lax.shift_right_logical(b + 0x1000, 13) & 0x7FFF
    sgn = lax.shift_right_logical(b, 16) & 0x8000
    return (sgn | h).astype(jnp.uint16)


def _to_f16(x):
    y = x * _F16_SCALE
    return _bits_to_f16(lax.bitcast_convert_type(y, jnp.int32))


def _fused_body(rfull_ref, clipt_ref, ck_ref, cvt_ref, vwt_ref,
                out1_ref, out2t_ref, out3t_ref):
    out2u = out2t_ref.bitcast(jnp.uint16)
    for k in range(CB // 8):
        s = slice(8 * k, 8 * k + 8)
        out2u[s, :] = _to_f16(clipt_ref[s, :] + rfull_ref[s, :])

    out1u = out1_ref.bitcast(jnp.uint16)
    for c in range(CB):
        s = slice(SHOTS * c, SHOTS * (c + 1))
        out1u[s, :] = _to_f16(ck_ref[s, :] + rfull_ref[c:c + 1, :])

    out3u = out3t_ref.bitcast(jnp.uint16)
    vw2 = vwt_ref[...] * _F16_SCALE
    for k in range(CATE_NUM // 8):
        s = slice(8 * k, 8 * k + 8)
        y = cvt_ref[s, :] * vw2
        out3u[s, :] = _bits_to_f16(lax.bitcast_convert_type(y, jnp.int32))


def kernel(cache_keys, clip_weights, cache_values, res, value_weights, indices):
    res_full = _sc_scatter_res_full(res, indices)

    clipt = clip_weights.T
    cvt = cache_values.T
    vwt = value_weights.T

    grid = (CATE_NUM // CB,)
    out1, out2t, out3t = pl.pallas_call(
        _fused_body,
        grid=grid,
        in_specs=[
            pl.BlockSpec((CB, FEAT_DIM), lambda i: (i, 0)),
            pl.BlockSpec((CB, FEAT_DIM), lambda i: (i, 0)),
            pl.BlockSpec((RB, FEAT_DIM), lambda i: (i, 0)),
            pl.BlockSpec((CATE_NUM, RB), lambda i: (0, i)),
            pl.BlockSpec((1, RB), lambda i: (0, i)),
        ],
        out_specs=[
            pl.BlockSpec((RB, FEAT_DIM), lambda i: (i, 0)),
            pl.BlockSpec((CB, FEAT_DIM), lambda i: (i, 0)),
            pl.BlockSpec((CATE_NUM, RB), lambda i: (0, i)),
        ],
        out_shape=[
            jax.ShapeDtypeStruct((CATE_NUM * SHOTS, FEAT_DIM), jnp.float16),
            jax.ShapeDtypeStruct((CATE_NUM, FEAT_DIM), jnp.float16),
            jax.ShapeDtypeStruct((CATE_NUM, CATE_NUM * SHOTS), jnp.float16),
        ],
    )(res_full, clipt, cache_keys, cvt, vwt)

    return (out1, out2t.T, out3t.T)

# --- scband reference (transcript-rebuilt; emitter-appended) ---
"""Pipeline reference for scband-ape-training-73426760892970 (READ-ONLY COPY).

The authoritative reference and input builder live on the scoring server;
editing this copy changes nothing except your own understanding.
"""

import jax, jax.numpy as jnp
import numpy as np

CATE_NUM = 1000
SHOTS = 16
FEAT_DIM = 1024
FEAT_NUM = 512


def setup_inputs(seed: int = 0) -> dict:
    key = jax.random.key(seed)
    k1, k2, k3, k4, k5, k6 = jax.random.split(key, 6)
    cache_keys = jax.random.normal(k1, (CATE_NUM * SHOTS, FEAT_DIM), dtype=jnp.float32)
    clip_weights = jax.random.normal(k2, (FEAT_DIM, CATE_NUM), dtype=jnp.float32)
    cache_values = jax.random.uniform(k3, (CATE_NUM * SHOTS, CATE_NUM), dtype=jnp.float32)
    # learned parameters (res init zeros / value_weights init ones in torch; small
    # perturbations used here so the scatter path is numerically observable)
    res = 0.02 * jax.random.normal(k4, (CATE_NUM, FEAT_NUM), dtype=jnp.float32)
    value_weights = 1.0 + 0.02 * jax.random.normal(k5, (CATE_NUM * SHOTS, 1), dtype=jnp.float32)
    # indices: feat_num unique feature columns selected by cal_criterion's topk
    indices = jnp.sort(jax.random.permutation(k6, FEAT_DIM)[:FEAT_NUM]).astype(jnp.int32)
    return {
        "cache_keys": cache_keys,
        "clip_weights": clip_weights,
        "cache_values": cache_values,
        "res": res,
        "value_weights": value_weights,
        "indices": indices,
    }


def reference(cache_keys, clip_weights, cache_values, res, value_weights, indices):
    # res_keys = res.unsqueeze(1).repeat(1, shots, 1).reshape(-1, feat_num)
    res_keys = jnp.repeat(res[:, None, :], SHOTS, axis=1).reshape(-1, FEAT_NUM)
    # new_cache_keys[:, indices] = new_cache_keys[:, indices] + res_keys
    new_cache_keys = cache_keys.reshape(-1, FEAT_DIM)
    new_cache_keys = new_cache_keys.at[:, indices].add(res_keys)
    # new_clip_weights[indices, :] = clip_weights[indices, :] + res.T
    res_text = res.T
    new_clip_weights = clip_weights.at[indices, :].add(res_text)
    # new_cache_values = cache_values * value_weights
    new_cache_values = cache_values * value_weights
    return (
        new_cache_keys.astype(jnp.float16),
        new_clip_weights.astype(jnp.float16),
        new_cache_values.astype(jnp.float16),
    )

if __name__ == "__main__":
    import jax
    _d = setup_inputs()
    print(jax.jit(kernel)(*tuple(_d.values())))

</pallas_src>

<mosaic_0001>
#map = affine_map<(d0, d1) -> (0, 0)>
#map1 = affine_map<(d0, d1) -> (0)>
module attributes {stable_mosaic.version = 14 : i64} {
  func.func @sc_kernel(%arg0: i32, %arg1: i32, %arg2: memref<1000x512xf32, #tpu.memory_space<hbm>>, %arg3: memref<512xi32, #tpu.memory_space<hbm>>, %arg4: memref<1000x1024xf32, #tpu.memory_space<hbm>>, %arg5: memref<512xi32, #tpu.memory_space<vmem>>, %arg6: memref<40x512xf32, #tpu.memory_space<vmem>>, %arg7: memref<40x1024xf32, #tpu.memory_space<vmem>>) attributes {dimension_semantics = [#tpu.dimension_semantics<core_parallel>, #tpu.dimension_semantics<subcore_parallel>], iteration_bounds = array<i64: 2, 16>, scalar_prefetch = 0 : i64, scratch_operands = 3 : i64, tpu.core_type = #tpu.core_type<sc_vector_subcore>, window_params = [{transform_indices = #map}, {transform_indices = #map1}, {transform_indices = #map}]} {
    %mul3A = arith.constant 2 : i32
    %mul3A_0 = arith.muli %arg1, %mul3A : i32
    %add3A = arith.addi %mul3A_0, %arg0 : i32
    %lt3A = arith.constant 25 : i32
    %lt3A_1 = arith.cmpi slt, %add3A, %lt3A : i32
    %convert_element_type3A = arith.extui %lt3A_1 : i1 to i32
    %cond3A = arith.constant 0 : i32
    %cond3A_2 = arith.cmpi ne, %convert_element_type3A, %cond3A : i32
    scf.if %cond3A_2 {
      %mul3A_3 = arith.constant 40 : i32
      %mul3A_4 = arith.muli %add3A, %mul3A_3 : i32
      "tpu.region"() ({
        %run_scoped3A = tpu.sem_alloc : memref<!tpu.dma_semaphore, #tpu.memory_space<semaphore_mem>>
        tpu.enqueue_dma source(%arg3 : memref<512xi32, #tpu.memory_space<hbm>>) target(%arg5 : memref<512xi32, #tpu.memory_space<vmem>>) target_semaphore(%run_scoped3A : memref<!tpu.dma_semaphore, #tpu.memory_space<semaphore_mem>>)
        tpu.wait_dma2 semaphore(%run_scoped3A : memref<!tpu.dma_semaphore, #tpu.memory_space<semaphore_mem>>) src(%arg3 : memref<512xi32, #tpu.memory_space<hbm>>) dst(%arg5 : memref<512xi32, #tpu.memory_space<vmem>>)
        tpu.yield
      }) : () -> ()
      "tpu.region"() ({
        %run_scoped3A = tpu.sem_alloc : memref<!tpu.dma_semaphore, #tpu.memory_space<semaphore_mem>>
        %dma_start3A = arith.constant 0 : i32
        %dma_start3A_78 = tpu.memref_slice %arg2[%mul3A_4, %dma_start3A] : memref<1000x512xf32, #tpu.memory_space<hbm>> -> memref<40x512xf32, #tpu.memory_space<hbm>>
        %dma_start3A_79 = arith.constant 0 : i32
        %dma_start3A_80 = tpu.memref_slice %arg2[%mul3A_4, %dma_start3A_79] : memref<1000x512xf32, #tpu.memory_space<hbm>> -> memref<40x512xf32, #tpu.memory_space<hbm>>
        tpu.enqueue_dma source(%dma_start3A_80 : memref<40x512xf32, #tpu.memory_space<hbm>>) target(%arg6 : memref<40x512xf32, #tpu.memory_space<vmem>>) target_semaphore(%run_scoped3A : memref<!tpu.dma_semaphore, #tpu.memory_space<semaphore_mem>>)
        %dma_wait3A = arith.constant 0 : i32
        %dma_wait3A_81 = tpu.memref_slice %arg2[%mul3A_4, %dma_wait3A] : memref<1000x512xf32, #tpu.memory_space<hbm>> -> memref<40x512xf32, #tpu.memory_space<hbm>>
        %dma_wait3A_82 = arith.constant 0 : i32
        %dma_wait3A_83 = tpu.memref_slice %arg2[%mul3A_4, %dma_wait3A_82] : memref<1000x512xf32, #tpu.memory_space<hbm>> -> memref<40x512xf32, #tpu.memory_space<hbm>>
        tpu.wait_dma2 semaphore(%run_scoped3A : memref<!tpu.dma_semaphore, #tpu.memory_space<semaphore_mem>>) src(%dma_wait3A_83 : memref<40x512xf32, #tpu.memory_space<hbm>>) dst(%arg6 : memref<40x512xf32, #tpu.memory_space<vmem>>)
        tpu.yield
      }) : () -> ()
      %broadcast_in_dim3A = arith.constant 0.000000e+00 : f32
      %broadcast_in_dim3A_5 = vector.broadcast %broadcast_in_dim3A : f32 to vector<16xf32>
      %scan3A = arith.constant 0 : i32
      %scan3A_6 = arith.constant 40 : i32
      %scan3A_7 = arith.addi %scan3A, %scan3A_6 : i32
      %scan3A_8 = arith.constant 1 : i32
      scf.for %scan3A_78 = %scan3A to %scan3A_7 step %scan3A_8  : i32 {
        %swap3A = arith.index_cast %scan3A_78 : i32 to index
        %swap3A_79 = arith.constant 0 : index
        %swap3A_80 = tpu.vector_load %arg7[%swap3A, %swap3A_79] {strides = array<i32>} : memref<40x1024xf32, #tpu.memory_space<vmem>>, vector<16xf32>,
        tpu.vector_store %arg7[%swap3A, %swap3A_79], %broadcast_in_dim3A_5 {strides = array<i32>} : memref<40x1024xf32, #tpu.memory_space<vmem>>, vector<16xf32>,
        %swap3A_81 = arith.index_cast %scan3A_78 : i32 to index
        %swap3A_82 = arith.constant 16 : index
        %swap3A_83 = tpu.vector_load %arg7[%swap3A_81, %swap3A_82] {strides = array<i32>} : memref<40x1024xf32, #tpu.memory_space<vmem>>, vector<16xf32>,
        tpu.vector_store %arg7[%swap3A_81, %swap3A_82], %broadcast_in_dim3A_5 {strides = array<i32>} : memref<40x1024xf32, #tpu.memory_space<vmem>>, vector<16xf32>,
        %swap3A_84 = arith.index_cast %scan3A_78 : i32 to index
        %swap3A_85 = arith.constant 32 : index
        %swap3A_86 = tpu.vector_load %arg7[%swap3A_84, %swap3A_85] {strides = array<i32>} : memref<40x1024xf32, #tpu.memory_space<vmem>>, vector<16xf32>,
        tpu.vector_store %arg7[%swap3A_84, %swap3A_85], %broadcast_in_dim3A_5 {strides = array<i32>} : memref<40x1024xf32, #tpu.memory_space<vmem>>, vector<16xf32>,
        %swap3A_87 = arith.index_cast %scan3A_78 : i32 to index
        %swap3A_88 = arith.constant 48 : index
        %swap3A_89 = tpu.vector_load %arg7[%swap3A_87, %swap3A_88] {strides = array<i32>} : memref<40x1024xf32, #tpu.memory_space<vmem>>, vector<16xf32>,
        tpu.vector_store %arg7[%swap3A_87, %swap3A_88], %broadcast_in_dim3A_5 {strides = array<i32>} : memref<40x1024xf32, #tpu.memory_space<vmem>>, vector<16xf32>,
        %swap3A_90 = arith.index_cast %scan3A_78 : i32 to index
        %swap3A_91 = arith.constant 64 : index
        %swap3A_92 = tpu.vector_load %arg7[%swap3A_90, %swap3A_91] {strides = array<i32>} : memref<40x1024xf32, #tpu.memory_space<vmem>>, vector<16xf32>,
        tpu.vector_store %arg7[%swap3A_90, %swap3A_91], %broadcast_in_dim3A_5 {strides = array<i32>} : memref<40x1024xf32, #tpu.memory_space<vmem>>, vector<16xf32>,
        %swap3A_93 = arith.index_cast %scan3A_78 : i32 to index
        %swap3A_94 = arith.constant 80 : index
        %swap3A_95 = tpu.vector_load %arg7[%swap3A_93, %swap3A_94] {strides = array<i32>} : memref<40x1024xf32, #tpu.memory_space<vmem>>, vector<16xf32>,
        tpu.vector_store %arg7[%swap3A_93, %swap3A_94], %broadcast_in_dim3A_5 {strides = array<i32>} : memref<40x1024xf32, #tpu.memory_space<vmem>>, vector<16xf32>,
        %swap3A_96 = arith.index_cast %scan3A_78 : i32 to index
        %swap3A_97 = arith.constant 96 : index
        %swap3A_98 = tpu.vector_load %arg7[%swap3A_96, %swap3A_97] {strides = array<i32>} : memref<40x1024xf32, #tpu.memory_space<vmem>>, vector<16xf32>,
        tpu.vector_store %arg7[%swap3A_96, %swap3A_97], %broadcast_in_dim3A_5 {strides = array<i32>} : memref<40x1024xf32, #tpu.memory_space<vmem>>, vector<16xf32>,
        %swap3A_99 = arith.index_cast %scan3A_78 : i32 to index
        %swap3A_100 = arith.constant 112 : index
        %swap3A_101 = tpu.vector_load %arg7[%swap3A_99, %swap3A_100] {strides = array<i32>} : memref<40x1024xf32, #tpu.memory_space<vmem>>, vector<16xf32>,
        tpu.vector_store %arg7[%swap3A_99, %swap3A_100], %broadcast_in_dim3A_5 {strides = array<i32>} : memref<40x1024xf32, #tpu.memory_space<vmem>>, vector<16xf32>,
        %swap3A_102 = arith.index_cast %scan3A_78 : i32 to index
        %swap3A_103 = arith.constant 128 : index
        %swap3A_104 = tpu.vector_load %arg7[%swap3A_102, %swap3A_103] {strides = array<i32>} : memref<40x1024xf32, #tpu.memory_space<vmem>>, vector<16xf32>,
        tpu.vector_store %arg7[%swap3A_102, %swap3A_103], %broadcast_in_dim3A_5 {strides = array<i32>} : memref<40x1024xf32, #tpu.memory_space<vmem>>, vector<16xf32>,
        %swap3A_105 = arith.index_cast %scan3A_78 : i32 to index
        %swap3A_106 = arith.constant 144 : index
        %swap3A_107 = tpu.vector_load %arg7[%swap3A_105, %swap3A_106] {strides = array<i32>} : memref<40x1024xf32, #tpu.memory_space<vmem>>, vector<16xf32>,
        tpu.vector_store %arg7[%swap3A_105, %swap3A_106], %broadcast_in_dim3A_5 {strides = array<i32>} : memref<40x1024xf32, #tpu.memory_space<vmem>>, vector<16xf32>,
        %swap3A_108 = arith.index_cast %scan3A_78 : i32 to index
        %swap3A_109 = arith.constant 160 : index
        %swap3A_110 = tpu.vector_load %arg7[%swap3A_108, %swap3A_109] {strides = array<i32>} : memref<40x1024xf32, #tpu.memory_space<vmem>>, vector<16xf32>,
        tpu.vector_store %arg7[%swap3A_108, %swap3A_109], %broadcast_in_dim3A_5 {strides = array<i32>} : memref<40x1024xf32, #tpu.memory_space<vmem>>, vector<16xf32>,
        %swap3A_111 = arith.index_cast %scan3A_78 : i32 to index
        %swap3A_112 = arith.constant 176 : index
        %swap3A_113 = tpu.vector_load %arg7[%swap3A_111, %swap3A_112] {strides = array<i32>} : memref<40x1024xf32, #tpu.memory_space<vmem>>, vector<16xf32>,
        tpu.vector_store %arg7[%swap3A_111, %swap3A_112], %broadcast_in_dim3A_5 {strides = array<i32>} : memref<40x1024xf32, #tpu.memory_space<vmem>>, vector<16xf32>,
        %swap3A_114 = arith.index_cast %scan3A_78 : i32 to index
        %swap3A_115 = arith.constant 192 : index
        %swap3A_116 = tpu.vector_load %arg7[%swap3A_114, %swap3A_115] {strides = array<i32>} : memref<40x1024xf32, #tpu.memory_space<vmem>>, vector<16xf32>,
        tpu.vector_store %arg7[%swap3A_114, %swap3A_115], %broadcast_in_dim3A_5 {strides = array<i32>} : memref<40x1024xf32, #tpu.memory_space<vmem>>, vector<16xf32>,
        %swap3A_117 = arith.index_cast %scan3A_78 : i32 to index
        %swap3A_118 = arith.constant 208 : index
        %swap3A_119 = tpu.vector_load %arg7[%swap3A_117, %swap3A_118] {strides = array<i32>} : memref<40x1024xf32, #tpu.memory_space<vmem>>, vector<16xf32>,
        tpu.vector_store %arg7[%swap3A_117, %swap3A_118], %broadcast_in_dim3A_5 {strides = array<i32>} : memref<40x1024xf32, #tpu.memory_space<vmem>>, vector<16xf32>,
        %swap3A_120 = arith.index_cast %scan3A_78 : i32 to index
        %swap3A_121 = arith.constant 224 : index
        %swap3A_122 = tpu.vector_load %arg7[%swap3A_120, %swap3A_121] {strides = array<i32>} : memref<40x1024xf32, #tpu.memory_space<vmem>>, vector<16xf32>,
        tpu.vector_store %arg7[%swap3A_120, %swap3A_121], %broadcast_in_dim3A_5 {strides = array<i32>} : memref<40x1024xf32, #tpu.memory_space<vmem>>, vector<16xf32>,
        %swap3A_123 = arith.index_cast %scan3A_78 : i32 to index
        %swap3A_124 = arith.constant 240 : index
        %swap3A_125 = tpu.vector_load %arg7[%swap3A_123, %swap3A_124] {strides = array<i32>} : memref<40x1024xf32, #tpu.memory_space<vmem>>, vector<16xf32>,
        tpu.vector_store %arg7[%swap3A_123, %swap3A_124], %broadcast_in_dim3A_5 {strides = array<i32>} : memref<40x1024xf32, #tpu.memory_space<vmem>>, vector<16xf32>,
        %swap3A_126 = arith.index_cast %scan3A_78 : i32 to index
        %swap3A_127 = arith.constant 256 : index
        %swap3A_128 = tpu.vector_load %arg7[%swap3A_126, %swap3A_127] {strides = array<i32>} : memref<40x1024xf32, #tpu.memory_space<vmem>>, vector<16xf32>,
        tpu.vector_store %arg7[%swap3A_126, %swap3A_127], %broadcast_in_dim3A_5 {strides = array<i32>} : memref<40x1024xf32, #tpu.memory_space<vmem>>, vector<16xf32>,
        %swap3A_129 = arith.index_cast %scan3A_78 : i32 to index
        %swap3A_130 = arith.constant 272 : index
        %swap3A_131 = tpu.vector_load %arg7[%swap3A_129, %swap3A_130] {strides = array<i32>} : memref<40x1024xf32, #tpu.memory_space<vmem>>, vector<16xf32>,
        tpu.vector_store %arg7[%swap3A_129, %swap3A_130], %broadcast_in_dim3A_5 {strides = array<i32>} : memref<40x1024xf32, #tpu.memory_space<vmem>>, vector<16xf32>,
        %swap3A_132 = arith.index_cast %scan3A_78 : i32 to index
        %swap3A_133 = arith.constant 288 : index
        %swap3A_134 = tpu.vector_load %arg7[%swap3A_132, %swap3A_133] {strides = array<i32>} : memref<40x1024xf32, #tpu.memory_space<vmem>>, vector<16xf32>,
        tpu.vector_store %arg7[%swap3A_132, %swap3A_133], %broadcast_in_dim3A_5 {strides = array<i32>} : memref<40x1024xf32, #tpu.memory_space<vmem>>, vector<16xf32>,
        %swap3A_135 = arith.index_cast %scan3A_78 : i32 to index
        %swap3A_136 = arith.constant 304 : index
        %swap3A_137 = tpu.vector_load %arg7[%swap3A_135, %swap3A_136] {strides = array<i32>} : memref<40x1024xf32, #tpu.memory_space<vmem>>, vector<16xf32>,
        tpu.vector_store %arg7[%swap3A_135, %swap3A_136], %broadcast_in_dim3A_5 {strides = array<i32>} : memref<40x1024xf32, #tpu.memory_space<vmem>>, vector<16xf32>,
        %swap3A_138 = arith.index_cast %scan3A_78 : i32 to index
        %swap3A_139 = arith.constant 320 : index
        %swap3A_140 = tpu.vector_load %arg7[%swap3A_138, %swap3A_139] {strides = array<i32>} : memref<40x1024xf32, #tpu.memory_space<vmem>>, vector<16xf32>,
        tpu.vector_store %arg7[%swap3A_138, %swap3A_139], %broadcast_in_dim3A_5 {strides = array<i32>} : memref<40x1024xf32, #tpu.memory_space<vmem>>, vector<16xf32>,
        %swap3A_141 = arith.index_cast %scan3A_78 : i32 to index
        %swap3A_142 = arith.constant 336 : index
        %swap3A_143 = tpu.vector_load %arg7[%swap3A_141, %swap3A_142] {strides = array<i32>} : memref<40x1024xf32, #tpu.memory_space<vmem>>, vector<16xf32>,
        tpu.vector_store %arg7[%swap3A_141, %swap3A_142], %broadcast_in_dim3A_5 {strides = array<i32>} : memref<40x1024xf32, #tpu.memory_space<vmem>>, vector<16xf32>,
        %swap3A_144 = arith.index_cast %scan3A_78 : i32 to index
        %swap3A_145 = arith.constant 352 : index
        %swap3A_146 = tpu.vector_load %arg7[%swap3A_144, %swap3A_145] {strides = array<i32>} : memref<40x1024xf32, #tpu.memory_space<vmem>>, vector<16xf32>,
        tpu.vector_store %arg7[%swap3A_144, %swap3A_145], %broadcast_in_dim3A_5 {strides = array<i32>} : memref<40x1024xf32, #tpu.memory_space<vmem>>, vector<16xf32>,
        %swap3A_147 = arith.index_cast %scan3A_78 : i32 to index
        %swap3A_148 = arith.constant 368 : index
        %swap3A_149 = tpu.vector_load %arg7[%swap3A_147, %swap3A_148] {strides = array<i32>} : memref<40x1024xf32, #tpu.memory_space<vmem>>, vector<16xf32>,
        tpu.vector_store %arg7[%swap3A_147, %swap3A_148], %broadcast_in_dim3A_5 {strides = array<i32>} : memref<40x1024xf32, #tpu.memory_space<vmem>>, vector<16xf32>,
        %swap3A_150 = arith.index_cast %scan3A_78 : i32 to index
        %swap3A_151 = arith.constant 384 : index
        %swap3A_152 = tpu.vector_load %arg7[%swap3A_150, %swap3A_151] {strides = array<i32>} : memref<40x1024xf32, #tpu.memory_space<vmem>>, vector<16xf32>,
        tpu.vector_store %arg7[%swap3A_150, %swap3A_151], %broadcast_in_dim3A_5 {strides = array<i32>} : memref<40x1024xf32, #tpu.memory_space<vmem>>, vector<16xf32>,
        %swap3A_153 = arith.index_cast %scan3A_78 : i32 to index
        %swap3A_154 = arith.constant 400 : index
        %swap3A_155 = tpu.vector_load %arg7[%swap3A_153, %swap3A_154] {strides = array<i32>} : memref<40x1024xf32, #tpu.memory_space<vmem>>, vector<16xf32>,
        tpu.vector_store %arg7[%swap3A_153, %swap3A_154], %broadcast_in_dim3A_5 {strides = array<i32>} : memref<40x1024xf32, #tpu.memory_space<vmem>>, vector<16xf32>,
        %swap3A_156 = arith.index_cast %scan3A_78 : i32 to index
        %swap3A_157 = arith.constant 416 : index
        %swap3A_158 = tpu.vector_load %arg7[%swap3A_156, %swap3A_157] {strides = array<i32>} : memref<40x1024xf32, #tpu.memory_space<vmem>>, vector<16xf32>,
        tpu.vector_store %arg7[%swap3A_156, %swap3A_157], %broadcast_in_dim3A_5 {strides = array<i32>} : memref<40x1024xf32, #tpu.memory_space<vmem>>, vector<16xf32>,
        %swap3A_159 = arith.index_cast %scan3A_78 : i32 to index
        %swap3A_160 = arith.constant 432 : index
        %swap3A_161 = tpu.vector_load %arg7[%swap3A_159, %swap3A_160] {strides = array<i32>} : memref<40x1024xf32, #tpu.memory_space<vmem>>, vector<16xf32>,
        tpu.vector_store %arg7[%swap3A_159, %swap3A_160], %broadcast_in_dim3A_5 {strides = array<i32>} : memref<40x1024xf32, #tpu.memory_space<vmem>>, vector<16xf32>,
        %swap3A_162 = arith.index_cast %scan3A_78 : i32 to index
        %swap3A_163 = arith.constant 448 : index
        %swap3A_164 = tpu.vector_load %arg7[%swap3A_162, %swap3A_163] {strides = array<i32>} : memref<40x1024xf32, #tpu.memory_space<vmem>>, vector<16xf32>,
        tpu.vector_store %arg7[%swap3A_162, %swap3A_163], %broadcast_in_dim3A_5 {strides = array<i32>} : memref<40x1024xf32, #tpu.memory_space<vmem>>, vector<16xf32>,
        %swap3A_165 = arith.index_cast %scan3A_78 : i32 to index
        %swap3A_166 = arith.constant 464 : index
        %swap3A_167 = tpu.vector_load %arg7[%swap3A_165, %swap3A_166] {strides = array<i32>} : memref<40x1024xf32, #tpu.memory_space<vmem>>, vector<16xf32>,
        tpu.vector_store %arg7[%swap3A_165, %swap3A_166], %broadcast_in_dim3A_5 {strides = array<i32>} : memref<40x1024xf32, #tpu.memory_space<vmem>>, vector<16xf32>,
        %swap3A_168 = arith.index_cast %scan3A_78 : i32 to index
        %swap3A_169 = arith.constant 480 : index
        %swap3A_170 = tpu.vector_load %arg7[%swap3A_168, %swap3A_169] {strides = array<i32>} : memref<40x1024xf32, #tpu.memory_space<vmem>>, vector<16xf32>,
        tpu.vector_store %arg7[%swap3A_168, %swap3A_169], %broadcast_in_dim3A_5 {strides = array<i32>} : memref<40x1024xf32, #tpu.memory_space<vmem>>, vector<16xf32>,
        %swap3A_171 = arith.index_cast %scan3A_78 : i32 to index
        %swap3A_172 = arith.constant 496 : index
        %swap3A_173 = tpu.vector_load %arg7[%swap3A_171, %swap3A_172] {strides = array<i32>} : memref<40x1024xf32, #tpu.memory_space<vmem>>, vector<16xf32>,
        tpu.vector_store %arg7[%swap3A_171, %swap3A_172], %broadcast_in_dim3A_5 {strides = array<i32>} : memref<40x1024xf32, #tpu.memory_space<vmem>>, vector<16xf32>,
        %swap3A_174 = arith.index_cast %scan3A_78 : i32 to index
        %swap3A_175 = arith.constant 512 : index
        %swap3A_176 = tpu.vector_load %arg7[%swap3A_174, %swap3A_175] {strides = array<i32>} : memref<40x1024xf32, #tpu.memory_space<vmem>>, vector<16xf32>,
        tpu.vector_store %arg7[%swap3A_174, %swap3A_175], %broadcast_in_dim3A_5 {strides = array<i32>} : memref<40x1024xf32, #tpu.memory_space<vmem>>, vector<16xf32>,
        %swap3A_177 = arith.index_cast %scan3A_78 : i32 to index
        %swap3A_178 = arith.constant 528 : index
        %swap3A_179 = tpu.vector_load %arg7[%swap3A_177, %swap3A_178] {strides = array<i32>} : memref<40x1024xf32, #tpu.memory_space<vmem>>, vector<16xf32>,
        tpu.vector_store %arg7[%swap3A_177, %swap3A_178], %broadcast_in_dim3A_5 {strides = array<i32>} : memref<40x1024xf32, #tpu.memory_space<vmem>>, vector<16xf32>,
        %swap3A_180 = arith.index_cast %scan3A_78 : i32 to index
        %swap3A_181 = arith.constant 544 : index
        %swap3A_182 = tpu.vector_load %arg7[%swap3A_180, %swap3A_181] {strides = array<i32>} : memref<40x1024xf32, #tpu.memory_space<vmem>>, vector<16xf32>,
        tpu.vector_store %arg7[%swap3A_180, %swap3A_181], %broadcast_in_dim3A_5 {strides = array<i32>} : memref<40x1024xf32, #tpu.memory_space<vmem>>, vector<16xf32>,
        %swap3A_183 = arith.index_cast %scan3A_78 : i32 to index
        %swap3A_184 = arith.constant 560 : index
        %swap3A_185 = tpu.vector_load %arg7[%swap3A_183, %swap3A_184] {strides = array<i32>} : memref<40x1024xf32, #tpu.memory_space<vmem>>, vector<16xf32>,
        tpu.vector_store %arg7[%swap3A_183, %swap3A_184], %broadcast_in_dim3A_5 {strides = array<i32>} : memref<40x1024xf32, #tpu.memory_space<vmem>>, vector<16xf32>,
        %swap3A_186 = arith.index_cast %scan3A_78 : i32 to index
        %swap3A_187 = arith.constant 576 : index
        %swap3A_188 = tpu.vector_load %arg7[%swap3A_186, %swap3A_187] {strides = array<i32>} : memref<40x1024xf32, #tpu.memory_space<vmem>>, vector<16xf32>,
        tpu.vector_store %arg7[%swap3A_186, %swap3A_187], %broadcast_in_dim3A_5 {strides = array<i32>} : memref<40x1024xf32, #tpu.memory_space<vmem>>, vector<16xf32>,
        %swap3A_189 = arith.index_cast %scan3A_78 : i32 to index
        %swap3A_190 = arith.constant 592 : index
        %swap3A_191 = tpu.vector_load %arg7[%swap3A_189, %swap3A_190] {strides = array<i32>} : memref<40x1024xf32, #tpu.memory_space<vmem>>, vector<16xf32>,
        tpu.vector_store %arg7[%swap3A_189, %swap3A_190], %broadcast_in_dim3A_5 {strides = array<i32>} : memref<40x1024xf32, #tpu.memory_space<vmem>>, vector<16xf32>,
        %swap3A_192 = arith.index_cast %scan3A_78 : i32 to index
        %swap3A_193 = arith.constant 608 : index
        %swap3A_194 = tpu.vector_load %arg7[%swap3A_192, %swap3A_193] {strides = array<i32>} : memref<40x1024xf32, #tpu.memory_space<vmem>>, vector<16xf32>,
        tpu.vector_store %arg7[%swap3A_192, %swap3A_193], %broadcast_in_dim3A_5 {strides = array<i32>} : memref<40x1024xf32, #tpu.memory_space<vmem>>, vector<16xf32>,
        %swap3A_195 = arith.index_cast %scan3A_78 : i32 to index
        %swap3A_196 = arith.constant 624 : index
        %swap3A_197 = tpu.vector_load %arg7[%swap3A_195, %swap3A_196] {strides = array<i32>} : memref<40x1024xf32, #tpu.memory_space<vmem>>, vector<16xf32>,
        tpu.vector_store %arg7[%swap3A_195, %swap3A_196], %broadcast_in_dim3A_5 {strides = array<i32>} : memref<40x1024xf32, #tpu.memory_space<vmem>>, vector<16xf32>,
        %swap3A_198 = arith.index_cast %scan3A_78 : i32 to index
        %swap3A_199 = arith.constant 640 : index
        %swap3A_200 = tpu.vector_load %arg7[%swap3A_198, %swap3A_199] {strides = array<i32>} : memref<40x1024xf32, #tpu.memory_space<vmem>>, vector<16xf32>,
        tpu.vector_store %arg7[%swap3A_198, %swap3A_199], %broadcast_in_dim3A_5 {strides = array<i32>} : memref<40x1024xf32, #tpu.memory_space<vmem>>, vector<16xf32>,
        %swap3A_201 = arith.index_cast %scan3A_78 : i32 to index
        %swap3A_202 = arith.constant 656 : index
        %swap3A_203 = tpu.vector_load %arg7[%swap3A_201, %swap3A_202] {strides = array<i32>} : memref<40x1024xf32, #tpu.memory_space<vmem>>, vector<16xf32>,
        tpu.vector_store %arg7[%swap3A_201, %swap3A_202], %broadcast_in_dim3A_5 {strides = array<i32>} : memref<40x1024xf32, #tpu.memory_space<vmem>>, vector<16xf32>,
        %swap3A_204 = arith.index_cast %scan3A_78 : i32 to index
        %swap3A_205 = arith.constant 672 : index
        %swap3A_206 = tpu.vector_load %arg7[%swap3A_204, %swap3A_205] {strides = array<i32>} : memref<40x1024xf32, #tpu.memory_space<vmem>>, vector<16xf32>,
        tpu.vector_store %arg7[%swap3A_204, %swap3A_205], %broadcast_in_dim3A_5 {strides = array<i32>} : memref<40x1024xf32, #tpu.memory_space<vmem>>, vector<16xf32>,
        %swap3A_207 = arith.index_cast %scan3A_78 : i32 to index
        %swap3A_208 = arith.constant 688 : index
        %swap3A_209 = tpu.vector_load %arg7[%swap3A_207, %swap3A_208] {strides = array<i32>} : memref<40x1024xf32, #tpu.memory_space<vmem>>, vector<16xf32>,
        tpu.vector_store %arg7[%swap3A_207, %swap3A_208], %broadcast_in_dim3A_5 {strides = array<i32>} : memref<40x1024xf32, #tpu.memory_space<vmem>>, vector<16xf32>,
        %swap3A_210 = arith.index_cast %scan3A_78 : i32 to index
        %swap3A_211 = arith.constant 704 : index
        %swap3A_212 = tpu.vector_load %arg7[%swap3A_210, %swap3A_211] {strides = array<i32>} : memref<40x1024xf32, #tpu.memory_space<vmem>>, vector<16xf32>,
        tpu.vector_store %arg7[%swap3A_210, %swap3A_211], %broadcast_in_dim3A_5 {strides = array<i32>} : memref<40x1024xf32, #tpu.memory_space<vmem>>, vector<16xf32>,
        %swap3A_213 = arith.index_cast %scan3A_78 : i32 to index
        %swap3A_214 = arith.constant 720 : index
        %swap3A_215 = tpu.vector_load %arg7[%swap3A_213, %swap3A_214] {strides = array<i32>} : memref<40x1024xf32, #tpu.memory_space<vmem>>, vector<16xf32>,
        tpu.vector_store %arg7[%swap3A_213, %swap3A_214], %broadcast_in_dim3A_5 {strides = array<i32>} : memref<40x1024xf32, #tpu.memory_space<vmem>>, vector<16xf32>,
        %swap3A_216 = arith.index_cast %scan3A_78 : i32 to index
        %swap3A_217 = arith.constant 736 : index
        %swap3A_218 = tpu.vector_load %arg7[%swap3A_216, %swap3A_217] {strides = array<i32>} : memref<40x1024xf32, #tpu.memory_space<vmem>>, vector<16xf32>,
        tpu.vector_store %arg7[%swap3A_216, %swap3A_217], %broadcast_in_dim3A_5 {strides = array<i32>} : memref<40x1024xf32, #tpu.memory_space<vmem>>, vector<16xf32>,
        %swap3A_219 = arith.index_cast %scan3A_78 : i32 to index
        %swap3A_220 = arith.constant 752 : index
        %swap3A_221 = tpu.vector_load %arg7[%swap3A_219, %swap3A_220] {strides = array<i32>} : memref<40x1024xf32, #tpu.memory_space<vmem>>, vector<16xf32>,
        tpu.vector_store %arg7[%swap3A_219, %swap3A_220], %broadcast_in_dim3A_5 {strides = array<i32>} : memref<40x1024xf32, #tpu.memory_space<vmem>>, vector<16xf32>,
        %swap3A_222 = arith.index_cast %scan3A_78 : i32 to index
        %swap3A_223 = arith.constant 768 : index
        %swap3A_224 = tpu.vector_load %arg7[%swap3A_222, %swap3A_223] {strides = array<i32>} : memref<40x1024xf32, #tpu.memory_space<vmem>>, vector<16xf32>,
        tpu.vector_store %arg7[%swap3A_222, %swap3A_223], %broadcast_in_dim3A_5 {strides = array<i32>} : memref<40x1024xf32, #tpu.memory_space<vmem>>, vector<16xf32>,
        %swap3A_225 = arith.index_cast %scan3A_78 : i32 to index
        %swap3A_226 = arith.constant 784 : index
        %swap3A_227 = tpu.vector_load %arg7[%swap3A_225, %swap3A_226] {strides = array<i32>} : memref<40x1024xf32, #tpu.memory_space<vmem>>, vector<16xf32>,
        tpu.vector_store %arg7[%swap3A_225, %swap3A_226], %broadcast_in_dim3A_5 {strides = array<i32>} : memref<40x1024xf32, #tpu.memory_space<vmem>>, vector<16xf32>,
        %swap3A_228 = arith.index_cast %scan3A_78 : i32 to index
        %swap3A_229 = arith.constant 800 : index
        %swap3A_230 = tpu.vector_load %arg7[%swap3A_228, %swap3A_229] {strides = array<i32>} : memref<40x1024xf32, #tpu.memory_space<vmem>>, vector<16xf32>,
        tpu.vector_store %arg7[%swap3A_228, %swap3A_229], %broadcast_in_dim3A_5 {strides = array<i32>} : memref<40x1024xf32, #tpu.memory_space<vmem>>, vector<16xf32>,
        %swap3A_231 = arith.index_cast %scan3A_78 : i32 to index
        %swap3A_232 = arith.constant 816 : index
        %swap3A_233 = tpu.vector_load %arg7[%swap3A_231, %swap3A_232] {strides = array<i32>} : memref<40x1024xf32, #tpu.memory_space<vmem>>, vector<16xf32>,
        tpu.vector_store %arg7[%swap3A_231, %swap3A_232], %broadcast_in_dim3A_5 {strides = array<i32>} : memref<40x1024xf32, #tpu.memory_space<vmem>>, vector<16xf32>,
        %swap3A_234 = arith.index_cast %scan3A_78 : i32 to index
        %swap3A_235 = arith.constant 832 : index
        %swap3A_236 = tpu.vector_load %arg7[%swap3A_234, %swap3A_235] {strides = array<i32>} : memref<40x1024xf32, #tpu.memory_space<vmem>>, vector<16xf32>,
        tpu.vector_store %arg7[%swap3A_234, %swap3A_235], %broadcast_in_dim3A_5 {strides = array<i32>} : memref<40x1024xf32, #tpu.memory_space<vmem>>, vector<16xf32>,
        %swap3A_237 = arith.index_cast %scan3A_78 : i32 to index
        %swap3A_238 = arith.constant 848 : index
        %swap3A_239 = tpu.vector_load %arg7[%swap3A_237, %swap3A_238] {strides = array<i32>} : memref<40x1024xf32, #tpu.memory_space<vmem>>, vector<16xf32>,
        tpu.vector_store %arg7[%swap3A_237, %swap3A_238], %broadcast_in_dim3A_5 {strides = array<i32>} : memref<40x1024xf32, #tpu.memory_space<vmem>>, vector<16xf32>,
        %swap3A_240 = arith.index_cast %scan3A_78 : i32 to index
        %swap3A_241 = arith.constant 864 : index
        %swap3A_242 = tpu.vector_load %arg7[%swap3A_240, %swap3A_241] {strides = array<i32>} : memref<40x1024xf32, #tpu.memory_space<vmem>>, vector<16xf32>,
        tpu.vector_store %arg7[%swap3A_240, %swap3A_241], %broadcast_in_dim3A_5 {strides = array<i32>} : memref<40x1024xf32, #tpu.memory_space<vmem>>, vector<16xf32>,
        %swap3A_243 = arith.index_cast %scan3A_78 : i32 to index
        %swap3A_244 = arith.constant 880 : index
        %swap3A_245 = tpu.vector_load %arg7[%swap3A_243, %swap3A_244] {strides = array<i32>} : memref<40x1024xf32, #tpu.memory_space<vmem>>, vector<16xf32>,
        tpu.vector_store %arg7[%swap3A_243, %swap3A_244], %broadcast_in_dim3A_5 {strides = array<i32>} : memref<40x1024xf32, #tpu.memory_space<vmem>>, vector<16xf32>,
        %swap3A_246 = arith.index_cast %scan3A_78 : i32 to index
        %swap3A_247 = arith.constant 896 : index
        %swap3A_248 = tpu.vector_load %arg7[%swap3A_246, %swap3A_247] {strides = array<i32>} : memref<40x1024xf32, #tpu.memory_space<vmem>>, vector<16xf32>,
        tpu.vector_store %arg7[%swap3A_246, %swap3A_247], %broadcast_in_dim3A_5 {strides = array<i32>} : memref<40x1024xf32, #tpu.memory_space<vmem>>, vector<16xf32>,
        %swap3A_249 = arith.index_cast %scan3A_78 : i32 to index
        %swap3A_250 = arith.constant 912 : index
        %swap3A_251 = tpu.vector_load %arg7[%swap3A_249, %swap3A_250] {strides = array<i32>} : memref<40x1024xf32, #tpu.memory_space<vmem>>, vector<16xf32>,
        tpu.vector_store %arg7[%swap3A_249, %swap3A_250], %broadcast_in_dim3A_5 {strides = array<i32>} : memref<40x1024xf32, #tpu.memory_space<vmem>>, vector<16xf32>,
        %swap3A_252 = arith.index_cast %scan3A_78 : i32 to index
        %swap3A_253 = arith.constant 928 : index
        %swap3A_254 = tpu.vector_load %arg7[%swap3A_252, %swap3A_253] {strides = array<i32>} : memref<40x1024xf32, #tpu.memory_space<vmem>>, vector<16xf32>,
        tpu.vector_store %arg7[%swap3A_252, %swap3A_253], %broadcast_in_dim3A_5 {strides = array<i32>} : memref<40x1024xf32, #tpu.memory_space<vmem>>, vector<16xf32>,
        %swap3A_255 = arith.index_cast %scan3A_78 : i32 to index
        %swap3A_256 = arith.constant 944 : index
        %swap3A_257 = tpu.vector_load %arg7[%swap3A_255, %swap3A_256] {strides = array<i32>} : memref<40x1024xf32, #tpu.memory_space<vmem>>, vector<16xf32>,
        tpu.vector_store %arg7[%swap3A_255, %swap3A_256], %broadcast_in_dim3A_5 {strides = array<i32>} : memref<40x1024xf32, #tpu.memory_space<vmem>>, vector<16xf32>,
        %swap3A_258 = arith.index_cast %scan3A_78 : i32 to index
        %swap3A_259 = arith.constant 960 : index
        %swap3A_260 = tpu.vector_load %arg7[%swap3A_258, %swap3A_259] {strides = array<i32>} : memref<40x1024xf32, #tpu.memory_space<vmem>>, vector<16xf32>,
        tpu.vector_store %arg7[%swap3A_258, %swap3A_259], %broadcast_in_dim3A_5 {strides = array<i32>} : memref<40x1024xf32, #tpu.memory_space<vmem>>, vector<16xf32>,
        %swap3A_261 = arith.index_cast %scan3A_78 : i32 to index
        %swap3A_262 = arith.constant 976 : index
        %swap3A_263 = tpu.vector_load %arg7[%swap3A_261, %swap3A_262] {strides = array<i32>} : memref<40x1024xf32, #tpu.memory_space<vmem>>, vector<16xf32>,
        tpu.vector_store %arg7[%swap3A_261, %swap3A_262], %broadcast_in_dim3A_5 {strides = array<i32>} : memref<40x1024xf32, #tpu.memory_space<vmem>>, vector<16xf32>,
        %swap3A_264 = arith.index_cast %scan3A_78 : i32 to index
        %swap3A_265 = arith.constant 992 : index
        %swap3A_266 = tpu.vector_load %arg7[%swap3A_264, %swap3A_265] {strides = array<i32>} : memref<40x1024xf32, #tpu.memory_space<vmem>>, vector<16xf32>,
        tpu.vector_store %arg7[%swap3A_264, %swap3A_265], %broadcast_in_dim3A_5 {strides = array<i32>} : memref<40x1024xf32, #tpu.memory_space<vmem>>, vector<16xf32>,
        %swap3A_267 = arith.index_cast %scan3A_78 : i32 to index
        %swap3A_268 = arith.constant 1008 : index
        %swap3A_269 = tpu.vector_load %arg7[%swap3A_267, %swap3A_268] {strides = array<i32>} : memref<40x1024xf32, #tpu.memory_space<vmem>>, vector<16xf32>,
        tpu.vector_store %arg7[%swap3A_267, %swap3A_268], %broadcast_in_dim3A_5 {strides = array<i32>} : memref<40x1024xf32, #tpu.memory_space<vmem>>, vector<16xf32>,
      }
      %scan3A_9 = arith.constant 40 : i32
      %get3A = arith.constant 0 : index
      %get3A_10 = tpu.vector_load %arg5[%get3A] {strides = array<i32>} : memref<512xi32, #tpu.memory_space<vmem>>, vector<16xi32>,
      %get3A_11 = arith.constant 16 : index
      %get3A_12 = tpu.vector_load %arg5[%get3A_11] {strides = array<i32>} : memref<512xi32, #tpu.memory_space<vmem>>, vector<16xi32>,
      %get3A_13 = arith.constant 32 : index
      %get3A_14 = tpu.vector_load %arg5[%get3A_13] {strides = array<i32>} : memref<512xi32, #tpu.memory_space<vmem>>, vector<16xi32>,
      %get3A_15 = arith.constant 48 : index
      %get3A_16 = tpu.vector_load %arg5[%get3A_15] {strides = array<i32>} : memref<512xi32, #tpu.memory_space<vmem>>, vector<16xi32>,
      %get3A_17 = arith.constant 64 : index
      %get3A_18 = tpu.vector_load %arg5[%get3A_17] {strides = array<i32>} : memref<512xi32, #tpu.memory_space<vmem>>, vector<16xi32>,
      %get3A_19 = arith.constant 80 : index
      %get3A_20 = tpu.vector_load %arg5[%get3A_19] {strides = array<i32>} : memref<512xi32, #tpu.memory_space<vmem>>, vector<16xi32>,
      %get3A_21 = arith.constant 96 : index
      %get3A_22 = tpu.vector_load %arg5[%get3A_21] {strides = array<i32>} : memref<512xi32, #tpu.memory_space<vmem>>, vector<16xi32>,
      %get3A_23 = arith.constant 112 : index
      %get3A_24 = tpu.vector_load %arg5[%get3A_23] {strides = array<i32>} : memref<512xi32, #tpu.memory_space<vmem>>, vector<16xi32>,
      %get3A_25 = arith.constant 128 : index
      %get3A_26 = tpu.vector_load %arg5[%get3A_25] {strides = array<i32>} : memref<512xi32, #tpu.memory_space<vmem>>, vector<16xi32>,
      %get3A_27 = arith.constant 144 : index
      %get3A_28 = tpu.vector_load %arg5[%get3A_27] {strides = array<i32>} : memref<512xi32, #tpu.memory_space<vmem>>, vector<16xi32>,
      %get3A_29 = arith.constant 160 : index
      %get3A_30 = tpu.vector_load %arg5[%get3A_29] {strides = array<i32>} : memref<512xi32, #tpu.memory_space<vmem>>, vector<16xi32>,
      %get3A_31 = arith.constant 176 : index
      %get3A_32 = tpu.vector_load %arg5[%get3A_31] {strides = array<i32>} : memref<512xi32, #tpu.memory_space<vmem>>, vector<16xi32>,
      %get3A_33 = arith.constant 192 : index
      %get3A_34 = tpu.vector_load %arg5[%get3A_33] {strides = array<i32>} : memref<512xi32, #tpu.memory_space<vmem>>, vector<16xi32>,
      %get3A_35 = arith.constant 208 : index
      %get3A_36 = tpu.vector_load %arg5[%get3A_35] {strides = array<i32>} : memref<512xi32, #tpu.memory_space<vmem>>, vector<16xi32>,
      %get3A_37 = arith.constant 224 : index
      %get3A_38 = tpu.vector_load %arg5[%get3A_37] {strides = array<i32>} : memref<512xi32, #tpu.memory_space<vmem>>, vector<16xi32>,
      %get3A_39 = arith.constant 240 : index
      %get3A_40 = tpu.vector_load %arg5[%get3A_39] {strides = array<i32>} : memref<512xi32, #tpu.memory_space<vmem>>, vector<16xi32>,
      %get3A_41 = arith.constant 256 : index
      %get3A_42 = tpu.vector_load %arg5[%get3A_41] {strides = array<i32>} : memref<512xi32, #tpu.memory_space<vmem>>, vector<16xi32>,
      %get3A_43 = arith.constant 272 : index
      %get3A_44 = tpu.vector_load %arg5[%get3A_43] {strides = array<i32>} : memref<512xi32, #tpu.memory_space<vmem>>, vector<16xi32>,
      %get3A_45 = arith.constant 288 : index
      %get3A_46 = tpu.vector_load %arg5[%get3A_45] {strides = array<i32>} : memref<512xi32, #tpu.memory_space<vmem>>, vector<16xi32>,
      %get3A_47 = arith.constant 304 : index
      %get3A_48 = tpu.vector_load %arg5[%get3A_47] {strides = array<i32>} : memref<512xi32, #tpu.memory_space<vmem>>, vector<16xi32>,
      %get3A_49 = arith.constant 320 : index
      %get3A_50 = tpu.vector_load %arg5[%get3A_49] {strides = array<i32>} : memref<512xi32, #tpu.memory_space<vmem>>, vector<16xi32>,
      %get3A_51 = arith.constant 336 : index
      %get3A_52 = tpu.vector_load %arg5[%get3A_51] {strides = array<i32>} : memref<512xi32, #tpu.memory_space<vmem>>, vector<16xi32>,
      %get3A_53 = arith.constant 352 : index
      %get3A_54 = tpu.vector_load %arg5[%get3A_53] {strides = array<i32>} : memref<512xi32, #tpu.memory_space<vmem>>, vector<16xi32>,
      %get3A_55 = arith.constant 368 : index
      %get3A_56 = tpu.vector_load %arg5[%get3A_55] {strides = array<i32>} : memref<512xi32, #tpu.memory_space<vmem>>, vector<16xi32>,
      %get3A_57 = arith.constant 384 : index
      %get3A_58 = tpu.vector_load %arg5[%get3A_57] {strides = array<i32>} : memref<512xi32, #tpu.memory_space<vmem>>, vector<16xi32>,
      %get3A_59 = arith.constant 400 : index
      %get3A_60 = tpu.vector_load %arg5[%get3A_59] {strides = array<i32>} : memref<512xi32, #tpu.memory_space<vmem>>, vector<16xi32>,
      %get3A_61 = arith.constant 416 : index
      %get3A_62 = tpu.vector_load %arg5[%get3A_61] {strides = array<i32>} : memref<512xi32, #tpu.memory_space<vmem>>, vector<16xi32>,
      %get3A_63 = arith.constant 432 : index
      %get3A_64 = tpu.vector_load %arg5[%get3A_63] {strides = array<i32>} : memref<512xi32, #tpu.memory_space<vmem>>, vector<16xi32>,
      %get3A_65 = arith.constant 448 : index
      %get3A_66 = tpu.vector_load %arg5[%get3A_65] {strides = array<i32>} : memref<512xi32, #tpu.memory_space<vmem>>, vector<16xi32>,
      %get3A_67 = arith.constant 464 : index
      %get3A_68 = tpu.vector_load %arg5[%get3A_67] {strides = array<i32>} : memref<512xi32, #tpu.memory_space<vmem>>, vector<16xi32>,
      %get3A_69 = arith.constant 480 : index
      %get3A_70 = tpu.vector_load %arg5[%get3A_69] {strides = array<i32>} : memref<512xi32, #tpu.memory_space<vmem>>, vector<16xi32>,
      %get3A_71 = arith.constant 496 : index
      %get3A_72 = tpu.vector_load %arg5[%get3A_71] {strides = array<i32>} : memref<512xi32, #tpu.memory_space<vmem>>, vector<16xi32>,
      %scan3A_73 = arith.constant 0 : i32
      %scan3A_74 = arith.constant 40 : i32
      %scan3A_75 = arith.addi %scan3A_73, %scan3A_74 : i32
      %scan3A_76 = arith.constant 1 : i32
      scf.for %scan3A_78 = %scan3A_73 to %scan3A_75 step %scan3A_76  : i32 {
        %broadcast_in_dim3A_79 = vector.broadcast %scan3A_78 : i32 to vector<16xi32>
        %get3A_80 = arith.index_cast %scan3A_78 : i32 to index
        %get3A_81 = arith.constant 0 : index
        %get3A_82 = tpu.vector_load %arg6[%get3A_80, %get3A_81] {strides = array<i32>} : memref<40x512xf32, #tpu.memory_space<vmem>>, vector<16xf32>,
        tpu.vector_store_idx %arg7[%broadcast_in_dim3A_79, %get3A_10], %get3A_82 : memref<40x1024xf32, #tpu.memory_space<vmem>>[vector<16xi32>, vector<16xi32>], vector<16xf32>,
        %get3A_83 = arith.index_cast %scan3A_78 : i32 to index
        %get3A_84 = arith.constant 16 : index
        %get3A_85 = tpu.vector_load %arg6[%get3A_83, %get3A_84] {strides = array<i32>} : memref<40x512xf32, #tpu.memory_space<vmem>>, vector<16xf32>,
        tpu.vector_store_idx %arg7[%broadcast_in_dim3A_79, %get3A_12], %get3A_85 : memref<40x1024xf32, #tpu.memory_space<vmem>>[vector<16xi32>, vector<16xi32>], vector<16xf32>,
        %get3A_86 = arith.index_cast %scan3A_78 : i32 to index
        %get3A_87 = arith.constant 32 : index
        %get3A_88 = tpu.vector_load %arg6[%get3A_86, %get3A_87] {strides = array<i32>} : memref<40x512xf32, #tpu.memory_space<vmem>>, vector<16xf32>,
        tpu.vector_store_idx %arg7[%broadcast_in_dim3A_79, %get3A_14], %get3A_88 : memref<40x1024xf32, #tpu.memory_space<vmem>>[vector<16xi32>, vector<16xi32>], vector<16xf32>,
        %get3A_89 = arith.index_cast %scan3A_78 : i32 to index
        %get3A_90 = arith.constant 48 : index
        %get3A_91 = tpu.vector_load %arg6[%get3A_89, %get3A_90] {strides = array<i32>} : memref<40x512xf32, #tpu.memory_space<vmem>>, vector<16xf32>,
        tpu.vector_store_idx %arg7[%broadcast_in_dim3A_79, %get3A_16], %get3A_91 : memref<40x1024xf32, #tpu.memory_space<vmem>>[vector<16xi32>, vector<16xi32>], vector<16xf32>,
        %get3A_92 = arith.index_cast %scan3A_78 : i32 to index
        %get3A_93 = arith.constant 64 : index
        %get3A_94 = tpu.vector_load %arg6[%get3A_92, %get3A_93] {strides = array<i32>} : memref<40x512xf32, #tpu.memory_space<vmem>>, vector<16xf32>,
        tpu.vector_store_idx %arg7[%broadcast_in_dim3A_79, %get3A_18], %get3A_94 : memref<40x1024xf32, #tpu.memory_space<vmem>>[vector<16xi32>, vector<16xi32>], vector<16xf32>,
        %get3A_95 = arith.index_cast %scan3A_78 : i32 to index
        %get3A_96 = arith.constant 80 : index
        %get3A_97 = tpu.vector_load %arg6[%get3A_95, %get3A_96] {strides = array<i32>} : memref<40x512xf32, #tpu.memory_space<vmem>>, vector<16xf32>,
        tpu.vector_store_idx %arg7[%broadcast_in_dim3A_79, %get3A_20], %get3A_97 : memref<40x1024xf32, #tpu.memory_space<vmem>>[vector<16xi32>, vector<16xi32>], vector<16xf32>,
        %get3A_98 = arith.index_cast %scan3A_78 : i32 to index
        %get3A_99 = arith.constant 96 : index
        %get3A_100 = tpu.vector_load %arg6[%get3A_98, %get3A_99] {strides = array<i32>} : memref<40x512xf32, #tpu.memory_space<vmem>>, vector<16xf32>,
        tpu.vector_store_idx %arg7[%broadcast_in_dim3A_79, %get3A_22], %get3A_100 : memref<40x1024xf32, #tpu.memory_space<vmem>>[vector<16xi32>, vector<16xi32>], vector<16xf32>,
        %get3A_101 = arith.index_cast %scan3A_78 : i32 to index
        %get3A_102 = arith.constant 112 : index
        %get3A_103 = tpu.vector_load %arg6[%get3A_101, %get3A_102] {strides = array<i32>} : memref<40x512xf32, #tpu.memory_space<vmem>>, vector<16xf32>,
        tpu.vector_store_idx %arg7[%broadcast_in_dim3A_79, %get3A_24], %get3A_103 : memref<40x1024xf32, #tpu.memory_space<vmem>>[vector<16xi32>, vector<16xi32>], vector<16xf32>,
        %get3A_104 = arith.index_cast %scan3A_78 : i32 to index
        %get3A_105 = arith.constant 128 : index
        %get3A_106 = tpu.vector_load %arg6[%get3A_104, %get3A_105] {strides = array<i32>} : memref<40x512xf32, #tpu.memory_space<vmem>>, vector<16xf32>,
        tpu.vector_store_idx %arg7[%broadcast_in_dim3A_79, %get3A_26], %get3A_106 : memref<40x1024xf32, #tpu.memory_space<vmem>>[vector<16xi32>, vector<16xi32>], vector<16xf32>,
        %get3A_107 = arith.index_cast %scan3A_78 : i32 to index
        %get3A_108 = arith.constant 144 : index
        %get3A_109 = tpu.vector_load %arg6[%get3A_107, %get3A_108] {strides = array<i32>} : memref<40x512xf32, #tpu.memory_space<vmem>>, vector<16xf32>,
        tpu.vector_store_idx %arg7[%broadcast_in_dim3A_79, %get3A_28], %get3A_109 : memref<40x1024xf32, #tpu.memory_space<vmem>>[vector<16xi32>, vector<16xi32>], vector<16xf32>,
        %get3A_110 = arith.index_cast %scan3A_78 : i32 to index
        %get3A_111 = arith.constant 160 : index
        %get3A_112 = tpu.vector_load %arg6[%get3A_110, %get3A_111] {strides = array<i32>} : memref<40x512xf32, #tpu.memory_space<vmem>>, vector<16xf32>,
        tpu.vector_store_idx %arg7[%broadcast_in_dim3A_79, %get3A_30], %get3A_112 : memref<40x1024xf32, #tpu.memory_space<vmem>>[vector<16xi32>, vector<16xi32>], vector<16xf32>,
        %get3A_113 = arith.index_cast %scan3A_78 : i32 to index
        %get3A_114 = arith.constant 176 : index
        %get3A_115 = tpu.vector_load %arg6[%get3A_113, %get3A_114] {strides = array<i32>} : memref<40x512xf32, #tpu.memory_space<vmem>>, vector<16xf32>,
        tpu.vector_store_idx %arg7[%broadcast_in_dim3A_79, %get3A_32], %get3A_115 : memref<40x1024xf32, #tpu.memory_space<vmem>>[vector<16xi32>, vector<16xi32>], vector<16xf32>,
        %get3A_116 = arith.index_cast %scan3A_78 : i32 to index
        %get3A_117 = arith.constant 192 : index
        %get3A_118 = tpu.vector_load %arg6[%get3A_116, %get3A_117] {strides = array<i32>} : memref<40x512xf32, #tpu.memory_space<vmem>>, vector<16xf32>,
        tpu.vector_store_idx %arg7[%broadcast_in_dim3A_79, %get3A_34], %get3A_118 : memref<40x1024xf32, #tpu.memory_space<vmem>>[vector<16xi32>, vector<16xi32>], vector<16xf32>,
        %get3A_119 = arith.index_cast %scan3A_78 : i32 to index
        %get3A_120 = arith.constant 208 : index
        %get3A_121 = tpu.vector_load %arg6[%get3A_119, %get3A_120] {strides = array<i32>} : memref<40x512xf32, #tpu.memory_space<vmem>>, vector<16xf32>,
        tpu.vector_store_idx %arg7[%broadcast_in_dim3A_79, %get3A_36], %get3A_121 : memref<40x1024xf32, #tpu.memory_space<vmem>>[vector<16xi32>, vector<16xi32>], vector<16xf32>,
        %get3A_122 = arith.index_cast %scan3A_78 : i32 to index
        %get3A_123 = arith.constant 224 : index
        %get3A_124 = tpu.vector_load %arg6[%get3A_122, %get3A_123] {strides = array<i32>} : memref<40x512xf32, #tpu.memory_space<vmem>>, vector<16xf32>,
        tpu.vector_store_idx %arg7[%broadcast_in_dim3A_79, %get3A_38], %get3A_124 : memref<40x1024xf32, #tpu.memory_space<vmem>>[vector<16xi32>, vector<16xi32>], vector<16xf32>,
        %get3A_125 = arith.index_cast %scan3A_78 : i32 to index
        %get3A_126 = arith.constant 240 : index
        %get3A_127 = tpu.vector_load %arg6[%get3A_125, %get3A_126] {strides = array<i32>} : memref<40x512xf32, #tpu.memory_space<vmem>>, vector<16xf32>,
        tpu.vector_store_idx %arg7[%broadcast_in_dim3A_79, %get3A_40], %get3A_127 : memref<40x1024xf32, #tpu.memory_space<vmem>>[vector<16xi32>, vector<16xi32>], vector<16xf32>,
        %get3A_128 = arith.index_cast %scan3A_78 : i32 to index
        %get3A_129 = arith.constant 256 : index
        %get3A_130 = tpu.vector_load %arg6[%get3A_128, %get3A_129] {strides = array<i32>} : memref<40x512xf32, #tpu.memory_space<vmem>>, vector<16xf32>,
        tpu.vector_store_idx %arg7[%broadcast_in_dim3A_79, %get3A_42], %get3A_130 : memref<40x1024xf32, #tpu.memory_space<vmem>>[vector<16xi32>, vector<16xi32>], vector<16xf32>,
        %get3A_131 = arith.index_cast %scan3A_78 : i32 to index
        %get3A_132 = arith.constant 272 : index
        %get3A_133 = tpu.vector_load %arg6[%get3A_131, %get3A_132] {strides = array<i32>} : memref<40x512xf32, #tpu.memory_space<vmem>>, vector<16xf32>,
        tpu.vector_store_idx %arg7[%broadcast_in_dim3A_79, %get3A_44], %get3A_133 : memref<40x1024xf32, #tpu.memory_space<vmem>>[vector<16xi32>, vector<16xi32>], vector<16xf32>,
        %get3A_134 = arith.index_cast %scan3A_78 : i32 to index
        %get3A_135 = arith.constant 288 : index
        %get3A_136 = tpu.vector_load %arg6[%get3A_134, %get3A_135] {strides = array<i32>} : memref<40x512xf32, #tpu.memory_space<vmem>>, vector<16xf32>,
        tpu.vector_store_idx %arg7[%broadcast_in_dim3A_79, %get3A_46], %get3A_136 : memref<40x1024xf32, #tpu.memory_space<vmem>>[vector<16xi32>, vector<16xi32>], vector<16xf32>,
        %get3A_137 = arith.index_cast %scan3A_78 : i32 to index
        %get3A_138 = arith.constant 304 : index
        %get3A_139 = tpu.vector_load %arg6[%get3A_137, %get3A_138] {strides = array<i32>} : memref<40x512xf32, #tpu.memory_space<vmem>>, vector<16xf32>,
        tpu.vector_store_idx %arg7[%broadcast_in_dim3A_79, %get3A_48], %get3A_139 : memref<40x1024xf32, #tpu.memory_space<vmem>>[vector<16xi32>, vector<16xi32>], vector<16xf32>,
        %get3A_140 = arith.index_cast %scan3A_78 : i32 to index
        %get3A_141 = arith.constant 320 : index
        %get3A_142 = tpu.vector_load %arg6[%get3A_140, %get3A_141] {strides = array<i32>} : memref<40x512xf32, #tpu.memory_space<vmem>>, vector<16xf32>,
        tpu.vector_store_idx %arg7[%broadcast_in_dim3A_79, %get3A_50], %get3A_142 : memref<40x1024xf32, #tpu.memory_space<vmem>>[vector<16xi32>, vector<16xi32>], vector<16xf32>,
        %get3A_143 = arith.index_cast %scan3A_78 : i32 to index
        %get3A_144 = arith.constant 336 : index
        %get3A_145 = tpu.vector_load %arg6[%get3A_143, %get3A_144] {strides = array<i32>} : memref<40x512xf32, #tpu.memory_space<vmem>>, vector<16xf32>,
        tpu.vector_store_idx %arg7[%broadcast_in_dim3A_79, %get3A_52], %get3A_145 : memref<40x1024xf32, #tpu.memory_space<vmem>>[vector<16xi32>, vector<16xi32>], vector<16xf32>,
        %get3A_146 = arith.index_cast %scan3A_78 : i32 to index
        %get3A_147 = arith.constant 352 : index
        %get3A_148 = tpu.vector_load %arg6[%get3A_146, %get3A_147] {strides = array<i32>} : memref<40x512xf32, #tpu.memory_space<vmem>>, vector<16xf32>,
        tpu.vector_store_idx %arg7[%broadcast_in_dim3A_79, %get3A_54], %get3A_148 : memref<40x1024xf32, #tpu.memory_space<vmem>>[vector<16xi32>, vector<16xi32>], vector<16xf32>,
        %get3A_149 = arith.index_cast %scan3A_78 : i32 to index
        %get3A_150 = arith.constant 368 : index
        %get3A_151 = tpu.vector_load %arg6[%get3A_149, %get3A_150] {strides = array<i32>} : memref<40x512xf32, #tpu.memory_space<vmem>>, vector<16xf32>,
        tpu.vector_store_idx %arg7[%broadcast_in_dim3A_79, %get3A_56], %get3A_151 : memref<40x1024xf32, #tpu.memory_space<vmem>>[vector<16xi32>, vector<16xi32>], vector<16xf32>,
        %get3A_152 = arith.index_cast %scan3A_78 : i32 to index
        %get3A_153 = arith.constant 384 : index
        %get3A_154 = tpu.vector_load %arg6[%get3A_152, %get3A_153] {strides = array<i32>} : memref<40x512xf32, #tpu.memory_space<vmem>>, vector<16xf32>,
        tpu.vector_store_idx %arg7[%broadcast_in_dim3A_79, %get3A_58], %get3A_154 : memref<40x1024xf32, #tpu.memory_space<vmem>>[vector<16xi32>, vector<16xi32>], vector<16xf32>,
        %get3A_155 = arith.index_cast %scan3A_78 : i32 to index
        %get3A_156 = arith.constant 400 : index
        %get3A_157 = tpu.vector_load %arg6[%get3A_155, %get3A_156] {strides = array<i32>} : memref<40x512xf32, #tpu.memory_space<vmem>>, vector<16xf32>,
        tpu.vector_store_idx %arg7[%broadcast_in_dim3A_79, %get3A_60], %get3A_157 : memref<40x1024xf32, #tpu.memory_space<vmem>>[vector<16xi32>, vector<16xi32>], vector<16xf32>,
        %get3A_158 = arith.index_cast %scan3A_78 : i32 to index
        %get3A_159 = arith.constant 416 : index
        %get3A_160 = tpu.vector_load %arg6[%get3A_158, %get3A_159] {strides = array<i32>} : memref<40x512xf32, #tpu.memory_space<vmem>>, vector<16xf32>,
        tpu.vector_store_idx %arg7[%broadcast_in_dim3A_79, %get3A_62], %get3A_160 : memref<40x1024xf32, #tpu.memory_space<vmem>>[vector<16xi32>, vector<16xi32>], vector<16xf32>,
        %get3A_161 = arith.index_cast %scan3A_78 : i32 to index
        %get3A_162 = arith.constant 432 : index
        %get3A_163 = tpu.vector_load %arg6[%get3A_161, %get3A_162] {strides = array<i32>} : memref<40x512xf32, #tpu.memory_space<vmem>>, vector<16xf32>,
        tpu.vector_store_idx %arg7[%broadcast_in_dim3A_79, %get3A_64], %get3A_163 : memref<40x1024xf32, #tpu.memory_space<vmem>>[vector<16xi32>, vector<16xi32>], vector<16xf32>,
        %get3A_164 = arith.index_cast %scan3A_78 : i32 to index
        %get3A_165 = arith.constant 448 : index
        %get3A_166 = tpu.vector_load %arg6[%get3A_164, %get3A_165] {strides = array<i32>} : memref<40x512xf32, #tpu.memory_space<vmem>>, vector<16xf32>,
        tpu.vector_store_idx %arg7[%broadcast_in_dim3A_79, %get3A_66], %get3A_166 : memref<40x1024xf32, #tpu.memory_space<vmem>>[vector<16xi32>, vector<16xi32>], vector<16xf32>,
        %get3A_167 = arith.index_cast %scan3A_78 : i32 to index
        %get3A_168 = arith.constant 464 : index
        %get3A_169 = tpu.vector_load %arg6[%get3A_167, %get3A_168] {strides = array<i32>} : memref<40x512xf32, #tpu.memory_space<vmem>>, vector<16xf32>,
        tpu.vector_store_idx %arg7[%broadcast_in_dim3A_79, %get3A_68], %get3A_169 : memref<40x1024xf32, #tpu.memory_space<vmem>>[vector<16xi32>, vector<16xi32>], vector<16xf32>,
        %get3A_170 = arith.index_cast %scan3A_78 : i32 to index
        %get3A_171 = arith.constant 480 : index
        %get3A_172 = tpu.vector_load %arg6[%get3A_170, %get3A_171] {strides = array<i32>} : memref<40x512xf32, #tpu.memory_space<vmem>>, vector<16xf32>,
        tpu.vector_store_idx %arg7[%broadcast_in_dim3A_79, %get3A_70], %get3A_172 : memref<40x1024xf32, #tpu.memory_space<vmem>>[vector<16xi32>, vector<16xi32>], vector<16xf32>,
        %get3A_173 = arith.index_cast %scan3A_78 : i32 to index
        %get3A_174 = arith.constant 496 : index
        %get3A_175 = tpu.vector_load %arg6[%get3A_173, %get3A_174] {strides = array<i32>} : memref<40x512xf32, #tpu.memory_space<vmem>>, vector<16xf32>,
        tpu.vector_store_idx %arg7[%broadcast_in_dim3A_79, %get3A_72], %get3A_175 : memref<40x1024xf32, #tpu.memory_space<vmem>>[vector<16xi32>, vector<16xi32>], vector<16xf32>,
      }
      %scan3A_77 = arith.constant 40 : i32
      "tpu.region"() ({
        %run_scoped3A = tpu.sem_alloc : memref<!tpu.dma_semaphore, #tpu.memory_space<semaphore_mem>>
        %dma_start3A = arith.constant 0 : i32
        %dma_start3A_78 = tpu.memref_slice %arg4[%mul3A_4, %dma_start3A] : memref<1000x1024xf32, #tpu.memory_space<hbm>> -> memref<40x1024xf32, #tpu.memory_space<hbm>>
        %dma_start3A_79 = arith.constant 0 : i32
        %dma_start3A_80 = tpu.memref_slice %arg4[%mul3A_4, %dma_start3A_79] : memref<1000x1024xf32, #tpu.memory_space<hbm>> -> memref<40x1024xf32, #tpu.memory_space<hbm>>
        tpu.enqueue_dma source(%arg7 : memref<40x1024xf32, #tpu.memory_space<vmem>>) target(%dma_start3A_80 : memref<40x1024xf32, #tpu.memory_space<hbm>>) target_semaphore(%run_scoped3A : memref<!tpu.dma_semaphore, #tpu.memory_space<semaphore_mem>>)
        %dma_wait3A = arith.constant 0 : i32
        %dma_wait3A_81 = tpu.memref_slice %arg4[%mul3A_4, %dma_wait3A] : memref<1000x1024xf32, #tpu.memory_space<hbm>> -> memref<40x1024xf32, #tpu.memory_space<hbm>>
        %dma_wait3A_82 = arith.constant 0 : i32
        %dma_wait3A_83 = tpu.memref_slice %arg4[%mul3A_4, %dma_wait3A_82] : memref<1000x1024xf32, #tpu.memory_space<hbm>> -> memref<40x1024xf32, #tpu.memory_space<hbm>>
        tpu.wait_dma2 semaphore(%run_scoped3A : memref<!tpu.dma_semaphore, #tpu.memory_space<semaphore_mem>>) src(%arg7 : memref<40x1024xf32, #tpu.memory_space<vmem>>) dst(%dma_wait3A_83 : memref<40x1024xf32, #tpu.memory_space<hbm>>)
        tpu.yield
      }) : () -> ()
    } else {
    }
    return
  }
}

module attributes {stable_mosaic.version = 14 : i64} {
  func.func @_fused_body(%arg0: i32, %arg1: memref<40x1024xf32, #tpu.memory_space<vmem>>, %arg2: memref<40x1024xf32, #tpu.memory_space<vmem>>, %arg3: memref<640x1024xf32, #tpu.memory_space<vmem>>, %arg4: memref<1000x640xf32, #tpu.memory_space<vmem>>, %arg5: memref<1x640xf32, #tpu.memory_space<vmem>>, %arg6: memref<640x1024xf16, #tpu.memory_space<vmem>>, %arg7: memref<40x1024xf16, #tpu.memory_space<vmem>>, %arg8: memref<1000x640xf16, #tpu.memory_space<vmem>>) attributes {dimension_semantics = [#tpu.dimension_semantics<arbitrary>], iteration_bounds = array<i64: 25>, scalar_prefetch = 0 : i64, scratch_operands = 0 : i64, tpu.core_type = #tpu.core_type<tc>, window_params = [{transform_indices = @transform_0, window_bounds = array<i64: 40, 1024>}, {transform_indices = @transform_1, window_bounds = array<i64: 40, 1024>}, {transform_indices = @transform_2, window_bounds = array<i64: 640, 1024>}, {transform_indices = @transform_3, window_bounds = array<i64: 1000, 640>}, {transform_indices = @transform_4, window_bounds = array<i64: 1, 640>}, {transform_indices = @transform_5, window_bounds = array<i64: 640, 1024>}, {transform_indices = @transform_6, window_bounds = array<i64: 40, 1024>}, {transform_indices = @transform_7, window_bounds = array<i64: 1000, 640>}]} {
    %get3A = arith.constant 0 : index
    %get3A_0 = arith.constant 0 : index
    %get3A_1 = vector.load %arg2[%get3A, %get3A_0] : memref<40x1024xf32, #tpu.memory_space<vmem>>, vector<8x1024xf32>
    %get3A_2 = arith.constant 0 : index
    %get3A_3 = arith.constant 0 : index
    %get3A_4 = vector.load %arg1[%get3A_2, %get3A_3] : memref<40x1024xf32, #tpu.memory_space<vmem>>, vector<8x1024xf32>
    %add3A = arith.addf %get3A_1, %get3A_4 : vector<8x1024xf32>
    %mul3A = arith.constant 1.925930e-34 : f32
    %mul3A_5 = vector.broadcast %mul3A : f32 to vector<8x1024xf32>
    %mul3A_6 = arith.mulf %add3A, %mul3A_5 : vector<8x1024xf32>
    %bitcast_convert_type3A = tpu.bitcast %mul3A_6 : vector<8x1024xf32> -> vector<8x1024xi32>
    %add3A_7 = arith.constant 4096 : i32
    %add3A_8 = vector.broadcast %add3A_7 : i32 to vector<8x1024xi32>
    %add3A_9 = arith.addi %bitcast_convert_type3A, %add3A_8 : vector<8x1024xi32>
    %shift_right_logical3A = arith.constant 13 : i32
    %shift_right_logical3A_10 = vector.broadcast %shift_right_logical3A : i32 to vector<8x1024xi32>
    %shift_right_logical3A_11 = arith.shrui %add3A_9, %shift_right_logical3A_10 : vector<8x1024xi32>
    %and3A = arith.constant 32767 : i32
    %and3A_12 = vector.broadcast %and3A : i32 to vector<8x1024xi32>
    %and3A_13 = arith.andi %shift_right_logical3A_11, %and3A_12 : vector<8x1024xi32>
    %shift_right_logical3A_14 = arith.constant 16 : i32
    %shift_right_logical3A_15 = vector.broadcast %shift_right_logical3A_14 : i32 to vector<8x1024xi32>
    %shift_right_logical3A_16 = arith.shrui %bitcast_convert_type3A, %shift_right_logical3A_15 : vector<8x1024xi32>
    %and3A_17 = arith.constant 32768 : i32
    %and3A_18 = vector.broadcast %and3A_17 : i32 to vector<8x1024xi32>
    %and3A_19 = arith.andi %shift_right_logical3A_16, %and3A_18 : vector<8x1024xi32>
    %or3A = arith.ori %and3A_19, %and3A_13 : vector<8x1024xi32>
    %convert_element_type3A = arith.trunci %or3A : vector<8x1024xi32> to vector<8x1024xi16>
    %swap3A = tpu.memref_bitcast %arg7 : memref<40x1024xf16, #tpu.memory_space<vmem>> -> memref<40x1024xi16, #tpu.memory_space<vmem>>
    %swap3A_20 = arith.constant 0 : index
    %swap3A_21 = arith.constant 0 : index
    %swap3A_22 = vector.load %swap3A[%swap3A_20, %swap3A_21] : memref<40x1024xi16, #tpu.memory_space<vmem>>, vector<8x1024xi16>
    tpu.vector_store %swap3A[%swap3A_20, %swap3A_21], %convert_element_type3A {strides = array<i32>} : memref<40x1024xi16, #tpu.memory_space<vmem>>, vector<8x1024xi16>,
    %get3A_23 = arith.constant 8 : index
    %get3A_24 = arith.constant 0 : index
    %get3A_25 = vector.load %arg2[%get3A_23, %get3A_24] : memref<40x1024xf32, #tpu.memory_space<vmem>>, vector<8x1024xf32>
    %get3A_26 = arith.constant 8 : index
    %get3A_27 = arith.constant 0 : index
    %get3A_28 = vector.load %arg1[%get3A_26, %get3A_27] : memref<40x1024xf32, #tpu.memory_space<vmem>>, vector<8x1024xf32>
    %add3A_29 = arith.addf %get3A_25, %get3A_28 : vector<8x1024xf32>
    %mul3A_30 = arith.constant 1.925930e-34 : f32
    %mul3A_31 = vector.broadcast %mul3A_30 : f32 to vector<8x1024xf32>
    %mul3A_32 = arith.mulf %add3A_29, %mul3A_31 : vector<8x1024xf32>
    %bitcast_convert_type3A_33 = tpu.bitcast %mul3A_32 : vector<8x1024xf32> -> vector<8x1024xi32>
    %add3A_34 = arith.constant 4096 : i32
    %add3A_35 = vector.broadcast %add3A_34 : i32 to vector<8x1024xi32>
    %add3A_36 = arith.addi %bitcast_convert_type3A_33, %add3A_35 : vector<8x1024xi32>
    %shift_right_logical3A_37 = arith.constant 13 : i32
    %shift_right_logical3A_38 = vector.broadcast %shift_right_logical3A_37 : i32 to vector<8x1024xi32>
    %shift_right_logical3A_39 = arith.shrui %add3A_36, %shift_right_logical3A_38 : vector<8x1024xi32>
    %and3A_40 = arith.constant 32767 : i32
    %and3A_41 = vector.broadcast %and3A_40 : i32 to vector<8x1024xi32>
    %and3A_42 = arith.andi %shift_right_logical3A_39, %and3A_41 : vector<8x1024xi32>
    %shift_right_logical3A_43 = arith.constant 16 : i32
    %shift_right_logical3A_44 = vector.broadcast %shift_right_logical3A_43 : i32 to vector<8x1024xi32>
    %shift_right_logical3A_45 = arith.shrui %bitcast_convert_type3A_33, %shift_right_logical3A_44 : vector<8x1024xi32>
    %and3A_46 = arith.constant 32768 : i32
    %and3A_47 = vector.broadcast %and3A_46 : i32 to vector<8x1024xi32>
    %and3A_48 = arith.andi %shift_right_logical3A_45, %and3A_47 : vector<8x1024xi32>
    %or3A_49 = arith.ori %and3A_48, %and3A_42 : vector<8x1024xi32>
    %convert_element_type3A_50 = arith.trunci %or3A_49 : vector<8x1024xi32> to vector<8x1024xi16>
    %swap3A_51 = tpu.memref_bitcast %arg7 : memref<40x1024xf16, #tpu.memory_space<vmem>> -> memref<40x1024xi16, #tpu.memory_space<vmem>>
    %swap3A_52 = arith.constant 8 : index
    %swap3A_53 = arith.constant 0 : index
    %swap3A_54 = vector.load %swap3A_51[%swap3A_52, %swap3A_53] : memref<40x1024xi16, #tpu.memory_space<vmem>>, vector<8x1024xi16>
    tpu.vector_store %swap3A_51[%swap3A_52, %swap3A_53], %convert_element_type3A_50 {strides = array<i32>} : memref<40x1024xi16, #tpu.memory_space<vmem>>, vector<8x1024xi16>,
    %get3A_55 = arith.constant 16 : index
    %get3A_56 = arith.constant 0 : index
    %get3A_57 = vector.load %arg2[%get3A_55, %get3A_56] : memref<40x1024xf32, #tpu.memory_space<vmem>>, vector<8x1024xf32>
    %get3A_58 = arith.constant 16 : index
    %get3A_59 = arith.constant 0 : index
    %get3A_60 = vector.load %arg1[%get3A_58, %get3A_59] : memref<40x1024xf32, #tpu.memory_space<vmem>>, vector<8x1024xf32>
    %add3A_61 = arith.addf %get3A_57, %get3A_60 : vector<8x1024xf32>
    %mul3A_62 = arith.constant 1.925930e-34 : f32
    %mul3A_63 = vector.broadcast %mul3A_62 : f32 to vector<8x1024xf32>
    %mul3A_64 = arith.mulf %add3A_61, %mul3A_63 : vector<8x1024xf32>
    %bitcast_convert_type3A_65 = tpu.bitcast %mul3A_64 : vector<8x1024xf32> -> vector<8x1024xi32>
    %add3A_66 = arith.constant 4096 : i32
    %add3A_67 = vector.broadcast %add3A_66 : i32 to vector<8x1024xi32>
    %add3A_68 = arith.addi %bitcast_convert_type3A_65, %add3A_67 : vector<8x1024xi32>
    %shift_right_logical3A_69 = arith.constant 13 : i32
    %shift_right_logical3A_70 = vector.broadcast %shift_right_logical3A_69 : i32 to vector<8x1024xi32>
    %shift_right_logical3A_71 = arith.shrui %add3A_68, %shift_right_logical3A_70 : vector<8x1024xi32>
    %and3A_72 = arith.constant 32767 : i32
    %and3A_73 = vector.broadcast %and3A_72 : i32 to vector<8x1024xi32>
    %and3A_74 = arith.andi %shift_right_logical3A_71, %and3A_73 : vector<8x1024xi32>
    %shift_right_logical3A_75 = arith.constant 16 : i32
    %shift_right_logical3A_76 = vector.broadcast %shift_right_logical3A_75 : i32 to vector<8x1024xi32>
    %shift_right_logical3A_77 = arith.shrui %bitcast_convert_type3A_65, %shift_right_logical3A_76 : vector<8x1024xi32>
    %and3A_78 = arith.constant 32768 : i32
    %and3A_79 = vector.broadcast %and3A_78 : i32 to vector<8x1024xi32>
    %and3A_80 = arith.andi %shift_right_logical3A_77, %and3A_79 : vector<8x1024xi32>
    %or3A_81 = arith.ori %and3A_80, %and3A_74 : vector<8x1024xi32>
    %convert_element_type3A_82 = arith.trunci %or3A_81 : vector<8x1024xi32> to vector<8x1024xi16>
    %swap3A_83 = tpu.memref_bitcast %arg7 : memref<40x1024xf16, #tpu.memory_space<vmem>> -> memref<40x1024xi16, #tpu.memory_space<vmem>>
    %swap3A_84 = arith.constant 16 : index
    %swap3A_85 = arith.constant 0 : index
    %swap3A_86 = vector.load %swap3A_83[%swap3A_84, %swap3A_85] : memref<40x1024xi16, #tpu.memory_space<vmem>>, vector<8x1024xi16>
    tpu.vector_store %swap3A_83[%swap3A_84, %swap3A_85], %convert_element_type3A_82 {strides = array<i32>} : memref<40x1024xi16, #tpu.memory_space<vmem>>, vector<8x1024xi16>,
    %get3A_87 = arith.constant 24 : index
    %get3A_88 = arith.constant 0 : index
    %get3A_89 = vector.load %arg2[%get3A_87, %get3A_88] : memref<40x1024xf32, #tpu.memory_space<vmem>>, vector<8x1024xf32>
    %get3A_90 = arith.constant 24 : index
    %get3A_91 = arith.constant 0 : index
    %get3A_92 = vector.load %arg1[%get3A_90, %get3A_91] : memref<40x1024xf32, #tpu.memory_space<vmem>>, vector<8x1024xf32>
    %add3A_93 = arith.addf %get3A_89, %get3A_92 : vector<8x1024xf32>
    %mul3A_94 = arith.constant 1.925930e-34 : f32
    %mul3A_95 = vector.broadcast %mul3A_94 : f32 to vector<8x1024xf32>
    %mul3A_96 = arith.mulf %add3A_93, %mul3A_95 : vector<8x1024xf32>
    %bitcast_convert_type3A_97 = tpu.bitcast %mul3A_96 : vector<8x1024xf32> -> vector<8x1024xi32>
    %add3A_98 = arith.constant 4096 : i32
    %add3A_99 = vector.broadcast %add3A_98 : i32 to vector<8x1024xi32>
    %add3A_100 = arith.addi %bitcast_convert_type3A_97, %add3A_99 : vector<8x1024xi32>
    %shift_right_logical3A_101 = arith.constant 13 : i32
    %shift_right_logical3A_102 = vector.broadcast %shift_right_logical3A_101 : i32 to vector<8x1024xi32>
    %shift_right_logical3A_103 = arith.shrui %add3A_100, %shift_right_logical3A_102 : vector<8x1024xi32>
    %and3A_104 = arith.constant 32767 : i32
    %and3A_105 = vector.broadcast %and3A_104 : i32 to vector<8x1024xi32>
    %and3A_106 = arith.andi %shift_right_logical3A_103, %and3A_105 : vector<8x1024xi32>
    %shift_right_logical3A_107 = arith.constant 16 : i32
    %shift_right_logical3A_108 = vector.broadcast %shift_right_logical3A_107 : i32 to vector<8x1024xi32>
    %shift_right_logical3A_109 = arith.shrui %bitcast_convert_type3A_97, %shift_right_logical3A_108 : vector<8x1024xi32>
    %and3A_110 = arith.constant 32768 : i32
    %and3A_111 = vector.broadcast %and3A_110 : i32 to vector<8x1024xi32>
    %and3A_112 = arith.andi %shift_right_logical3A_109, %and3A_111 : vector<8x1024xi32>
    %or3A_113 = arith.ori %and3A_112, %and3A_106 : vector<8x1024xi32>
    %convert_element_type3A_114 = arith.trunci %or3A_113 : vector<8x1024xi32> to vector<8x1024xi16>
    %swap3A_115 = tpu.memref_bitcast %arg7 : memref<40x1024xf16, #tpu.memory_space<vmem>> -> memref<40x1024xi16, #tpu.memory_space<vmem>>
    %swap3A_116 = arith.constant 24 : index
    %swap3A_117 = arith.constant 0 : index
    %swap3A_118 = vector.load %swap3A_115[%swap3A_116, %swap3A_117] : memref<40x1024xi16, #tpu.memory_space<vmem>>, vector<8x1024xi16>
    tpu.vector_store %swap3A_115[%swap3A_116, %swap3A_117], %convert_element_type3A_114 {strides = array<i32>} : memref<40x1024xi16, #tpu.memory_space<vmem>>, vector<8x1024xi16>,
    %get3A_119 = arith.constant 32 : index
    %get3A_120 = arith.constant 0 : index
    %get3A_121 = vector.load %arg2[%get3A_119, %get3A_120] : memref<40x1024xf32, #tpu.memory_space<vmem>>, vector<8x1024xf32>
    %get3A_122 = arith.constant 32 : index
    %get3A_123 = arith.constant 0 : index
    %get3A_124 = vector.load %arg1[%get3A_122, %get3A_123] : memref<40x1024xf32, #tpu.memory_space<vmem>>, vector<8x1024xf32>
    %add3A_125 = arith.addf %get3A_121, %get3A_124 : vector<8x1024xf32>
    %mul3A_126 = arith.constant 1.925930e-34 : f32
    %mul3A_127 = vector.broadcast %mul3A_126 : f32 to vector<8x1024xf32>
    %mul3A_128 = arith.mulf %add3A_125, %mul3A_127 : vector<8x1024xf32>
    %bitcast_convert_type3A_129 = tpu.bitcast %mul3A_128 : vector<8x1024xf32> -> vector<8x1024xi32>
    %add3A_130 = arith.constant 4096 : i32
    %add3A_131 = vector.broadcast %add3A_130 : i32 to vector<8x1024xi32>
    %add3A_132 = arith.addi %bitcast_convert_type3A_129, %add3A_131 : vector<8x1024xi32>
    %shift_right_logical3A_133 = arith.constant 13 : i32
    %shift_right_logical3A_134 = vector.broadcast %shift_right_logical3A_133 : i32 to vector<8x1024xi32>
    %shift_right_logical3A_135 = arith.shrui %add3A_132, %shift_right_logical3A_134 : vector<8x1024xi32>
    %and3A_136 = arith.constant 32767 : i32
    %and3A_137 = vector.broadcast %and3A_136 : i32 to vector<8x1024xi32>
    %and3A_138 = arith.andi %shift_right_logical3A_135, %and3A_137 : vector<8x1024xi32>
    %shift_right_logical3A_139 = arith.constant 16 : i32
    %shift_right_logical3A_140 = vector.broadcast %shift_right_logical3A_139 : i32 to vector<8x1024xi32>
    %shift_right_logical3A_141 = arith.shrui %bitcast_convert_type3A_129, %shift_right_logical3A_140 : vector<8x1024xi32>
    %and3A_142 = arith.constant 32768 : i32
    %and3A_143 = vector.broadcast %and3A_142 : i32 to vector<8x1024xi32>
    %and3A_144 = arith.andi %shift_right_logical3A_141, %and3A_143 : vector<8x1024xi32>
    %or3A_145 = arith.ori %and3A_144, %and3A_138 : vector<8x1024xi32>
    %convert_element_type3A_146 = arith.trunci %or3A_145 : vector<8x1024xi32> to vector<8x1024xi16>
    %swap3A_147 = tpu.memref_bitcast %arg7 : memref<40x1024xf16, #tpu.memory_space<vmem>> -> memref<40x1024xi16, #tpu.memory_space<vmem>>
    %swap3A_148 = arith.constant 32 : index
    %swap3A_149 = arith.constant 0 : index
    %swap3A_150 = vector.load %swap3A_147[%swap3A_148, %swap3A_149] : memref<40x1024xi16, #tpu.memory_space<vmem>>, vector<8x1024xi16>
    tpu.vector_store %swap3A_147[%swap3A_148, %swap3A_149], %convert_element_type3A_146 {strides = array<i32>} : memref<40x1024xi16, #tpu.memory_space<vmem>>, vector<8x1024xi16>,
    %get3A_151 = arith.constant 0 : index
    %get3A_152 = arith.constant 0 : index
    %get3A_153 = vector.load %arg3[%get3A_151, %get3A_152] : memref<640x1024xf32, #tpu.memory_space<vmem>>, vector<16x1024xf32>
    %get3A_154 = arith.constant 0 : index
    %get3A_155 = arith.constant 0 : index
    %get3A_156 = vector.load %arg1[%get3A_154, %get3A_155] : memref<40x1024xf32, #tpu.memory_space<vmem>>, vector<1x1024xf32>
    %add3A_157 = vector.broadcast %get3A_156 : vector<1x1024xf32> to vector<16x1024xf32>
    %add3A_158 = arith.addf %get3A_153, %add3A_157 : vector<16x1024xf32>
    %mul3A_159 = arith.constant 1.925930e-34 : f32
    %mul3A_160 = vector.broadcast %mul3A_159 : f32 to vector<16x1024xf32>
    %mul3A_161 = arith.mulf %add3A_158, %mul3A_160 : vector<16x1024xf32>
    %bitcast_convert_type3A_162 = tpu.bitcast %mul3A_161 : vector<16x1024xf32> -> vector<16x1024xi32>
    %add3A_163 = arith.constant 4096 : i32
    %add3A_164 = vector.broadcast %add3A_163 : i32 to vector<16x1024xi32>
    %add3A_165 = arith.addi %bitcast_convert_type3A_162, %add3A_164 : vector<16x1024xi32>
    %shift_right_logical3A_166 = arith.constant 13 : i32
    %shift_right_logical3A_167 = vector.broadcast %shift_right_logical3A_166 : i32 to vector<16x1024xi32>
    %shift_right_logical3A_168 = arith.shrui %add3A_165, %shift_right_logical3A_167 : vector<16x1024xi32>
    %and3A_169 = arith.constant 32767 : i32
    %and3A_170 = vector.broadcast %and3A_169 : i32 to vector<16x1024xi32>
    %and3A_171 = arith.andi %shift_right_logical3A_168, %and3A_170 : vector<16x1024xi32>
    %shift_right_logical3A_172 = arith.constant 16 : i32
    %shift_right_logical3A_173 = vector.broadcast %shift_right_logical3A_172 : i32 to vector<16x1024xi32>
    %shift_right_logical3A_174 = arith.shrui %bitcast_convert_type3A_162, %shift_right_logical3A_173 : vector<16x1024xi32>
    %and3A_175 = arith.constant 32768 : i32
    %and3A_176 = vector.broadcast %and3A_175 : i32 to vector<16x1024xi32>
    %and3A_177 = arith.andi %shift_right_logical3A_174, %and3A_176 : vector<16x1024xi32>
    %or3A_178 = arith.ori %and3A_177, %and3A_171 : vector<16x1024xi32>
    %convert_element_type3A_179 = arith.trunci %or3A_178 : vector<16x1024xi32> to vector<16x1024xi16>
    %swap3A_180 = tpu.memref_bitcast %arg6 : memref<640x1024xf16, #tpu.memory_space<vmem>> -> memref<640x1024xi16, #tpu.memory_space<vmem>>
    %swap3A_181 = arith.constant 0 : index
    %swap3A_182 = arith.constant 0 : index
    %swap3A_183 = vector.load %swap3A_180[%swap3A_181, %swap3A_182] : memref<640x1024xi16, #tpu.memory_space<vmem>>, vector<16x1024xi16>
    tpu.vector_store %swap3A_180[%swap3A_181, %swap3A_182], %convert_element_type3A_179 {strides = array<i32>} : memref<640x1024xi16, #tpu.memory_space<vmem>>, vector<16x1024xi16>,
    %get3A_184 = arith.constant 16 : index
    %get3A_185 = arith.constant 0 : index
    %get3A_186 = vector.load %arg3[%get3A_184, %get3A_185] : memref<640x1024xf32, #tpu.memory_space<vmem>>, vector<16x1024xf32>
    %get3A_187 = arith.constant 1 : index
    %get3A_188 = arith.constant 0 : index
    %get3A_189 = vector.load %arg1[%get3A_187, %get3A_188] : memref<40x1024xf32, #tpu.memory_space<vmem>>, vector<1x1024xf32>
    %add3A_190 = vector.broadcast %get3A_189 : vector<1x1024xf32> to vector<16x1024xf32>
    %add3A_191 = arith.addf %get3A_186, %add3A_190 : vector<16x1024xf32>
    %mul3A_192 = arith.constant 1.925930e-34 : f32
    %mul3A_193 = vector.broadcast %mul3A_192 : f32 to vector<16x1024xf32>
    %mul3A_194 = arith.mulf %add3A_191, %mul3A_193 : vector<16x1024xf32>
    %bitcast_convert_type3A_195 = tpu.bitcast %mul3A_194 : vector<16x1024xf32> -> vector<16x1024xi32>
    %add3A_196 = arith.constant 4096 : i32
    %add3A_197 = vector.broadcast %add3A_196 : i32 to vector<16x1024xi32>
    %add3A_198 = arith.addi %bitcast_convert_type3A_195, %add3A_197 : vector<16x1024xi32>
    %shift_right_logical3A_199 = arith.constant 13 : i32
    %shift_right_logical3A_200 = vector.broadcast %shift_right_logical3A_199 : i32 to vector<16x1024xi32>
    %shift_right_logical3A_201 = arith.shrui %add3A_198, %shift_right_logical3A_200 : vector<16x1024xi32>
    %and3A_202 = arith.constant 32767 : i32
    %and3A_203 = vector.broadcast %and3A_202 : i32 to vector<16x1024xi32>
    %and3A_204 = arith.andi %shift_right_logical3A_201, %and3A_203 : vector<16x1024xi32>
    %shift_right_logical3A_205 = arith.constant 16 : i32
    %shift_right_logical3A_206 = vector.broadcast %shift_right_logical3A_205 : i32 to vector<16x1024xi32>
    %shift_right_logical3A_207 = arith.shrui %bitcast_convert_type3A_195, %shift_right_logical3A_206 : vector<16x1024xi32>
    %and3A_208 = arith.constant 32768 : i32
    %and3A_209 = vector.broadcast %and3A_208 : i32 to vector<16x1024xi32>
    %and3A_210 = arith.andi %shift_right_logical3A_207, %and3A_209 : vector<16x1024xi32>
    %or3A_211 = arith.ori %and3A_210, %and3A_204 : vector<16x1024xi32>
    %convert_element_type3A_212 = arith.trunci %or3A_211 : vector<16x1024xi32> to vector<16x1024xi16>
    %swap3A_213 = tpu.memref_bitcast %arg6 : memref<640x1024xf16, #tpu.memory_space<vmem>> -> memref<640x1024xi16, #tpu.memory_space<vmem>>
    %swap3A_214 = arith.constant 16 : index
    %swap3A_215 = arith.constant 0 : index
    %swap3A_216 = vector.load %swap3A_213[%swap3A_214, %swap3A_215] : memref<640x1024xi16, #tpu.memory_space<vmem>>, vector<16x1024xi16>
    tpu.vector_store %swap3A_213[%swap3A_214, %swap3A_215], %convert_element_type3A_212 {strides = array<i32>} : memref<640x1024xi16, #tpu.memory_space<vmem>>, vector<16x1024xi16>,
    %get3A_217 = arith.constant 32 : index
    %get3A_218 = arith.constant 0 : index
    %get3A_219 = vector.load %arg3[%get3A_217, %get3A_218] : memref<640x1024xf32, #tpu.memory_space<vmem>>, vector<16x1024xf32>
    %get3A_220 = arith.constant 2 : index
    %get3A_221 = arith.constant 0 : index
    %get3A_222 = vector.load %arg1[%get3A_220, %get3A_221] : memref<40x1024xf32, #tpu.memory_space<vmem>>, vector<1x1024xf32>
    %add3A_223 = vector.broadcast %get3A_222 : vector<1x1024xf32> to vector<16x1024xf32>
    %add3A_224 = arith.addf %get3A_219, %add3A_223 : vector<16x1024xf32>
    %mul3A_225 = arith.constant 1.925930e-34 : f32
    %mul3A_226 = vector.broadcast %mul3A_225 : f32 to vector<16x1024xf32>
    %mul3A_227 = arith.mulf %add3A_224, %mul3A_226 : vector<16x1024xf32>
    %bitcast_convert_type3A_228 = tpu.bitcast %mul3A_227 : vector<16x1024xf32> -> vector<16x1024xi32>
    %add3A_229 = arith.constant 4096 : i32
    %add3A_230 = vector.broadcast %add3A_229 : i32 to vector<16x1024xi32>
    %add3A_231 = arith.addi %bitcast_convert_type3A_228, %add3A_230 : vector<16x1024xi32>
    %shift_right_logical3A_232 = arith.constant 13 : i32
    %shift_right_logical3A_233 = vector.broadcast %shift_right_logical3A_232 : i32 to vector<16x1024xi32>
    %shift_right_logical3A_234 = arith.shrui %add3A_231, %shift_right_logical3A_233 : vector<16x1024xi32>
    %and3A_235 = arith.constant 32767 : i32
    %and3A_236 = vector.broadcast %and3A_235 : i32 to vector<16x1024xi32>
    %and3A_237 = arith.andi %shift_right_logical3A_234, %and3A_236 : vector<16x1024xi32>
    %shift_right_logical3A_238 = arith.constant 16 : i32
    %shift_right_logical3A_239 = vector.broadcast %shift_right_logical3A_238 : i32 to vector<16x1024xi32>
    %shift_right_logical3A_240 = arith.shrui %bitcast_convert_type3A_228, %shift_right_logical3A_239 : vector<16x1024xi32>
    %and3A_241 = arith.constant 32768 : i32
    %and3A_242 = vector.broadcast %and3A_241 : i32 to vector<16x1024xi32>
    %and3A_243 = arith.andi %shift_right_logical3A_240, %and3A_242 : vector<16x1024xi32>
    %or3A_244 = arith.ori %and3A_243, %and3A_237 : vector<16x1024xi32>
    %convert_element_type3A_245 = arith.trunci %or3A_244 : vector<16x1024xi32> to vector<16x1024xi16>
    %swap3A_246 = tpu.memref_bitcast %arg6 : memref<640x1024xf16, #tpu.memory_space<vmem>> -> memref<640x1024xi16, #tpu.memory_space<vmem>>
    %swap3A_247 = arith.constant 32 : index
    %swap3A_248 = arith.constant 0 : index
    %swap3A_249 = vector.load %swap3A_246[%swap3A_247, %swap3A_248] : memref<640x1024xi16, #tpu.memory_space<vmem>>, vector<16x1024xi16>
    tpu.vector_store %swap3A_246[%swap3A_247, %swap3A_248], %convert_element_type3A_245 {strides = array<i32>} : memref<640x1024xi16, #tpu.memory_space<vmem>>, vector<16x1024xi16>,
    %get3A_250 = arith.constant 48 : index
    %get3A_251 = arith.constant 0 : index
    %get3A_252 = vector.load %arg3[%get3A_250, %get3A_251] : memref<640x1024xf32, #tpu.memory_space<vmem>>, vector<16x1024xf32>
    %get3A_253 = arith.constant 3 : index
    %get3A_254 = arith.constant 0 : index
    %get3A_255 = vector.load %arg1[%get3A_253, %get3A_254] : memref<40x1024xf32, #tpu.memory_space<vmem>>, vector<1x1024xf32>
    %add3A_256 = vector.broadcast %get3A_255 : vector<1x1024xf32> to vector<16x1024xf32>
    %add3A_257 = arith.addf %get3A_252, %add3A_256 : vector<16x1024xf32>
    %mul3A_258 = arith.constant 1.925930e-34 : f32
    %mul3A_259 = vector.broadcast %mul3A_258 : f32 to vector<16x1024xf32>
    %mul3A_260 = arith.mulf %add3A_257, %mul3A_259 : vector<16x1024xf32>
    %bitcast_convert_type3A_261 = tpu.bitcast %mul3A_260 : vector<16x1024xf32> -> vector<16x1024xi32>
    %add3A_262 = arith.constant 4096 : i32
    %add3A_263 = vector.broadcast %add3A_262 : i32 to vector<16x1024xi32>
    %add3A_264 = arith.addi %bitcast_convert_type3A_261, %add3A_263 : vector<16x1024xi32>
    %shift_right_logical3A_265 = arith.constant 13 : i32
    %shift_right_logical3A_266 = vector.broadcast %shift_right_logical3A_265 : i32 to vector<16x1024xi32>
    %shift_right_logical3A_267 = arith.shrui %add3A_264, %shift_right_logical3A_266 : vector<16x1024xi32>
    %and3A_268 = arith.constant 32767 : i32
    %and3A_269 = vector.broadcast %and3A_268 : i32 to vector<16x1024xi32>
    %and3A_270 = arith.andi %shift_right_logical3A_267, %and3A_269 : vector<16x1024xi32>
    %shift_right_logical3A_271 = arith.constant 16 : i32
    %shift_right_logical3A_272 = vector.broadcast %shift_right_logical3A_271 : i32 to vector<16x1024xi32>
    %shift_right_logical3A_273 = arith.shrui %bitcast_convert_type3A_261, %shift_right_logical3A_272 : vector<16x1024xi32>
    %and3A_274 = arith.constant 32768 : i32
    %and3A_275 = vector.broadcast %and3A_274 : i32 to vector<16x1024xi32>
    %and3A_276 = arith.andi %shift_right_logical3A_273, %and3A_275 : vector<16x1024xi32>
    %or3A_277 = arith.ori %and3A_276, %and3A_270 : vector<16x1024xi32>
    %convert_element_type3A_278 = arith.trunci %or3A_277 : vector<16x1024xi32> to vector<16x1024xi16>
    %swap3A_279 = tpu.memref_bitcast %arg6 : memref<640x1024xf16, #tpu.memory_space<vmem>> -> memref<640x1024xi16, #tpu.memory_space<vmem>>
    %swap3A_280 = arith.constant 48 : index
    %swap3A_281 = arith.constant 0 : index
    %swap3A_282 = vector.load %swap3A_279[%swap3A_280, %swap3A_281] : memref<640x1024xi16, #tpu.memory_space<vmem>>, vector<16x1024xi16>
    tpu.vector_store %swap3A_279[%swap3A_280, %swap3A_281], %convert_element_type3A_278 {strides = array<i32>} : memref<640x1024xi16, #tpu.memory_space<vmem>>, vector<16x1024xi16>,
    %get3A_283 = arith.constant 64 : index
    %get3A_284 = arith.constant 0 : index
    %get3A_285 = vector.load %arg3[%get3A_283, %get3A_284] : memref<640x1024xf32, #tpu.memory_space<vmem>>, vector<16x1024xf32>
    %get3A_286 = arith.constant 4 : index
    %get3A_287 = arith.constant 0 : index
    %get3A_288 = vector.load %arg1[%get3A_286, %get3A_287] : memref<40x1024xf32, #tpu.memory_space<vmem>>, vector<1x1024xf32>
    %add3A_289 = vector.broadcast %get3A_288 : vector<1x1024xf32> to vector<16x1024xf32>
    %add3A_290 = arith.addf %get3A_285, %add3A_289 : vector<16x1024xf32>
    %mul3A_291 = arith.constant 1.925930e-34 : f32
    %mul3A_292 = vector.broadcast %mul3A_291 : f32 to vector<16x1024xf32>
    %mul3A_293 = arith.mulf %add3A_290, %mul3A_292 : vector<16x1024xf32>
    %bitcast_convert_type3A_294 = tpu.bitcast %mul3A_293 : vector<16x1024xf32> -> vector<16x1024xi32>
    %add3A_295 = arith.constant 4096 : i32
    %add3A_296 = vector.broadcast %add3A_295 : i32 to vector<16x1024xi32>
    %add3A_297 = arith.addi %bitcast_convert_type3A_294, %add3A_296 : vector<16x1024xi32>
    %shift_right_logical3A_298 = arith.constant 13 : i32
    %shift_right_logical3A_299 = vector.broadcast %shift_right_logical3A_298 : i32 to vector<16x1024xi32>
    %shift_right_logical3A_300 = arith.shrui %add3A_297, %shift_right_logical3A_299 : vector<16x1024xi32>
    %and3A_301 = arith.constant 32767 : i32
    %and3A_302 = vector.broadcast %and3A_301 : i32 to vector<16x1024xi32>
    %and3A_303 = arith.andi %shift_right_logical3A_300, %and3A_302 : vector<16x1024xi32>
    %shift_right_logical3A_304 = arith.constant 16 : i32
    %shift_right_logical3A_305 = vector.broadcast %shift_right_logical3A_304 : i32 to vector<16x1024xi32>
    %shift_right_logical3A_306 = arith.shrui %bitcast_convert_type3A_294, %shift_right_logical3A_305 : vector<16x1024xi32>
    %and3A_307 = arith.constant 32768 : i32
    %and3A_308 = vector.broadcast %and3A_307 : i32 to vector<16x1024xi32>
    %and3A_309 = arith.andi %shift_right_logical3A_306, %and3A_308 : vector<16x1024xi32>
    %or3A_310 = arith.ori %and3A_309, %and3A_303 : vector<16x1024xi32>
    %convert_element_type3A_311 = arith.trunci %or3A_310 : vector<16x1024xi32> to vector<16x1024xi16>
    %swap3A_312 = tpu.memref_bitcast %arg6 : memref<640x1024xf16, #tpu.memory_space<vmem>> -> memref<640x1024xi16, #tpu.memory_space<vmem>>
    %swap3A_313 = arith.constant 64 : index
    %swap3A_314 = arith.constant 0 : index
    %swap3A_315 = vector.load %swap3A_312[%swap3A_313, %swap3A_314] : memref<640x1024xi16, #tpu.memory_space<vmem>>, vector<16x1024xi16>
    tpu.vector_store %swap3A_312[%swap3A_313, %swap3A_314], %convert_element_type3A_311 {strides = array<i32>} : memref<640x1024xi16, #tpu.memory_space<vmem>>, vector<16x1024xi16>,
    %get3A_316 = arith.constant 80 : index
    %get3A_317 = arith.constant 0 : index
    %get3A_318 = vector.load %arg3[%get3A_316, %get3A_317] : memref<640x1024xf32, #tpu.memory_space<vmem>>, vector<16x1024xf32>
    %get3A_319 = arith.constant 5 : index
    %get3A_320 = arith.constant 0 : index
    %get3A_321 = vector.load %arg1[%get3A_319, %get3A_320] : memref<40x1024xf32, #tpu.memory_space<vmem>>, vector<1x1024xf32>
    %add3A_322 = vector.broadcast %get3A_321 : vector<1x1024xf32> to vector<16x1024xf32>
    %add3A_323 = arith.addf %get3A_318, %add3A_322 : vector<16x1024xf32>
    %mul3A_324 = arith.constant 1.925930e-34 : f32
    %mul3A_325 = vector.broadcast %mul3A_324 : f32 to vector<16x1024xf32>
    %mul3A_326 = arith.mulf %add3A_323, %mul3A_325 : vector<16x1024xf32>
    %bitcast_convert_type3A_327 = tpu.bitcast %mul3A_326 : vector<16x1024xf32> -> vector<16x1024xi32>
    %add3A_328 = arith.constant 4096 : i32
    %add3A_329 = vector.broadcast %add3A_328 : i32 to vector<16x1024xi32>
    %add3A_330 = arith.addi %bitcast_convert_type3A_327, %add3A_329 : vector<16x1024xi32>
    %shift_right_logical3A_331 = arith.constant 13 : i32
    %shift_right_logical3A_332 = vector.broadcast %shift_right_logical3A_331 : i32 to vector<16x1024xi32>
    %shift_right_logical3A_333 = arith.shrui %add3A_330, %shift_right_logical3A_332 : vector<16x1024xi32>
    %and3A_334 = arith.constant 32767 : i32
    %and3A_335 = vector.broadcast %and3A_334 : i32 to vector<16x1024xi32>
    %and3A_336 = arith.andi %shift_right_logical3A_333, %and3A_335 : vector<16x1024xi32>
    %shift_right_logical3A_337 = arith.constant 16 : i32
    %shift_right_logical3A_338 = vector.broadcast %shift_right_logical3A_337 : i32 to vector<16x1024xi32>
    %shift_right_logical3A_339 = arith.shrui %bitcast_convert_type3A_327, %shift_right_logical3A_338 : vector<16x1024xi32>
    %and3A_340 = arith.constant 32768 : i32
    %and3A_341 = vector.broadcast %and3A_340 : i32 to vector<16x1024xi32>
    %and3A_342 = arith.andi %shift_right_logical3A_339, %and3A_341 : vector<16x1024xi32>
    %or3A_343 = arith.ori %and3A_342, %and3A_336 : vector<16x1024xi32>
    %convert_element_type3A_344 = arith.trunci %or3A_343 : vector<16x1024xi32> to vector<16x1024xi16>
    %swap3A_345 = tpu.memref_bitcast %arg6 : memref<640x1024xf16, #tpu.memory_space<vmem>> -> memref<640x1024xi16, #tpu.memory_space<vmem>>
    %swap3A_346 = arith.constant 80 : index
    %swap3A_347 = arith.constant 0 : index
    %swap3A_348 = vector.load %swap3A_345[%swap3A_346, %swap3A_347] : memref<640x1024xi16, #tpu.memory_space<vmem>>, vector<16x1024xi16>
    tpu.vector_store %swap3A_345[%swap3A_346, %swap3A_347], %convert_element_type3A_344 {strides = array<i32>} : memref<640x1024xi16, #tpu.memory_space<vmem>>, vector<16x1024xi16>,
    %get3A_349 = arith.constant 96 : index
    %get3A_350 = arith.constant 0 : index
    %get3A_351 = vector.load %arg3[%get3A_349, %get3A_350] : memref<640x1024xf32, #tpu.memory_space<vmem>>, vector<16x1024xf32>
    %get3A_352 = arith.constant 6 : index
    %get3A_353 = arith.constant 0 : index
    %get3A_354 = vector.load %arg1[%get3A_352, %get3A_353] : memref<40x1024xf32, #tpu.memory_space<vmem>>, vector<1x1024xf32>
    %add3A_355 = vector.broadcast %get3A_354 : vector<1x1024xf32> to vector<16x1024xf32>
    %add3A_356 = arith.addf %get3A_351, %add3A_355 : vector<16x1024xf32>
    %mul3A_357 = arith.constant 1.925930e-34 : f32
    %mul3A_358 = vector.broadcast %mul3A_357 : f32 to vector<16x1024xf32>
    %mul3A_359 = arith.mulf %add3A_356, %mul3A_358 : vector<16x1024xf32>
    %bitcast_convert_type3A_360 = tpu.bitcast %mul3A_359 : vector<16x1024xf32> -> vector<16x1024xi32>
    %add3A_361 = arith.constant 4096 : i32
    %add3A_362 = vector.broadcast %add3A_361 : i32 to vector<16x1024xi32>
    %add3A_363 = arith.addi %bitcast_convert_type3A_360, %add3A_362 : vector<16x1024xi32>
    %shift_right_logical3A_364 = arith.constant 13 : i32
    %shift_right_logical3A_365 = vector.broadcast %shift_right_logical3A_364 : i32 to vector<16x1024xi32>
    %shift_right_logical3A_366 = arith.shrui %add3A_363, %shift_right_logical3A_365 : vector<16x1024xi32>
    %and3A_367 = arith.constant 32767 : i32
    %and3A_368 = vector.broadcast %and3A_367 : i32 to vector<16x1024xi32>
    %and3A_369 = arith.andi %shift_right_logical3A_366, %and3A_368 : vector<16x1024xi32>
    %shift_right_logical3A_370 = arith.constant 16 : i32
    %shift_right_logical3A_371 = vector.broadcast %shift_right_logical3A_370 : i32 to vector<16x1024xi32>
    %shift_right_logical3A_372 = arith.shrui %bitcast_convert_type3A_360, %shift_right_logical3A_371 : vector<16x1024xi32>
    %and3A_373 = arith.constant 32768 : i32
    %and3A_374 = vector.broadcast %and3A_373 : i32 to vector<16x1024xi32>
    %and3A_375 = arith.andi %shift_right_logical3A_372, %and3A_374 : vector<16x1024xi32>
    %or3A_376 = arith.ori %and3A_375, %and3A_369 : vector<16x1024xi32>
    %convert_element_type3A_377 = arith.trunci %or3A_376 : vector<16x1024xi32> to vector<16x1024xi16>
    %swap3A_378 = tpu.memref_bitcast %arg6 : memref<640x1024xf16, #tpu.memory_space<vmem>> -> memref<640x1024xi16, #tpu.memory_space<vmem>>
    %swap3A_379 = arith.constant 96 : index
    %swap3A_380 = arith.constant 0 : index
    %swap3A_381 = vector.load %swap3A_378[%swap3A_379, %swap3A_380] : memref<640x1024xi16, #tpu.memory_space<vmem>>, vector<16x1024xi16>
    tpu.vector_store %swap3A_378[%swap3A_379, %swap3A_380], %convert_element_type3A_377 {strides = array<i32>} : memref<640x1024xi16, #tpu.memory_space<vmem>>, vector<16x1024xi16>,
    %get3A_382 = arith.constant 112 : index
    %get3A_383 = arith.constant 0 : index
    %get3A_384 = vector.load %arg3[%get3A_382, %get3A_383] : memref<640x1024xf32, #tpu.memory_space<vmem>>, vector<16x1024xf32>
    %get3A_385 = arith.constant 7 : index
    %get3A_386 = arith.constant 0 : index
    %get3A_387 = vector.load %arg1[%get3A_385, %get3A_386] : memref<40x1024xf32, #tpu.memory_space<vmem>>, vector<1x1024xf32>
    %add3A_388 = vector.broadcast %get3A_387 : vector<1x1024xf32> to vector<16x1024xf32>
    %add3A_389 = arith.addf %get3A_384, %add3A_388 : vector<16x1024xf32>
    %mul3A_390 = arith.constant 1.925930e-34 : f32
    %mul3A_391 = vector.broadcast %mul3A_390 : f32 to vector<16x1024xf32>
    %mul3A_392 = arith.mulf %add3A_389, %mul3A_391 : vector<16x1024xf32>
    %bitcast_convert_type3A_393 = tpu.bitcast %mul3A_392 : vector<16x1024xf32> -> vector<16x1024xi32>
    %add3A_394 = arith.constant 4096 : i32
    %add3A_395 = vector.broadcast %add3A_394 : i32 to vector<16x1024xi32>
    %add3A_396 = arith.addi %bitcast_convert_type3A_393, %add3A_395 : vector<16x1024xi32>
    %shift_right_logical3A_397 = arith.constant 13 : i32
    %shift_right_logical3A_398 = vector.broadcast %shift_right_logical3A_397 : i32 to vector<16x1024xi32>
    %shift_right_logical3A_399 = arith.shrui %add3A_396, %shift_right_logical3A_398 : vector<16x1024xi32>
    %and3A_400 = arith.constant 32767 : i32
    %and3A_401 = vector.broadcast %and3A_400 : i32 to vector<16x1024xi32>
    %and3A_402 = arith.andi %shift_right_logical3A_399, %and3A_401 : vector<16x1024xi32>
    %shift_right_logical3A_403 = arith.constant 16 : i32
    %shift_right_logical3A_404 = vector.broadcast %shift_right_logical3A_403 : i32 to vector<16x1024xi32>
    %shift_right_logical3A_405 = arith.shrui %bitcast_convert_type3A_393, %shift_right_logical3A_404 : vector<16x1024xi32>
    %and3A_406 = arith.constant 32768 : i32
    %and3A_407 = vector.broadcast %and3A_406 : i32 to vector<16x1024xi32>
    %and3A_408 = arith.andi %shift_right_logical3A_405, %and3A_407 : vector<16x1024xi32>
    %or3A_409 = arith.ori %and3A_408, %and3A_402 : vector<16x1024xi32>
    %convert_element_type3A_410 = arith.trunci %or3A_409 : vector<16x1024xi32> to vector<16x1024xi16>
    %swap3A_411 = tpu.memref_bitcast %arg6 : memref<640x1024xf16, #tpu.memory_space<vmem>> -> memref<640x1024xi16, #tpu.memory_space<vmem>>
    %swap3A_412 = arith.constant 112 : index
    %swap3A_413 = arith.constant 0 : index
    %swap3A_414 = vector.load %swap3A_411[%swap3A_412, %swap3A_413] : memref<640x1024xi16, #tpu.memory_space<vmem>>, vector<16x1024xi16>
    tpu.vector_store %swap3A_411[%swap3A_412, %swap3A_413], %convert_element_type3A_410 {strides = array<i32>} : memref<640x1024xi16, #tpu.memory_space<vmem>>, vector<16x1024xi16>,
    %get3A_415 = arith.constant 128 : index
    %get3A_416 = arith.constant 0 : index
    %get3A_417 = vector.load %arg3[%get3A_415, %get3A_416] : memref<640x1024xf32, #tpu.memory_space<vmem>>, vector<16x1024xf32>
    %get3A_418 = arith.constant 8 : index
    %get3A_419 = arith.constant 0 : index
    %get3A_420 = vector.load %arg1[%get3A_418, %get3A_419] : memref<40x1024xf32, #tpu.memory_space<vmem>>, vector<1x1024xf32>
    %add3A_421 = vector.broadcast %get3A_420 : vector<1x1024xf32> to vector<16x1024xf32>
    %add3A_422 = arith.addf %get3A_417, %add3A_421 : vector<16x1024xf32>
    %mul3A_423 = arith.constant 1.925930e-34 : f32
    %mul3A_424 = vector.broadcast %mul3A_423 : f32 to vector<16x1024xf32>
    %mul3A_425 = arith.mulf %add3A_422, %mul3A_424 : vector<16x1024xf32>
    %bitcast_convert_type3A_426 = tpu.bitcast %mul3A_425 : vector<16x1024xf32> -> vector<16x1024xi32>
    %add3A_427 = arith.constant 4096 : i32
    %add3A_428 = vector.broadcast %add3A_427 : i32 to vector<16x1024xi32>
    %add3A_429 = arith.addi %bitcast_convert_type3A_426, %add3A_428 : vector<16x1024xi32>
    %shift_right_logical3A_430 = arith.constant 13 : i32
    %shift_right_logical3A_431 = vector.broadcast %shift_right_logical3A_430 : i32 to vector<16x1024xi32>
    %shift_right_logical3A_432 = arith.shrui %add3A_429, %shift_right_logical3A_431 : vector<16x1024xi32>
    %and3A_433 = arith.constant 32767 : i32
    %and3A_434 = vector.broadcast %and3A_433 : i32 to vector<16x1024xi32>
    %and3A_435 = arith.andi %shift_right_logical3A_432, %and3A_434 : vector<16x1024xi32>
    %shift_right_logical3A_436 = arith.constant 16 : i32
    %shift_right_logical3A_437 = vector.broadcast %shift_right_logical3A_436 : i32 to vector<16x1024xi32>
    %shift_right_logical3A_438 = arith.shrui %bitcast_convert_type3A_426, %shift_right_logical3A_437 : vector<16x1024xi32>
    %and3A_439 = arith.constant 32768 : i32
    %and3A_440 = vector.broadcast %and3A_439 : i32 to vector<16x1024xi32>
    %and3A_441 = arith.andi %shift_right_logical3A_438, %and3A_440 : vector<16x1024xi32>
    %or3A_442 = arith.ori %and3A_441, %and3A_435 : vector<16x1024xi32>
    %convert_element_type3A_443 = arith.trunci %or3A_442 : vector<16x1024xi32> to vector<16x1024xi16>
    %swap3A_444 = tpu.memref_bitcast %arg6 : memref<640x1024xf16, #tpu.memory_space<vmem>> -> memref<640x1024xi16, #tpu.memory_space<vmem>>
    %swap3A_445 = arith.constant 128 : index
    %swap3A_446 = arith.constant 0 : index
    %swap3A_447 = vector.load %swap3A_444[%swap3A_445, %swap3A_446] : memref<640x1024xi16, #tpu.memory_space<vmem>>, vector<16x1024xi16>
    tpu.vector_store %swap3A_444[%swap3A_445, %swap3A_446], %convert_element_type3A_443 {strides = array<i32>} : memref<640x1024xi16, #tpu.memory_space<vmem>>, vector<16x1024xi16>,
    %get3A_448 = arith.constant 144 : index
    %get3A_449 = arith.constant 0 : index
    %get3A_450 = vector.load %arg3[%get3A_448, %get3A_449] : memref<640x1024xf32, #tpu.memory_space<vmem>>, vector<16x1024xf32>
    %get3A_451 = arith.constant 9 : index
    %get3A_452 = arith.constant 0 : index
    %get3A_453 = vector.load %arg1[%get3A_451, %get3A_452] : memref<40x1024xf32, #tpu.memory_space<vmem>>, vector<1x1024xf32>
    %add3A_454 = vector.broadcast %get3A_453 : vector<1x1024xf32> to vector<16x1024xf32>
    %add3A_455 = arith.addf %get3A_450, %add3A_454 : vector<16x1024xf32>
    %mul3A_456 = arith.constant 1.925930e-34 : f32
    %mul3A_457 = vector.broadcast %mul3A_456 : f32 to vector<16x1024xf32>
    %mul3A_458 = arith.mulf %add3A_455, %mul3A_457 : vector<16x1024xf32>
    %bitcast_convert_type3A_459 = tpu.bitcast %mul3A_458 : vector<16x1024xf32> -> vector<16x1024xi32>
    %add3A_460 = arith.constant 4096 : i32
    %add3A_461 = vector.broadcast %add3A_460 : i32 to vector<16x1024xi32>
    %add3A_462 = arith.addi %bitcast_convert_type3A_459, %add3A_461 : vector<16x1024xi32>
    %shift_right_logical3A_463 = arith.constant 13 : i32
    %shift_right_logical3A_464 = vector.broadcast %shift_right_logical3A_463 : i32 to vector<16x1024xi32>
    %shift_right_logical3A_465 = arith.shrui %add3A_462, %shift_right_logical3A_464 : vector<16x1024xi32>
    %and3A_466 = arith.constant 32767 : i32
    %and3A_467 = vector.broadcast %and3A_466 : i32 to vector<16x1024xi32>
    %and3A_468 = arith.andi %shift_right_logical3A_465, %and3A_467 : vector<16x1024xi32>
    %shift_right_logical3A_469 = arith.constant 16 : i32
    %shift_right_logical3A_470 = vector.broadcast %shift_right_logical3A_469 : i32 to vector<16x1024xi32>
    %shift_right_logical3A_471 = arith.shrui %bitcast_convert_type3A_459, %shift_right_logical3A_470 : vector<16x1024xi32>
    %and3A_472 = arith.constant 32768 : i32
    %and3A_473 = vector.broadcast %and3A_472 : i32 to vector<16x1024xi32>
    %and3A_474 = arith.andi %shift_right_logical3A_471, %and3A_473 : vector<16x1024xi32>
    %or3A_475 = arith.ori %and3A_474, %and3A_468 : vector<16x1024xi32>
    %convert_element_type3A_476 = arith.trunci %or3A_475 : vector<16x1024xi32> to vector<16x1024xi16>
    %swap3A_477 = tpu.memref_bitcast %arg6 : memref<640x1024xf16, #tpu.memory_space<vmem>> -> memref<640x1024xi16, #tpu.memory_space<vmem>>
    %swap3A_478 = arith.constant 144 : index
    %swap3A_479 = arith.constant 0 : index
    %swap3A_480 = vector.load %swap3A_477[%swap3A_478, %swap3A_479] : memref<640x1024xi16, #tpu.memory_space<vmem>>, vector<16x1024xi16>
    tpu.vector_store %swap3A_477[%swap3A_478, %swap3A_479], %convert_element_type3A_476 {strides = array<i32>} : memref<640x1024xi16, #tpu.memory_space<vmem>>, vector<16x1024xi16>,
    %get3A_481 = arith.constant 160 : index
    %get3A_482 = arith.constant 0 : index
    %get3A_483 = vector.load %arg3[%get3A_481, %get3A_482] : memref<640x1024xf32, #tpu.memory_space<vmem>>, vector<16x1024xf32>
    %get3A_484 = arith.constant 10 : index
    %get3A_485 = arith.constant 0 : index
    %get3A_486 = vector.load %arg1[%get3A_484, %get3A_485] : memref<40x1024xf32, #tpu.memory_space<vmem>>, vector<1x1024xf32>
    %add3A_487 = vector.broadcast %get3A_486 : vector<1x1024xf32> to vector<16x1024xf32>
    %add3A_488 = arith.addf %get3A_483, %add3A_487 : vector<16x1024xf32>
    %mul3A_489 = arith.constant 1.925930e-34 : f32
    %mul3A_490 = vector.broadcast %mul3A_489 : f32 to vector<16x1024xf32>
    %mul3A_491 = arith.mulf %add3A_488, %mul3A_490 : vector<16x1024xf32>
    %bitcast_convert_type3A_492 = tpu.bitcast %mul3A_491 : vector<16x1024xf32> -> vector<16x1024xi32>
    %add3A_493 = arith.constant 4096 : i32
    %add3A_494 = vector.broadcast %add3A_493 : i32 to vector<16x1024xi32>
    %add3A_495 = arith.addi %bitcast_convert_type3A_492, %add3A_494 : vector<16x1024xi32>
    %shift_right_logical3A_496 = arith.constant 13 : i32
    %shift_right_logical3A_497 = vector.broadcast %shift_right_logical3A_496 : i32 to vector<16x1024xi32>
    %shift_right_logical3A_498 = arith.shrui %add3A_495, %shift_right_logical3A_497 : vector<16x1024xi32>
    %and3A_499 = arith.constant 32767 : i32
    %and3A_500 = vector.broadcast %and3A_499 : i32 to vector<16x1024xi32>
    %and3A_501 = arith.andi %shift_right_logical3A_498, %and3A_500 : vector<16x1024xi32>
    %shift_right_logical3A_502 = arith.constant 16 : i32
    %shift_right_logical3A_503 = vector.broadcast %shift_right_logical3A_502 : i32 to vector<16x1024xi32>
    %shift_right_logical3A_504 = arith.shrui %bitcast_convert_type3A_492, %shift_right_logical3A_503 : vector<16x1024xi32>
    %and3A_505 = arith.constant 32768 : i32
    %and3A_506 = vector.broadcast %and3A_505 : i32 to vector<16x1024xi32>
    %and3A_507 = arith.andi %shift_right_logical3A_504, %and3A_506 : vector<16x1024xi32>
    %or3A_508 = arith.ori %and3A_507, %and3A_501 : vector<16x1024xi32>
    %convert_element_type3A_509 = arith.trunci %or3A_508 : vector<16x1024xi32> to vector<16x1024xi16>
    %swap3A_510 = tpu.memref_bitcast %arg6 : memref<640x1024xf16, #tpu.memory_space<vmem>> -> memref<640x1024xi16, #tpu.memory_space<vmem>>
    %swap3A_511 = arith.constant 160 : index
    %swap3A_512 = arith.constant 0 : index
    %swap3A_513 = vector.load %swap3A_510[%swap3A_511, %swap3A_512] : memref<640x1024xi16, #tpu.memory_space<vmem>>, vector<16x1024xi16>
    tpu.vector_store %swap3A_510[%swap3A_511, %swap3A_512], %convert_element_type3A_509 {strides = array<i32>} : memref<640x1024xi16, #tpu.memory_space<vmem>>, vector<16x1024xi16>,
    %get3A_514 = arith.constant 176 : index
    %get3A_515 = arith.constant 0 : index
    %get3A_516 = vector.load %arg3[%get3A_514, %get3A_515] : memref<640x1024xf32, #tpu.memory_space<vmem>>, vector<16x1024xf32>
    %get3A_517 = arith.constant 11 : index
    %get3A_518 = arith.constant 0 : index
    %get3A_519 = vector.load %arg1[%get3A_517, %get3A_518] : memref<40x1024xf32, #tpu.memory_space<vmem>>, vector<1x1024xf32>
    %add3A_520 = vector.broadcast %get3A_519 : vector<1x1024xf32> to vector<16x1024xf32>
    %add3A_521 = arith.addf %get3A_516, %add3A_520 : vector<16x1024xf32>
    %mul3A_522 = arith.constant 1.925930e-34 : f32
    %mul3A_523 = vector.broadcast %mul3A_522 : f32 to vector<16x1024xf32>
    %mul3A_524 = arith.mulf %add3A_521, %mul3A_523 : vector<16x1024xf32>
    %bitcast_convert_type3A_525 = tpu.bitcast %mul3A_524 : vector<16x1024xf32> -> vector<16x1024xi32>
    %add3A_526 = arith.constant 4096 : i32
    %add3A_527 = vector.broadcast %add3A_526 : i32 to vector<16x1024xi32>
    %add3A_528 = arith.addi %bitcast_convert_type3A_525, %add3A_527 : vector<16x1024xi32>
    %shift_right_logical3A_529 = arith.constant 13 : i32
    %shift_right_logical3A_530 = vector.broadcast %shift_right_logical3A_529 : i32 to vector<16x1024xi32>
    %shift_right_logical3A_531 = arith.shrui %add3A_528, %shift_right_logical3A_530 : vector<16x1024xi32>
    %and3A_532 = arith.constant 32767 : i32
    %and3A_533 = vector.broadcast %and3A_532 : i32 to vector<16x1024xi32>
    %and3A_534 = arith.andi %shift_right_logical3A_531, %and3A_533 : vector<16x1024xi32>
    %shift_right_logical3A_535 = arith.constant 16 : i32
    %shift_right_logical3A_536 = vector.broadcast %shift_right_logical3A_535 : i32 to vector<16x1024xi32>
    %shift_right_logical3A_537 = arith.shrui %bitcast_convert_type3A_525, %shift_right_logical3A_536 : vector<16x1024xi32>
    %and3A_538 = arith.constant 32768 : i32
    %and3A_539 = vector.broadcast %and3A_538 : i32 to vector<16x1024xi32>
    %and3A_540 = arith.andi %shift_right_logical3A_537, %and3A_539 : vector<16x1024xi32>
    %or3A_541 = arith.ori %and3A_540, %and3A_534 : vector<16x1024xi32>
    %convert_element_type3A_542 = arith.trunci %or3A_541 : vector<16x1024xi32> to vector<16x1024xi16>
    %swap3A_543 = tpu.memref_bitcast %arg6 : memref<640x1024xf16, #tpu.memory_space<vmem>> -> memref<640x1024xi16, #tpu.memory_space<vmem>>
    %swap3A_544 = arith.constant 176 : index
    %swap3A_545 = arith.constant 0 : index
    %swap3A_546 = vector.load %swap3A_543[%swap3A_544, %swap3A_545] : memref<640x1024xi16, #tpu.memory_space<vmem>>, vector<16x1024xi16>
    tpu.vector_store %swap3A_543[%swap3A_544, %swap3A_545], %convert_element_type3A_542 {strides = array<i32>} : memref<640x1024xi16, #tpu.memory_space<vmem>>, vector<16x1024xi16>,
    %get3A_547 = arith.constant 192 : index
    %get3A_548 = arith.constant 0 : index
    %get3A_549 = vector.load %arg3[%get3A_547, %get3A_548] : memref<640x1024xf32, #tpu.memory_space<vmem>>, vector<16x1024xf32>
    %get3A_550 = arith.constant 12 : index
    %get3A_551 = arith.constant 0 : index
    %get3A_552 = vector.load %arg1[%get3A_550, %get3A_551] : memref<40x1024xf32, #tpu.memory_space<vmem>>, vector<1x1024xf32>
    %add3A_553 = vector.broadcast %get3A_552 : vector<1x1024xf32> to vector<16x1024xf32>
    %add3A_554 = arith.addf %get3A_549, %add3A_553 : vector<16x1024xf32>
    %mul3A_555 = arith.constant 1.925930e-34 : f32
    %mul3A_556 = vector.broadcast %mul3A_555 : f32 to vector<16x1024xf32>
    %mul3A_557 = arith.mulf %add3A_554, %mul3A_556 : vector<16x1024xf32>
    %bitcast_convert_type3A_558 = tpu.bitcast %mul3A_557 : vector<16x1024xf32> -> vector<16x1024xi32>
    %add3A_559 = arith.constant 4096 : i32
    %add3A_560 = vector.broadcast %add3A_559 : i32 to vector<16x1024xi32>
    %add3A_561 = arith.addi %bitcast_convert_type3A_558, %add3A_560 : vector<16x1024xi32>
    %shift_right_logical3A_562 = arith.constant 13 : i32
    %shift_right_logical3A_563 = vector.broadcast %shift_right_logical3A_562 : i32 to vector<16x1024xi32>
    %shift_right_logical3A_564 = arith.shrui %add3A_561, %shift_right_logical3A_563 : vector<16x1024xi32>
    %and3A_565 = arith.constant 32767 : i32
    %and3A_566 = vector.broadcast %and3A_565 : i32 to vector<16x1024xi32>
    %and3A_567 = arith.andi %shift_right_logical3A_564, %and3A_566 : vector<16x1024xi32>
    %shift_right_logical3A_568 = arith.constant 16 : i32
    %shift_right_logical3A_569 = vector.broadcast %shift_right_logical3A_568 : i32 to vector<16x1024xi32>
    %shift_right_logical3A_570 = arith.shrui %bitcast_convert_type3A_558, %shift_right_logical3A_569 : vector<16x1024xi32>
    %and3A_571 = arith.constant 32768 : i32
    %and3A_572 = vector.broadcast %and3A_571 : i32 to vector<16x1024xi32>
    %and3A_573 = arith.andi %shift_right_logical3A_570, %and3A_572 : vector<16x1024xi32>
    %or3A_574 = arith.ori %and3A_573, %and3A_567 : vector<16x1024xi32>
    %convert_element_type3A_575 = arith.trunci %or3A_574 : vector<16x1024xi32> to vector<16x1024xi16>
    %swap3A_576 = tpu.memref_bitcast %arg6 : memref<640x1024xf16, #tpu.memory_space<vmem>> -> memref<640x1024xi16, #tpu.memory_space<vmem>>
    %swap3A_577 = arith.constant 192 : index
    %swap3A_578 = arith.constant 0 : index
    %swap3A_579 = vector.load %swap3A_576[%swap3A_577, %swap3A_578] : memref<640x1024xi16, #tpu.memory_space<vmem>>, vector<16x1024xi16>
    tpu.vector_store %swap3A_576[%swap3A_577, %swap3A_578], %convert_element_type3A_575 {strides = array<i32>} : memref<640x1024xi16, #tpu.memory_space<vmem>>, vector<16x1024xi16>,
    %get3A_580 = arith.constant 208 : index
    %get3A_581 = arith.constant 0 : index
    %get3A_582 = vector.load %arg3[%get3A_580, %get3A_581] : memref<640x1024xf32, #tpu.memory_space<vmem>>, vector<16x1024xf32>
    %get3A_583 = arith.constant 13 : index
    %get3A_584 = arith.constant 0 : index
    %get3A_585 = vector.load %arg1[%get3A_583, %get3A_584] : memref<40x1024xf32, #tpu.memory_space<vmem>>, vector<1x1024xf32>
    %add3A_586 = vector.broadcast %get3A_585 : vector<1x1024xf32> to vector<16x1024xf32>
    %add3A_587 = arith.addf %get3A_582, %add3A_586 : vector<16x1024xf32>
    %mul3A_588 = arith.constant 1.925930e-34 : f32
    %mul3A_589 = vector.broadcast %mul3A_588 : f32 to vector<16x1024xf32>
    %mul3A_590 = arith.mulf %add3A_587, %mul3A_589 : vector<16x1024xf32>
    %bitcast_convert_type3A_591 = tpu.bitcast %mul3A_590 : vector<16x1024xf32> -> vector<16x1024xi32>
    %add3A_592 = arith.constant 4096 : i32
    %add3A_593 = vector.broadcast %add3A_592 : i32 to vector<16x1024xi32>
    %add3A_594 = arith.addi %bitcast_convert_type3A_591, %add3A_593 : vector<16x1024xi32>
    %shift_right_logical3A_595 = arith.constant 13 : i32
    %shift_right_logical3A_596 = vector.broadcast %shift_right_logical3A_595 : i32 to vector<16x1024xi32>
    %shift_right_logical3A_597 = arith.shrui %add3A_594, %shift_right_logical3A_596 : vector<16x1024xi32>
    %and3A_598 = arith.constant 32767 : i32
    %and3A_599 = vector.broadcast %and3A_598 : i32 to vector<16x1024xi32>
    %and3A_600 = arith.andi %shift_right_logical3A_597, %and3A_599 : vector<16x1024xi32>
    %shift_right_logical3A_601 = arith.constant 16 : i32
    %shift_right_logical3A_602 = vector.broadcast %shift_right_logical3A_601 : i32 to vector<16x1024xi32>
    %shift_right_logical3A_603 = arith.shrui %bitcast_convert_type3A_591, %shift_right_logical3A_602 : vector<16x1024xi32>
    %and3A_604 = arith.constant 32768 : i32
    %and3A_605 = vector.broadcast %and3A_604 : i32 to vector<16x1024xi32>
    %and3A_606 = arith.andi %shift_right_logical3A_603, %and3A_605 : vector<16x1024xi32>
    %or3A_607 = arith.ori %and3A_606, %and3A_600 : vector<16x1024xi32>
    %convert_element_type3A_608 = arith.trunci %or3A_607 : vector<16x1024xi32> to vector<16x1024xi16>
    %swap3A_609 = tpu.memref_bitcast %arg6 : memref<640x1024xf16, #tpu.memory_space<vmem>> -> memref<640x1024xi16, #tpu.memory_space<vmem>>
    %swap3A_610 = arith.constant 208 : index
    %swap3A_611 = arith.constant 0 : index
    %swap3A_612 = vector.load %swap3A_609[%swap3A_610, %swap3A_611] : memref<640x1024xi16, #tpu.memory_space<vmem>>, vector<16x1024xi16>
    tpu.vector_store %swap3A_609[%swap3A_610, %swap3A_611], %convert_element_type3A_608 {strides = array<i32>} : memref<640x1024xi16, #tpu.memory_space<vmem>>, vector<16x1024xi16>,
    %get3A_613 = arith.constant 224 : index
    %get3A_614 = arith.constant 0 : index
    %get3A_615 = vector.load %arg3[%get3A_613, %get3A_614] : memref<640x1024xf32, #tpu.memory_space<vmem>>, vector<16x1024xf32>
    %get3A_616 = arith.constant 14 : index
    %get3A_617 = arith.constant 0 : index
    %get3A_618 = vector.load %arg1[%get3A_616, %get3A_617] : memref<40x1024xf32, #tpu.memory_space<vmem>>, vector<1x1024xf32>
    %add3A_619 = vector.broadcast %get3A_618 : vector<1x1024xf32> to vector<16x1024xf32>
    %add3A_620 = arith.addf %get3A_615, %add3A_619 : vector<16x1024xf32>
    %mul3A_621 = arith.constant 1.925930e-34 : f32
    %mul3A_622 = vector.broadcast %mul3A_621 : f32 to vector<16x1024xf32>
    %mul3A_623 = arith.mulf %add3A_620, %mul3A_622 : vector<16x1024xf32>
    %bitcast_convert_type3A_624 = tpu.bitcast %mul3A_623 : vector<16x1024xf32> -> vector<16x1024xi32>
    %add3A_625 = arith.constant 4096 : i32
    %add3A_626 = vector.broadcast %add3A_625 : i32 to vector<16x1024xi32>
    %add3A_627 = arith.addi %bitcast_convert_type3A_624, %add3A_626 : vector<16x1024xi32>
    %shift_right_logical3A_628 = arith.constant 13 : i32
    %shift_right_logical3A_629 = vector.broadcast %shift_right_logical3A_628 : i32 to vector<16x1024xi32>
    %shift_right_logical3A_630 = arith.shrui %add3A_627, %shift_right_logical3A_629 : vector<16x1024xi32>
    %and3A_631 = arith.constant 32767 : i32
    %and3A_632 = vector.broadcast %and3A_631 : i32 to vector<16x1024xi32>
    %and3A_633 = arith.andi %shift_right_logical3A_630, %and3A_632 : vector<16x1024xi32>
    %shift_right_logical3A_634 = arith.constant 16 : i32
    %shift_right_logical3A_635 = vector.broadcast %shift_right_logical3A_634 : i32 to vector<16x1024xi32>
    %shift_right_logical3A_636 = arith.shrui %bitcast_convert_type3A_624, %shift_right_logical3A_635 : vector<16x1024xi32>
    %and3A_637 = arith.constant 32768 : i32
    %and3A_638 = vector.broadcast %and3A_637 : i32 to vector<16x1024xi32>
    %and3A_639 = arith.andi %shift_right_logical3A_636, %and3A_638 : vector<16x1024xi32>
    %or3A_640 = arith.ori %and3A_639, %and3A_633 : vector<16x1024xi32>
    %convert_element_type3A_641 = arith.trunci %or3A_640 : vector<16x1024xi32> to vector<16x1024xi16>
    %swap3A_642 = tpu.memref_bitcast %arg6 : memref<640x1024xf16, #tpu.memory_space<vmem>> -> memref<640x1024xi16, #tpu.memory_space<vmem>>
    %swap3A_643 = arith.constant 224 : index
    %swap3A_644 = arith.constant 0 : index
    %swap3A_645 = vector.load %swap3A_642[%swap3A_643, %swap3A_644] : memref<640x1024xi16, #tpu.memory_space<vmem>>, vector<16x1024xi16>
    tpu.vector_store %swap3A_642[%swap3A_643, %swap3A_644], %convert_element_type3A_641 {strides = array<i32>} : memref<640x1024xi16, #tpu.memory_space<vmem>>, vector<16x1024xi16>,
    %get3A_646 = arith.constant 240 : index
    %get3A_647 = arith.constant 0 : index
    %get3A_648 = vector.load %arg3[%get3A_646, %get3A_647] : memref<640x1024xf32, #tpu.memory_space<vmem>>, vector<16x1024xf32>
    %get3A_649 = arith.constant 15 : index
    %get3A_650 = arith.constant 0 : index
    %get3A_651 = vector.load %arg1[%get3A_649, %get3A_650] : memref<40x1024xf32, #tpu.memory_space<vmem>>, vector<1x1024xf32>
    %add3A_652 = vector.broadcast %get3A_651 : vector<1x1024xf32> to vector<16x1024xf32>
    %add3A_653 = arith.addf %get3A_648, %add3A_652 : vector<16x1024xf32>
    %mul3A_654 = arith.constant 1.925930e-34 : f32
    %mul3A_655 = vector.broadcast %mul3A_654 : f32 to vector<16x1024xf32>
    %mul3A_656 = arith.mulf %add3A_653, %mul3A_655 : vector<16x1024xf32>
    %bitcast_convert_type3A_657 = tpu.bitcast %mul3A_656 : vector<16x1024xf32> -> vector<16x1024xi32>
    %add3A_658 = arith.constant 4096 : i32
    %add3A_659 = vector.broadcast %add3A_658 : i32 to vector<16x1024xi32>
    %add3A_660 = arith.addi %bitcast_convert_type3A_657, %add3A_659 : vector<16x1024xi32>
    %shift_right_logical3A_661 = arith.constant 13 : i32
    %shift_right_logical3A_662 = vector.broadcast %shift_right_logical3A_661 : i32 to vector<16x1024xi32>
    %shift_right_logical3A_663 = arith.shrui %add3A_660, %shift_right_logical3A_662 : vector<16x1024xi32>
    %and3A_664 = arith.constant 32767 : i32
    %and3A_665 = vector.broadcast %and3A_664 : i32 to vector<16x1024xi32>
    %and3A_666 = arith.andi %shift_right_logical3A_663, %and3A_665 : vector<16x1024xi32>
    %shift_right_logical3A_667 = arith.constant 16 : i32
    %shift_right_logical3A_668 = vector.broadcast %shift_right_logical3A_667 : i32 to vector<16x1024xi32>
    %shift_right_logical3A_669 = arith.shrui %bitcast_convert_type3A_657, %shift_right_logical3A_668 : vector<16x1024xi32>
    %and3A_670 = arith.constant 32768 : i32
    %and3A_671 = vector.broadcast %and3A_670 : i32 to vector<16x1024xi32>
    %and3A_672 = arith.andi %shift_right_logical3A_669, %and3A_671 : vector<16x1024xi32>
    %or3A_673 = arith.ori %and3A_672, %and3A_666 : vector<16x1024xi32>
    %convert_element_type3A_674 = arith.trunci %or3A_673 : vector<16x1024xi32> to vector<16x1024xi16>
    %swap3A_675 = tpu.memref_bitcast %arg6 : memref<640x1024xf16, #tpu.memory_space<vmem>> -> memref<640x1024xi16, #tpu.memory_space<vmem>>
    %swap3A_676 = arith.constant 240 : index
    %swap3A_677 = arith.constant 0 : index
    %swap3A_678 = vector.load %swap3A_675[%swap3A_676, %swap3A_677] : memref<640x1024xi16, #tpu.memory_space<vmem>>, vector<16x1024xi16>
    tpu.vector_store %swap3A_675[%swap3A_676, %swap3A_677], %convert_element_type3A_674 {strides = array<i32>} : memref<640x1024xi16, #tpu.memory_space<vmem>>, vector<16x1024xi16>,
    %get3A_679 = arith.constant 256 : index
    %get3A_680 = arith.constant 0 : index
    %get3A_681 = vector.load %arg3[%get3A_679, %get3A_680] : memref<640x1024xf32, #tpu.memory_space<vmem>>, vector<16x1024xf32>
    %get3A_682 = arith.constant 16 : index
    %get3A_683 = arith.constant 0 : index
    %get3A_684 = vector.load %arg1[%get3A_682, %get3A_683] : memref<40x1024xf32, #tpu.memory_space<vmem>>, vector<1x1024xf32>
    %add3A_685 = vector.broadcast %get3A_684 : vector<1x1024xf32> to vector<16x1024xf32>
    %add3A_686 = arith.addf %get3A_681, %add3A_685 : vector<16x1024xf32>
    %mul3A_687 = arith.constant 1.925930e-34 : f32
    %mul3A_688 = vector.broadcast %mul3A_687 : f32 to vector<16x1024xf32>
    %mul3A_689 = arith.mulf %add3A_686, %mul3A_688 : vector<16x1024xf32>
    %bitcast_convert_type3A_690 = tpu.bitcast %mul3A_689 : vector<16x1024xf32> -> vector<16x1024xi32>
    %add3A_691 = arith.constant 4096 : i32
    %add3A_692 = vector.broadcast %add3A_691 : i32 to vector<16x1024xi32>
    %add3A_693 = arith.addi %bitcast_convert_type3A_690, %add3A_692 : vector<16x1024xi32>
    %shift_right_logical3A_694 = arith.constant 13 : i32
    %shift_right_logical3A_695 = vector.broadcast %shift_right_logical3A_694 : i32 to vector<16x1024xi32>
    %shift_right_logical3A_696 = arith.shrui %add3A_693, %shift_right_logical3A_695 : vector<16x1024xi32>
    %and3A_697 = arith.constant 32767 : i32
    %and3A_698 = vector.broadcast %and3A_697 : i32 to vector<16x1024xi32>
    %and3A_699 = arith.andi %shift_right_logical3A_696, %and3A_698 : vector<16x1024xi32>
    %shift_right_logical3A_700 = arith.constant 16 : i32
    %shift_right_logical3A_701 = vector.broadcast %shift_right_logical3A_700 : i32 to vector<16x1024xi32>
    %shift_right_logical3A_702 = arith.shrui %bitcast_convert_type3A_690, %shift_right_logical3A_701 : vector<16x1024xi32>
    %and3A_703 = arith.constant 32768 : i32
    %and3A_704 = vector.broadcast %and3A_703 : i32 to vector<16x1024xi32>
    %and3A_705 = arith.andi %shift_right_logical3A_702, %and3A_704 : vector<16x1024xi32>
    %or3A_706 = arith.ori %and3A_705, %and3A_699 : vector<16x1024xi32>
    %convert_element_type3A_707 = arith.trunci %or3A_706 : vector<16x1024xi32> to vector<16x1024xi16>
    %swap3A_708 = tpu.memref_bitcast %arg6 : memref<640x1024xf16, #tpu.memory_space<vmem>> -> memref<640x1024xi16, #tpu.memory_space<vmem>>
    %swap3A_709 = arith.constant 256 : index
    %swap3A_710 = arith.constant 0 : index
    %swap3A_711 = vector.load %swap3A_708[%swap3A_709, %swap3A_710] : memref<640x1024xi16, #tpu.memory_space<vmem>>, vector<16x1024xi16>
    tpu.vector_store %swap3A_708[%swap3A_709, %swap3A_710], %convert_element_type3A_707 {strides = array<i32>} : memref<640x1024xi16, #tpu.memory_space<vmem>>, vector<16x1024xi16>,
    %get3A_712 = arith.constant 272 : index
    %get3A_713 = arith.constant 0 : index
    %get3A_714 = vector.load %arg3[%get3A_712, %get3A_713] : memref<640x1024xf32, #tpu.memory_space<vmem>>, vector<16x1024xf32>
    %get3A_715 = arith.constant 17 : index
    %get3A_716 = arith.constant 0 : index
    %get3A_717 = vector.load %arg1[%get3A_715, %get3A_716] : memref<40x1024xf32, #tpu.memory_space<vmem>>, vector<1x1024xf32>
    %add3A_718 = vector.broadcast %get3A_717 : vector<1x1024xf32> to vector<16x1024xf32>
    %add3A_719 = arith.addf %get3A_714, %add3A_718 : vector<16x1024xf32>
    %mul3A_720 = arith.constant 1.925930e-34 : f32
    %mul3A_721 = vector.broadcast %mul3A_720 : f32 to vector<16x1024xf32>
    %mul3A_722 = arith.mulf %add3A_719, %mul3A_721 : vector<16x1024xf32>
    %bitcast_convert_type3A_723 = tpu.bitcast %mul3A_722 : vector<16x1024xf32> -> vector<16x1024xi32>
    %add3A_724 = arith.constant 4096 : i32
    %add3A_725 = vector.broadcast %add3A_724 : i32 to vector<16x1024xi32>
    %add3A_726 = arith.addi %bitcast_convert_type3A_723, %add3A_725 : vector<16x1024xi32>
    %shift_right_logical3A_727 = arith.constant 13 : i32
    %shift_right_logical3A_728 = vector.broadcast %shift_right_logical3A_727 : i32 to vector<16x1024xi32>
    %shift_right_logical3A_729 = arith.shrui %add3A_726, %shift_right_logical3A_728 : vector<16x1024xi32>
    %and3A_730 = arith.constant 32767 : i32
    %and3A_731 = vector.broadcast %and3A_730 : i32 to vector<16x1024xi32>
    %and3A_732 = arith.andi %shift_right_logical3A_729, %and3A_731 : vector<16x1024xi32>
    %shift_right_logical3A_733 = arith.constant 16 : i32
    %shift_right_logical3A_734 = vector.broadcast %shift_right_logical3A_733 : i32 to vector<16x1024xi32>
    %shift_right_logical3A_735 = arith.shrui %bitcast_convert_type3A_723, %shift_right_logical3A_734 : vector<16x1024xi32>
    %and3A_736 = arith.constant 32768 : i32
    %and3A_737 = vector.broadcast %and3A_736 : i32 to vector<16x1024xi32>
    %and3A_738 = arith.andi %shift_right_logical3A_735, %and3A_737 : vector<16x1024xi32>
    %or3A_739 = arith.ori %and3A_738, %and3A_732 : vector<16x1024xi32>
    %convert_element_type3A_740 = arith.trunci %or3A_739 : vector<16x1024xi32> to vector<16x1024xi16>
    %swap3A_741 = tpu.memref_bitcast %arg6 : memref<640x1024xf16, #tpu.memory_space<vmem>> -> memref<640x1024xi16, #tpu.memory_space<vmem>>
    %swap3A_742 = arith.constant 272 : index
    %swap3A_743 = arith.constant 0 : index
    %swap3A_744 = vector.load %swap3A_741[%swap3A_742, %swap3A_743] : memref<640x1024xi16, #tpu.memory_space<vmem>>, vector<16x1024xi16>
    tpu.vector_store %swap3A_741[%swap3A_742, %swap3A_743], %convert_element_type3A_740 {strides = array<i32>} : memref<640x1024xi16, #tpu.memory_space<vmem>>, vector<16x1024xi16>,
    %get3A_745 = arith.constant 288 : index
    %get3A_746 = arith.constant 0 : index
    %get3A_747 = vector.load %arg3[%get3A_745, %get3A_746] : memref<640x1024xf32, #tpu.memory_space<vmem>>, vector<16x1024xf32>
    %get3A_748 = arith.constant 18 : index
    %get3A_749 = arith.constant 0 : index
    %get3A_750 = vector.load %arg1[%get3A_748, %get3A_749] : memref<40x1024xf32, #tpu.memory_space<vmem>>, vector<1x1024xf32>
    %add3A_751 = vector.broadcast %get3A_750 : vector<1x1024xf32> to vector<16x1024xf32>
    %add3A_752 = arith.addf %get3A_747, %add3A_751 : vector<16x1024xf32>
    %mul3A_753 = arith.constant 1.925930e-34 : f32
    %mul3A_754 = vector.broadcast %mul3A_753 : f32 to vector<16x1024xf32>
    %mul3A_755 = arith.mulf %add3A_752, %mul3A_754 : vector<16x1024xf32>
    %bitcast_convert_type3A_756 = tpu.bitcast %mul3A_755 : vector<16x1024xf32> -> vector<16x1024xi32>
    %add3A_757 = arith.constant 4096 : i32
    %add3A_758 = vector.broadcast %add3A_757 : i32 to vector<16x1024xi32>
    %add3A_759 = arith.addi %bitcast_convert_type3A_756, %add3A_758 : vector<16x1024xi32>
    %shift_right_logical3A_760 = arith.constant 13 : i32
    %shift_right_logical3A_761 = vector.broadcast %shift_right_logical3A_760 : i32 to vector<16x1024xi32>
    %shift_right_logical3A_762 = arith.shrui %add3A_759, %shift_right_logical3A_761 : vector<16x1024xi32>
    %and3A_763 = arith.constant 32767 : i32
    %and3A_764 = vector.broadcast %and3A_763 : i32 to vector<16x1024xi32>
    %and3A_765 = arith.andi %shift_right_logical3A_762, %and3A_764 : vector<16x1024xi32>
    %shift_right_logical3A_766 = arith.constant 16 : i32
    %shift_right_logical3A_767 = vector.broadcast %shift_right_logical3A_766 : i32 to vector<16x1024xi32>
    %shift_right_logical3A_768 = arith.shrui %bitcast_convert_type3A_756, %shift_right_logical3A_767 : vector<16x1024xi32>
    %and3A_769 = arith.constant 32768 : i32
    %and3A_770 = vector.broadcast %and3A_769 : i32 to vector<16x1024xi32>
    %and3A_771 = arith.andi %shift_right_logical3A_768, %and3A_770 : vector<16x1024xi32>
    %or3A_772 = arith.ori %and3A_771, %and3A_765 : vector<16x1024xi32>
    %convert_element_type3A_773 = arith.trunci %or3A_772 : vector<16x1024xi32> to vector<16x1024xi16>
    %swap3A_774 = tpu.memref_bitcast %arg6 : memref<640x1024xf16, #tpu.memory_space<vmem>> -> memref<640x1024xi16, #tpu.memory_space<vmem>>
    %swap3A_775 = arith.constant 288 : index
    %swap3A_776 = arith.constant 0 : index
    %swap3A_777 = vector.load %swap3A_774[%swap3A_775, %swap3A_776] : memref<640x1024xi16, #tpu.memory_space<vmem>>, vector<16x1024xi16>
    tpu.vector_store %swap3A_774[%swap3A_775, %swap3A_776], %convert_element_type3A_773 {strides = array<i32>} : memref<640x1024xi16, #tpu.memory_space<vmem>>, vector<16x1024xi16>,
    %get3A_778 = arith.constant 304 : index
    %get3A_779 = arith.constant 0 : index
    %get3A_780 = vector.load %arg3[%get3A_778, %get3A_779] : memref<640x1024xf32, #tpu.memory_space<vmem>>, vector<16x1024xf32>
    %get3A_781 = arith.constant 19 : index
    %get3A_782 = arith.constant 0 : index
    %get3A_783 = vector.load %arg1[%get3A_781, %get3A_782] : memref<40x1024xf32, #tpu.memory_space<vmem>>, vector<1x1024xf32>
    %add3A_784 = vector.broadcast %get3A_783 : vector<1x1024xf32> to vector<16x1024xf32>
    %add3A_785 = arith.addf %get3A_780, %add3A_784 : vector<16x1024xf32>
    %mul3A_786 = arith.constant 1.925930e-34 : f32
    %mul3A_787 = vector.broadcast %mul3A_786 : f32 to vector<16x1024xf32>
    %mul3A_788 = arith.mulf %add3A_785, %mul3A_787 : vector<16x1024xf32>
    %bitcast_convert_type3A_789 = tpu.bitcast %mul3A_788 : vector<16x1024xf32> -> vector<16x1024xi32>
    %add3A_790 = arith.constant 4096 : i32
    %add3A_791 = vector.broadcast %add3A_790 : i32 to vector<16x1024xi32>
    %add3A_792 = arith.addi %bitcast_convert_type3A_789, %add3A_791 : vector<16x1024xi32>
    %shift_right_logical3A_793 = arith.constant 13 : i32
    %shift_right_logical3A_794 = vector.broadcast %shift_right_logical3A_793 : i32 to vector<16x1024xi32>
    %shift_right_logical3A_795 = arith.shrui %add3A_792, %shift_right_logical3A_794 : vector<16x1024xi32>
    %and3A_796 = arith.constant 32767 : i32
    %and3A_797 = vector.broadcast %and3A_796 : i32 to vector<16x1024xi32>
    %and3A_798 = arith.andi %shift_right_logical3A_795, %and3A_797 : vector<16x1024xi32>
    %shift_right_logical3A_799 = arith.constant 16 : i32
    %shift_right_logical3A_800 = vector.broadcast %shift_right_logical3A_799 : i32 to vector<16x1024xi32>
    %shift_right_logical3A_801 = arith.shrui %bitcast_convert_type3A_789, %shift_right_logical3A_800 : vector<16x1024xi32>
    %and3A_802 = arith.constant 32768 : i32
    %and3A_803 = vector.broadcast %and3A_802 : i32 to vector<16x1024xi32>
    %and3A_804 = arith.andi %shift_right_logical3A_801, %and3A_803 : vector<16x1024xi32>
    %or3A_805 = arith.ori %and3A_804, %and3A_798 : vector<16x1024xi32>
    %convert_element_type3A_806 = arith.trunci %or3A_805 : vector<16x1024xi32> to vector<16x1024xi16>
    %swap3A_807 = tpu.memref_bitcast %arg6 : memref<640x1024xf16, #tpu.memory_space<vmem>> -> memref<640x1024xi16, #tpu.memory_space<vmem>>
    %swap3A_808 = arith.constant 304 : index
    %swap3A_809 = arith.constant 0 : index
    %swap3A_810 = vector.load %swap3A_807[%swap3A_808, %swap3A_809] : memref<640x1024xi16, #tpu.memory_space<vmem>>, vector<16x1024xi16>
    tpu.vector_store %swap3A_807[%swap3A_808, %swap3A_809], %convert_element_type3A_806 {strides = array<i32>} : memref<640x1024xi16, #tpu.memory_space<vmem>>, vector<16x1024xi16>,
    %get3A_811 = arith.constant 320 : index
    %get3A_812 = arith.constant 0 : index
    %get3A_813 = vector.load %arg3[%get3A_811, %get3A_812] : memref<640x1024xf32, #tpu.memory_space<vmem>>, vector<16x1024xf32>
    %get3A_814 = arith.constant 20 : index
    %get3A_815 = arith.constant 0 : index
    %get3A_816 = vector.load %arg1[%get3A_814, %get3A_815] : memref<40x1024xf32, #tpu.memory_space<vmem>>, vector<1x1024xf32>
    %add3A_817 = vector.broadcast %get3A_816 : vector<1x1024xf32> to vector<16x1024xf32>
    %add3A_818 = arith.addf %get3A_813, %add3A_817 : vector<16x1024xf32>
    %mul3A_819 = arith.constant 1.925930e-34 : f32
    %mul3A_820 = vector.broadcast %mul3A_819 : f32 to vector<16x1024xf32>
    %mul3A_821 = arith.mulf %add3A_818, %mul3A_820 : vector<16x1024xf32>
    %bitcast_convert_type3A_822 = tpu.bitcast %mul3A_821 : vector<16x1024xf32> -> vector<16x1024xi32>
    %add3A_823 = arith.constant 4096 : i32
    %add3A_824 = vector.broadcast %add3A_823 : i32 to vector<16x1024xi32>
    %add3A_825 = arith.addi %bitcast_convert_type3A_822, %add3A_824 : vector<16x1024xi32>
    %shift_right_logical3A_826 = arith.constant 13 : i32
    %shift_right_logical3A_827 = vector.broadcast %shift_right_logical3A_826 : i32 to vector<16x1024xi32>
    %shift_right_logical3A_828 = arith.shrui %add3A_825, %shift_right_logical3A_827 : vector<16x1024xi32>
    %and3A_829 = arith.constant 32767 : i32
    %and3A_830 = vector.broadcast %and3A_829 : i32 to vector<16x1024xi32>
    %and3A_831 = arith.andi %shift_right_logical3A_828, %and3A_830 : vector<16x1024xi32>
    %shift_right_logical3A_832 = arith.constant 16 : i32
    %shift_right_logical3A_833 = vector.broadcast %shift_right_logical3A_832 : i32 to vector<16x1024xi32>
    %shift_right_logical3A_834 = arith.shrui %bitcast_convert_type3A_822, %shift_right_logical3A_833 : vector<16x1024xi32>
    %and3A_835 = arith.constant 32768 : i32
    %and3A_836 = vector.broadcast %and3A_835 : i32 to vector<16x1024xi32>
    %and3A_837 = arith.andi %shift_right_logical3A_834, %and3A_836 : vector<16x1024xi32>
    %or3A_838 = arith.ori %and3A_837, %and3A_831 : vector<16x1024xi32>
    %convert_element_type3A_839 = arith.trunci %or3A_838 : vector<16x1024xi32> to vector<16x1024xi16>
    %swap3A_840 = tpu.memref_bitcast %arg6 : memref<640x1024xf16, #tpu.memory_space<vmem>> -> memref<640x1024xi16, #tpu.memory_space<vmem>>
    %swap3A_841 = arith.constant 320 : index
    %swap3A_842 = arith.constant 0 : index
    %swap3A_843 = vector.load %swap3A_840[%swap3A_841, %swap3A_842] : memref<640x1024xi16, #tpu.memory_space<vmem>>, vector<16x1024xi16>
    tpu.vector_store %swap3A_840[%swap3A_841, %swap3A_842], %convert_element_type3A_839 {strides = array<i32>} : memref<640x1024xi16, #tpu.memory_space<vmem>>, vector<16x1024xi16>,
    %get3A_844 = arith.constant 336 : index
    %get3A_845 = arith.constant 0 : index
    %get3A_846 = vector.load %arg3[%get3A_844, %get3A_845] : memref<640x1024xf32, #tpu.memory_space<vmem>>, vector<16x1024xf32>
    %get3A_847 = arith.constant 21 : index
    %get3A_848 = arith.constant 0 : index
    %get3A_849 = vector.load %arg1[%get3A_847, %get3A_848] : memref<40x1024xf32, #tpu.memory_space<vmem>>, vector<1x1024xf32>
    %add3A_850 = vector.broadcast %get3A_849 : vector<1x1024xf32> to vector<16x1024xf32>
    %add3A_851 = arith.addf %get3A_846, %add3A_850 : vector<16x1024xf32>
    %mul3A_852 = arith.constant 1.925930e-34 : f32
    %mul3A_853 = vector.broadcast %mul3A_852 : f32 to vector<16x1024xf32>
    %mul3A_854 = arith.mulf %add3A_851, %mul3A_853 : vector<16x1024xf32>
    %bitcast_convert_type3A_855 = tpu.bitcast %mul3A_854 : vector<16x1024xf32> -> vector<16x1024xi32>
    %add3A_856 = arith.constant 4096 : i32
    %add3A_857 = vector.broadcast %add3A_856 : i32 to vector<16x1024xi32>
    %add3A_858 = arith.addi %bitcast_convert_type3A_855, %add3A_857 : vector<16x1024xi32>
    %shift_right_logical3A_859 = arith.constant 13 : i32
    %shift_right_logical3A_860 = vector.broadcast %shift_right_logical3A_859 : i32 to vector<16x1024xi32>
    %shift_right_logical3A_861 = arith.shrui %add3A_858, %shift_right_logical3A_860 : vector<16x1024xi32>
    %and3A_862 = arith.constant 32767 : i32
    %and3A_863 = vector.broadcast %and3A_862 : i32 to vector<16x1024xi32>
    %and3A_864 = arith.andi %shift_right_logical3A_861, %and3A_863 : vector<16x1024xi32>
    %shift_right_logical3A_865 = arith.constant 16 : i32
    %shift_right_logical3A_866 = vector.broadcast %shift_right_logical3A_865 : i32 to vector<16x1024xi32>
    %shift_right_logical3A_867 = arith.shrui %bitcast_convert_type3A_855, %shift_right_logical3A_866 : vector<16x1024xi32>
    %and3A_868 = arith.constant 32768 : i32
    %and3A_869 = vector.broadcast %and3A_868 : i32 to vector<16x1024xi32>
    %and3A_870 = arith.andi %shift_right_logical3A_867, %and3A_869 : vector<16x1024xi32>
    %or3A_871 = arith.ori %and3A_870, %and3A_864 : vector<16x1024xi32>
    %convert_element_type3A_872 = arith.trunci %or3A_871 : vector<16x1024xi32> to vector<16x1024xi16>
    %swap3A_873 = tpu.memref_bitcast %arg6 : memref<640x1024xf16, #tpu.memory_space<vmem>> -> memref<640x1024xi16, #tpu.memory_space<vmem>>
    %swap3A_874 = arith.constant 336 : index
    %swap3A_875 = arith.constant 0 : index
    %swap3A_876 = vector.load %swap3A_873[%swap3A_874, %swap3A_875] : memref<640x1024xi16, #tpu.memory_space<vmem>>, vector<16x1024xi16>
    tpu.vector_store %swap3A_873[%swap3A_874, %swap3A_875], %convert_element_type3A_872 {strides = array<i32>} : memref<640x1024xi16, #tpu.memory_space<vmem>>, vector<16x1024xi16>,
    %get3A_877 = arith.constant 352 : index
    %get3A_878 = arith.constant 0 : index
    %get3A_879 = vector.load %arg3[%get3A_877, %get3A_878] : memref<640x1024xf32, #tpu.memory_space<vmem>>, vector<16x1024xf32>
    %get3A_880 = arith.constant 22 : index
    %get3A_881 = arith.constant 0 : index
    %get3A_882 = vector.load %arg1[%get3A_880, %get3A_881] : memref<40x1024xf32, #tpu.memory_space<vmem>>, vector<1x1024xf32>
    %add3A_883 = vector.broadcast %get3A_882 : vector<1x1024xf32> to vector<16x1024xf32>
    %add3A_884 = arith.addf %get3A_879, %add3A_883 : vector<16x1024xf32>
    %mul3A_885 = arith.constant 1.925930e-34 : f32
    %mul3A_886 = vector.broadcast %mul3A_885 : f32 to vector<16x1024xf32>
    %mul3A_887 = arith.mulf %add3A_884, %mul3A_886 : vector<16x1024xf32>
    %bitcast_convert_type3A_888 = tpu.bitcast %mul3A_887 : vector<16x1024xf32> -> vector<16x1024xi32>
    %add3A_889 = arith.constant 4096 : i32
    %add3A_890 = vector.broadcast %add3A_889 : i32 to vector<16x1024xi32>
    %add3A_891 = arith.addi %bitcast_convert_type3A_888, %add3A_890 : vector<16x1024xi32>
    %shift_right_logical3A_892 = arith.constant 13 : i32
    %shift_right_logical3A_893 = vector.broadcast %shift_right_logical3A_892 : i32 to vector<16x1024xi32>
    %shift_right_logical3A_894 = arith.shrui %add3A_891, %shift_right_logical3A_893 : vector<16x1024xi32>
    %and3A_895 = arith.constant 32767 : i32
    %and3A_896 = vector.broadcast %and3A_895 : i32 to vector<16x1024xi32>
    %and3A_897 = arith.andi %shift_right_logical3A_894, %and3A_896 : vector<16x1024xi32>
    %shift_right_logical3A_898 = arith.constant 16 : i32
    %shift_right_logical3A_899 = vector.broadcast %shift_right_logical3A_898 : i32 to vector<16x1024xi32>
    %shift_right_logical3A_900 = arith.shrui %bitcast_convert_type3A_888, %shift_right_logical3A_899 : vector<16x1024xi32>
    %and3A_901 = arith.constant 32768 : i32
    %and3A_902 = vector.broadcast %and3A_901 : i32 to vector<16x1024xi32>
    %and3A_903 = arith.andi %shift_right_logical3A_900, %and3A_902 : vector<16x1024xi32>
    %or3A_904 = arith.ori %and3A_903, %and3A_897 : vector<16x1024xi32>
    %convert_element_type3A_905 = arith.trunci %or3A_904 : vector<16x1024xi32> to vector<16x1024xi16>
    %swap3A_906 = tpu.memref_bitcast %arg6 : memref<640x1024xf16, #tpu.memory_space<vmem>> -> memref<640x1024xi16, #tpu.memory_space<vmem>>
    %swap3A_907 = arith.constant 352 : index
    %swap3A_908 = arith.constant 0 : index
    %swap3A_909 = vector.load %swap3A_906[%swap3A_907, %swap3A_908] : memref<640x1024xi16, #tpu.memory_space<vmem>>, vector<16x1024xi16>
    tpu.vector_store %swap3A_906[%swap3A_907, %swap3A_908], %convert_element_type3A_905 {strides = array<i32>} : memref<640x1024xi16, #tpu.memory_space<vmem>>, vector<16x1024xi16>,
    %get3A_910 = arith.constant 368 : index
    %get3A_911 = arith.constant 0 : index
    %get3A_912 = vector.load %arg3[%get3A_910, %get3A_911] : memref<640x1024xf32, #tpu.memory_space<vmem>>, vector<16x1024xf32>
    %get3A_913 = arith.constant 23 : index
    %get3A_914 = arith.constant 0 : index
    %get3A_915 = vector.load %arg1[%get3A_913, %get3A_914] : memref<40x1024xf32, #tpu.memory_space<vmem>>, vector<1x1024xf32>
    %add3A_916 = vector.broadcast %get3A_915 : vector<1x1024xf32> to vector<16x1024xf32>
    %add3A_917 = arith.addf %get3A_912, %add3A_916 : vector<16x1024xf32>
    %mul3A_918 = arith.constant 1.925930e-34 : f32
    %mul3A_919 = vector.broadcast %mul3A_918 : f32 to vector<16x1024xf32>
    %mul3A_920 = arith.mulf %add3A_917, %mul3A_919 : vector<16x1024xf32>
    %bitcast_convert_type3A_921 = tpu.bitcast %mul3A_920 : vector<16x1024xf32> -> vector<16x1024xi32>
    %add3A_922 = arith.constant 4096 : i32
    %add3A_923 = vector.broadcast %add3A_922 : i32 to vector<16x1024xi32>
    %add3A_924 = arith.addi %bitcast_convert_type3A_921, %add3A_923 : vector<16x1024xi32>
    %shift_right_logical3A_925 = arith.constant 13 : i32
    %shift_right_logical3A_926 = vector.broadcast %shift_right_logical3A_925 : i32 to vector<16x1024xi32>
    %shift_right_logical3A_927 = arith.shrui %add3A_924, %shift_right_logical3A_926 : vector<16x1024xi32>
    %and3A_928 = arith.constant 32767 : i32
    %and3A_929 = vector.broadcast %and3A_928 : i32 to vector<16x1024xi32>
    %and3A_930 = arith.andi %shift_right_logical3A_927, %and3A_929 : vector<16x1024xi32>
    %shift_right_logical3A_931 = arith.constant 16 : i32
    %shift_right_logical3A_932 = vector.broadcast %shift_right_logical3A_931 : i32 to vector<16x1024xi32>
    %shift_right_logical3A_933 = arith.shrui %bitcast_convert_type3A_921, %shift_right_logical3A_932 : vector<16x1024xi32>
    %and3A_934 = arith.constant 32768 : i32
    %and3A_935 = vector.broadcast %and3A_934 : i32 to vector<16x1024xi32>
    %and3A_936 = arith.andi %shift_right_logical3A_933, %and3A_935 : vector<16x1024xi32>
    %or3A_937 = arith.ori %and3A_936, %and3A_930 : vector<16x1024xi32>
    %convert_element_type3A_938 = arith.trunci %or3A_937 : vector<16x1024xi32> to vector<16x1024xi16>
    %swap3A_939 = tpu.memref_bitcast %arg6 : memref<640x1024xf16, #tpu.memory_space<vmem>> -> memref<640x1024xi16, #tpu.memory_space<vmem>>
    %swap3A_940 = arith.constant 368 : index
    %swap3A_941 = arith.constant 0 : index
    %swap3A_942 = vector.load %swap3A_939[%swap3A_940, %swap3A_941] : memref<640x1024xi16, #tpu.memory_space<vmem>>, vector<16x1024xi16>
    tpu.vector_store %swap3A_939[%swap3A_940, %swap3A_941], %convert_element_type3A_938 {strides = array<i32>} : memref<640x1024xi16, #tpu.memory_space<vmem>>, vector<16x1024xi16>,
    %get3A_943 = arith.constant 384 : index
    %get3A_944 = arith.constant 0 : index
    %get3A_945 = vector.load %arg3[%get3A_943, %get3A_944] : memref<640x1024xf32, #tpu.memory_space<vmem>>, vector<16x1024xf32>
    %get3A_946 = arith.constant 24 : index
    %get3A_947 = arith.constant 0 : index
    %get3A_948 = vector.load %arg1[%get3A_946, %get3A_947] : memref<40x1024xf32, #tpu.memory_space<vmem>>, vector<1x1024xf32>
    %add3A_949 = vector.broadcast %get3A_948 : vector<1x1024xf32> to vector<16x1024xf32>
    %add3A_950 = arith.addf %get3A_945, %add3A_949 : vector<16x1024xf32>
    %mul3A_951 = arith.constant 1.925930e-34 : f32
    %mul3A_952 = vector.broadcast %mul3A_951 : f32 to vector<16x1024xf32>
    %mul3A_953 = arith.mulf %add3A_950, %mul3A_952 : vector<16x1024xf32>
    %bitcast_convert_type3A_954 = tpu.bitcast %mul3A_953 : vector<16x1024xf32> -> vector<16x1024xi32>
    %add3A_955 = arith.constant 4096 : i32
    %add3A_956 = vector.broadcast %add3A_955 : i32 to vector<16x1024xi32>
    %add3A_957 = arith.addi %bitcast_convert_type3A_954, %add3A_956 : vector<16x1024xi32>
    %shift_right_logical3A_958 = arith.constant 13 : i32
    %shift_right_logical3A_959 = vector.broadcast %shift_right_logical3A_958 : i32 to vector<16x1024xi32>
    %shift_right_logical3A_960 = arith.shrui %add3A_957, %shift_right_logical3A_959 : vector<16x1024xi32>
    %and3A_961 = arith.constant 32767 : i32
    %and3A_962 = vector.broadcast %and3A_961 : i32 to vector<16x1024xi32>
    %and3A_963 = arith.andi %shift_right_logical3A_960, %and3A_962 : vector<16x1024xi32>
    %shift_right_logical3A_964 = arith.constant 16 : i32
    %shift_right_logical3A_965 = vector.broadcast %shift_right_logical3A_964 : i32 to vector<16x1024xi32>
    %shift_right_logical3A_966 = arith.shrui %bitcast_convert_type3A_954, %shift_right_logical3A_965 : vector<16x1024xi32>
    %and3A_967 = arith.constant 32768 : i32
    %and3A_968 = vector.broadcast %and3A_967 : i32 to vector<16x1024xi32>
    %and3A_969 = arith.andi %shift_right_logical3A_966, %and3A_968 : vector<16x1024xi32>
    %or3A_970 = arith.ori %and3A_969, %and3A_963 : vector<16x1024xi32>
    %convert_element_type3A_971 = arith.trunci %or3A_970 : vector<16x1024xi32> to vector<16x1024xi16>
    %swap3A_972 = tpu.memref_bitcast %arg6 : memref<640x1024xf16, #tpu.memory_space<vmem>> -> memref<640x1024xi16, #tpu.memory_space<vmem>>
    %swap3A_973 = arith.constant 384 : index
    %swap3A_974 = arith.constant 0 : index
    %swap3A_975 = vector.load %swap3A_972[%swap3A_973, %swap3A_974] : memref<640x1024xi16, #tpu.memory_space<vmem>>, vector<16x1024xi16>
    tpu.vector_store %swap3A_972[%swap3A_973, %swap3A_974], %convert_element_type3A_971 {strides = array<i32>} : memref<640x1024xi16, #tpu.memory_space<vmem>>, vector<16x1024xi16>,
    %get3A_976 = arith.constant 400 : index
    %get3A_977 = arith.constant 0 : index
    %get3A_978 = vector.load %arg3[%get3A_976, %get3A_977] : memref<640x1024xf32, #tpu.memory_space<vmem>>, vector<16x1024xf32>
    %get3A_979 = arith.constant 25 : index
    %get3A_980 = arith.constant 0 : index
    %get3A_981 = vector.load %arg1[%get3A_979, %get3A_980] : memref<40x1024xf32, #tpu.memory_space<vmem>>, vector<1x1024xf32>
    %add3A_982 = vector.broadcast %get3A_981 : vector<1x1024xf32> to vector<16x1024xf32>
    %add3A_983 = arith.addf %get3A_978, %add3A_982 : vector<16x1024xf32>
    %mul3A_984 = arith.constant 1.925930e-34 : f32
    %mul3A_985 = vector.broadcast %mul3A_984 : f32 to vector<16x1024xf32>
    %mul3A_986 = arith.mulf %add3A_983, %mul3A_985 : vector<16x1024xf32>
    %bitcast_convert_type3A_987 = tpu.bitcast %mul3A_986 : vector<16x1024xf32> -> vector<16x1024xi32>
    %add3A_988 = arith.constant 4096 : i32
    %add3A_989 = vector.broadcast %add3A_988 : i32 to vector<16x1024xi32>
    %add3A_990 = arith.addi %bitcast_convert_type3A_987, %add3A_989 : vector<16x1024xi32>
    %shift_right_logical3A_991 = arith.constant 13 : i32
    %shift_right_logical3A_992 = vector.broadcast %shift_right_logical3A_991 : i32 to vector<16x1024xi32>
    %shift_right_logical3A_993 = arith.shrui %add3A_990, %shift_right_logical3A_992 : vector<16x1024xi32>
    %and3A_994 = arith.constant 32767 : i32
    %and3A_995 = vector.broadcast %and3A_994 : i32 to vector<16x1024xi32>
    %and3A_996 = arith.andi %shift_right_logical3A_993, %and3A_995 : vector<16x1024xi32>
    %shift_right_logical3A_997 = arith.constant 16 : i32
    %shift_right_logical3A_998 = vector.broadcast %shift_right_logical3A_997 : i32 to vector<16x1024xi32>
    %shift_right_logical3A_999 = arith.shrui %bitcast_convert_type3A_987, %shift_right_logical3A_998 : vector<16x1024xi32>
    %and3A_1000 = arith.constant 32768 : i32
    %and3A_1001 = vector.broadcast %and3A_1000 : i32 to vector<16x1024xi32>
    %and3A_1002 = arith.andi %shift_right_logical3A_999, %and3A_1001 : vector<16x1024xi32>
    %or3A_1003 = arith.ori %and3A_1002, %and3A_996 : vector<16x1024xi32>
    %convert_element_type3A_1004 = arith.trunci %or3A_1003 : vector<16x1024xi32> to vector<16x1024xi16>
    %swap3A_1005 = tpu.memref_bitcast %arg6 : memref<640x1024xf16, #tpu.memory_space<vmem>> -> memref<640x1024xi16, #tpu.memory_space<vmem>>
    %swap3A_1006 = arith.constant 400 : index
    %swap3A_1007 = arith.constant 0 : index
    %swap3A_1008 = vector.load %swap3A_1005[%swap3A_1006, %swap3A_1007] : memref<640x1024xi16, #tpu.memory_space<vmem>>, vector<16x1024xi16>
    tpu.vector_store %swap3A_1005[%swap3A_1006, %swap3A_1007], %convert_element_type3A_1004 {strides = array<i32>} : memref<640x1024xi16, #tpu.memory_space<vmem>>, vector<16x1024xi16>,
    %get3A_1009 = arith.constant 416 : index
    %get3A_1010 = arith.constant 0 : index
    %get3A_1011 = vector.load %arg3[%get3A_1009, %get3A_1010] : memref<640x1024xf32, #tpu.memory_space<vmem>>, vector<16x1024xf32>
    %get3A_1012 = arith.constant 26 : index
    %get3A_1013 = arith.constant 0 : index
    %get3A_1014 = vector.load %arg1[%get3A_1012, %get3A_1013] : memref<40x1024xf32, #tpu.memory_space<vmem>>, vector<1x1024xf32>
    %add3A_1015 = vector.broadcast %get3A_1014 : vector<1x1024xf32> to vector<16x1024xf32>
    %add3A_1016 = arith.addf %get3A_1011, %add3A_1015 : vector<16x1024xf32>
    %mul3A_1017 = arith.constant 1.925930e-34 : f32
    %mul3A_1018 = vector.broadcast %mul3A_1017 : f32 to vector<16x1024xf32>
    %mul3A_1019 = arith.mulf %add3A_1016, %mul3A_1018 : vector<16x1024xf32>
    %bitcast_convert_type3A_1020 = tpu.bitcast %mul3A_1019 : vector<16x1024xf32> -> vector<16x1024xi32>
    %add3A_1021 = arith.constant 4096 : i32
    %add3A_1022 = vector.broadcast %add3A_1021 : i32 to vector<16x1024xi32>
    %add3A_1023 = arith.addi %bitcast_convert_type3A_1020, %add3A_1022 : vector<16x1024xi32>
    %shift_right_logical3A_1024 = arith.constant 13 : i32
    %shift_right_logical3A_1025 = vector.broadcast %shift_right_logical3A_1024 : i32 to vector<16x1024xi32>
    %shift_right_logical3A_1026 = arith.shrui %add3A_1023, %shift_right_logical3A_1025 : vector<16x1024xi32>
    %and3A_1027 = arith.constant 32767 : i32
    %and3A_1028 = vector.broadcast %and3A_1027 : i32 to vector<16x1024xi32>
    %and3A_1029 = arith.andi %shift_right_logical3A_1026, %and3A_1028 : vector<16x1024xi32>
    %shift_right_logical3A_1030 = arith.constant 16 : i32
    %shift_right_logical3A_1031 = vector.broadcast %shift_right_logical3A_1030 : i32 to vector<16x1024xi32>
    %shift_right_logical3A_1032 = arith.shrui %bitcast_convert_type3A_1020, %shift_right_logical3A_1031 : vector<16x1024xi32>
    %and3A_1033 = arith.constant 32768 : i32
    %and3A_1034 = vector.broadcast %and3A_1033 : i32 to vector<16x1024xi32>
    %and3A_1035 = arith.andi %shift_right_logical3A_1032, %and3A_1034 : vector<16x1024xi32>
    %or3A_1036 = arith.ori %and3A_1035, %and3A_1029 : vector<16x1024xi32>
    %convert_element_type3A_1037 = arith.trunci %or3A_1036 : vector<16x1024xi32> to vector<16x1024xi16>
    %swap3A_1038 = tpu.memref_bitcast %arg6 : memref<640x1024xf16, #tpu.memory_space<vmem>> -> memref<640x1024xi16, #tpu.memory_space<vmem>>
    %swap3A_1039 = arith.constant 416 : index
    %swap3A_1040 = arith.constant 0 : index
    %swap3A_1041 = vector.load %swap3A_1038[%swap3A_1039, %swap3A_1040] : memref<640x1024xi16, #tpu.memory_space<vmem>>, vector<16x1024xi16>
    tpu.vector_store %swap3A_1038[%swap3A_1039, %swap3A_1040], %convert_element_type3A_1037 {strides = array<i32>} : memref<640x1024xi16, #tpu.memory_space<vmem>>, vector<16x1024xi16>,
    %get3A_1042 = arith.constant 432 : index
    %get3A_1043 = arith.constant 0 : index
    %get3A_1044 = vector.load %arg3[%get3A_1042, %get3A_1043] : memref<640x1024xf32, #tpu.memory_space<vmem>>, vector<16x1024xf32>
    %get3A_1045 = arith.constant 27 : index
    %get3A_1046 = arith.constant 0 : index
    %get3A_1047 = vector.load %arg1[%get3A_1045, %get3A_1046] : memref<40x1024xf32, #tpu.memory_space<vmem>>, vector<1x1024xf32>
    %add3A_1048 = vector.broadcast %get3A_1047 : vector<1x1024xf32> to vector<16x1024xf32>
    %add3A_1049 = arith.addf %get3A_1044, %add3A_1048 : vector<16x1024xf32>
    %mul3A_1050 = arith.constant 1.925930e-34 : f32
    %mul3A_1051 = vector.broadcast %mul3A_1050 : f32 to vector<16x1024xf32>
    %mul3A_1052 = arith.mulf %add3A_1049, %mul3A_1051 : vector<16x1024xf32>
    %bitcast_convert_type3A_1053 = tpu.bitcast %mul3A_1052 : vector<16x1024xf32> -> vector<16x1024xi32>
    %add3A_1054 = arith.constant 4096 : i32
    %add3A_1055 = vector.broadcast %add3A_1054 : i32 to vector<16x1024xi32>
    %add3A_1056 = arith.addi %bitcast_convert_type3A_1053, %add3A_1055 : vector<16x1024xi32>
    %shift_right_logical3A_1057 = arith.constant 13 : i32
    %shift_right_logical3A_1058 = vector.broadcast %shift_right_logical3A_1057 : i32 to vector<16x1024xi32>
    %shift_right_logical3A_1059 = arith.shrui %add3A_1056, %shift_right_logical3A_1058 : vector<16x1024xi32>
    %and3A_1060 = arith.constant 32767 : i32
    %and3A_1061 = vector.broadcast %and3A_1060 : i32 to vector<16x1024xi32>
    %and3A_1062 = arith.andi %shift_right_logical3A_1059, %and3A_1061 : vector<16x1024xi32>
    %shift_right_logical3A_1063 = arith.constant 16 : i32
    %shift_right_logical3A_1064 = vector.broadcast %shift_right_logical3A_1063 : i32 to vector<16x1024xi32>
    %shift_right_logical3A_1065 = arith.shrui %bitcast_convert_type3A_1053, %shift_right_logical3A_1064 : vector<16x1024xi32>
    %and3A_1066 = arith.constant 32768 : i32
    %and3A_1067 = vector.broadcast %and3A_1066 : i32 to vector<16x1024xi32>
    %and3A_1068 = arith.andi %shift_right_logical3A_1065, %and3A_1067 : vector<16x1024xi32>
    %or3A_1069 = arith.ori %and3A_1068, %and3A_1062 : vector<16x1024xi32>
    %convert_element_type3A_1070 = arith.trunci %or3A_1069 : vector<16x1024xi32> to vector<16x1024xi16>
    %swap3A_1071 = tpu.memref_bitcast %arg6 : memref<640x1024xf16, #tpu.memory_space<vmem>> -> memref<640x1024xi16, #tpu.memory_space<vmem>>
    %swap3A_1072 = arith.constant 432 : index
    %swap3A_1073 = arith.constant 0 : index
    %swap3A_1074 = vector.load %swap3A_1071[%swap3A_1072, %swap3A_1073] : memref<640x1024xi16, #tpu.memory_space<vmem>>, vector<16x1024xi16>
    tpu.vector_store %swap3A_1071[%swap3A_1072, %swap3A_1073], %convert_element_type3A_1070 {strides = array<i32>} : memref<640x1024xi16, #tpu.memory_space<vmem>>, vector<16x1024xi16>,
    %get3A_1075 = arith.constant 448 : index
    %get3A_1076 = arith.constant 0 : index
    %get3A_1077 = vector.load %arg3[%get3A_1075, %get3A_1076] : memref<640x1024xf32, #tpu.memory_space<vmem>>, vector<16x1024xf32>
    %get3A_1078 = arith.constant 28 : index
    %get3A_1079 = arith.constant 0 : index
    %get3A_1080 = vector.load %arg1[%get3A_1078, %get3A_1079] : memref<40x1024xf32, #tpu.memory_space<vmem>>, vector<1x1024xf32>
    %add3A_1081 = vector.broadcast %get3A_1080 : vector<1x1024xf32> to vector<16x1024xf32>
    %add3A_1082 = arith.addf %get3A_1077, %add3A_1081 : vector<16x1024xf32>
    %mul3A_1083 = arith.constant 1.925930e-34 : f32
    %mul3A_1084 = vector.broadcast %mul3A_1083 : f32 to vector<16x1024xf32>
    %mul3A_1085 = arith.mulf %add3A_1082, %mul3A_1084 : vector<16x1024xf32>
    %bitcast_convert_type3A_1086 = tpu.bitcast %mul3A_1085 : vector<16x1024xf32> -> vector<16x1024xi32>
    %add3A_1087 = arith.constant 4096 : i32
    %add3A_1088 = vector.broadcast %add3A_1087 : i32 to vector<16x1024xi32>
    %add3A_1089 = arith.addi %bitcast_convert_type3A_1086, %add3A_1088 : vector<16x1024xi32>
    %shift_right_logical3A_1090 = arith.constant 13 : i32
    %shift_right_logical3A_1091 = vector.broadcast %shift_right_logical3A_1090 : i32 to vector<16x1024xi32>
    %shift_right_logical3A_1092 = arith.shrui %add3A_1089, %shift_right_logical3A_1091 : vector<16x1024xi32>
    %and3A_1093 = arith.constant 32767 : i32
    %and3A_1094 = vector.broadcast %and3A_1093 : i32 to vector<16x1024xi32>
    %and3A_1095 = arith.andi %shift_right_logical3A_1092, %and3A_1094 : vector<16x1024xi32>
    %shift_right_logical3A_1096 = arith.constant 16 : i32
    %shift_right_logical3A_1097 = vector.broadcast %shift_right_logical3A_1096 : i32 to vector<16x1024xi32>
    %shift_right_logical3A_1098 = arith.shrui %bitcast_convert_type3A_1086, %shift_right_logical3A_1097 : vector<16x1024xi32>
    %and3A_1099 = arith.constant 32768 : i32
    %and3A_1100 = vector.broadcast %and3A_1099 : i32 to vector<16x1024xi32>
    %and3A_1101 = arith.andi %shift_right_logical3A_1098, %and3A_1100 : vector<16x1024xi32>
    %or3A_1102 = arith.ori %and3A_1101, %and3A_1095 : vector<16x1024xi32>
    %convert_element_type3A_1103 = arith.trunci %or3A_1102 : vector<16x1024xi32> to vector<16x1024xi16>
    %swap3A_1104 = tpu.memref_bitcast %arg6 : memref<640x1024xf16, #tpu.memory_space<vmem>> -> memref<640x1024xi16, #tpu.memory_space<vmem>>
    %swap3A_1105 = arith.constant 448 : index
    %swap3A_1106 = arith.constant 0 : index
    %swap3A_1107 = vector.load %swap3A_1104[%swap3A_1105, %swap3A_1106] : memref<640x1024xi16, #tpu.memory_space<vmem>>, vector<16x1024xi16>
    tpu.vector_store %swap3A_1104[%swap3A_1105, %swap3A_1106], %convert_element_type3A_1103 {strides = array<i32>} : memref<640x1024xi16, #tpu.memory_space<vmem>>, vector<16x1024xi16>,
    %get3A_1108 = arith.constant 464 : index
    %get3A_1109 = arith.constant 0 : index
    %get3A_1110 = vector.load %arg3[%get3A_1108, %get3A_1109] : memref<640x1024xf32, #tpu.memory_space<vmem>>, vector<16x1024xf32>
    %get3A_1111 = arith.constant 29 : index
    %get3A_1112 = arith.constant 0 : index
    %get3A_1113 = vector.load %arg1[%get3A_1111, %get3A_1112] : memref<40x1024xf32, #tpu.memory_space<vmem>>, vector<1x1024xf32>
    %add3A_1114 = vector.broadcast %get3A_1113 : vector<1x1024xf32> to vector<16x1024xf32>
    %add3A_1115 = arith.addf %get3A_1110, %add3A_1114 : vector<16x1024xf32>
    %mul3A_1116 = arith.constant 1.925930e-34 : f32
    %mul3A_1117 = vector.broadcast %mul3A_1116 : f32 to vector<16x1024xf32>
    %mul3A_1118 = arith.mulf %add3A_1115, %mul3A_1117 : vector<16x1024xf32>
    %bitcast_convert_type3A_1119 = tpu.bitcast %mul3A_1118 : vector<16x1024xf32> -> vector<16x1024xi32>
    %add3A_1120 = arith.constant 4096 : i32
    %add3A_1121 = vector.broadcast %add3A_1120 : i32 to vector<16x1024xi32>
    %add3A_1122 = arith.addi %bitcast_convert_type3A_1119, %add3A_1121 : vector<16x1024xi32>
    %shift_right_logical3A_1123 = arith.constant 13 : i32
    %shift_right_logical3A_1124 = vector.broadcast %shift_right_logical3A_1123 : i32 to vector<16x1024xi32>
    %shift_right_logical3A_1125 = arith.shrui %add3A_1122, %shift_right_logical3A_1124 : vector<16x1024xi32>
    %and3A_1126 = arith.constant 32767 : i32
    %and3A_1127 = vector.broadcast %and3A_1126 : i32 to vector<16x1024xi32>
    %and3A_1128 = arith.andi %shift_right_logical3A_1125, %and3A_1127 : vector<16x1024xi32>
    %shift_right_logical3A_1129 = arith.constant 16 : i32
    %shift_right_logical3A_1130 = vector.broadcast %shift_right_logical3A_1129 : i32 to vector<16x1024xi32>
    %shift_right_logical3A_1131 = arith.shrui %bitcast_convert_type3A_1119, %shift_right_logical3A_1130 : vector<16x1024xi32>
    %and3A_1132 = arith.constant 32768 : i32
    %and3A_1133 = vector.broadcast %and3A_1132 : i32 to vector<16x1024xi32>
    %and3A_1134 = arith.andi %shift_right_logical3A_1131, %and3A_1133 : vector<16x1024xi32>
    %or3A_1135 = arith.ori %and3A_1134, %and3A_1128 : vector<16x1024xi32>
    %convert_element_type3A_1136 = arith.trunci %or3A_1135 : vector<16x1024xi32> to vector<16x1024xi16>
    %swap3A_1137 = tpu.memref_bitcast %arg6 : memref<640x1024xf16, #tpu.memory_space<vmem>> -> memref<640x1024xi16, #tpu.memory_space<vmem>>
    %swap3A_1138 = arith.constant 464 : index
    %swap3A_1139 = arith.constant 0 : index
    %swap3A_1140 = vector.load %swap3A_1137[%swap3A_1138, %swap3A_1139] : memref<640x1024xi16, #tpu.memory_space<vmem>>, vector<16x1024xi16>
    tpu.vector_store %swap3A_1137[%swap3A_1138, %swap3A_1139], %convert_element_type3A_1136 {strides = array<i32>} : memref<640x1024xi16, #tpu.memory_space<vmem>>, vector<16x1024xi16>,
    %get3A_1141 = arith.constant 480 : index
    %get3A_1142 = arith.constant 0 : index
    %get3A_1143 = vector.load %arg3[%get3A_1141, %get3A_1142] : memref<640x1024xf32, #tpu.memory_space<vmem>>, vector<16x1024xf32>
    %get3A_1144 = arith.constant 30 : index
    %get3A_1145 = arith.constant 0 : index
    %get3A_1146 = vector.load %arg1[%get3A_1144, %get3A_1145] : memref<40x1024xf32, #tpu.memory_space<vmem>>, vector<1x1024xf32>
    %add3A_1147 = vector.broadcast %get3A_1146 : vector<1x1024xf32> to vector<16x1024xf32>
    %add3A_1148 = arith.addf %get3A_1143, %add3A_1147 : vector<16x1024xf32>
    %mul3A_1149 = arith.constant 1.925930e-34 : f32
    %mul3A_1150 = vector.broadcast %mul3A_1149 : f32 to vector<16x1024xf32>
    %mul3A_1151 = arith.mulf %add3A_1148, %mul3A_1150 : vector<16x1024xf32>
    %bitcast_convert_type3A_1152 = tpu.bitcast %mul3A_1151 : vector<16x1024xf32> -> vector<16x1024xi32>
    %add3A_1153 = arith.constant 4096 : i32
    %add3A_1154 = vector.broadcast %add3A_1153 : i32 to vector<16x1024xi32>
    %add3A_1155 = arith.addi %bitcast_convert_type3A_1152, %add3A_1154 : vector<16x1024xi32>
    %shift_right_logical3A_1156 = arith.constant 13 : i32
    %shift_right_logical3A_1157 = vector.broadcast %shift_right_logical3A_1156 : i32 to vector<16x1024xi32>
    %shift_right_logical3A_1158 = arith.shrui %add3A_1155, %shift_right_logical3A_1157 : vector<16x1024xi32>
    %and3A_1159 = arith.constant 32767 : i32
    %and3A_1160 = vector.broadcast %and3A_1159 : i32 to vector<16x1024xi32>
    %and3A_1161 = arith.andi %shift_right_logical3A_1158, %and3A_1160 : vector<16x1024xi32>
    %shift_right_logical3A_1162 = arith.constant 16 : i32
    %shift_right_logical3A_1163 = vector.broadcast %shift_right_logical3A_1162 : i32 to vector<16x1024xi32>
    %shift_right_logical3A_1164 = arith.shrui %bitcast_convert_type3A_1152, %shift_right_logical3A_1163 : vector<16x1024xi32>
    %and3A_1165 = arith.constant 32768 : i32
    %and3A_1166 = vector.broadcast %and3A_1165 : i32 to vector<16x1024xi32>
    %and3A_1167 = arith.andi %shift_right_logical3A_1164, %and3A_1166 : vector<16x1024xi32>
    %or3A_1168 = arith.ori %and3A_1167, %and3A_1161 : vector<16x1024xi32>
    %convert_element_type3A_1169 = arith.trunci %or3A_1168 : vector<16x1024xi32> to vector<16x1024xi16>
    %swap3A_1170 = tpu.memref_bitcast %arg6 : memref<640x1024xf16, #tpu.memory_space<vmem>> -> memref<640x1024xi16, #tpu.memory_space<vmem>>
    %swap3A_1171 = arith.constant 480 : index
    %swap3A_1172 = arith.constant 0 : index
    %swap3A_1173 = vector.load %swap3A_1170[%swap3A_1171, %swap3A_1172] : memref<640x1024xi16, #tpu.memory_space<vmem>>, vector<16x1024xi16>
    tpu.vector_store %swap3A_1170[%swap3A_1171, %swap3A_1172], %convert_element_type3A_1169 {strides = array<i32>} : memref<640x1024xi16, #tpu.memory_space<vmem>>, vector<16x1024xi16>,
    %get3A_1174 = arith.constant 496 : index
    %get3A_1175 = arith.constant 0 : index
    %get3A_1176 = vector.load %arg3[%get3A_1174, %get3A_1175] : memref<640x1024xf32, #tpu.memory_space<vmem>>, vector<16x1024xf32>
    %get3A_1177 = arith.constant 31 : index
    %get3A_1178 = arith.constant 0 : index
    %get3A_1179 = vector.load %arg1[%get3A_1177, %get3A_1178] : memref<40x1024xf32, #tpu.memory_space<vmem>>, vector<1x1024xf32>
    %add3A_1180 = vector.broadcast %get3A_1179 : vector<1x1024xf32> to vector<16x1024xf32>
    %add3A_1181 = arith.addf %get3A_1176, %add3A_1180 : vector<16x1024xf32>
    %mul3A_1182 = arith.constant 1.925930e-34 : f32
    %mul3A_1183 = vector.broadcast %mul3A_1182 : f32 to vector<16x1024xf32>
    %mul3A_1184 = arith.mulf %add3A_1181, %mul3A_1183 : vector<16x1024xf32>
    %bitcast_convert_type3A_1185 = tpu.bitcast %mul3A_1184 : vector<16x1024xf32> -> vector<16x1024xi32>
    %add3A_1186 = arith.constant 4096 : i32
    %add3A_1187 = vector.broadcast %add3A_1186 : i32 to vector<16x1024xi32>
    %add3A_1188 = arith.addi %bitcast_convert_type3A_1185, %add3A_1187 : vector<16x1024xi32>
    %shift_right_logical3A_1189 = arith.constant 13 : i32
    %shift_right_logical3A_1190 = vector.broadcast %shift_right_logical3A_1189 : i32 to vector<16x1024xi32>
    %shift_right_logical3A_1191 = arith.shrui %add3A_1188, %shift_right_logical3A_1190 : vector<16x1024xi32>
    %and3A_1192 = arith.constant 32767 : i32
    %and3A_1193 = vector.broadcast %and3A_1192 : i32 to vector<16x1024xi32>
    %and3A_1194 = arith.andi %shift_right_logical3A_1191, %and3A_1193 : vector<16x1024xi32>
    %shift_right_logical3A_1195 = arith.constant 16 : i32
    %shift_right_logical3A_1196 = vector.broadcast %shift_right_logical3A_1195 : i32 to vector<16x1024xi32>
    %shift_right_logical3A_1197 = arith.shrui %bitcast_convert_type3A_1185, %shift_right_logical3A_1196 : vector<16x1024xi32>
    %and3A_1198 = arith.constant 32768 : i32
    %and3A_1199 = vector.broadcast %and3A_1198 : i32 to vector<16x1024xi32>
    %and3A_1200 = arith.andi %shift_right_logical3A_1197, %and3A_1199 : vector<16x1024xi32>
    %or3A_1201 = arith.ori %and3A_1200, %and3A_1194 : vector<16x1024xi32>
    %convert_element_type3A_1202 = arith.trunci %or3A_1201 : vector<16x1024xi32> to vector<16x1024xi16>
    %swap3A_1203 = tpu.memref_bitcast %arg6 : memref<640x1024xf16, #tpu.memory_space<vmem>> -> memref<640x1024xi16, #tpu.memory_space<vmem>>
    %swap3A_1204 = arith.constant 496 : index
    %swap3A_1205 = arith.constant 0 : index
    %swap3A_1206 = vector.load %swap3A_1203[%swap3A_1204, %swap3A_1205] : memref<640x1024xi16, #tpu.memory_space<vmem>>, vector<16x1024xi16>
    tpu.vector_store %swap3A_1203[%swap3A_1204, %swap3A_1205], %convert_element_type3A_1202 {strides = array<i32>} : memref<640x1024xi16, #tpu.memory_space<vmem>>, vector<16x1024xi16>,
    %get3A_1207 = arith.constant 512 : index
    %get3A_1208 = arith.constant 0 : index
    %get3A_1209 = vector.load %arg3[%get3A_1207, %get3A_1208] : memref<640x1024xf32, #tpu.memory_space<vmem>>, vector<16x1024xf32>
    %get3A_1210 = arith.constant 32 : index
    %get3A_1211 = arith.constant 0 : index
    %get3A_1212 = vector.load %arg1[%get3A_1210, %get3A_1211] : memref<40x1024xf32, #tpu.memory_space<vmem>>, vector<1x1024xf32>
    %add3A_1213 = vector.broadcast %get3A_1212 : vector<1x1024xf32> to vector<16x1024xf32>
    %add3A_1214 = arith.addf %get3A_1209, %add3A_1213 : vector<16x1024xf32>
    %mul3A_1215 = arith.constant 1.925930e-34 : f32
    %mul3A_1216 = vector.broadcast %mul3A_1215 : f32 to vector<16x1024xf32>
    %mul3A_1217 = arith.mulf %add3A_1214, %mul3A_1216 : vector<16x1024xf32>
    %bitcast_convert_type3A_1218 = tpu.bitcast %mul3A_1217 : vector<16x1024xf32> -> vector<16x1024xi32>
    %add3A_1219 = arith.constant 4096 : i32
    %add3A_1220 = vector.broadcast %add3A_1219 : i32 to vector<16x1024xi32>
    %add3A_1221 = arith.addi %bitcast_convert_type3A_1218, %add3A_1220 : vector<16x1024xi32>
    %shift_right_logical3A_1222 = arith.constant 13 : i32
    %shift_right_logical3A_1223 = vector.broadcast %shift_right_logical3A_1222 : i32 to vector<16x1024xi32>
    %shift_right_logical3A_1224 = arith.shrui %add3A_1221, %shift_right_logical3A_1223 : vector<16x1024xi32>
    %and3A_1225 = arith.constant 32767 : i32
    %and3A_1226 = vector.broadcast %and3A_1225 : i32 to vector<16x1024xi32>
    %and3A_1227 = arith.andi %shift_right_logical3A_1224, %and3A_1226 : vector<16x1024xi32>
    %shift_right_logical3A_1228 = arith.constant 16 : i32
    %shift_right_logical3A_1229 = vector.broadcast %shift_right_logical3A_1228 : i32 to vector<16x1024xi32>
    %shift_right_logical3A_1230 = arith.shrui %bitcast_convert_type3A_1218, %shift_right_logical3A_1229 : vector<16x1024xi32>
    %and3A_1231 = arith.constant 32768 : i32
    %and3A_1232 = vector.broadcast %and3A_1231 : i32 to vector<16x1024xi32>
    %and3A_1233 = arith.andi %shift_right_logical3A_1230, %and3A_1232 : vector<16x1024xi32>
    %or3A_1234 = arith.ori %and3A_1233, %and3A_1227 : vector<16x1024xi32>
    %convert_element_type3A_1235 = arith.trunci %or3A_1234 : vector<16x1024xi32> to vector<16x1024xi16>
    %swap3A_1236 = tpu.memref_bitcast %arg6 : memref<640x1024xf16, #tpu.memory_space<vmem>> -> memref<640x1024xi16, #tpu.memory_space<vmem>>
    %swap3A_1237 = arith.constant 512 : index
    %swap3A_1238 = arith.constant 0 : index
    %swap3A_1239 = vector.load %swap3A_1236[%swap3A_1237, %swap3A_1238] : memref<640x1024xi16, #tpu.memory_space<vmem>>, vector<16x1024xi16>
    tpu.vector_store %swap3A_1236[%swap3A_1237, %swap3A_1238], %convert_element_type3A_1235 {strides = array<i32>} : memref<640x1024xi16, #tpu.memory_space<vmem>>, vector<16x1024xi16>,
    %get3A_1240 = arith.constant 528 : index
    %get3A_1241 = arith.constant 0 : index
    %get3A_1242 = vector.load %arg3[%get3A_1240, %get3A_1241] : memref<640x1024xf32, #tpu.memory_space<vmem>>, vector<16x1024xf32>
    %get3A_1243 = arith.constant 33 : index
    %get3A_1244 = arith.constant 0 : index
    %get3A_1245 = vector.load %arg1[%get3A_1243, %get3A_1244] : memref<40x1024xf32, #tpu.memory_space<vmem>>, vector<1x1024xf32>
    %add3A_1246 = vector.broadcast %get3A_1245 : vector<1x1024xf32> to vector<16x1024xf32>
    %add3A_1247 = arith.addf %get3A_1242, %add3A_1246 : vector<16x1024xf32>
    %mul3A_1248 = arith.constant 1.925930e-34 : f32
    %mul3A_1249 = vector.broadcast %mul3A_1248 : f32 to vector<16x1024xf32>
    %mul3A_1250 = arith.mulf %add3A_1247, %mul3A_1249 : vector<16x1024xf32>
    %bitcast_convert_type3A_1251 = tpu.bitcast %mul3A_1250 : vector<16x1024xf32> -> vector<16x1024xi32>
    %add3A_1252 = arith.constant 4096 : i32
    %add3A_1253 = vector.broadcast %add3A_1252 : i32 to vector<16x1024xi32>
    %add3A_1254 = arith.addi %bitcast_convert_type3A_1251, %add3A_1253 : vector<16x1024xi32>
    %shift_right_logical3A_1255 = arith.constant 13 : i32
    %shift_right_logical3A_1256 = vector.broadcast %shift_right_logical3A_1255 : i32 to vector<16x1024xi32>
    %shift_right_logical3A_1257 = arith.shrui %add3A_1254, %shift_right_logical3A_1256 : vector<16x1024xi32>
    %and3A_1258 = arith.constant 32767 : i32
    %and3A_1259 = vector.broadcast %and3A_1258 : i32 to vector<16x1024xi32>
    %and3A_1260 = arith.andi %shift_right_logical3A_1257, %and3A_1259 : vector<16x1024xi32>
    %shift_right_logical3A_1261 = arith.constant 16 : i32
    %shift_right_logical3A_1262 = vector.broadcast %shift_right_logical3A_1261 : i32 to vector<16x1024xi32>
    %shift_right_logical3A_1263 = arith.shrui %bitcast_convert_type3A_1251, %shift_right_logical3A_1262 : vector<16x1024xi32>
    %and3A_1264 = arith.constant 32768 : i32
    %and3A_1265 = vector.broadcast %and3A_1264 : i32 to vector<16x1024xi32>
    %and3A_1266 = arith.andi %shift_right_logical3A_1263, %and3A_1265 : vector<16x1024xi32>
    %or3A_1267 = arith.ori %and3A_1266, %and3A_1260 : vector<16x1024xi32>
    %convert_element_type3A_1268 = arith.trunci %or3A_1267 : vector<16x1024xi32> to vector<16x1024xi16>
    %swap3A_1269 = tpu.memref_bitcast %arg6 : memref<640x1024xf16, #tpu.memory_space<vmem>> -> memref<640x1024xi16, #tpu.memory_space<vmem>>
    %swap3A_1270 = arith.constant 528 : index
    %swap3A_1271 = arith.constant 0 : index
    %swap3A_1272 = vector.load %swap3A_1269[%swap3A_1270, %swap3A_1271] : memref<640x1024xi16, #tpu.memory_space<vmem>>, vector<16x1024xi16>
    tpu.vector_store %swap3A_1269[%swap3A_1270, %swap3A_1271], %convert_element_type3A_1268 {strides = array<i32>} : memref<640x1024xi16, #tpu.memory_space<vmem>>, vector<16x1024xi16>,
    %get3A_1273 = arith.constant 544 : index
    %get3A_1274 = arith.constant 0 : index
    %get3A_1275 = vector.load %arg3[%get3A_1273, %get3A_1274] : memref<640x1024xf32, #tpu.memory_space<vmem>>, vector<16x1024xf32>
    %get3A_1276 = arith.constant 34 : index
    %get3A_1277 = arith.constant 0 : index
    %get3A_1278 = vector.load %arg1[%get3A_1276, %get3A_1277] : memref<40x1024xf32, #tpu.memory_space<vmem>>, vector<1x1024xf32>
    %add3A_1279 = vector.broadcast %get3A_1278 : vector<1x1024xf32> to vector<16x1024xf32>
    %add3A_1280 = arith.addf %get3A_1275, %add3A_1279 : vector<16x1024xf32>
    %mul3A_1281 = arith.constant 1.925930e-34 : f32
    %mul3A_1282 = vector.broadcast %mul3A_1281 : f32 to vector<16x1024xf32>
    %mul3A_1283 = arith.mulf %add3A_1280, %mul3A_1282 : vector<16x1024xf32>
    %bitcast_convert_type3A_1284 = tpu.bitcast %mul3A_1283 : vector<16x1024xf32> -> vector<16x1024xi32>
    %add3A_1285 = arith.constant 4096 : i32
    %add3A_1286 = vector.broadcast %add3A_1285 : i32 to vector<16x1024xi32>
    %add3A_1287 = arith.addi %bitcast_convert_type3A_1284, %add3A_1286 : vector<16x1024xi32>
    %shift_right_logical3A_1288 = arith.constant 13 : i32
    %shift_right_logical3A_1289 = vector.broadcast %shift_right_logical3A_1288 : i32 to vector<16x1024xi32>
    %shift_right_logical3A_1290 = arith.shrui %add3A_1287, %shift_right_logical3A_1289 : vector<16x1024xi32>
    %and3A_1291 = arith.constant 32767 : i32
    %and3A_1292 = vector.broadcast %and3A_1291 : i32 to vector<16x1024xi32>
    %and3A_1293 = arith.andi %shift_right_logical3A_1290, %and3A_1292 : vector<16x1024xi32>
    %shift_right_logical3A_1294 = arith.constant 16 : i32
    %shift_right_logical3A_1295 = vector.broadcast %shift_right_logical3A_1294 : i32 to vector<16x1024xi32>
    %shift_right_logical3A_1296 = arith.shrui %bitcast_convert_type3A_1284, %shift_right_logical3A_1295 : vector<16x1024xi32>
    %and3A_1297 = arith.constant 32768 : i32
    %and3A_1298 = vector.broadcast %and3A_1297 : i32 to vector<16x1024xi32>
    %and3A_1299 = arith.andi %shift_right_logical3A_1296, %and3A_1298 : vector<16x1024xi32>
    %or3A_1300 = arith.ori %and3A_1299, %and3A_1293 : vector<16x1024xi32>
    %convert_element_type3A_1301 = arith.trunci %or3A_1300 : vector<16x1024xi32> to vector<16x1024xi16>
    %swap3A_1302 = tpu.memref_bitcast %arg6 : memref<640x1024xf16, #tpu.memory_space<vmem>> -> memref<640x1024xi16, #tpu.memory_space<vmem>>
    %swap3A_1303 = arith.constant 544 : index
    %swap3A_1304 = arith.constant 0 : index
    %swap3A_1305 = vector.load %swap3A_1302[%swap3A_1303, %swap3A_1304] : memref<640x1024xi16, #tpu.memory_space<vmem>>, vector<16x1024xi16>
    tpu.vector_store %swap3A_1302[%swap3A_1303, %swap3A_1304], %convert_element_type3A_1301 {strides = array<i32>} : memref<640x1024xi16, #tpu.memory_space<vmem>>, vector<16x1024xi16>,
    %get3A_1306 = arith.constant 560 : index
    %get3A_1307 = arith.constant 0 : index
    %get3A_1308 = vector.load %arg3[%get3A_1306, %get3A_1307] : memref<640x1024xf32, #tpu.memory_space<vmem>>, vector<16x1024xf32>
    %get3A_1309 = arith.constant 35 : index
    %get3A_1310 = arith.constant 0 : index
    %get3A_1311 = vector.load %arg1[%get3A_1309, %get3A_1310] : memref<40x1024xf32, #tpu.memory_space<vmem>>, vector<1x1024xf32>
    %add3A_1312 = vector.broadcast %get3A_1311 : vector<1x1024xf32> to vector<16x1024xf32>
    %add3A_1313 = arith.addf %get3A_1308, %add3A_1312 : vector<16x1024xf32>
    %mul3A_1314 = arith.constant 1.925930e-34 : f32
    %mul3A_1315 = vector.broadcast %mul3A_1314 : f32 to vector<16x1024xf32>
    %mul3A_1316 = arith.mulf %add3A_1313, %mul3A_1315 : vector<16x1024xf32>
    %bitcast_convert_type3A_1317 = tpu.bitcast %mul3A_1316 : vector<16x1024xf32> -> vector<16x1024xi32>
    %add3A_1318 = arith.constant 4096 : i32
    %add3A_1319 = vector.broadcast %add3A_1318 : i32 to vector<16x1024xi32>
    %add3A_1320 = arith.addi %bitcast_convert_type3A_1317, %add3A_1319 : vector<16x1024xi32>
    %shift_right_logical3A_1321 = arith.constant 13 : i32
    %shift_right_logical3A_1322 = vector.broadcast %shift_right_logical3A_1321 : i32 to vector<16x1024xi32>
    %shift_right_logical3A_1323 = arith.shrui %add3A_1320, %shift_right_logical3A_1322 : vector<16x1024xi32>
    %and3A_1324 = arith.constant 32767 : i32
    %and3A_1325 = vector.broadcast %and3A_1324 : i32 to vector<16x1024xi32>
    %and3A_1326 = arith.andi %shift_right_logical3A_1323, %and3A_1325 : vector<16x1024xi32>
    %shift_right_logical3A_1327 = arith.constant 16 : i32
    %shift_right_logical3A_1328 = vector.broadcast %shift_right_logical3A_1327 : i32 to vector<16x1024xi32>
    %shift_right_logical3A_1329 = arith.shrui %bitcast_convert_type3A_1317, %shift_right_logical3A_1328 : vector<16x1024xi32>
    %and3A_1330 = arith.constant 32768 : i32
    %and3A_1331 = vector.broadcast %and3A_1330 : i32 to vector<16x1024xi32>
    %and3A_1332 = arith.andi %shift_right_logical3A_1329, %and3A_1331 : vector<16x1024xi32>
    %or3A_1333 = arith.ori %and3A_1332, %and3A_1326 : vector<16x1024xi32>
    %convert_element_type3A_1334 = arith.trunci %or3A_1333 : vector<16x1024xi32> to vector<16x1024xi16>
    %swap3A_1335 = tpu.memref_bitcast %arg6 : memref<640x1024xf16, #tpu.memory_space<vmem>> -> memref<640x1024xi16, #tpu.memory_space<vmem>>
    %swap3A_1336 = arith.constant 560 : index
    %swap3A_1337 = arith.constant 0 : index
    %swap3A_1338 = vector.load %swap3A_1335[%swap3A_1336, %swap3A_1337] : memref<640x1024xi16, #tpu.memory_space<vmem>>, vector<16x1024xi16>
    tpu.vector_store %swap3A_1335[%swap3A_1336, %swap3A_1337], %convert_element_type3A_1334 {strides = array<i32>} : memref<640x1024xi16, #tpu.memory_space<vmem>>, vector<16x1024xi16>,
    %get3A_1339 = arith.constant 576 : index
    %get3A_1340 = arith.constant 0 : index
    %get3A_1341 = vector.load %arg3[%get3A_1339, %get3A_1340] : memref<640x1024xf32, #tpu.memory_space<vmem>>, vector<16x1024xf32>
    %get3A_1342 = arith.constant 36 : index
    %get3A_1343 = arith.constant 0 : index
    %get3A_1344 = vector.load %arg1[%get3A_1342, %get3A_1343] : memref<40x1024xf32, #tpu.memory_space<vmem>>, vector<1x1024xf32>
    %add3A_1345 = vector.broadcast %get3A_1344 : vector<1x1024xf32> to vector<16x1024xf32>
    %add3A_1346 = arith.addf %get3A_1341, %add3A_1345 : vector<16x1024xf32>
    %mul3A_1347 = arith.constant 1.925930e-34 : f32
    %mul3A_1348 = vector.broadcast %mul3A_1347 : f32 to vector<16x1024xf32>
    %mul3A_1349 = arith.mulf %add3A_1346, %mul3A_1348 : vector<16x1024xf32>
    %bitcast_convert_type3A_1350 = tpu.bitcast %mul3A_1349 : vector<16x1024xf32> -> vector<16x1024xi32>
    %add3A_1351 = arith.constant 4096 : i32
    %add3A_1352 = vector.broadcast %add3A_1351 : i32 to vector<16x1024xi32>
    %add3A_1353 = arith.addi %bitcast_convert_type3A_1350, %add3A_1352 : vector<16x1024xi32>
    %shift_right_logical3A_1354 = arith.constant 13 : i32
    %shift_right_logical3A_1355 = vector.broadcast %shift_right_logical3A_1354 : i32 to vector<16x1024xi32>
    %shift_right_logical3A_1356 = arith.shrui %add3A_1353, %shift_right_logical3A_1355 : vector<16x1024xi32>
    %and3A_1357 = arith.constant 32767 : i32
    %and3A_1358 = vector.broadcast %and3A_1357 : i32 to vector<16x1024xi32>
    %and3A_1359 = arith.andi %shift_right_logical3A_1356, %and3A_1358 : vector<16x1024xi32>
    %shift_right_logical3A_1360 = arith.constant 16 : i32
    %shift_right_logical3A_1361 = vector.broadcast %shift_right_logical3A_1360 : i32 to vector<16x1024xi32>
    %shift_right_logical3A_1362 = arith.shrui %bitcast_convert_type3A_1350, %shift_right_logical3A_1361 : vector<16x1024xi32>
    %and3A_1363 = arith.constant 32768 : i32
    %and3A_1364 = vector.broadcast %and3A_1363 : i32 to vector<16x1024xi32>
    %and3A_1365 = arith.andi %shift_right_logical3A_1362, %and3A_1364 : vector<16x1024xi32>
    %or3A_1366 = arith.ori %and3A_1365, %and3A_1359 : vector<16x1024xi32>
    %convert_element_type3A_1367 = arith.trunci %or3A_1366 : vector<16x1024xi32> to vector<16x1024xi16>
    %swap3A_1368 = tpu.memref_bitcast %arg6 : memref<640x1024xf16, #tpu.memory_space<vmem>> -> memref<640x1024xi16, #tpu.memory_space<vmem>>
    %swap3A_1369 = arith.constant 576 : index
    %swap3A_1370 = arith.constant 0 : index
    %swap3A_1371 = vector.load %swap3A_1368[%swap3A_1369, %swap3A_1370] : memref<640x1024xi16, #tpu.memory_space<vmem>>, vector<16x1024xi16>
    tpu.vector_store %swap3A_1368[%swap3A_1369, %swap3A_1370], %convert_element_type3A_1367 {strides = array<i32>} : memref<640x1024xi16, #tpu.memory_space<vmem>>, vector<16x1024xi16>,
    %get3A_1372 = arith.constant 592 : index
    %get3A_1373 = arith.constant 0 : index
    %get3A_1374 = vector.load %arg3[%get3A_1372, %get3A_1373] : memref<640x1024xf32, #tpu.memory_space<vmem>>, vector<16x1024xf32>
    %get3A_1375 = arith.constant 37 : index
    %get3A_1376 = arith.constant 0 : index
    %get3A_1377 = vector.load %arg1[%get3A_1375, %get3A_1376] : memref<40x1024xf32, #tpu.memory_space<vmem>>, vector<1x1024xf32>
    %add3A_1378 = vector.broadcast %get3A_1377 : vector<1x1024xf32> to vector<16x1024xf32>
    %add3A_1379 = arith.addf %get3A_1374, %add3A_1378 : vector<16x1024xf32>
    %mul3A_1380 = arith.constant 1.925930e-34 : f32
    %mul3A_1381 = vector.broadcast %mul3A_1380 : f32 to vector<16x1024xf32>
    %mul3A_1382 = arith.mulf %add3A_1379, %mul3A_1381 : vector<16x1024xf32>
    %bitcast_convert_type3A_1383 = tpu.bitcast %mul3A_1382 : vector<16x1024xf32> -> vector<16x1024xi32>
    %add3A_1384 = arith.constant 4096 : i32
    %add3A_1385 = vector.broadcast %add3A_1384 : i32 to vector<16x1024xi32>
    %add3A_1386 = arith.addi %bitcast_convert_type3A_1383, %add3A_1385 : vector<16x1024xi32>
    %shift_right_logical3A_1387 = arith.constant 13 : i32
    %shift_right_logical3A_1388 = vector.broadcast %shift_right_logical3A_1387 : i32 to vector<16x1024xi32>
    %shift_right_logical3A_1389 = arith.shrui %add3A_1386, %shift_right_logical3A_1388 : vector<16x1024xi32>
    %and3A_1390 = arith.constant 32767 : i32
    %and3A_1391 = vector.broadcast %and3A_1390 : i32 to vector<16x1024xi32>
    %and3A_1392 = arith.andi %shift_right_logical3A_1389, %and3A_1391 : vector<16x1024xi32>
    %shift_right_logical3A_1393 = arith.constant 16 : i32
    %shift_right_logical3A_1394 = vector.broadcast %shift_right_logical3A_1393 : i32 to vector<16x1024xi32>
    %shift_right_logical3A_1395 = arith.shrui %bitcast_convert_type3A_1383, %shift_right_logical3A_1394 : vector<16x1024xi32>
    %and3A_1396 = arith.constant 32768 : i32
    %and3A_1397 = vector.broadcast %and3A_1396 : i32 to vector<16x1024xi32>
    %and3A_1398 = arith.andi %shift_right_logical3A_1395, %and3A_1397 : vector<16x1024xi32>
    %or3A_1399 = arith.ori %and3A_1398, %and3A_1392 : vector<16x1024xi32>
    %convert_element_type3A_1400 = arith.trunci %or3A_1399 : vector<16x1024xi32> to vector<16x1024xi16>
    %swap3A_1401 = tpu.memref_bitcast %arg6 : memref<640x1024xf16, #tpu.memory_space<vmem>> -> memref<640x1024xi16, #tpu.memory_space<vmem>>
    %swap3A_1402 = arith.constant 592 : index
    %swap3A_1403 = arith.constant 0 : index
    %swap3A_1404 = vector.load %swap3A_1401[%swap3A_1402, %swap3A_1403] : memref<640x1024xi16, #tpu.memory_space<vmem>>, vector<16x1024xi16>
    tpu.vector_store %swap3A_1401[%swap3A_1402, %swap3A_1403], %convert_element_type3A_1400 {strides = array<i32>} : memref<640x1024xi16, #tpu.memory_space<vmem>>, vector<16x1024xi16>,
    %get3A_1405 = arith.constant 608 : index
    %get3A_1406 = arith.constant 0 : index
    %get3A_1407 = vector.load %arg3[%get3A_1405, %get3A_1406] : memref<640x1024xf32, #tpu.memory_space<vmem>>, vector<16x1024xf32>
    %get3A_1408 = arith.constant 38 : index
    %get3A_1409 = arith.constant 0 : index
    %get3A_1410 = vector.load %arg1[%get3A_1408, %get3A_1409] : memref<40x1024xf32, #tpu.memory_space<vmem>>, vector<1x1024xf32>
    %add3A_1411 = vector.broadcast %get3A_1410 : vector<1x1024xf32> to vector<16x1024xf32>
    %add3A_1412 = arith.addf %get3A_1407, %add3A_1411 : vector<16x1024xf32>
    %mul3A_1413 = arith.constant 1.925930e-34 : f32
    %mul3A_1414 = vector.broadcast %mul3A_1413 : f32 to vector<16x1024xf32>
    %mul3A_1415 = arith.mulf %add3A_1412, %mul3A_1414 : vector<16x1024xf32>
    %bitcast_convert_type3A_1416 = tpu.bitcast %mul3A_1415 : vector<16x1024xf32> -> vector<16x1024xi32>
    %add3A_1417 = arith.constant 4096 : i32
    %add3A_1418 = vector.broadcast %add3A_1417 : i32 to vector<16x1024xi32>
    %add3A_1419 = arith.addi %bitcast_convert_type3A_1416, %add3A_1418 : vector<16x1024xi32>
    %shift_right_logical3A_1420 = arith.constant 13 : i32
    %shift_right_logical3A_1421 = vector.broadcast %shift_right_logical3A_1420 : i32 to vector<16x1024xi32>
    %shift_right_logical3A_1422 = arith.shrui %add3A_1419, %shift_right_logical3A_1421 : vector<16x1024xi32>
    %and3A_1423 = arith.constant 32767 : i32
    %and3A_1424 = vector.broadcast %and3A_1423 : i32 to vector<16x1024xi32>
    %and3A_1425 = arith.andi %shift_right_logical3A_1422, %and3A_1424 : vector<16x1024xi32>
    %shift_right_logical3A_1426 = arith.constant 16 : i32
    %shift_right_logical3A_1427 = vector.broadcast %shift_right_logical3A_1426 : i32 to vector<16x1024xi32>
    %shift_right_logical3A_1428 = arith.shrui %bitcast_convert_type3A_1416, %shift_right_logical3A_1427 : vector<16x1024xi32>
    %and3A_1429 = arith.constant 32768 : i32
    %and3A_1430 = vector.broadcast %and3A_1429 : i32 to vector<16x1024xi32>
    %and3A_1431 = arith.andi %shift_right_logical3A_1428, %and3A_1430 : vector<16x1024xi32>
    %or3A_1432 = arith.ori %and3A_1431, %and3A_1425 : vector<16x1024xi32>
    %convert_element_type3A_1433 = arith.trunci %or3A_1432 : vector<16x1024xi32> to vector<16x1024xi16>
    %swap3A_1434 = tpu.memref_bitcast %arg6 : memref<640x1024xf16, #tpu.memory_space<vmem>> -> memref<640x1024xi16, #tpu.memory_space<vmem>>
    %swap3A_1435 = arith.constant 608 : index
    %swap3A_1436 = arith.constant 0 : index
    %swap3A_1437 = vector.load %swap3A_1434[%swap3A_1435, %swap3A_1436] : memref<640x1024xi16, #tpu.memory_space<vmem>>, vector<16x1024xi16>
    tpu.vector_store %swap3A_1434[%swap3A_1435, %swap3A_1436], %convert_element_type3A_1433 {strides = array<i32>} : memref<640x1024xi16, #tpu.memory_space<vmem>>, vector<16x1024xi16>,
    %get3A_1438 = arith.constant 624 : index
    %get3A_1439 = arith.constant 0 : index
    %get3A_1440 = vector.load %arg3[%get3A_1438, %get3A_1439] : memref<640x1024xf32, #tpu.memory_space<vmem>>, vector<16x1024xf32>
    %get3A_1441 = arith.constant 39 : index
    %get3A_1442 = arith.constant 0 : index
    %get3A_1443 = vector.load %arg1[%get3A_1441, %get3A_1442] : memref<40x1024xf32, #tpu.memory_space<vmem>>, vector<1x1024xf32>
    %add3A_1444 = vector.broadcast %get3A_1443 : vector<1x1024xf32> to vector<16x1024xf32>
    %add3A_1445 = arith.addf %get3A_1440, %add3A_1444 : vector<16x1024xf32>
    %mul3A_1446 = arith.constant 1.925930e-34 : f32
    %mul3A_1447 = vector.broadcast %mul3A_1446 : f32 to vector<16x1024xf32>
    %mul3A_1448 = arith.mulf %add3A_1445, %mul3A_1447 : vector<16x1024xf32>
    %bitcast_convert_type3A_1449 = tpu.bitcast %mul3A_1448 : vector<16x1024xf32> -> vector<16x1024xi32>
    %add3A_1450 = arith.constant 4096 : i32
    %add3A_1451 = vector.broadcast %add3A_1450 : i32 to vector<16x1024xi32>
    %add3A_1452 = arith.addi %bitcast_convert_type3A_1449, %add3A_1451 : vector<16x1024xi32>
    %shift_right_logical3A_1453 = arith.constant 13 : i32
    %shift_right_logical3A_1454 = vector.broadcast %shift_right_logical3A_1453 : i32 to vector<16x1024xi32>
    %shift_right_logical3A_1455 = arith.shrui %add3A_1452, %shift_right_logical3A_1454 : vector<16x1024xi32>
    %and3A_1456 = arith.constant 32767 : i32
    %and3A_1457 = vector.broadcast %and3A_1456 : i32 to vector<16x1024xi32>
    %and3A_1458 = arith.andi %shift_right_logical3A_1455, %and3A_1457 : vector<16x1024xi32>
    %shift_right_logical3A_1459 = arith.constant 16 : i32
    %shift_right_logical3A_1460 = vector.broadcast %shift_right_logical3A_1459 : i32 to vector<16x1024xi32>
    %shift_right_logical3A_1461 = arith.shrui %bitcast_convert_type3A_1449, %shift_right_logical3A_1460 : vector<16x1024xi32>
    %and3A_1462 = arith.constant 32768 : i32
    %and3A_1463 = vector.broadcast %and3A_1462 : i32 to vector<16x1024xi32>
    %and3A_1464 = arith.andi %shift_right_logical3A_1461, %and3A_1463 : vector<16x1024xi32>
    %or3A_1465 = arith.ori %and3A_1464, %and3A_1458 : vector<16x1024xi32>
    %convert_element_type3A_1466 = arith.trunci %or3A_1465 : vector<16x1024xi32> to vector<16x1024xi16>
    %swap3A_1467 = tpu.memref_bitcast %arg6 : memref<640x1024xf16, #tpu.memory_space<vmem>> -> memref<640x1024xi16, #tpu.memory_space<vmem>>
    %swap3A_1468 = arith.constant 624 : index
    %swap3A_1469 = arith.constant 0 : index
    %swap3A_1470 = vector.load %swap3A_1467[%swap3A_1468, %swap3A_1469] : memref<640x1024xi16, #tpu.memory_space<vmem>>, vector<16x1024xi16>
    tpu.vector_store %swap3A_1467[%swap3A_1468, %swap3A_1469], %convert_element_type3A_1466 {strides = array<i32>} : memref<640x1024xi16, #tpu.memory_space<vmem>>, vector<16x1024xi16>,
    %get3A_1471 = arith.constant 0 : index
    %get3A_1472 = arith.constant 0 : index
    %get3A_1473 = vector.load %arg5[%get3A_1471, %get3A_1472] : memref<1x640xf32, #tpu.memory_space<vmem>>, vector<1x640xf32>
    %mul3A_1474 = arith.constant 1.925930e-34 : f32
    %mul3A_1475 = vector.broadcast %mul3A_1474 : f32 to vector<1x640xf32>
    %mul3A_1476 = arith.mulf %get3A_1473, %mul3A_1475 : vector<1x640xf32>
    %get3A_1477 = arith.constant 0 : index
    %get3A_1478 = arith.constant 0 : index
    %get3A_1479 = vector.load %arg4[%get3A_1477, %get3A_1478] : memref<1000x640xf32, #tpu.memory_space<vmem>>, vector<8x640xf32>
    %mul3A_1480 = vector.broadcast %mul3A_1476 : vector<1x640xf32> to vector<8x640xf32>
    %mul3A_1481 = arith.mulf %get3A_1479, %mul3A_1480 : vector<8x640xf32>
    %bitcast_convert_type3A_1482 = tpu.bitcast %mul3A_1481 : vector<8x640xf32> -> vector<8x640xi32>
    %add3A_1483 = arith.constant 4096 : i32
    %add3A_1484 = vector.broadcast %add3A_1483 : i32 to vector<8x640xi32>
    %add3A_1485 = arith.addi %bitcast_convert_type3A_1482, %add3A_1484 : vector<8x640xi32>
    %shift_right_logical3A_1486 = arith.constant 13 : i32
    %shift_right_logical3A_1487 = vector.broadcast %shift_right_logical3A_1486 : i32 to vector<8x640xi32>
    %shift_right_logical3A_1488 = arith.shrui %add3A_1485, %shift_right_logical3A_1487 : vector<8x640xi32>
    %and3A_1489 = arith.constant 32767 : i32
    %and3A_1490 = vector.broadcast %and3A_1489 : i32 to vector<8x640xi32>
    %and3A_1491 = arith.andi %shift_right_logical3A_1488, %and3A_1490 : vector<8x640xi32>
    %shift_right_logical3A_1492 = arith.constant 16 : i32
    %shift_right_logical3A_1493 = vector.broadcast %shift_right_logical3A_1492 : i32 to vector<8x640xi32>
    %shift_right_logical3A_1494 = arith.shrui %bitcast_convert_type3A_1482, %shift_right_logical3A_1493 : vector<8x640xi32>
    %and3A_1495 = arith.constant 32768 : i32
    %and3A_1496 = vector.broadcast %and3A_1495 : i32 to vector<8x640xi32>
    %and3A_1497 = arith.andi %shift_right_logical3A_1494, %and3A_1496 : vector<8x640xi32>
    %or3A_1498 = arith.ori %and3A_1497, %and3A_1491 : vector<8x640xi32>
    %convert_element_type3A_1499 = arith.trunci %or3A_1498 : vector<8x640xi32> to vector<8x640xi16>
    %swap3A_1500 = tpu.memref_bitcast %arg8 : memref<1000x640xf16, #tpu.memory_space<vmem>> -> memref<1000x640xi16, #tpu.memory_space<vmem>>
    %swap3A_1501 = arith.constant 0 : index
    %swap3A_1502 = arith.constant 0 : index
    %swap3A_1503 = vector.load %swap3A_1500[%swap3A_1501, %swap3A_1502] : memref<1000x640xi16, #tpu.memory_space<vmem>>, vector<8x640xi16>
    tpu.vector_store %swap3A_1500[%swap3A_1501, %swap3A_1502], %convert_element_type3A_1499 {strides = array<i32>} : memref<1000x640xi16, #tpu.memory_space<vmem>>, vector<8x640xi16>,
    %get3A_1504 = arith.constant 8 : index
    %get3A_1505 = arith.constant 0 : index
    %get3A_1506 = vector.load %arg4[%get3A_1504, %get3A_1505] : memref<1000x640xf32, #tpu.memory_space<vmem>>, vector<8x640xf32>
    %mul3A_1507 = vector.broadcast %mul3A_1476 : vector<1x640xf32> to vector<8x640xf32>
    %mul3A_1508 = arith.mulf %get3A_1506, %mul3A_1507 : vector<8x640xf32>
    %bitcast_convert_type3A_1509 = tpu.bitcast %mul3A_1508 : vector<8x640xf32> -> vector<8x640xi32>
    %add3A_1510 = arith.constant 4096 : i32
    %add3A_1511 = vector.broadcast %add3A_1510 : i32 to vector<8x640xi32>
    %add3A_1512 = arith.addi %bitcast_convert_type3A_1509, %add3A_1511 : vector<8x640xi32>
    %shift_right_logical3A_1513 = arith.constant 13 : i32
    %shift_right_logical3A_1514 = vector.broadcast %shift_right_logical3A_1513 : i32 to vector<8x640xi32>
    %shift_right_logical3A_1515 = arith.shrui %add3A_1512, %shift_right_logical3A_1514 : vector<8x640xi32>
    %and3A_1516 = arith.constant 32767 : i32
    %and3A_1517 = vector.broadcast %and3A_1516 : i32 to vector<8x640xi32>
    %and3A_1518 = arith.andi %shift_right_logical3A_1515, %and3A_1517 : vector<8x640xi32>
    %shift_right_logical3A_1519 = arith.constant 16 : i32
    %shift_right_logical3A_1520 = vector.broadcast %shift_right_logical3A_1519 : i32 to vector<8x640xi32>
    %shift_right_logical3A_1521 = arith.shrui %bitcast_convert_type3A_1509, %shift_right_logical3A_1520 : vector<8x640xi32>
    %and3A_1522 = arith.constant 32768 : i32
    %and3A_1523 = vector.broadcast %and3A_1522 : i32 to vector<8x640xi32>
    %and3A_1524 = arith.andi %shift_right_logical3A_1521, %and3A_1523 : vector<8x640xi32>
    %or3A_1525 = arith.ori %and3A_1524, %and3A_1518 : vector<8x640xi32>
    %convert_element_type3A_1526 = arith.trunci %or3A_1525 : vector<8x640xi32> to vector<8x640xi16>
    %swap3A_1527 = tpu.memref_bitcast %arg8 : memref<1000x640xf16, #tpu.memory_space<vmem>> -> memref<1000x640xi16, #tpu.memory_space<vmem>>
    %swap3A_1528 = arith.constant 8 : index
    %swap3A_1529 = arith.constant 0 : index
    %swap3A_1530 = vector.load %swap3A_1527[%swap3A_1528, %swap3A_1529] : memref<1000x640xi16, #tpu.memory_space<vmem>>, vector<8x640xi16>
    tpu.vector_store %swap3A_1527[%swap3A_1528, %swap3A_1529], %convert_element_type3A_1526 {strides = array<i32>} : memref<1000x640xi16, #tpu.memory_space<vmem>>, vector<8x640xi16>,
    %get3A_1531 = arith.constant 16 : index
    %get3A_1532 = arith.constant 0 : index
    %get3A_1533 = vector.load %arg4[%get3A_1531, %get3A_1532] : memref<1000x640xf32, #tpu.memory_space<vmem>>, vector<8x640xf32>
    %mul3A_1534 = vector.broadcast %mul3A_1476 : vector<1x640xf32> to vector<8x640xf32>
    %mul3A_1535 = arith.mulf %get3A_1533, %mul3A_1534 : vector<8x640xf32>
    %bitcast_convert_type3A_1536 = tpu.bitcast %mul3A_1535 : vector<8x640xf32> -> vector<8x640xi32>
    %add3A_1537 = arith.constant 4096 : i32
    %add3A_1538 = vector.broadcast %add3A_1537 : i32 to vector<8x640xi32>
    %add3A_1539 = arith.addi %bitcast_convert_type3A_1536, %add3A_1538 : vector<8x640xi32>
    %shift_right_logical3A_1540 = arith.constant 13 : i32
    %shift_right_logical3A_1541 = vector.broadcast %shift_right_logical3A_1540 : i32 to vector<8x640xi32>
    %shift_right_logical3A_1542 = arith.shrui %add3A_1539, %shift_right_logical3A_1541 : vector<8x640xi32>
    %and3A_1543 = arith.constant 32767 : i32
    %and3A_1544 = vector.broadcast %and3A_1543 : i32 to vector<8x640xi32>
    %and3A_1545 = arith.andi %shift_right_logical3A_1542, %and3A_1544 : vector<8x640xi32>
    %shift_right_logical3A_1546 = arith.constant 16 : i32
    %shift_right_logical3A_1547 = vector.broadcast %shift_right_logical3A_1546 : i32 to vector<8x640xi32>
    %shift_right_logical3A_1548 = arith.shrui %bitcast_convert_type3A_1536, %shift_right_logical3A_1547 : vector<8x640xi32>
    %and3A_1549 = arith.constant 32768 : i32
    %and3A_1550 = vector.broadcast %and3A_1549 : i32 to vector<8x640xi32>
    %and3A_1551 = arith.andi %shift_right_logical3A_1548, %and3A_1550 : vector<8x640xi32>
    %or3A_1552 = arith.ori %and3A_1551, %and3A_1545 : vector<8x640xi32>
    %convert_element_type3A_1553 = arith.trunci %or3A_1552 : vector<8x640xi32> to vector<8x640xi16>
    %swap3A_1554 = tpu.memref_bitcast %arg8 : memref<1000x640xf16, #tpu.memory_space<vmem>> -> memref<1000x640xi16, #tpu.memory_space<vmem>>
    %swap3A_1555 = arith.constant 16 : index
    %swap3A_1556 = arith.constant 0 : index
    %swap3A_1557 = vector.load %swap3A_1554[%swap3A_1555, %swap3A_1556] : memref<1000x640xi16, #tpu.memory_space<vmem>>, vector<8x640xi16>
    tpu.vector_store %swap3A_1554[%swap3A_1555, %swap3A_1556], %convert_element_type3A_1553 {strides = array<i32>} : memref<1000x640xi16, #tpu.memory_space<vmem>>, vector<8x640xi16>,
    %get3A_1558 = arith.constant 24 : index
    %get3A_1559 = arith.constant 0 : index
    %get3A_1560 = vector.load %arg4[%get3A_1558, %get3A_1559] : memref<1000x640xf32, #tpu.memory_space<vmem>>, vector<8x640xf32>
    %mul3A_1561 = vector.broadcast %mul3A_1476 : vector<1x640xf32> to vector<8x640xf32>
    %mul3A_1562 = arith.mulf %get3A_1560, %mul3A_1561 : vector<8x640xf32>
    %bitcast_convert_type3A_1563 = tpu.bitcast %mul3A_1562 : vector<8x640xf32> -> vector<8x640xi32>
    %add3A_1564 = arith.constant 4096 : i32
    %add3A_1565 = vector.broadcast %add3A_1564 : i32 to vector<8x640xi32>
    %add3A_1566 = arith.addi %bitcast_convert_type3A_1563, %add3A_1565 : vector<8x640xi32>
    %shift_right_logical3A_1567 = arith.constant 13 : i32
    %shift_right_logical3A_1568 = vector.broadcast %shift_right_logical3A_1567 : i32 to vector<8x640xi32>
    %shift_right_logical3A_1569 = arith.shrui %add3A_1566, %shift_right_logical3A_1568 : vector<8x640xi32>
    %and3A_1570 = arith.constant 32767 : i32
    %and3A_1571 = vector.broadcast %and3A_1570 : i32 to vector<8x640xi32>
    %and3A_1572 = arith.andi %shift_right_logical3A_1569, %and3A_1571 : vector<8x640xi32>
    %shift_right_logical3A_1573 = arith.constant 16 : i32
    %shift_right_logical3A_1574 = vector.broadcast %shift_right_logical3A_1573 : i32 to vector<8x640xi32>
    %shift_right_logical3A_1575 = arith.shrui %bitcast_convert_type3A_1563, %shift_right_logical3A_1574 : vector<8x640xi32>
    %and3A_1576 = arith.constant 32768 : i32
    %and3A_1577 = vector.broadcast %and3A_1576 : i32 to vector<8x640xi32>
    %and3A_1578 = arith.andi %shift_right_logical3A_1575, %and3A_1577 : vector<8x640xi32>
    %or3A_1579 = arith.ori %and3A_1578, %and3A_1572 : vector<8x640xi32>
    %convert_element_type3A_1580 = arith.trunci %or3A_1579 : vector<8x640xi32> to vector<8x640xi16>
    %swap3A_1581 = tpu.memref_bitcast %arg8 : memref<1000x640xf16, #tpu.memory_space<vmem>> -> memref<1000x640xi16, #tpu.memory_space<vmem>>
    %swap3A_1582 = arith.constant 24 : index
    %swap3A_1583 = arith.constant 0 : index
    %swap3A_1584 = vector.load %swap3A_1581[%swap3A_1582, %swap3A_1583] : memref<1000x640xi16, #tpu.memory_space<vmem>>, vector<8x640xi16>
    tpu.vector_store %swap3A_1581[%swap3A_1582, %swap3A_1583], %convert_element_type3A_1580 {strides = array<i32>} : memref<1000x640xi16, #tpu.memory_space<vmem>>, vector<8x640xi16>,
    %get3A_1585 = arith.constant 32 : index
    %get3A_1586 = arith.constant 0 : index
    %get3A_1587 = vector.load %arg4[%get3A_1585, %get3A_1586] : memref<1000x640xf32, #tpu.memory_space<vmem>>, vector<8x640xf32>
    %mul3A_1588 = vector.broadcast %mul3A_1476 : vector<1x640xf32> to vector<8x640xf32>
    %mul3A_1589 = arith.mulf %get3A_1587, %mul3A_1588 : vector<8x640xf32>
    %bitcast_convert_type3A_1590 = tpu.bitcast %mul3A_1589 : vector<8x640xf32> -> vector<8x640xi32>
    %add3A_1591 = arith.constant 4096 : i32
    %add3A_1592 = vector.broadcast %add3A_1591 : i32 to vector<8x640xi32>
    %add3A_1593 = arith.addi %bitcast_convert_type3A_1590, %add3A_1592 : vector<8x640xi32>
    %shift_right_logical3A_1594 = arith.constant 13 : i32
    %shift_right_logical3A_1595 = vector.broadcast %shift_right_logical3A_1594 : i32 to vector<8x640xi32>
    %shift_right_logical3A_1596 = arith.shrui %add3A_1593, %shift_right_logical3A_1595 : vector<8x640xi32>
    %and3A_1597 = arith.constant 32767 : i32
    %and3A_1598 = vector.broadcast %and3A_1597 : i32 to vector<8x640xi32>
    %and3A_1599 = arith.andi %shift_right_logical3A_1596, %and3A_1598 : vector<8x640xi32>
    %shift_right_logical3A_1600 = arith.constant 16 : i32
    %shift_right_logical3A_1601 = vector.broadcast %shift_right_logical3A_1600 : i32 to vector<8x640xi32>
    %shift_right_logical3A_1602 = arith.shrui %bitcast_convert_type3A_1590, %shift_right_logical3A_1601 : vector<8x640xi32>
    %and3A_1603 = arith.constant 32768 : i32
    %and3A_1604 = vector.broadcast %and3A_1603 : i32 to vector<8x640xi32>
    %and3A_1605 = arith.andi %shift_right_logical3A_1602, %and3A_1604 : vector<8x640xi32>
    %or3A_1606 = arith.ori %and3A_1605, %and3A_1599 : vector<8x640xi32>
    %convert_element_type3A_1607 = arith.trunci %or3A_1606 : vector<8x640xi32> to vector<8x640xi16>
    %swap3A_1608 = tpu.memref_bitcast %arg8 : memref<1000x640xf16, #tpu.memory_space<vmem>> -> memref<1000x640xi16, #tpu.memory_space<vmem>>
    %swap3A_1609 = arith.constant 32 : index
    %swap3A_1610 = arith.constant 0 : index
    %swap3A_1611 = vector.load %swap3A_1608[%swap3A_1609, %swap3A_1610] : memref<1000x640xi16, #tpu.memory_space<vmem>>, vector<8x640xi16>
    tpu.vector_store %swap3A_1608[%swap3A_1609, %swap3A_1610], %convert_element_type3A_1607 {strides = array<i32>} : memref<1000x640xi16, #tpu.memory_space<vmem>>, vector<8x640xi16>,
    %get3A_1612 = arith.constant 40 : index
    %get3A_1613 = arith.constant 0 : index
    %get3A_1614 = vector.load %arg4[%get3A_1612, %get3A_1613] : memref<1000x640xf32, #tpu.memory_space<vmem>>, vector<8x640xf32>
    %mul3A_1615 = vector.broadcast %mul3A_1476 : vector<1x640xf32> to vector<8x640xf32>
    %mul3A_1616 = arith.mulf %get3A_1614, %mul3A_1615 : vector<8x640xf32>
    %bitcast_convert_type3A_1617 = tpu.bitcast %mul3A_1616 : vector<8x640xf32> -> vector<8x640xi32>
    %add3A_1618 = arith.constant 4096 : i32
    %add3A_1619 = vector.broadcast %add3A_1618 : i32 to vector<8x640xi32>
    %add3A_1620 = arith.addi %bitcast_convert_type3A_1617, %add3A_1619 : vector<8x640xi32>
    %shift_right_logical3A_1621 = arith.constant 13 : i32
    %shift_right_logical3A_1622 = vector.broadcast %shift_right_logical3A_1621 : i32 to vector<8x640xi32>
    %shift_right_logical3A_1623 = arith.shrui %add3A_1620, %shift_right_logical3A_1622 : vector<8x640xi32>
    %and3A_1624 = arith.constant 32767 : i32
    %and3A_1625 = vector.broadcast %and3A_1624 : i32 to vector<8x640xi32>
    %and3A_1626 = arith.andi %shift_right_logical3A_1623, %and3A_1625 : vector<8x640xi32>
    %shift_right_logical3A_1627 = arith.constant 16 : i32
    %shift_right_logical3A_1628 = vector.broadcast %shift_right_logical3A_1627 : i32 to vector<8x640xi32>
    %shift_right_logical3A_1629 = arith.shrui %bitcast_convert_type3A_1617, %shift_right_logical3A_1628 : vector<8x640xi32>
    %and3A_1630 = arith.constant 32768 : i32
    %and3A_1631 = vector.broadcast %and3A_1630 : i32 to vector<8x640xi32>
    %and3A_1632 = arith.andi %shift_right_logical3A_1629, %and3A_1631 : vector<8x640xi32>
    %or3A_1633 = arith.ori %and3A_1632, %and3A_1626 : vector<8x640xi32>
    %convert_element_type3A_1634 = arith.trunci %or3A_1633 : vector<8x640xi32> to vector<8x640xi16>
    %swap3A_1635 = tpu.memref_bitcast %arg8 : memref<1000x640xf16, #tpu.memory_space<vmem>> -> memref<1000x640xi16, #tpu.memory_space<vmem>>
    %swap3A_1636 = arith.constant 40 : index
    %swap3A_1637 = arith.constant 0 : index
    %swap3A_1638 = vector.load %swap3A_1635[%swap3A_1636, %swap3A_1637] : memref<1000x640xi16, #tpu.memory_space<vmem>>, vector<8x640xi16>
    tpu.vector_store %swap3A_1635[%swap3A_1636, %swap3A_1637], %convert_element_type3A_1634 {strides = array<i32>} : memref<1000x640xi16, #tpu.memory_space<vmem>>, vector<8x640xi16>,
    %get3A_1639 = arith.constant 48 : index
    %get3A_1640 = arith.constant 0 : index
    %get3A_1641 = vector.load %arg4[%get3A_1639, %get3A_1640] : memref<1000x640xf32, #tpu.memory_space<vmem>>, vector<8x640xf32>
    %mul3A_1642 = vector.broadcast %mul3A_1476 : vector<1x640xf32> to vector<8x640xf32>
    %mul3A_1643 = arith.mulf %get3A_1641, %mul3A_1642 : vector<8x640xf32>
    %bitcast_convert_type3A_1644 = tpu.bitcast %mul3A_1643 : vector<8x640xf32> -> vector<8x640xi32>
    %add3A_1645 = arith.constant 4096 : i32
    %add3A_1646 = vector.broadcast %add3A_1645 : i32 to vector<8x640xi32>
    %add3A_1647 = arith.addi %bitcast_convert_type3A_1644, %add3A_1646 : vector<8x640xi32>
    %shift_right_logical3A_1648 = arith.constant 13 : i32
    %shift_right_logical3A_1649 = vector.broadcast %shift_right_logical3A_1648 : i32 to vector<8x640xi32>
    %shift_right_logical3A_1650 = arith.shrui %add3A_1647, %shift_right_logical3A_1649 : vector<8x640xi32>
    %and3A_1651 = arith.constant 32767 : i32
    %and3A_1652 = vector.broadcast %and3A_1651 : i32 to vector<8x640xi32>
    %and3A_1653 = arith.andi %shift_right_logical3A_1650, %and3A_1652 : vector<8x640xi32>
    %shift_right_logical3A_1654 = arith.constant 16 : i32
    %shift_right_logical3A_1655 = vector.broadcast %shift_right_logical3A_1654 : i32 to vector<8x640xi32>
    %shift_right_logical3A_1656 = arith.shrui %bitcast_convert_type3A_1644, %shift_right_logical3A_1655 : vector<8x640xi32>
    %and3A_1657 = arith.constant 32768 : i32
    %and3A_1658 = vector.broadcast %and3A_1657 : i32 to vector<8x640xi32>
    %and3A_1659 = arith.andi %shift_right_logical3A_1656, %and3A_1658 : vector<8x640xi32>
    %or3A_1660 = arith.ori %and3A_1659, %and3A_1653 : vector<8x640xi32>
    %convert_element_type3A_1661 = arith.trunci %or3A_1660 : vector<8x640xi32> to vector<8x640xi16>
    %swap3A_1662 = tpu.memref_bitcast %arg8 : memref<1000x640xf16, #tpu.memory_space<vmem>> -> memref<1000x640xi16, #tpu.memory_space<vmem>>
    %swap3A_1663 = arith.constant 48 : index
    %swap3A_1664 = arith.constant 0 : index
    %swap3A_1665 = vector.load %swap3A_1662[%swap3A_1663, %swap3A_1664] : memref<1000x640xi16, #tpu.memory_space<vmem>>, vector<8x640xi16>
    tpu.vector_store %swap3A_1662[%swap3A_1663, %swap3A_1664], %convert_element_type3A_1661 {strides = array<i32>} : memref<1000x640xi16, #tpu.memory_space<vmem>>, vector<8x640xi16>,
    %get3A_1666 = arith.constant 56 : index
    %get3A_1667 = arith.constant 0 : index
    %get3A_1668 = vector.load %arg4[%get3A_1666, %get3A_1667] : memref<1000x640xf32, #tpu.memory_space<vmem>>, vector<8x640xf32>
    %mul3A_1669 = vector.broadcast %mul3A_1476 : vector<1x640xf32> to vector<8x640xf32>
    %mul3A_1670 = arith.mulf %get3A_1668, %mul3A_1669 : vector<8x640xf32>
    %bitcast_convert_type3A_1671 = tpu.bitcast %mul3A_1670 : vector<8x640xf32> -> vector<8x640xi32>
    %add3A_1672 = arith.constant 4096 : i32
    %add3A_1673 = vector.broadcast %add3A_1672 : i32 to vector<8x640xi32>
    %add3A_1674 = arith.addi %bitcast_convert_type3A_1671, %add3A_1673 : vector<8x640xi32>
    %shift_right_logical3A_1675 = arith.constant 13 : i32
    %shift_right_logical3A_1676 = vector.broadcast %shift_right_logical3A_1675 : i32 to vector<8x640xi32>
    %shift_right_logical3A_1677 = arith.shrui %add3A_1674, %shift_right_logical3A_1676 : vector<8x640xi32>
    %and3A_1678 = arith.constant 32767 : i32
    %and3A_1679 = vector.broadcast %and3A_1678 : i32 to vector<8x640xi32>
    %and3A_1680 = arith.andi %shift_right_logical3A_1677, %and3A_1679 : vector<8x640xi32>
    %shift_right_logical3A_1681 = arith.constant 16 : i32
    %shift_right_logical3A_1682 = vector.broadcast %shift_right_logical3A_1681 : i32 to vector<8x640xi32>
    %shift_right_logical3A_1683 = arith.shrui %bitcast_convert_type3A_1671, %shift_right_logical3A_1682 : vector<8x640xi32>
    %and3A_1684 = arith.constant 32768 : i32
    %and3A_1685 = vector.broadcast %and3A_1684 : i32 to vector<8x640xi32>
    %and3A_1686 = arith.andi %shift_right_logical3A_1683, %and3A_1685 : vector<8x640xi32>
    %or3A_1687 = arith.ori %and3A_1686, %and3A_1680 : vector<8x640xi32>
    %convert_element_type3A_1688 = arith.trunci %or3A_1687 : vector<8x640xi32> to vector<8x640xi16>
    %swap3A_1689 = tpu.memref_bitcast %arg8 : memref<1000x640xf16, #tpu.memory_space<vmem>> -> memref<1000x640xi16, #tpu.memory_space<vmem>>
    %swap3A_1690 = arith.constant 56 : index
    %swap3A_1691 = arith.constant 0 : index
    %swap3A_1692 = vector.load %swap3A_1689[%swap3A_1690, %swap3A_1691] : memref<1000x640xi16, #tpu.memory_space<vmem>>, vector<8x640xi16>
    tpu.vector_store %swap3A_1689[%swap3A_1690, %swap3A_1691], %convert_element_type3A_1688 {strides = array<i32>} : memref<1000x640xi16, #tpu.memory_space<vmem>>, vector<8x640xi16>,
    %get3A_1693 = arith.constant 64 : index
    %get3A_1694 = arith.constant 0 : index
    %get3A_1695 = vector.load %arg4[%get3A_1693, %get3A_1694] : memref<1000x640xf32, #tpu.memory_space<vmem>>, vector<8x640xf32>
    %mul3A_1696 = vector.broadcast %mul3A_1476 : vector<1x640xf32> to vector<8x640xf32>
    %mul3A_1697 = arith.mulf %get3A_1695, %mul3A_1696 : vector<8x640xf32>
    %bitcast_convert_type3A_1698 = tpu.bitcast %mul3A_1697 : vector<8x640xf32> -> vector<8x640xi32>
    %add3A_1699 = arith.constant 4096 : i32
    %add3A_1700 = vector.broadcast %add3A_1699 : i32 to vector<8x640xi32>
    %add3A_1701 = arith.addi %bitcast_convert_type3A_1698, %add3A_1700 : vector<8x640xi32>
    %shift_right_logical3A_1702 = arith.constant 13 : i32
    %shift_right_logical3A_1703 = vector.broadcast %shift_right_logical3A_1702 : i32 to vector<8x640xi32>
    %shift_right_logical3A_1704 = arith.shrui %add3A_1701, %shift_right_logical3A_1703 : vector<8x640xi32>
    %and3A_1705 = arith.constant 32767 : i32
    %and3A_1706 = vector.broadcast %and3A_1705 : i32 to vector<8x640xi32>
    %and3A_1707 = arith.andi %shift_right_logical3A_1704, %and3A_1706 : vector<8x640xi32>
    %shift_right_logical3A_1708 = arith.constant 16 : i32
    %shift_right_logical3A_1709 = vector.broadcast %shift_right_logical3A_1708 : i32 to vector<8x640xi32>
    %shift_right_logical3A_1710 = arith.shrui %bitcast_convert_type3A_1698, %shift_right_logical3A_1709 : vector<8x640xi32>
    %and3A_1711 = arith.constant 32768 : i32
    %and3A_1712 = vector.broadcast %and3A_1711 : i32 to vector<8x640xi32>
    %and3A_1713 = arith.andi %shift_right_logical3A_1710, %and3A_1712 : vector<8x640xi32>
    %or3A_1714 = arith.ori %and3A_1713, %and3A_1707 : vector<8x640xi32>
    %convert_element_type3A_1715 = arith.trunci %or3A_1714 : vector<8x640xi32> to vector<8x640xi16>
    %swap3A_1716 = tpu.memref_bitcast %arg8 : memref<1000x640xf16, #tpu.memory_space<vmem>> -> memref<1000x640xi16, #tpu.memory_space<vmem>>
    %swap3A_1717 = arith.constant 64 : index
    %swap3A_1718 = arith.constant 0 : index
    %swap3A_1719 = vector.load %swap3A_1716[%swap3A_1717, %swap3A_1718] : memref<1000x640xi16, #tpu.memory_space<vmem>>, vector<8x640xi16>
    tpu.vector_store %swap3A_1716[%swap3A_1717, %swap3A_1718], %convert_element_type3A_1715 {strides = array<i32>} : memref<1000x640xi16, #tpu.memory_space<vmem>>, vector<8x640xi16>,
    %get3A_1720 = arith.constant 72 : index
    %get3A_1721 = arith.constant 0 : index
    %get3A_1722 = vector.load %arg4[%get3A_1720, %get3A_1721] : memref<1000x640xf32, #tpu.memory_space<vmem>>, vector<8x640xf32>
    %mul3A_1723 = vector.broadcast %mul3A_1476 : vector<1x640xf32> to vector<8x640xf32>
    %mul3A_1724 = arith.mulf %get3A_1722, %mul3A_1723 : vector<8x640xf32>
    %bitcast_convert_type3A_1725 = tpu.bitcast %mul3A_1724 : vector<8x640xf32> -> vector<8x640xi32>
    %add3A_1726 = arith.constant 4096 : i32
    %add3A_1727 = vector.broadcast %add3A_1726 : i32 to vector<8x640xi32>
    %add3A_1728 = arith.addi %bitcast_convert_type3A_1725, %add3A_1727 : vector<8x640xi32>
    %shift_right_logical3A_1729 = arith.constant 13 : i32
    %shift_right_logical3A_1730 = vector.broadcast %shift_right_logical3A_1729 : i32 to vector<8x640xi32>
    %shift_right_logical3A_1731 = arith.shrui %add3A_1728, %shift_right_logical3A_1730 : vector<8x640xi32>
    %and3A_1732 = arith.constant 32767 : i32
    %and3A_1733 = vector.broadcast %and3A_1732 : i32 to vector<8x640xi32>
    %and3A_1734 = arith.andi %shift_right_logical3A_1731, %and3A_1733 : vector<8x640xi32>
    %shift_right_logical3A_1735 = arith.constant 16 : i32
    %shift_right_logical3A_1736 = vector.broadcast %shift_right_logical3A_1735 : i32 to vector<8x640xi32>
    %shift_right_logical3A_1737 = arith.shrui %bitcast_convert_type3A_1725, %shift_right_logical3A_1736 : vector<8x640xi32>
    %and3A_1738 = arith.constant 32768 : i32
    %and3A_1739 = vector.broadcast %and3A_1738 : i32 to vector<8x640xi32>
    %and3A_1740 = arith.andi %shift_right_logical3A_1737, %and3A_1739 : vector<8x640xi32>
    %or3A_1741 = arith.ori %and3A_1740, %and3A_1734 : vector<8x640xi32>
    %convert_element_type3A_1742 = arith.trunci %or3A_1741 : vector<8x640xi32> to vector<8x640xi16>
    %swap3A_1743 = tpu.memref_bitcast %arg8 : memref<1000x640xf16, #tpu.memory_space<vmem>> -> memref<1000x640xi16, #tpu.memory_space<vmem>>
    %swap3A_1744 = arith.constant 72 : index
    %swap3A_1745 = arith.constant 0 : index
    %swap3A_1746 = vector.load %swap3A_1743[%swap3A_1744, %swap3A_1745] : memref<1000x640xi16, #tpu.memory_space<vmem>>, vector<8x640xi16>
    tpu.vector_store %swap3A_1743[%swap3A_1744, %swap3A_1745], %convert_element_type3A_1742 {strides = array<i32>} : memref<1000x640xi16, #tpu.memory_space<vmem>>, vector<8x640xi16>,
    %get3A_1747 = arith.constant 80 : index
    %get3A_1748 = arith.constant 0 : index
    %get3A_1749 = vector.load %arg4[%get3A_1747, %get3A_1748] : memref<1000x640xf32, #tpu.memory_space<vmem>>, vector<8x640xf32>
    %mul3A_1750 = vector.broadcast %mul3A_1476 : vector<1x640xf32> to vector<8x640xf32>
    %mul3A_1751 = arith.mulf %get3A_1749, %mul3A_1750 : vector<8x640xf32>
    %bitcast_convert_type3A_1752 = tpu.bitcast %mul3A_1751 : vector<8x640xf32> -> vector<8x640xi32>
    %add3A_1753 = arith.constant 4096 : i32
    %add3A_1754 = vector.broadcast %add3A_1753 : i32 to vector<8x640xi32>
    %add3A_1755 = arith.addi %bitcast_convert_type3A_1752, %add3A_1754 : vector<8x640xi32>
    %shift_right_logical3A_1756 = arith.constant 13 : i32
    %shift_right_logical3A_1757 = vector.broadcast %shift_right_logical3A_1756 : i32 to vector<8x640xi32>
    %shift_right_logical3A_1758 = arith.shrui %add3A_1755, %shift_right_logical3A_1757 : vector<8x640xi32>
    %and3A_1759 = arith.constant 32767 : i32
    %and3A_1760 = vector.broadcast %and3A_1759 : i32 to vector<8x640xi32>
    %and3A_1761 = arith.andi %shift_right_logical3A_1758, %and3A_1760 : vector<8x640xi32>
    %shift_right_logical3A_1762 = arith.constant 16 : i32
    %shift_right_logical3A_1763 = vector.broadcast %shift_right_logical3A_1762 : i32 to vector<8x640xi32>
    %shift_right_logical3A_1764 = arith.shrui %bitcast_convert_type3A_1752, %shift_right_logical3A_1763 : vector<8x640xi32>
    %and3A_1765 = arith.constant 32768 : i32
    %and3A_1766 = vector.broadcast %and3A_1765 : i32 to vector<8x640xi32>
    %and3A_1767 = arith.andi %shift_right_logical3A_1764, %and3A_1766 : vector<8x640xi32>
    %or3A_1768 = arith.ori %and3A_1767, %and3A_1761 : vector<8x640xi32>
    %convert_element_type3A_1769 = arith.trunci %or3A_1768 : vector<8x640xi32> to vector<8x640xi16>
    %swap3A_1770 = tpu.memref_bitcast %arg8 : memref<1000x640xf16, #tpu.memory_space<vmem>> -> memref<1000x640xi16, #tpu.memory_space<vmem>>
    %swap3A_1771 = arith.constant 80 : index
    %swap3A_1772 = arith.constant 0 : index
    %swap3A_1773 = vector.load %swap3A_1770[%swap3A_1771, %swap3A_1772] : memref<1000x640xi16, #tpu.memory_space<vmem>>, vector<8x640xi16>
    tpu.vector_store %swap3A_1770[%swap3A_1771, %swap3A_1772], %convert_element_type3A_1769 {strides = array<i32>} : memref<1000x640xi16, #tpu.memory_space<vmem>>, vector<8x640xi16>,
    %get3A_1774 = arith.constant 88 : index
    %get3A_1775 = arith.constant 0 : index
    %get3A_1776 = vector.load %arg4[%get3A_1774, %get3A_1775] : memref<1000x640xf32, #tpu.memory_space<vmem>>, vector<8x640xf32>
    %mul3A_1777 = vector.broadcast %mul3A_1476 : vector<1x640xf32> to vector<8x640xf32>
    %mul3A_1778 = arith.mulf %get3A_1776, %mul3A_1777 : vector<8x640xf32>
    %bitcast_convert_type3A_1779 = tpu.bitcast %mul3A_1778 : vector<8x640xf32> -> vector<8x640xi32>
    %add3A_1780 = arith.constant 4096 : i32
    %add3A_1781 = vector.broadcast %add3A_1780 : i32 to vector<8x640xi32>
    %add3A_1782 = arith.addi %bitcast_convert_type3A_1779, %add3A_1781 : vector<8x640xi32>
    %shift_right_logical3A_1783 = arith.constant 13 : i32
    %shift_right_logical3A_1784 = vector.broadcast %shift_right_logical3A_1783 : i32 to vector<8x640xi32>
    %shift_right_logical3A_1785 = arith.shrui %add3A_1782, %shift_right_logical3A_1784 : vector<8x640xi32>
    %and3A_1786 = arith.constant 32767 : i32
    %and3A_1787 = vector.broadcast %and3A_1786 : i32 to vector<8x640xi32>
    %and3A_1788 = arith.andi %shift_right_logical3A_1785, %and3A_1787 : vector<8x640xi32>
    %shift_right_logical3A_1789 = arith.constant 16 : i32
    %shift_right_logical3A_1790 = vector.broadcast %shift_right_logical3A_1789 : i32 to vector<8x640xi32>
    %shift_right_logical3A_1791 = arith.shrui %bitcast_convert_type3A_1779, %shift_right_logical3A_1790 : vector<8x640xi32>
    %and3A_1792 = arith.constant 32768 : i32
    %and3A_1793 = vector.broadcast %and3A_1792 : i32 to vector<8x640xi32>
    %and3A_1794 = arith.andi %shift_right_logical3A_1791, %and3A_1793 : vector<8x640xi32>
    %or3A_1795 = arith.ori %and3A_1794, %and3A_1788 : vector<8x640xi32>
    %convert_element_type3A_1796 = arith.trunci %or3A_1795 : vector<8x640xi32> to vector<8x640xi16>
    %swap3A_1797 = tpu.memref_bitcast %arg8 : memref<1000x640xf16, #tpu.memory_space<vmem>> -> memref<1000x640xi16, #tpu.memory_space<vmem>>
    %swap3A_1798 = arith.constant 88 : index
    %swap3A_1799 = arith.constant 0 : index
    %swap3A_1800 = vector.load %swap3A_1797[%swap3A_1798, %swap3A_1799] : memref<1000x640xi16, #tpu.memory_space<vmem>>, vector<8x640xi16>
    tpu.vector_store %swap3A_1797[%swap3A_1798, %swap3A_1799], %convert_element_type3A_1796 {strides = array<i32>} : memref<1000x640xi16, #tpu.memory_space<vmem>>, vector<8x640xi16>,
    %get3A_1801 = arith.constant 96 : index
    %get3A_1802 = arith.constant 0 : index
    %get3A_1803 = vector.load %arg4[%get3A_1801, %get3A_1802] : memref<1000x640xf32, #tpu.memory_space<vmem>>, vector<8x640xf32>
    %mul3A_1804 = vector.broadcast %mul3A_1476 : vector<1x640xf32> to vector<8x640xf32>
    %mul3A_1805 = arith.mulf %get3A_1803, %mul3A_1804 : vector<8x640xf32>
    %bitcast_convert_type3A_1806 = tpu.bitcast %mul3A_1805 : vector<8x640xf32> -> vector<8x640xi32>
    %add3A_1807 = arith.constant 4096 : i32
    %add3A_1808 = vector.broadcast %add3A_1807 : i32 to vector<8x640xi32>
    %add3A_1809 = arith.addi %bitcast_convert_type3A_1806, %add3A_1808 : vector<8x640xi32>
    %shift_right_logical3A_1810 = arith.constant 13 : i32
    %shift_right_logical3A_1811 = vector.broadcast %shift_right_logical3A_1810 : i32 to vector<8x640xi32>
    %shift_right_logical3A_1812 = arith.shrui %add3A_1809, %shift_right_logical3A_1811 : vector<8x640xi32>
    %and3A_1813 = arith.constant 32767 : i32
    %and3A_1814 = vector.broadcast %and3A_1813 : i32 to vector<8x640xi32>
    %and3A_1815 = arith.andi %shift_right_logical3A_1812, %and3A_1814 : vector<8x640xi32>
    %shift_right_logical3A_1816 = arith.constant 16 : i32
    %shift_right_logical3A_1817 = vector.broadcast %shift_right_logical3A_1816 : i32 to vector<8x640xi32>
    %shift_right_logical3A_1818 = arith.shrui %bitcast_convert_type3A_1806, %shift_right_logical3A_1817 : vector<8x640xi32>
    %and3A_1819 = arith.constant 32768 : i32
    %and3A_1820 = vector.broadcast %and3A_1819 : i32 to vector<8x640xi32>
    %and3A_1821 = arith.andi %shift_right_logical3A_1818, %and3A_1820 : vector<8x640xi32>
    %or3A_1822 = arith.ori %and3A_1821, %and3A_1815 : vector<8x640xi32>
    %convert_element_type3A_1823 = arith.trunci %or3A_1822 : vector<8x640xi32> to vector<8x640xi16>
    %swap3A_1824 = tpu.memref_bitcast %arg8 : memref<1000x640xf16, #tpu.memory_space<vmem>> -> memref<1000x640xi16, #tpu.memory_space<vmem>>
    %swap3A_1825 = arith.constant 96 : index
    %swap3A_1826 = arith.constant 0 : index
    %swap3A_1827 = vector.load %swap3A_1824[%swap3A_1825, %swap3A_1826] : memref<1000x640xi16, #tpu.memory_space<vmem>>, vector<8x640xi16>
    tpu.vector_store %swap3A_1824[%swap3A_1825, %swap3A_1826], %convert_element_type3A_1823 {strides = array<i32>} : memref<1000x640xi16, #tpu.memory_space<vmem>>, vector<8x640xi16>,
    %get3A_1828 = arith.constant 104 : index
    %get3A_1829 = arith.constant 0 : index
    %get3A_1830 = vector.load %arg4[%get3A_1828, %get3A_1829] : memref<1000x640xf32, #tpu.memory_space<vmem>>, vector<8x640xf32>
    %mul3A_1831 = vector.broadcast %mul3A_1476 : vector<1x640xf32> to vector<8x640xf32>
    %mul3A_1832 = arith.mulf %get3A_1830, %mul3A_1831 : vector<8x640xf32>
    %bitcast_convert_type3A_1833 = tpu.bitcast %mul3A_1832 : vector<8x640xf32> -> vector<8x640xi32>
    %add3A_1834 = arith.constant 4096 : i32
    %add3A_1835 = vector.broadcast %add3A_1834 : i32 to vector<8x640xi32>
    %add3A_1836 = arith.addi %bitcast_convert_type3A_1833, %add3A_1835 : vector<8x640xi32>
    %shift_right_logical3A_1837 = arith.constant 13 : i32
    %shift_right_logical3A_1838 = vector.broadcast %shift_right_logical3A_1837 : i32 to vector<8x640xi32>
    %shift_right_logical3A_1839 = arith.shrui %add3A_1836, %shift_right_logical3A_1838 : vector<8x640xi32>
    %and3A_1840 = arith.constant 32767 : i32
    %and3A_1841 = vector.broadcast %and3A_1840 : i32 to vector<8x640xi32>
    %and3A_1842 = arith.andi %shift_right_logical3A_1839, %and3A_1841 : vector<8x640xi32>
    %shift_right_logical3A_1843 = arith.constant 16 : i32
    %shift_right_logical3A_1844 = vector.broadcast %shift_right_logical3A_1843 : i32 to vector<8x640xi32>
    %shift_right_logical3A_1845 = arith.shrui %bitcast_convert_type3A_1833, %shift_right_logical3A_1844 : vector<8x640xi32>
    %and3A_1846 = arith.constant 32768 : i32
    %and3A_1847 = vector.broadcast %and3A_1846 : i32 to vector<8x640xi32>
    %and3A_1848 = arith.andi %shift_right_logical3A_1845, %and3A_1847 : vector<8x640xi32>
    %or3A_1849 = arith.ori %and3A_1848, %and3A_1842 : vector<8x640xi32>
    %convert_element_type3A_1850 = arith.trunci %or3A_1849 : vector<8x640xi32> to vector<8x640xi16>
    %swap3A_1851 = tpu.memref_bitcast %arg8 : memref<1000x640xf16, #tpu.memory_space<vmem>> -> memref<1000x640xi16, #tpu.memory_space<vmem>>
    %swap3A_1852 = arith.constant 104 : index
    %swap3A_1853 = arith.constant 0 : index
    %swap3A_1854 = vector.load %swap3A_1851[%swap3A_1852, %swap3A_1853] : memref<1000x640xi16, #tpu.memory_space<vmem>>, vector<8x640xi16>
    tpu.vector_store %swap3A_1851[%swap3A_1852, %swap3A_1853], %convert_element_type3A_1850 {strides = array<i32>} : memref<1000x640xi16, #tpu.memory_space<vmem>>, vector<8x640xi16>,
    %get3A_1855 = arith.constant 112 : index
    %get3A_1856 = arith.constant 0 : index
    %get3A_1857 = vector.load %arg4[%get3A_1855, %get3A_1856] : memref<1000x640xf32, #tpu.memory_space<vmem>>, vector<8x640xf32>
    %mul3A_1858 = vector.broadcast %mul3A_1476 : vector<1x640xf32> to vector<8x640xf32>
    %mul3A_1859 = arith.mulf %get3A_1857, %mul3A_1858 : vector<8x640xf32>
    %bitcast_convert_type3A_1860 = tpu.bitcast %mul3A_1859 : vector<8x640xf32> -> vector<8x640xi32>
    %add3A_1861 = arith.constant 4096 : i32
    %add3A_1862 = vector.broadcast %add3A_1861 : i32 to vector<8x640xi32>
    %add3A_1863 = arith.addi %bitcast_convert_type3A_1860, %add3A_1862 : vector<8x640xi32>
    %shift_right_logical3A_1864 = arith.constant 13 : i32
    %shift_right_logical3A_1865 = vector.broadcast %shift_right_logical3A_1864 : i32 to vector<8x640xi32>
    %shift_right_logical3A_1866 = arith.shrui %add3A_1863, %shift_right_logical3A_1865 : vector<8x640xi32>
    %and3A_1867 = arith.constant 32767 : i32
    %and3A_1868 = vector.broadcast %and3A_1867 : i32 to vector<8x640xi32>
    %and3A_1869 = arith.andi %shift_right_logical3A_1866, %and3A_1868 : vector<8x640xi32>
    %shift_right_logical3A_1870 = arith.constant 16 : i32
    %shift_right_logical3A_1871 = vector.broadcast %shift_right_logical3A_1870 : i32 to vector<8x640xi32>
    %shift_right_logical3A_1872 = arith.shrui %bitcast_convert_type3A_1860, %shift_right_logical3A_1871 : vector<8x640xi32>
    %and3A_1873 = arith.constant 32768 : i32
    %and3A_1874 = vector.broadcast %and3A_1873 : i32 to vector<8x640xi32>
    %and3A_1875 = arith.andi %shift_right_logical3A_1872, %and3A_1874 : vector<8x640xi32>
    %or3A_1876 = arith.ori %and3A_1875, %and3A_1869 : vector<8x640xi32>
    %convert_element_type3A_1877 = arith.trunci %or3A_1876 : vector<8x640xi32> to vector<8x640xi16>
    %swap3A_1878 = tpu.memref_bitcast %arg8 : memref<1000x640xf16, #tpu.memory_space<vmem>> -> memref<1000x640xi16, #tpu.memory_space<vmem>>
    %swap3A_1879 = arith.constant 112 : index
    %swap3A_1880 = arith.constant 0 : index
    %swap3A_1881 = vector.load %swap3A_1878[%swap3A_1879, %swap3A_1880] : memref<1000x640xi16, #tpu.memory_space<vmem>>, vector<8x640xi16>
    tpu.vector_store %swap3A_1878[%swap3A_1879, %swap3A_1880], %convert_element_type3A_1877 {strides = array<i32>} : memref<1000x640xi16, #tpu.memory_space<vmem>>, vector<8x640xi16>,
    %get3A_1882 = arith.constant 120 : index
    %get3A_1883 = arith.constant 0 : index
    %get3A_1884 = vector.load %arg4[%get3A_1882, %get3A_1883] : memref<1000x640xf32, #tpu.memory_space<vmem>>, vector<8x640xf32>
    %mul3A_1885 = vector.broadcast %mul3A_1476 : vector<1x640xf32> to vector<8x640xf32>
    %mul3A_1886 = arith.mulf %get3A_1884, %mul3A_1885 : vector<8x640xf32>
    %bitcast_convert_type3A_1887 = tpu.bitcast %mul3A_1886 : vector<8x640xf32> -> vector<8x640xi32>
    %add3A_1888 = arith.constant 4096 : i32
    %add3A_1889 = vector.broadcast %add3A_1888 : i32 to vector<8x640xi32>
    %add3A_1890 = arith.addi %bitcast_convert_type3A_1887, %add3A_1889 : vector<8x640xi32>
    %shift_right_logical3A_1891 = arith.constant 13 : i32
    %shift_right_logical3A_1892 = vector.broadcast %shift_right_logical3A_1891 : i32 to vector<8x640xi32>
    %shift_right_logical3A_1893 = arith.shrui %add3A_1890, %shift_right_logical3A_1892 : vector<8x640xi32>
    %and3A_1894 = arith.constant 32767 : i32
    %and3A_1895 = vector.broadcast %and3A_1894 : i32 to vector<8x640xi32>
    %and3A_1896 = arith.andi %shift_right_logical3A_1893, %and3A_1895 : vector<8x640xi32>
    %shift_right_logical3A_1897 = arith.constant 16 : i32
    %shift_right_logical3A_1898 = vector.broadcast %shift_right_logical3A_1897 : i32 to vector<8x640xi32>
    %shift_right_logical3A_1899 = arith.shrui %bitcast_convert_type3A_1887, %shift_right_logical3A_1898 : vector<8x640xi32>
    %and3A_1900 = arith.constant 32768 : i32
    %and3A_1901 = vector.broadcast %and3A_1900 : i32 to vector<8x640xi32>
    %and3A_1902 = arith.andi %shift_right_logical3A_1899, %and3A_1901 : vector<8x640xi32>
    %or3A_1903 = arith.ori %and3A_1902, %and3A_1896 : vector<8x640xi32>
    %convert_element_type3A_1904 = arith.trunci %or3A_1903 : vector<8x640xi32> to vector<8x640xi16>
    %swap3A_1905 = tpu.memref_bitcast %arg8 : memref<1000x640xf16, #tpu.memory_space<vmem>> -> memref<1000x640xi16, #tpu.memory_space<vmem>>
    %swap3A_1906 = arith.constant 120 : index
    %swap3A_1907 = arith.constant 0 : index
    %swap3A_1908 = vector.load %swap3A_1905[%swap3A_1906, %swap3A_1907] : memref<1000x640xi16, #tpu.memory_space<vmem>>, vector<8x640xi16>
    tpu.vector_store %swap3A_1905[%swap3A_1906, %swap3A_1907], %convert_element_type3A_1904 {strides = array<i32>} : memref<1000x640xi16, #tpu.memory_space<vmem>>, vector<8x640xi16>,
    %get3A_1909 = arith.constant 128 : index
    %get3A_1910 = arith.constant 0 : index
    %get3A_1911 = vector.load %arg4[%get3A_1909, %get3A_1910] : memref<1000x640xf32, #tpu.memory_space<vmem>>, vector<8x640xf32>
    %mul3A_1912 = vector.broadcast %mul3A_1476 : vector<1x640xf32> to vector<8x640xf32>
    %mul3A_1913 = arith.mulf %get3A_1911, %mul3A_1912 : vector<8x640xf32>
    %bitcast_convert_type3A_1914 = tpu.bitcast %mul3A_1913 : vector<8x640xf32> -> vector<8x640xi32>
    %add3A_1915 = arith.constant 4096 : i32
    %add3A_1916 = vector.broadcast %add3A_1915 : i32 to vector<8x640xi32>
    %add3A_1917 = arith.addi %bitcast_convert_type3A_1914, %add3A_1916 : vector<8x640xi32>
    %shift_right_logical3A_1918 = arith.constant 13 : i32
    %shift_right_logical3A_1919 = vector.broadcast %shift_right_logical3A_1918 : i32 to vector<8x640xi32>
    %shift_right_logical3A_1920 = arith.shrui %add3A_1917, %shift_right_logical3A_1919 : vector<8x640xi32>
    %and3A_1921 = arith.constant 32767 : i32
    %and3A_1922 = vector.broadcast %and3A_1921 : i32 to vector<8x640xi32>
    %and3A_1923 = arith.andi %shift_right_logical3A_1920, %and3A_1922 : vector<8x640xi32>
    %shift_right_logical3A_1924 = arith.constant 16 : i32
    %shift_right_logical3A_1925 = vector.broadcast %shift_right_logical3A_1924 : i32 to vector<8x640xi32>
    %shift_right_logical3A_1926 = arith.shrui %bitcast_convert_type3A_1914, %shift_right_logical3A_1925 : vector<8x640xi32>
    %and3A_1927 = arith.constant 32768 : i32
    %and3A_1928 = vector.broadcast %and3A_1927 : i32 to vector<8x640xi32>
    %and3A_1929 = arith.andi %shift_right_logical3A_1926, %and3A_1928 : vector<8x640xi32>
    %or3A_1930 = arith.ori %and3A_1929, %and3A_1923 : vector<8x640xi32>
    %convert_element_type3A_1931 = arith.trunci %or3A_1930 : vector<8x640xi32> to vector<8x640xi16>
    %swap3A_1932 = tpu.memref_bitcast %arg8 : memref<1000x640xf16, #tpu.memory_space<vmem>> -> memref<1000x640xi16, #tpu.memory_space<vmem>>
    %swap3A_1933 = arith.constant 128 : index
    %swap3A_1934 = arith.constant 0 : index
    %swap3A_1935 = vector.load %swap3A_1932[%swap3A_1933, %swap3A_1934] : memref<1000x640xi16, #tpu.memory_space<vmem>>, vector<8x640xi16>
    tpu.vector_store %swap3A_1932[%swap3A_1933, %swap3A_1934], %convert_element_type3A_1931 {strides = array<i32>} : memref<1000x640xi16, #tpu.memory_space<vmem>>, vector<8x640xi16>,
    %get3A_1936 = arith.constant 136 : index
    %get3A_1937 = arith.constant 0 : index
    %get3A_1938 = vector.load %arg4[%get3A_1936, %get3A_1937] : memref<1000x640xf32, #tpu.memory_space<vmem>>, vector<8x640xf32>
    %mul3A_1939 = vector.broadcast %mul3A_1476 : vector<1x640xf32> to vector<8x640xf32>
    %mul3A_1940 = arith.mulf %get3A_1938, %mul3A_1939 : vector<8x640xf32>
    %bitcast_convert_type3A_1941 = tpu.bitcast %mul3A_1940 : vector<8x640xf32> -> vector<8x640xi32>
    %add3A_1942 = arith.constant 4096 : i32
    %add3A_1943 = vector.broadcast %add3A_1942 : i32 to vector<8x640xi32>
    %add3A_1944 = arith.addi %bitcast_convert_type3A_1941, %add3A_1943 : vector<8x640xi32>
    %shift_right_logical3A_1945 = arith.constant 13 : i32
    %shift_right_logical3A_1946 = vector.broadcast %shift_right_logical3A_1945 : i32 to vector<8x640xi32>
    %shift_right_logical3A_1947 = arith.shrui %add3A_1944, %shift_right_logical3A_1946 : vector<8x640xi32>
    %and3A_1948 = arith.constant 32767 : i32
    %and3A_1949 = vector.broadcast %and3A_1948 : i32 to vector<8x640xi32>
    %and3A_1950 = arith.andi %shift_right_logical3A_1947, %and3A_1949 : vector<8x640xi32>
    %shift_right_logical3A_1951 = arith.constant 16 : i32
    %shift_right_logical3A_1952 = vector.broadcast %shift_right_logical3A_1951 : i32 to vector<8x640xi32>
    %shift_right_logical3A_1953 = arith.shrui %bitcast_convert_type3A_1941, %shift_right_logical3A_1952 : vector<8x640xi32>
    %and3A_1954 = arith.constant 32768 : i32
    %and3A_1955 = vector.broadcast %and3A_1954 : i32 to vector<8x640xi32>
    %and3A_1956 = arith.andi %shift_right_logical3A_1953, %and3A_1955 : vector<8x640xi32>
    %or3A_1957 = arith.ori %and3A_1956, %and3A_1950 : vector<8x640xi32>
    %convert_element_type3A_1958 = arith.trunci %or3A_1957 : vector<8x640xi32> to vector<8x640xi16>
    %swap3A_1959 = tpu.memref_bitcast %arg8 : memref<1000x640xf16, #tpu.memory_space<vmem>> -> memref<1000x640xi16, #tpu.memory_space<vmem>>
    %swap3A_1960 = arith.constant 136 : index
    %swap3A_1961 = arith.constant 0 : index
    %swap3A_1962 = vector.load %swap3A_1959[%swap3A_1960, %swap3A_1961] : memref<1000x640xi16, #tpu.memory_space<vmem>>, vector<8x640xi16>
    tpu.vector_store %swap3A_1959[%swap3A_1960, %swap3A_1961], %convert_element_type3A_1958 {strides = array<i32>} : memref<1000x640xi16, #tpu.memory_space<vmem>>, vector<8x640xi16>,
    %get3A_1963 = arith.constant 144 : index
    %get3A_1964 = arith.constant 0 : index
    %get3A_1965 = vector.load %arg4[%get3A_1963, %get3A_1964] : memref<1000x640xf32, #tpu.memory_space<vmem>>, vector<8x640xf32>
    %mul3A_1966 = vector.broadcast %mul3A_1476 : vector<1x640xf32> to vector<8x640xf32>
    %mul3A_1967 = arith.mulf %get3A_1965, %mul3A_1966 : vector<8x640xf32>
    %bitcast_convert_type3A_1968 = tpu.bitcast %mul3A_1967 : vector<8x640xf32> -> vector<8x640xi32>
    %add3A_1969 = arith.constant 4096 : i32
    %add3A_1970 = vector.broadcast %add3A_1969 : i32 to vector<8x640xi32>
    %add3A_1971 = arith.addi %bitcast_convert_type3A_1968, %add3A_1970 : vector<8x640xi32>
    %shift_right_logical3A_1972 = arith.constant 13 : i32
    %shift_right_logical3A_1973 = vector.broadcast %shift_right_logical3A_1972 : i32 to vector<8x640xi32>
    %shift_right_logical3A_1974 = arith.shrui %add3A_1971, %shift_right_logical3A_1973 : vector<8x640xi32>
    %and3A_1975 = arith.constant 32767 : i32
    %and3A_1976 = vector.broadcast %and3A_1975 : i32 to vector<8x640xi32>
    %and3A_1977 = arith.andi %shift_right_logical3A_1974, %and3A_1976 : vector<8x640xi32>
    %shift_right_logical3A_1978 = arith.constant 16 : i32
    %shift_right_logical3A_1979 = vector.broadcast %shift_right_logical3A_1978 : i32 to vector<8x640xi32>
    %shift_right_logical3A_1980 = arith.shrui %bitcast_convert_type3A_1968, %shift_right_logical3A_1979 : vector<8x640xi32>
    %and3A_1981 = arith.constant 32768 : i32
    %and3A_1982 = vector.broadcast %and3A_1981 : i32 to vector<8x640xi32>
    %and3A_1983 = arith.andi %shift_right_logical3A_1980, %and3A_1982 : vector<8x640xi32>
    %or3A_1984 = arith.ori %and3A_1983, %and3A_1977 : vector<8x640xi32>
    %convert_element_type3A_1985 = arith.trunci %or3A_1984 : vector<8x640xi32> to vector<8x640xi16>
    %swap3A_1986 = tpu.memref_bitcast %arg8 : memref<1000x640xf16, #tpu.memory_space<vmem>> -> memref<1000x640xi16, #tpu.memory_space<vmem>>
    %swap3A_1987 = arith.constant 144 : index
    %swap3A_1988 = arith.constant 0 : index
    %swap3A_1989 = vector.load %swap3A_1986[%swap3A_1987, %swap3A_1988] : memref<1000x640xi16, #tpu.memory_space<vmem>>, vector<8x640xi16>
    tpu.vector_store %swap3A_1986[%swap3A_1987, %swap3A_1988], %convert_element_type3A_1985 {strides = array<i32>} : memref<1000x640xi16, #tpu.memory_space<vmem>>, vector<8x640xi16>,
    %get3A_1990 = arith.constant 152 : index
    %get3A_1991 = arith.constant 0 : index
    %get3A_1992 = vector.load %arg4[%get3A_1990, %get3A_1991] : memref<1000x640xf32, #tpu.memory_space<vmem>>, vector<8x640xf32>
    %mul3A_1993 = vector.broadcast %mul3A_1476 : vector<1x640xf32> to vector<8x640xf32>
    %mul3A_1994 = arith.mulf %get3A_1992, %mul3A_1993 : vector<8x640xf32>
    %bitcast_convert_type3A_1995 = tpu.bitcast %mul3A_1994 : vector<8x640xf32> -> vector<8x640xi32>
    %add3A_1996 = arith.constant 4096 : i32
    %add3A_1997 = vector.broadcast %add3A_1996 : i32 to vector<8x640xi32>
    %add3A_1998 = arith.addi %bitcast_convert_type3A_1995, %add3A_1997 : vector<8x640xi32>
    %shift_right_logical3A_1999 = arith.constant 13 : i32
    %shift_right_logical3A_2000 = vector.broadcast %shift_right_logical3A_1999 : i32 to vector<8x640xi32>
    %shift_right_logical3A_2001 = arith.shrui %add3A_1998, %shift_right_logical3A_2000 : vector<8x640xi32>
    %and3A_2002 = arith.constant 32767 : i32
    %and3A_2003 = vector.broadcast %and3A_2002 : i32 to vector<8x640xi32>
    %and3A_2004 = arith.andi %shift_right_logical3A_2001, %and3A_2003 : vector<8x640xi32>
    %shift_right_logical3A_2005 = arith.constant 16 : i32
    %shift_right_logical3A_2006 = vector.broadcast %shift_right_logical3A_2005 : i32 to vector<8x640xi32>
    %shift_right_logical3A_2007 = arith.shrui %bitcast_convert_type3A_1995, %shift_right_logical3A_2006 : vector<8x640xi32>
    %and3A_2008 = arith.constant 32768 : i32
    %and3A_2009 = vector.broadcast %and3A_2008 : i32 to vector<8x640xi32>
    %and3A_2010 = arith.andi %shift_right_logical3A_2007, %and3A_2009 : vector<8x640xi32>
    %or3A_2011 = arith.ori %and3A_2010, %and3A_2004 : vector<8x640xi32>
    %convert_element_type3A_2012 = arith.trunci %or3A_2011 : vector<8x640xi32> to vector<8x640xi16>
    %swap3A_2013 = tpu.memref_bitcast %arg8 : memref<1000x640xf16, #tpu.memory_space<vmem>> -> memref<1000x640xi16, #tpu.memory_space<vmem>>
    %swap3A_2014 = arith.constant 152 : index
    %swap3A_2015 = arith.constant 0 : index
    %swap3A_2016 = vector.load %swap3A_2013[%swap3A_2014, %swap3A_2015] : memref<1000x640xi16, #tpu.memory_space<vmem>>, vector<8x640xi16>
    tpu.vector_store %swap3A_2013[%swap3A_2014, %swap3A_2015], %convert_element_type3A_2012 {strides = array<i32>} : memref<1000x640xi16, #tpu.memory_space<vmem>>, vector<8x640xi16>,
    %get3A_2017 = arith.constant 160 : index
    %get3A_2018 = arith.constant 0 : index
    %get3A_2019 = vector.load %arg4[%get3A_2017, %get3A_2018] : memref<1000x640xf32, #tpu.memory_space<vmem>>, vector<8x640xf32>
    %mul3A_2020 = vector.broadcast %mul3A_1476 : vector<1x640xf32> to vector<8x640xf32>
    %mul3A_2021 = arith.mulf %get3A_2019, %mul3A_2020 : vector<8x640xf32>
    %bitcast_convert_type3A_2022 = tpu.bitcast %mul3A_2021 : vector<8x640xf32> -> vector<8x640xi32>
    %add3A_2023 = arith.constant 4096 : i32
    %add3A_2024 = vector.broadcast %add3A_2023 : i32 to vector<8x640xi32>
    %add3A_2025 = arith.addi %bitcast_convert_type3A_2022, %add3A_2024 : vector<8x640xi32>
    %shift_right_logical3A_2026 = arith.constant 13 : i32
    %shift_right_logical3A_2027 = vector.broadcast %shift_right_logical3A_2026 : i32 to vector<8x640xi32>
    %shift_right_logical3A_2028 = arith.shrui %add3A_2025, %shift_right_logical3A_2027 : vector<8x640xi32>
    %and3A_2029 = arith.constant 32767 : i32
    %and3A_2030 = vector.broadcast %and3A_2029 : i32 to vector<8x640xi32>
    %and3A_2031 = arith.andi %shift_right_logical3A_2028, %and3A_2030 : vector<8x640xi32>
    %shift_right_logical3A_2032 = arith.constant 16 : i32
    %shift_right_logical3A_2033 = vector.broadcast %shift_right_logical3A_2032 : i32 to vector<8x640xi32>
    %shift_right_logical3A_2034 = arith.shrui %bitcast_convert_type3A_2022, %shift_right_logical3A_2033 : vector<8x640xi32>
    %and3A_2035 = arith.constant 32768 : i32
    %and3A_2036 = vector.broadcast %and3A_2035 : i32 to vector<8x640xi32>
    %and3A_2037 = arith.andi %shift_right_logical3A_2034, %and3A_2036 : vector<8x640xi32>
    %or3A_2038 = arith.ori %and3A_2037, %and3A_2031 : vector<8x640xi32>
    %convert_element_type3A_2039 = arith.trunci %or3A_2038 : vector<8x640xi32> to vector<8x640xi16>
    %swap3A_2040 = tpu.memref_bitcast %arg8 : memref<1000x640xf16, #tpu.memory_space<vmem>> -> memref<1000x640xi16, #tpu.memory_space<vmem>>
    %swap3A_2041 = arith.constant 160 : index
    %swap3A_2042 = arith.constant 0 : index
    %swap3A_2043 = vector.load %swap3A_2040[%swap3A_2041, %swap3A_2042] : memref<1000x640xi16, #tpu.memory_space<vmem>>, vector<8x640xi16>
    tpu.vector_store %swap3A_2040[%swap3A_2041, %swap3A_2042], %convert_element_type3A_2039 {strides = array<i32>} : memref<1000x640xi16, #tpu.memory_space<vmem>>, vector<8x640xi16>,
    %get3A_2044 = arith.constant 168 : index
    %get3A_2045 = arith.constant 0 : index
    %get3A_2046 = vector.load %arg4[%get3A_2044, %get3A_2045] : memref<1000x640xf32, #tpu.memory_space<vmem>>, vector<8x640xf32>
    %mul3A_2047 = vector.broadcast %mul3A_1476 : vector<1x640xf32> to vector<8x640xf32>
    %mul3A_2048 = arith.mulf %get3A_2046, %mul3A_2047 : vector<8x640xf32>
    %bitcast_convert_type3A_2049 = tpu.bitcast %mul3A_2048 : vector<8x640xf32> -> vector<8x640xi32>
    %add3A_2050 = arith.constant 4096 : i32
    %add3A_2051 = vector.broadcast %add3A_2050 : i32 to vector<8x640xi32>
    %add3A_2052 = arith.addi %bitcast_convert_type3A_2049, %add3A_2051 : vector<8x640xi32>
    %shift_right_logical3A_2053 = arith.constant 13 : i32
    %shift_right_logical3A_2054 = vector.broadcast %shift_right_logical3A_2053 : i32 to vector<8x640xi32>
    %shift_right_logical3A_2055 = arith.shrui %add3A_2052, %shift_right_logical3A_2054 : vector<8x640xi32>
    %and3A_2056 = arith.constant 32767 : i32
    %and3A_2057 = vector.broadcast %and3A_2056 : i32 to vector<8x640xi32>
    %and3A_2058 = arith.andi %shift_right_logical3A_2055, %and3A_2057 : vector<8x640xi32>
    %shift_right_logical3A_2059 = arith.constant 16 : i32
    %shift_right_logical3A_2060 = vector.broadcast %shift_right_logical3A_2059 : i32 to vector<8x640xi32>
    %shift_right_logical3A_2061 = arith.shrui %bitcast_convert_type3A_2049, %shift_right_logical3A_2060 : vector<8x640xi32>
    %and3A_2062 = arith.constant 32768 : i32
    %and3A_2063 = vector.broadcast %and3A_2062 : i32 to vector<8x640xi32>
    %and3A_2064 = arith.andi %shift_right_logical3A_2061, %and3A_2063 : vector<8x640xi32>
    %or3A_2065 = arith.ori %and3A_2064, %and3A_2058 : vector<8x640xi32>
    %convert_element_type3A_2066 = arith.trunci %or3A_2065 : vector<8x640xi32> to vector<8x640xi16>
    %swap3A_2067 = tpu.memref_bitcast %arg8 : memref<1000x640xf16, #tpu.memory_space<vmem>> -> memref<1000x640xi16, #tpu.memory_space<vmem>>
    %swap3A_2068 = arith.constant 168 : index
    %swap3A_2069 = arith.constant 0 : index
    %swap3A_2070 = vector.load %swap3A_2067[%swap3A_2068, %swap3A_2069] : memref<1000x640xi16, #tpu.memory_space<vmem>>, vector<8x640xi16>
    tpu.vector_store %swap3A_2067[%swap3A_2068, %swap3A_2069], %convert_element_type3A_2066 {strides = array<i32>} : memref<1000x640xi16, #tpu.memory_space<vmem>>, vector<8x640xi16>,
    %get3A_2071 = arith.constant 176 : index
    %get3A_2072 = arith.constant 0 : index
    %get3A_2073 = vector.load %arg4[%get3A_2071, %get3A_2072] : memref<1000x640xf32, #tpu.memory_space<vmem>>, vector<8x640xf32>
    %mul3A_2074 = vector.broadcast %mul3A_1476 : vector<1x640xf32> to vector<8x640xf32>
    %mul3A_2075 = arith.mulf %get3A_2073, %mul3A_2074 : vector<8x640xf32>
    %bitcast_convert_type3A_2076 = tpu.bitcast %mul3A_2075 : vector<8x640xf32> -> vector<8x640xi32>
    %add3A_2077 = arith.constant 4096 : i32
    %add3A_2078 = vector.broadcast %add3A_2077 : i32 to vector<8x640xi32>
    %add3A_2079 = arith.addi %bitcast_convert_type3A_2076, %add3A_2078 : vector<8x640xi32>
    %shift_right_logical3A_2080 = arith.constant 13 : i32
    %shift_right_logical3A_2081 = vector.broadcast %shift_right_logical3A_2080 : i32 to vector<8x640xi32>
    %shift_right_logical3A_2082 = arith.shrui %add3A_2079, %shift_right_logical3A_2081 : vector<8x640xi32>
    %and3A_2083 = arith.constant 32767 : i32
    %and3A_2084 = vector.broadcast %and3A_2083 : i32 to vector<8x640xi32>
    %and3A_2085 = arith.andi %shift_right_logical3A_2082, %and3A_2084 : vector<8x640xi32>
    %shift_right_logical3A_2086 = arith.constant 16 : i32
    %shift_right_logical3A_2087 = vector.broadcast %shift_right_logical3A_2086 : i32 to vector<8x640xi32>
    %shift_right_logical3A_2088 = arith.shrui %bitcast_convert_type3A_2076, %shift_right_logical3A_2087 : vector<8x640xi32>
    %and3A_2089 = arith.constant 32768 : i32
    %and3A_2090 = vector.broadcast %and3A_2089 : i32 to vector<8x640xi32>
    %and3A_2091 = arith.andi %shift_right_logical3A_2088, %and3A_2090 : vector<8x640xi32>
    %or3A_2092 = arith.ori %and3A_2091, %and3A_2085 : vector<8x640xi32>
    %convert_element_type3A_2093 = arith.trunci %or3A_2092 : vector<8x640xi32> to vector<8x640xi16>
    %swap3A_2094 = tpu.memref_bitcast %arg8 : memref<1000x640xf16, #tpu.memory_space<vmem>> -> memref<1000x640xi16, #tpu.memory_space<vmem>>
    %swap3A_2095 = arith.constant 176 : index
    %swap3A_2096 = arith.constant 0 : index
    %swap3A_2097 = vector.load %swap3A_2094[%swap3A_2095, %swap3A_2096] : memref<1000x640xi16, #tpu.memory_space<vmem>>, vector<8x640xi16>
    tpu.vector_store %swap3A_2094[%swap3A_2095, %swap3A_2096], %convert_element_type3A_2093 {strides = array<i32>} : memref<1000x640xi16, #tpu.memory_space<vmem>>, vector<8x640xi16>,
    %get3A_2098 = arith.constant 184 : index
    %get3A_2099 = arith.constant 0 : index
    %get3A_2100 = vector.load %arg4[%get3A_2098, %get3A_2099] : memref<1000x640xf32, #tpu.memory_space<vmem>>, vector<8x640xf32>
    %mul3A_2101 = vector.broadcast %mul3A_1476 : vector<1x640xf32> to vector<8x640xf32>
    %mul3A_2102 = arith.mulf %get3A_2100, %mul3A_2101 : vector<8x640xf32>
    %bitcast_convert_type3A_2103 = tpu.bitcast %mul3A_2102 : vector<8x640xf32> -> vector<8x640xi32>
    %add3A_2104 = arith.constant 4096 : i32
    %add3A_2105 = vector.broadcast %add3A_2104 : i32 to vector<8x640xi32>
    %add3A_2106 = arith.addi %bitcast_convert_type3A_2103, %add3A_2105 : vector<8x640xi32>
    %shift_right_logical3A_2107 = arith.constant 13 : i32
    %shift_right_logical3A_2108 = vector.broadcast %shift_right_logical3A_2107 : i32 to vector<8x640xi32>
    %shift_right_logical3A_2109 = arith.shrui %add3A_2106, %shift_right_logical3A_2108 : vector<8x640xi32>
    %and3A_2110 = arith.constant 32767 : i32
    %and3A_2111 = vector.broadcast %and3A_2110 : i32 to vector<8x640xi32>
    %and3A_2112 = arith.andi %shift_right_logical3A_2109, %and3A_2111 : vector<8x640xi32>
    %shift_right_logical3A_2113 = arith.constant 16 : i32
    %shift_right_logical3A_2114 = vector.broadcast %shift_right_logical3A_2113 : i32 to vector<8x640xi32>
    %shift_right_logical3A_2115 = arith.shrui %bitcast_convert_type3A_2103, %shift_right_logical3A_2114 : vector<8x640xi32>
    %and3A_2116 = arith.constant 32768 : i32
    %and3A_2117 = vector.broadcast %and3A_2116 : i32 to vector<8x640xi32>
    %and3A_2118 = arith.andi %shift_right_logical3A_2115, %and3A_2117 : vector<8x640xi32>
    %or3A_2119 = arith.ori %and3A_2118, %and3A_2112 : vector<8x640xi32>
    %convert_element_type3A_2120 = arith.trunci %or3A_2119 : vector<8x640xi32> to vector<8x640xi16>
    %swap3A_2121 = tpu.memref_bitcast %arg8 : memref<1000x640xf16, #tpu.memory_space<vmem>> -> memref<1000x640xi16, #tpu.memory_space<vmem>>
    %swap3A_2122 = arith.constant 184 : index
    %swap3A_2123 = arith.constant 0 : index
    %swap3A_2124 = vector.load %swap3A_2121[%swap3A_2122, %swap3A_2123] : memref<1000x640xi16, #tpu.memory_space<vmem>>, vector<8x640xi16>
    tpu.vector_store %swap3A_2121[%swap3A_2122, %swap3A_2123], %convert_element_type3A_2120 {strides = array<i32>} : memref<1000x640xi16, #tpu.memory_space<vmem>>, vector<8x640xi16>,
    %get3A_2125 = arith.constant 192 : index
    %get3A_2126 = arith.constant 0 : index
    %get3A_2127 = vector.load %arg4[%get3A_2125, %get3A_2126] : memref<1000x640xf32, #tpu.memory_space<vmem>>, vector<8x640xf32>
    %mul3A_2128 = vector.broadcast %mul3A_1476 : vector<1x640xf32> to vector<8x640xf32>
    %mul3A_2129 = arith.mulf %get3A_2127, %mul3A_2128 : vector<8x640xf32>
    %bitcast_convert_type3A_2130 = tpu.bitcast %mul3A_2129 : vector<8x640xf32> -> vector<8x640xi32>
    %add3A_2131 = arith.constant 4096 : i32
    %add3A_2132 = vector.broadcast %add3A_2131 : i32 to vector<8x640xi32>
    %add3A_2133 = arith.addi %bitcast_convert_type3A_2130, %add3A_2132 : vector<8x640xi32>
    %shift_right_logical3A_2134 = arith.constant 13 : i32
    %shift_right_logical3A_2135 = vector.broadcast %shift_right_logical3A_2134 : i32 to vector<8x640xi32>
    %shift_right_logical3A_2136 = arith.shrui %add3A_2133, %shift_right_logical3A_2135 : vector<8x640xi32>
    %and3A_2137 = arith.constant 32767 : i32
    %and3A_2138 = vector.broadcast %and3A_2137 : i32 to vector<8x640xi32>
    %and3A_2139 = arith.andi %shift_right_logical3A_2136, %and3A_2138 : vector<8x640xi32>
    %shift_right_logical3A_2140 = arith.constant 16 : i32
    %shift_right_logical3A_2141 = vector.broadcast %shift_right_logical3A_2140 : i32 to vector<8x640xi32>
    %shift_right_logical3A_2142 = arith.shrui %bitcast_convert_type3A_2130, %shift_right_logical3A_2141 : vector<8x640xi32>
    %and3A_2143 = arith.constant 32768 : i32
    %and3A_2144 = vector.broadcast %and3A_2143 : i32 to vector<8x640xi32>
    %and3A_2145 = arith.andi %shift_right_logical3A_2142, %and3A_2144 : vector<8x640xi32>
    %or3A_2146 = arith.ori %and3A_2145, %and3A_2139 : vector<8x640xi32>
    %convert_element_type3A_2147 = arith.trunci %or3A_2146 : vector<8x640xi32> to vector<8x640xi16>
    %swap3A_2148 = tpu.memref_bitcast %arg8 : memref<1000x640xf16, #tpu.memory_space<vmem>> -> memref<1000x640xi16, #tpu.memory_space<vmem>>
    %swap3A_2149 = arith.constant 192 : index
    %swap3A_2150 = arith.constant 0 : index
    %swap3A_2151 = vector.load %swap3A_2148[%swap3A_2149, %swap3A_2150] : memref<1000x640xi16, #tpu.memory_space<vmem>>, vector<8x640xi16>
    tpu.vector_store %swap3A_2148[%swap3A_2149, %swap3A_2150], %convert_element_type3A_2147 {strides = array<i32>} : memref<1000x640xi16, #tpu.memory_space<vmem>>, vector<8x640xi16>,
    %get3A_2152 = arith.constant 200 : index
    %get3A_2153 = arith.constant 0 : index
    %get3A_2154 = vector.load %arg4[%get3A_2152, %get3A_2153] : memref<1000x640xf32, #tpu.memory_space<vmem>>, vector<8x640xf32>
    %mul3A_2155 = vector.broadcast %mul3A_1476 : vector<1x640xf32> to vector<8x640xf32>
    %mul3A_2156 = arith.mulf %get3A_2154, %mul3A_2155 : vector<8x640xf32>
    %bitcast_convert_type3A_2157 = tpu.bitcast %mul3A_2156 : vector<8x640xf32> -> vector<8x640xi32>
    %add3A_2158 = arith.constant 4096 : i32
    %add3A_2159 = vector.broadcast %add3A_2158 : i32 to vector<8x640xi32>
    %add3A_2160 = arith.addi %bitcast_convert_type3A_2157, %add3A_2159 : vector<8x640xi32>
    %shift_right_logical3A_2161 = arith.constant 13 : i32
    %shift_right_logical3A_2162 = vector.broadcast %shift_right_logical3A_2161 : i32 to vector<8x640xi32>
    %shift_right_logical3A_2163 = arith.shrui %add3A_2160, %shift_right_logical3A_2162 : vector<8x640xi32>
    %and3A_2164 = arith.constant 32767 : i32
    %and3A_2165 = vector.broadcast %and3A_2164 : i32 to vector<8x640xi32>
    %and3A_2166 = arith.andi %shift_right_logical3A_2163, %and3A_2165 : vector<8x640xi32>
    %shift_right_logical3A_2167 = arith.constant 16 : i32
    %shift_right_logical3A_2168 = vector.broadcast %shift_right_logical3A_2167 : i32 to vector<8x640xi32>
    %shift_right_logical3A_2169 = arith.shrui %bitcast_convert_type3A_2157, %shift_right_logical3A_2168 : vector<8x640xi32>
    %and3A_2170 = arith.constant 32768 : i32
    %and3A_2171 = vector.broadcast %and3A_2170 : i32 to vector<8x640xi32>
    %and3A_2172 = arith.andi %shift_right_logical3A_2169, %and3A_2171 : vector<8x640xi32>
    %or3A_2173 = arith.ori %and3A_2172, %and3A_2166 : vector<8x640xi32>
    %convert_element_type3A_2174 = arith.trunci %or3A_2173 : vector<8x640xi32> to vector<8x640xi16>
    %swap3A_2175 = tpu.memref_bitcast %arg8 : memref<1000x640xf16, #tpu.memory_space<vmem>> -> memref<1000x640xi16, #tpu.memory_space<vmem>>
    %swap3A_2176 = arith.constant 200 : index
    %swap3A_2177 = arith.constant 0 : index
    %swap3A_2178 = vector.load %swap3A_2175[%swap3A_2176, %swap3A_2177] : memref<1000x640xi16, #tpu.memory_space<vmem>>, vector<8x640xi16>
    tpu.vector_store %swap3A_2175[%swap3A_2176, %swap3A_2177], %convert_element_type3A_2174 {strides = array<i32>} : memref<1000x640xi16, #tpu.memory_space<vmem>>, vector<8x640xi16>,
    %get3A_2179 = arith.constant 208 : index
    %get3A_2180 = arith.constant 0 : index
    %get3A_2181 = vector.load %arg4[%get3A_2179, %get3A_2180] : memref<1000x640xf32, #tpu.memory_space<vmem>>, vector<8x640xf32>
    %mul3A_2182 = vector.broadcast %mul3A_1476 : vector<1x640xf32> to vector<8x640xf32>
    %mul3A_2183 = arith.mulf %get3A_2181, %mul3A_2182 : vector<8x640xf32>
    %bitcast_convert_type3A_2184 = tpu.bitcast %mul3A_2183 : vector<8x640xf32> -> vector<8x640xi32>
    %add3A_2185 = arith.constant 4096 : i32
    %add3A_2186 = vector.broadcast %add3A_2185 : i32 to vector<8x640xi32>
    %add3A_2187 = arith.addi %bitcast_convert_type3A_2184, %add3A_2186 : vector<8x640xi32>
    %shift_right_logical3A_2188 = arith.constant 13 : i32
    %shift_right_logical3A_2189 = vector.broadcast %shift_right_logical3A_2188 : i32 to vector<8x640xi32>
    %shift_right_logical3A_2190 = arith.shrui %add3A_2187, %shift_right_logical3A_2189 : vector<8x640xi32>
    %and3A_2191 = arith.constant 32767 : i32
    %and3A_2192 = vector.broadcast %and3A_2191 : i32 to vector<8x640xi32>
    %and3A_2193 = arith.andi %shift_right_logical3A_2190, %and3A_2192 : vector<8x640xi32>
    %shift_right_logical3A_2194 = arith.constant 16 : i32
    %shift_right_logical3A_2195 = vector.broadcast %shift_right_logical3A_2194 : i32 to vector<8x640xi32>
    %shift_right_logical3A_2196 = arith.shrui %bitcast_convert_type3A_2184, %shift_right_logical3A_2195 : vector<8x640xi32>
    %and3A_2197 = arith.constant 32768 : i32
    %and3A_2198 = vector.broadcast %and3A_2197 : i32 to vector<8x640xi32>
    %and3A_2199 = arith.andi %shift_right_logical3A_2196, %and3A_2198 : vector<8x640xi32>
    %or3A_2200 = arith.ori %and3A_2199, %and3A_2193 : vector<8x640xi32>
    %convert_element_type3A_2201 = arith.trunci %or3A_2200 : vector<8x640xi32> to vector<8x640xi16>
    %swap3A_2202 = tpu.memref_bitcast %arg8 : memref<1000x640xf16, #tpu.memory_space<vmem>> -> memref<1000x640xi16, #tpu.memory_space<vmem>>
    %swap3A_2203 = arith.constant 208 : index
    %swap3A_2204 = arith.constant 0 : index
    %swap3A_2205 = vector.load %swap3A_2202[%swap3A_2203, %swap3A_2204] : memref<1000x640xi16, #tpu.memory_space<vmem>>, vector<8x640xi16>
    tpu.vector_store %swap3A_2202[%swap3A_2203, %swap3A_2204], %convert_element_type3A_2201 {strides = array<i32>} : memref<1000x640xi16, #tpu.memory_space<vmem>>, vector<8x640xi16>,
    %get3A_2206 = arith.constant 216 : index
    %get3A_2207 = arith.constant 0 : index
    %get3A_2208 = vector.load %arg4[%get3A_2206, %get3A_2207] : memref<1000x640xf32, #tpu.memory_space<vmem>>, vector<8x640xf32>
    %mul3A_2209 = vector.broadcast %mul3A_1476 : vector<1x640xf32> to vector<8x640xf32>
    %mul3A_2210 = arith.mulf %get3A_2208, %mul3A_2209 : vector<8x640xf32>
    %bitcast_convert_type3A_2211 = tpu.bitcast %mul3A_2210 : vector<8x640xf32> -> vector<8x640xi32>
    %add3A_2212 = arith.constant 4096 : i32
    %add3A_2213 = vector.broadcast %add3A_2212 : i32 to vector<8x640xi32>
    %add3A_2214 = arith.addi %bitcast_convert_type3A_2211, %add3A_2213 : vector<8x640xi32>
    %shift_right_logical3A_2215 = arith.constant 13 : i32
    %shift_right_logical3A_2216 = vector.broadcast %shift_right_logical3A_2215 : i32 to vector<8x640xi32>
    %shift_right_logical3A_2217 = arith.shrui %add3A_2214, %shift_right_logical3A_2216 : vector<8x640xi32>
    %and3A_2218 = arith.constant 32767 : i32
    %and3A_2219 = vector.broadcast %and3A_2218 : i32 to vector<8x640xi32>
    %and3A_2220 = arith.andi %shift_right_logical3A_2217, %and3A_2219 : vector<8x640xi32>
    %shift_right_logical3A_2221 = arith.constant 16 : i32
    %shift_right_logical3A_2222 = vector.broadcast %shift_right_logical3A_2221 : i32 to vector<8x640xi32>
    %shift_right_logical3A_2223 = arith.shrui %bitcast_convert_type3A_2211, %shift_right_logical3A_2222 : vector<8x640xi32>
    %and3A_2224 = arith.constant 32768 : i32
    %and3A_2225 = vector.broadcast %and3A_2224 : i32 to vector<8x640xi32>
    %and3A_2226 = arith.andi %shift_right_logical3A_2223, %and3A_2225 : vector<8x640xi32>
    %or3A_2227 = arith.ori %and3A_2226, %and3A_2220 : vector<8x640xi32>
    %convert_element_type3A_2228 = arith.trunci %or3A_2227 : vector<8x640xi32> to vector<8x640xi16>
    %swap3A_2229 = tpu.memref_bitcast %arg8 : memref<1000x640xf16, #tpu.memory_space<vmem>> -> memref<1000x640xi16, #tpu.memory_space<vmem>>
    %swap3A_2230 = arith.constant 216 : index
    %swap3A_2231 = arith.constant 0 : index
    %swap3A_2232 = vector.load %swap3A_2229[%swap3A_2230, %swap3A_2231] : memref<1000x640xi16, #tpu.memory_space<vmem>>, vector<8x640xi16>
    tpu.vector_store %swap3A_2229[%swap3A_2230, %swap3A_2231], %convert_element_type3A_2228 {strides = array<i32>} : memref<1000x640xi16, #tpu.memory_space<vmem>>, vector<8x640xi16>,
    %get3A_2233 = arith.constant 224 : index
    %get3A_2234 = arith.constant 0 : index
    %get3A_2235 = vector.load %arg4[%get3A_2233, %get3A_2234] : memref<1000x640xf32, #tpu.memory_space<vmem>>, vector<8x640xf32>
    %mul3A_2236 = vector.broadcast %mul3A_1476 : vector<1x640xf32> to vector<8x640xf32>
    %mul3A_2237 = arith.mulf %get3A_2235, %mul3A_2236 : vector<8x640xf32>
    %bitcast_convert_type3A_2238 = tpu.bitcast %mul3A_2237 : vector<8x640xf32> -> vector<8x640xi32>
    %add3A_2239 = arith.constant 4096 : i32
    %add3A_2240 = vector.broadcast %add3A_2239 : i32 to vector<8x640xi32>
    %add3A_2241 = arith.addi %bitcast_convert_type3A_2238, %add3A_2240 : vector<8x640xi32>
    %shift_right_logical3A_2242 = arith.constant 13 : i32
    %shift_right_logical3A_2243 = vector.broadcast %shift_right_logical3A_2242 : i32 to vector<8x640xi32>
    %shift_right_logical3A_2244 = arith.shrui %add3A_2241, %shift_right_logical3A_2243 : vector<8x640xi32>
    %and3A_2245 = arith.constant 32767 : i32
    %and3A_2246 = vector.broadcast %and3A_2245 : i32 to vector<8x640xi32>
    %and3A_2247 = arith.andi %shift_right_logical3A_2244, %and3A_2246 : vector<8x640xi32>
    %shift_right_logical3A_2248 = arith.constant 16 : i32
    %shift_right_logical3A_2249 = vector.broadcast %shift_right_logical3A_2248 : i32 to vector<8x640xi32>
    %shift_right_logical3A_2250 = arith.shrui %bitcast_convert_type3A_2238, %shift_right_logical3A_2249 : vector<8x640xi32>
    %and3A_2251 = arith.constant 32768 : i32
    %and3A_2252 = vector.broadcast %and3A_2251 : i32 to vector<8x640xi32>
    %and3A_2253 = arith.andi %shift_right_logical3A_2250, %and3A_2252 : vector<8x640xi32>
    %or3A_2254 = arith.ori %and3A_2253, %and3A_2247 : vector<8x640xi32>
    %convert_element_type3A_2255 = arith.trunci %or3A_2254 : vector<8x640xi32> to vector<8x640xi16>
    %swap3A_2256 = tpu.memref_bitcast %arg8 : memref<1000x640xf16, #tpu.memory_space<vmem>> -> memref<1000x640xi16, #tpu.memory_space<vmem>>
    %swap3A_2257 = arith.constant 224 : index
    %swap3A_2258 = arith.constant 0 : index
    %swap3A_2259 = vector.load %swap3A_2256[%swap3A_2257, %swap3A_2258] : memref<1000x640xi16, #tpu.memory_space<vmem>>, vector<8x640xi16>
    tpu.vector_store %swap3A_2256[%swap3A_2257, %swap3A_2258], %convert_element_type3A_2255 {strides = array<i32>} : memref<1000x640xi16, #tpu.memory_space<vmem>>, vector<8x640xi16>,
    %get3A_2260 = arith.constant 232 : index
    %get3A_2261 = arith.constant 0 : index
    %get3A_2262 = vector.load %arg4[%get3A_2260, %get3A_2261] : memref<1000x640xf32, #tpu.memory_space<vmem>>, vector<8x640xf32>
    %mul3A_2263 = vector.broadcast %mul3A_1476 : vector<1x640xf32> to vector<8x640xf32>
    %mul3A_2264 = arith.mulf %get3A_2262, %mul3A_2263 : vector<8x640xf32>
    %bitcast_convert_type3A_2265 = tpu.bitcast %mul3A_2264 : vector<8x640xf32> -> vector<8x640xi32>
    %add3A_2266 = arith.constant 4096 : i32
    %add3A_2267 = vector.broadcast %add3A_2266 : i32 to vector<8x640xi32>
    %add3A_2268 = arith.addi %bitcast_convert_type3A_2265, %add3A_2267 : vector<8x640xi32>
    %shift_right_logical3A_2269 = arith.constant 13 : i32
    %shift_right_logical3A_2270 = vector.broadcast %shift_right_logical3A_2269 : i32 to vector<8x640xi32>
    %shift_right_logical3A_2271 = arith.shrui %add3A_2268, %shift_right_logical3A_2270 : vector<8x640xi32>
    %and3A_2272 = arith.constant 32767 : i32
    %and3A_2273 = vector.broadcast %and3A_2272 : i32 to vector<8x640xi32>
    %and3A_2274 = arith.andi %shift_right_logical3A_2271, %and3A_2273 : vector<8x640xi32>
    %shift_right_logical3A_2275 = arith.constant 16 : i32
    %shift_right_logical3A_2276 = vector.broadcast %shift_right_logical3A_2275 : i32 to vector<8x640xi32>
    %shift_right_logical3A_2277 = arith.shrui %bitcast_convert_type3A_2265, %shift_right_logical3A_2276 : vector<8x640xi32>
    %and3A_2278 = arith.constant 32768 : i32
    %and3A_2279 = vector.broadcast %and3A_2278 : i32 to vector<8x640xi32>
    %and3A_2280 = arith.andi %shift_right_logical3A_2277, %and3A_2279 : vector<8x640xi32>
    %or3A_2281 = arith.ori %and3A_2280, %and3A_2274 : vector<8x640xi32>
    %convert_element_type3A_2282 = arith.trunci %or3A_2281 : vector<8x640xi32> to vector<8x640xi16>
    %swap3A_2283 = tpu.memref_bitcast %arg8 : memref<1000x640xf16, #tpu.memory_space<vmem>> -> memref<1000x640xi16, #tpu.memory_space<vmem>>
    %swap3A_2284 = arith.constant 232 : index
    %swap3A_2285 = arith.constant 0 : index
    %swap3A_2286 = vector.load %swap3A_2283[%swap3A_2284, %swap3A_2285] : memref<1000x640xi16, #tpu.memory_space<vmem>>, vector<8x640xi16>
    tpu.vector_store %swap3A_2283[%swap3A_2284, %swap3A_2285], %convert_element_type3A_2282 {strides = array<i32>} : memref<1000x640xi16, #tpu.memory_space<vmem>>, vector<8x640xi16>,
    %get3A_2287 = arith.constant 240 : index
    %get3A_2288 = arith.constant 0 : index
    %get3A_2289 = vector.load %arg4[%get3A_2287, %get3A_2288] : memref<1000x640xf32, #tpu.memory_space<vmem>>, vector<8x640xf32>
    %mul3A_2290 = vector.broadcast %mul3A_1476 : vector<1x640xf32> to vector<8x640xf32>
    %mul3A_2291 = arith.mulf %get3A_2289, %mul3A_2290 : vector<8x640xf32>
    %bitcast_convert_type3A_2292 = tpu.bitcast %mul3A_2291 : vector<8x640xf32> -> vector<8x640xi32>
    %add3A_2293 = arith.constant 4096 : i32
    %add3A_2294 = vector.broadcast %add3A_2293 : i32 to vector<8x640xi32>
    %add3A_2295 = arith.addi %bitcast_convert_type3A_2292, %add3A_2294 : vector<8x640xi32>
    %shift_right_logical3A_2296 = arith.constant 13 : i32
    %shift_right_logical3A_2297 = vector.broadcast %shift_right_logical3A_2296 : i32 to vector<8x640xi32>
    %shift_right_logical3A_2298 = arith.shrui %add3A_2295, %shift_right_logical3A_2297 : vector<8x640xi32>
    %and3A_2299 = arith.constant 32767 : i32
    %and3A_2300 = vector.broadcast %and3A_2299 : i32 to vector<8x640xi32>
    %and3A_2301 = arith.andi %shift_right_logical3A_2298, %and3A_2300 : vector<8x640xi32>
    %shift_right_logical3A_2302 = arith.constant 16 : i32
    %shift_right_logical3A_2303 = vector.broadcast %shift_right_logical3A_2302 : i32 to vector<8x640xi32>
    %shift_right_logical3A_2304 = arith.shrui %bitcast_convert_type3A_2292, %shift_right_logical3A_2303 : vector<8x640xi32>
    %and3A_2305 = arith.constant 32768 : i32
    %and3A_2306 = vector.broadcast %and3A_2305 : i32 to vector<8x640xi32>
    %and3A_2307 = arith.andi %shift_right_logical3A_2304, %and3A_2306 : vector<8x640xi32>
    %or3A_2308 = arith.ori %and3A_2307, %and3A_2301 : vector<8x640xi32>
    %convert_element_type3A_2309 = arith.trunci %or3A_2308 : vector<8x640xi32> to vector<8x640xi16>
    %swap3A_2310 = tpu.memref_bitcast %arg8 : memref<1000x640xf16, #tpu.memory_space<vmem>> -> memref<1000x640xi16, #tpu.memory_space<vmem>>
    %swap3A_2311 = arith.constant 240 : index
    %swap3A_2312 = arith.constant 0 : index
    %swap3A_2313 = vector.load %swap3A_2310[%swap3A_2311, %swap3A_2312] : memref<1000x640xi16, #tpu.memory_space<vmem>>, vector<8x640xi16>
    tpu.vector_store %swap3A_2310[%swap3A_2311, %swap3A_2312], %convert_element_type3A_2309 {strides = array<i32>} : memref<1000x640xi16, #tpu.memory_space<vmem>>, vector<8x640xi16>,
    %get3A_2314 = arith.constant 248 : index
    %get3A_2315 = arith.constant 0 : index
    %get3A_2316 = vector.load %arg4[%get3A_2314, %get3A_2315] : memref<1000x640xf32, #tpu.memory_space<vmem>>, vector<8x640xf32>
    %mul3A_2317 = vector.broadcast %mul3A_1476 : vector<1x640xf32> to vector<8x640xf32>
    %mul3A_2318 = arith.mulf %get3A_2316, %mul3A_2317 : vector<8x640xf32>
    %bitcast_convert_type3A_2319 = tpu.bitcast %mul3A_2318 : vector<8x640xf32> -> vector<8x640xi32>
    %add3A_2320 = arith.constant 4096 : i32
    %add3A_2321 = vector.broadcast %add3A_2320 : i32 to vector<8x640xi32>
    %add3A_2322 = arith.addi %bitcast_convert_type3A_2319, %add3A_2321 : vector<8x640xi32>
    %shift_right_logical3A_2323 = arith.constant 13 : i32
    %shift_right_logical3A_2324 = vector.broadcast %shift_right_logical3A_2323 : i32 to vector<8x640xi32>
    %shift_right_logical3A_2325 = arith.shrui %add3A_2322, %shift_right_logical3A_2324 : vector<8x640xi32>
    %and3A_2326 = arith.constant 32767 : i32
    %and3A_2327 = vector.broadcast %and3A_2326 : i32 to vector<8x640xi32>
    %and3A_2328 = arith.andi %shift_right_logical3A_2325, %and3A_2327 : vector<8x640xi32>
    %shift_right_logical3A_2329 = arith.constant 16 : i32
    %shift_right_logical3A_2330 = vector.broadcast %shift_right_logical3A_2329 : i32 to vector<8x640xi32>
    %shift_right_logical3A_2331 = arith.shrui %bitcast_convert_type3A_2319, %shift_right_logical3A_2330 : vector<8x640xi32>
    %and3A_2332 = arith.constant 32768 : i32
    %and3A_2333 = vector.broadcast %and3A_2332 : i32 to vector<8x640xi32>
    %and3A_2334 = arith.andi %shift_right_logical3A_2331, %and3A_2333 : vector<8x640xi32>
    %or3A_2335 = arith.ori %and3A_2334, %and3A_2328 : vector<8x640xi32>
    %convert_element_type3A_2336 = arith.trunci %or3A_2335 : vector<8x640xi32> to vector<8x640xi16>
    %swap3A_2337 = tpu.memref_bitcast %arg8 : memref<1000x640xf16, #tpu.memory_space<vmem>> -> memref<1000x640xi16, #tpu.memory_space<vmem>>
    %swap3A_2338 = arith.constant 248 : index
    %swap3A_2339 = arith.constant 0 : index
    %swap3A_2340 = vector.load %swap3A_2337[%swap3A_2338, %swap3A_2339] : memref<1000x640xi16, #tpu.memory_space<vmem>>, vector<8x640xi16>
    tpu.vector_store %swap3A_2337[%swap3A_2338, %swap3A_2339], %convert_element_type3A_2336 {strides = array<i32>} : memref<1000x640xi16, #tpu.memory_space<vmem>>, vector<8x640xi16>,
    %get3A_2341 = arith.constant 256 : index
    %get3A_2342 = arith.constant 0 : index
    %get3A_2343 = vector.load %arg4[%get3A_2341, %get3A_2342] : memref<1000x640xf32, #tpu.memory_space<vmem>>, vector<8x640xf32>
    %mul3A_2344 = vector.broadcast %mul3A_1476 : vector<1x640xf32> to vector<8x640xf32>
    %mul3A_2345 = arith.mulf %get3A_2343, %mul3A_2344 : vector<8x640xf32>
    %bitcast_convert_type3A_2346 = tpu.bitcast %mul3A_2345 : vector<8x640xf32> -> vector<8x640xi32>
    %add3A_2347 = arith.constant 4096 : i32
    %add3A_2348 = vector.broadcast %add3A_2347 : i32 to vector<8x640xi32>
    %add3A_2349 = arith.addi %bitcast_convert_type3A_2346, %add3A_2348 : vector<8x640xi32>
    %shift_right_logical3A_2350 = arith.constant 13 : i32
    %shift_right_logical3A_2351 = vector.broadcast %shift_right_logical3A_2350 : i32 to vector<8x640xi32>
    %shift_right_logical3A_2352 = arith.shrui %add3A_2349, %shift_right_logical3A_2351 : vector<8x640xi32>
    %and3A_2353 = arith.constant 32767 : i32
    %and3A_2354 = vector.broadcast %and3A_2353 : i32 to vector<8x640xi32>
    %and3A_2355 = arith.andi %shift_right_logical3A_2352, %and3A_2354 : vector<8x640xi32>
    %shift_right_logical3A_2356 = arith.constant 16 : i32
    %shift_right_logical3A_2357 = vector.broadcast %shift_right_logical3A_2356 : i32 to vector<8x640xi32>
    %shift_right_logical3A_2358 = arith.shrui %bitcast_convert_type3A_2346, %shift_right_logical3A_2357 : vector<8x640xi32>
    %and3A_2359 = arith.constant 32768 : i32
    %and3A_2360 = vector.broadcast %and3A_2359 : i32 to vector<8x640xi32>
    %and3A_2361 = arith.andi %shift_right_logical3A_2358, %and3A_2360 : vector<8x640xi32>
    %or3A_2362 = arith.ori %and3A_2361, %and3A_2355 : vector<8x640xi32>
    %convert_element_type3A_2363 = arith.trunci %or3A_2362 : vector<8x640xi32> to vector<8x640xi16>
    %swap3A_2364 = tpu.memref_bitcast %arg8 : memref<1000x640xf16, #tpu.memory_space<vmem>> -> memref<1000x640xi16, #tpu.memory_space<vmem>>
    %swap3A_2365 = arith.constant 256 : index
    %swap3A_2366 = arith.constant 0 : index
    %swap3A_2367 = vector.load %swap3A_2364[%swap3A_2365, %swap3A_2366] : memref<1000x640xi16, #tpu.memory_space<vmem>>, vector<8x640xi16>
    tpu.vector_store %swap3A_2364[%swap3A_2365, %swap3A_2366], %convert_element_type3A_2363 {strides = array<i32>} : memref<1000x640xi16, #tpu.memory_space<vmem>>, vector<8x640xi16>,
    %get3A_2368 = arith.constant 264 : index
    %get3A_2369 = arith.constant 0 : index
    %get3A_2370 = vector.load %arg4[%get3A_2368, %get3A_2369] : memref<1000x640xf32, #tpu.memory_space<vmem>>, vector<8x640xf32>
    %mul3A_2371 = vector.broadcast %mul3A_1476 : vector<1x640xf32> to vector<8x640xf32>
    %mul3A_2372 = arith.mulf %get3A_2370, %mul3A_2371 : vector<8x640xf32>
    %bitcast_convert_type3A_2373 = tpu.bitcast %mul3A_2372 : vector<8x640xf32> -> vector<8x640xi32>
    %add3A_2374 = arith.constant 4096 : i32
    %add3A_2375 = vector.broadcast %add3A_2374 : i32 to vector<8x640xi32>
    %add3A_2376 = arith.addi %bitcast_convert_type3A_2373, %add3A_2375 : vector<8x640xi32>
    %shift_right_logical3A_2377 = arith.constant 13 : i32
    %shift_right_logical3A_2378 = vector.broadcast %shift_right_logical3A_2377 : i32 to vector<8x640xi32>
    %shift_right_logical3A_2379 = arith.shrui %add3A_2376, %shift_right_logical3A_2378 : vector<8x640xi32>
    %and3A_2380 = arith.constant 32767 : i32
    %and3A_2381 = vector.broadcast %and3A_2380 : i32 to vector<8x640xi32>
    %and3A_2382 = arith.andi %shift_right_logical3A_2379, %and3A_2381 : vector<8x640xi32>
    %shift_right_logical3A_2383 = arith.constant 16 : i32
    %shift_right_logical3A_2384 = vector.broadcast %shift_right_logical3A_2383 : i32 to vector<8x640xi32>
    %shift_right_logical3A_2385 = arith.shrui %bitcast_convert_type3A_2373, %shift_right_logical3A_2384 : vector<8x640xi32>
    %and3A_2386 = arith.constant 32768 : i32
    %and3A_2387 = vector.broadcast %and3A_2386 : i32 to vector<8x640xi32>
    %and3A_2388 = arith.andi %shift_right_logical3A_2385, %and3A_2387 : vector<8x640xi32>
    %or3A_2389 = arith.ori %and3A_2388, %and3A_2382 : vector<8x640xi32>
    %convert_element_type3A_2390 = arith.trunci %or3A_2389 : vector<8x640xi32> to vector<8x640xi16>
    %swap3A_2391 = tpu.memref_bitcast %arg8 : memref<1000x640xf16, #tpu.memory_space<vmem>> -> memref<1000x640xi16, #tpu.memory_space<vmem>>
    %swap3A_2392 = arith.constant 264 : index
    %swap3A_2393 = arith.constant 0 : index
    %swap3A_2394 = vector.load %swap3A_2391[%swap3A_2392, %swap3A_2393] : memref<1000x640xi16, #tpu.memory_space<vmem>>, vector<8x640xi16>
    tpu.vector_store %swap3A_2391[%swap3A_2392, %swap3A_2393], %convert_element_type3A_2390 {strides = array<i32>} : memref<1000x640xi16, #tpu.memory_space<vmem>>, vector<8x640xi16>,
    %get3A_2395 = arith.constant 272 : index
    %get3A_2396 = arith.constant 0 : index
    %get3A_2397 = vector.load %arg4[%get3A_2395, %get3A_2396] : memref<1000x640xf32, #tpu.memory_space<vmem>>, vector<8x640xf32>
    %mul3A_2398 = vector.broadcast %mul3A_1476 : vector<1x640xf32> to vector<8x640xf32>
    %mul3A_2399 = arith.mulf %get3A_2397, %mul3A_2398 : vector<8x640xf32>
    %bitcast_convert_type3A_2400 = tpu.bitcast %mul3A_2399 : vector<8x640xf32> -> vector<8x640xi32>
    %add3A_2401 = arith.constant 4096 : i32
    %add3A_2402 = vector.broadcast %add3A_2401 : i32 to vector<8x640xi32>
    %add3A_2403 = arith.addi %bitcast_convert_type3A_2400, %add3A_2402 : vector<8x640xi32>
    %shift_right_logical3A_2404 = arith.constant 13 : i32
    %shift_right_logical3A_2405 = vector.broadcast %shift_right_logical3A_2404 : i32 to vector<8x640xi32>
    %shift_right_logical3A_2406 = arith.shrui %add3A_2403, %shift_right_logical3A_2405 : vector<8x640xi32>
    %and3A_2407 = arith.constant 32767 : i32
    %and3A_2408 = vector.broadcast %and3A_2407 : i32 to vector<8x640xi32>
    %and3A_2409 = arith.andi %shift_right_logical3A_2406, %and3A_2408 : vector<8x640xi32>
    %shift_right_logical3A_2410 = arith.constant 16 : i32
    %shift_right_logical3A_2411 = vector.broadcast %shift_right_logical3A_2410 : i32 to vector<8x640xi32>
    %shift_right_logical3A_2412 = arith.shrui %bitcast_convert_type3A_2400, %shift_right_logical3A_2411 : vector<8x640xi32>
    %and3A_2413 = arith.constant 32768 : i32
    %and3A_2414 = vector.broadcast %and3A_2413 : i32 to vector<8x640xi32>
    %and3A_2415 = arith.andi %shift_right_logical3A_2412, %and3A_2414 : vector<8x640xi32>
    %or3A_2416 = arith.ori %and3A_2415, %and3A_2409 : vector<8x640xi32>
    %convert_element_type3A_2417 = arith.trunci %or3A_2416 : vector<8x640xi32> to vector<8x640xi16>
    %swap3A_2418 = tpu.memref_bitcast %arg8 : memref<1000x640xf16, #tpu.memory_space<vmem>> -> memref<1000x640xi16, #tpu.memory_space<vmem>>
    %swap3A_2419 = arith.constant 272 : index
    %swap3A_2420 = arith.constant 0 : index
    %swap3A_2421 = vector.load %swap3A_2418[%swap3A_2419, %swap3A_2420] : memref<1000x640xi16, #tpu.memory_space<vmem>>, vector<8x640xi16>
    tpu.vector_store %swap3A_2418[%swap3A_2419, %swap3A_2420], %convert_element_type3A_2417 {strides = array<i32>} : memref<1000x640xi16, #tpu.memory_space<vmem>>, vector<8x640xi16>,
    %get3A_2422 = arith.constant 280 : index
    %get3A_2423 = arith.constant 0 : index
    %get3A_2424 = vector.load %arg4[%get3A_2422, %get3A_2423] : memref<1000x640xf32, #tpu.memory_space<vmem>>, vector<8x640xf32>
    %mul3A_2425 = vector.broadcast %mul3A_1476 : vector<1x640xf32> to vector<8x640xf32>
    %mul3A_2426 = arith.mulf %get3A_2424, %mul3A_2425 : vector<8x640xf32>
    %bitcast_convert_type3A_2427 = tpu.bitcast %mul3A_2426 : vector<8x640xf32> -> vector<8x640xi32>
    %add3A_2428 = arith.constant 4096 : i32
    %add3A_2429 = vector.broadcast %add3A_2428 : i32 to vector<8x640xi32>
    %add3A_2430 = arith.addi %bitcast_convert_type3A_2427, %add3A_2429 : vector<8x640xi32>
    %shift_right_logical3A_2431 = arith.constant 13 : i32
    %shift_right_logical3A_2432 = vector.broadcast %shift_right_logical3A_2431 : i32 to vector<8x640xi32>
    %shift_right_logical3A_2433 = arith.shrui %add3A_2430, %shift_right_logical3A_2432 : vector<8x640xi32>
    %and3A_2434 = arith.constant 32767 : i32
    %and3A_2435 = vector.broadcast %and3A_2434 : i32 to vector<8x640xi32>
    %and3A_2436 = arith.andi %shift_right_logical3A_2433, %and3A_2435 : vector<8x640xi32>
    %shift_right_logical3A_2437 = arith.constant 16 : i32
    %shift_right_logical3A_2438 = vector.broadcast %shift_right_logical3A_2437 : i32 to vector<8x640xi32>
    %shift_right_logical3A_2439 = arith.shrui %bitcast_convert_type3A_2427, %shift_right_logical3A_2438 : vector<8x640xi32>
    %and3A_2440 = arith.constant 32768 : i32
    %and3A_2441 = vector.broadcast %and3A_2440 : i32 to vector<8x640xi32>
    %and3A_2442 = arith.andi %shift_right_logical3A_2439, %and3A_2441 : vector<8x640xi32>
    %or3A_2443 = arith.ori %and3A_2442, %and3A_2436 : vector<8x640xi32>
    %convert_element_type3A_2444 = arith.trunci %or3A_2443 : vector<8x640xi32> to vector<8x640xi16>
    %swap3A_2445 = tpu.memref_bitcast %arg8 : memref<1000x640xf16, #tpu.memory_space<vmem>> -> memref<1000x640xi16, #tpu.memory_space<vmem>>
    %swap3A_2446 = arith.constant 280 : index
    %swap3A_2447 = arith.constant 0 : index
    %swap3A_2448 = vector.load %swap3A_2445[%swap3A_2446, %swap3A_2447] : memref<1000x640xi16, #tpu.memory_space<vmem>>, vector<8x640xi16>
    tpu.vector_store %swap3A_2445[%swap3A_2446, %swap3A_2447], %convert_element_type3A_2444 {strides = array<i32>} : memref<1000x640xi16, #tpu.memory_space<vmem>>, vector<8x640xi16>,
    %get3A_2449 = arith.constant 288 : index
    %get3A_2450 = arith.constant 0 : index
    %get3A_2451 = vector.load %arg4[%get3A_2449, %get3A_2450] : memref<1000x640xf32, #tpu.memory_space<vmem>>, vector<8x640xf32>
    %mul3A_2452 = vector.broadcast %mul3A_1476 : vector<1x640xf32> to vector<8x640xf32>
    %mul3A_2453 = arith.mulf %get3A_2451, %mul3A_2452 : vector<8x640xf32>
    %bitcast_convert_type3A_2454 = tpu.bitcast %mul3A_2453 : vector<8x640xf32> -> vector<8x640xi32>
    %add3A_2455 = arith.constant 4096 : i32
    %add3A_2456 = vector.broadcast %add3A_2455 : i32 to vector<8x640xi32>
    %add3A_2457 = arith.addi %bitcast_convert_type3A_2454, %add3A_2456 : vector<8x640xi32>
    %shift_right_logical3A_2458 = arith.constant 13 : i32
    %shift_right_logical3A_2459 = vector.broadcast %shift_right_logical3A_2458 : i32 to vector<8x640xi32>
    %shift_right_logical3A_2460 = arith.shrui %add3A_2457, %shift_right_logical3A_2459 : vector<8x640xi32>
    %and3A_2461 = arith.constant 32767 : i32
    %and3A_2462 = vector.broadcast %and3A_2461 : i32 to vector<8x640xi32>
    %and3A_2463 = arith.andi %shift_right_logical3A_2460, %and3A_2462 : vector<8x640xi32>
    %shift_right_logical3A_2464 = arith.constant 16 : i32
    %shift_right_logical3A_2465 = vector.broadcast %shift_right_logical3A_2464 : i32 to vector<8x640xi32>
    %shift_right_logical3A_2466 = arith.shrui %bitcast_convert_type3A_2454, %shift_right_logical3A_2465 : vector<8x640xi32>
    %and3A_2467 = arith.constant 32768 : i32
    %and3A_2468 = vector.broadcast %and3A_2467 : i32 to vector<8x640xi32>
    %and3A_2469 = arith.andi %shift_right_logical3A_2466, %and3A_2468 : vector<8x640xi32>
    %or3A_2470 = arith.ori %and3A_2469, %and3A_2463 : vector<8x640xi32>
    %convert_element_type3A_2471 = arith.trunci %or3A_2470 : vector<8x640xi32> to vector<8x640xi16>
    %swap3A_2472 = tpu.memref_bitcast %arg8 : memref<1000x640xf16, #tpu.memory_space<vmem>> -> memref<1000x640xi16, #tpu.memory_space<vmem>>
    %swap3A_2473 = arith.constant 288 : index
    %swap3A_2474 = arith.constant 0 : index
    %swap3A_2475 = vector.load %swap3A_2472[%swap3A_2473, %swap3A_2474] : memref<1000x640xi16, #tpu.memory_space<vmem>>, vector<8x640xi16>
    tpu.vector_store %swap3A_2472[%swap3A_2473, %swap3A_2474], %convert_element_type3A_2471 {strides = array<i32>} : memref<1000x640xi16, #tpu.memory_space<vmem>>, vector<8x640xi16>,
    %get3A_2476 = arith.constant 296 : index
    %get3A_2477 = arith.constant 0 : index
    %get3A_2478 = vector.load %arg4[%get3A_2476, %get3A_2477] : memref<1000x640xf32, #tpu.memory_space<vmem>>, vector<8x640xf32>
    %mul3A_2479 = vector.broadcast %mul3A_1476 : vector<1x640xf32> to vector<8x640xf32>
    %mul3A_2480 = arith.mulf %get3A_2478, %mul3A_2479 : vector<8x640xf32>
    %bitcast_convert_type3A_2481 = tpu.bitcast %mul3A_2480 : vector<8x640xf32> -> vector<8x640xi32>
    %add3A_2482 = arith.constant 4096 : i32
    %add3A_2483 = vector.broadcast %add3A_2482 : i32 to vector<8x640xi32>
    %add3A_2484 = arith.addi %bitcast_convert_type3A_2481, %add3A_2483 : vector<8x640xi32>
    %shift_right_logical3A_2485 = arith.constant 13 : i32
    %shift_right_logical3A_2486 = vector.broadcast %shift_right_logical3A_2485 : i32 to vector<8x640xi32>
    %shift_right_logical3A_2487 = arith.shrui %add3A_2484, %shift_right_logical3A_2486 : vector<8x640xi32>
    %and3A_2488 = arith.constant 32767 : i32
    %and3A_2489 = vector.broadcast %and3A_2488 : i32 to vector<8x640xi32>
    %and3A_2490 = arith.andi %shift_right_logical3A_2487, %and3A_2489 : vector<8x640xi32>
    %shift_right_logical3A_2491 = arith.constant 16 : i32
    %shift_right_logical3A_2492 = vector.broadcast %shift_right_logical3A_2491 : i32 to vector<8x640xi32>
    %shift_right_logical3A_2493 = arith.shrui %bitcast_convert_type3A_2481, %shift_right_logical3A_2492 : vector<8x640xi32>
    %and3A_2494 = arith.constant 32768 : i32
    %and3A_2495 = vector.broadcast %and3A_2494 : i32 to vector<8x640xi32>
    %and3A_2496 = arith.andi %shift_right_logical3A_2493, %and3A_2495 : vector<8x640xi32>
    %or3A_2497 = arith.ori %and3A_2496, %and3A_2490 : vector<8x640xi32>
    %convert_element_type3A_2498 = arith.trunci %or3A_2497 : vector<8x640xi32> to vector<8x640xi16>
    %swap3A_2499 = tpu.memref_bitcast %arg8 : memref<1000x640xf16, #tpu.memory_space<vmem>> -> memref<1000x640xi16, #tpu.memory_space<vmem>>
    %swap3A_2500 = arith.constant 296 : index
    %swap3A_2501 = arith.constant 0 : index
    %swap3A_2502 = vector.load %swap3A_2499[%swap3A_2500, %swap3A_2501] : memref<1000x640xi16, #tpu.memory_space<vmem>>, vector<8x640xi16>
    tpu.vector_store %swap3A_2499[%swap3A_2500, %swap3A_2501], %convert_element_type3A_2498 {strides = array<i32>} : memref<1000x640xi16, #tpu.memory_space<vmem>>, vector<8x640xi16>,
    %get3A_2503 = arith.constant 304 : index
    %get3A_2504 = arith.constant 0 : index
    %get3A_2505 = vector.load %arg4[%get3A_2503, %get3A_2504] : memref<1000x640xf32, #tpu.memory_space<vmem>>, vector<8x640xf32>
    %mul3A_2506 = vector.broadcast %mul3A_1476 : vector<1x640xf32> to vector<8x640xf32>
    %mul3A_2507 = arith.mulf %get3A_2505, %mul3A_2506 : vector<8x640xf32>
    %bitcast_convert_type3A_2508 = tpu.bitcast %mul3A_2507 : vector<8x640xf32> -> vector<8x640xi32>
    %add3A_2509 = arith.constant 4096 : i32
    %add3A_2510 = vector.broadcast %add3A_2509 : i32 to vector<8x640xi32>
    %add3A_2511 = arith.addi %bitcast_convert_type3A_2508, %add3A_2510 : vector<8x640xi32>
    %shift_right_logical3A_2512 = arith.constant 13 : i32
    %shift_right_logical3A_2513 = vector.broadcast %shift_right_logical3A_2512 : i32 to vector<8x640xi32>
    %shift_right_logical3A_2514 = arith.shrui %add3A_2511, %shift_right_logical3A_2513 : vector<8x640xi32>
    %and3A_2515 = arith.constant 32767 : i32
    %and3A_2516 = vector.broadcast %and3A_2515 : i32 to vector<8x640xi32>
    %and3A_2517 = arith.andi %shift_right_logical3A_2514, %and3A_2516 : vector<8x640xi32>
    %shift_right_logical3A_2518 = arith.constant 16 : i32
    %shift_right_logical3A_2519 = vector.broadcast %shift_right_logical3A_2518 : i32 to vector<8x640xi32>
    %shift_right_logical3A_2520 = arith.shrui %bitcast_convert_type3A_2508, %shift_right_logical3A_2519 : vector<8x640xi32>
    %and3A_2521 = arith.constant 32768 : i32
    %and3A_2522 = vector.broadcast %and3A_2521 : i32 to vector<8x640xi32>
    %and3A_2523 = arith.andi %shift_right_logical3A_2520, %and3A_2522 : vector<8x640xi32>
    %or3A_2524 = arith.ori %and3A_2523, %and3A_2517 : vector<8x640xi32>
    %convert_element_type3A_2525 = arith.trunci %or3A_2524 : vector<8x640xi32> to vector<8x640xi16>
    %swap3A_2526 = tpu.memref_bitcast %arg8 : memref<1000x640xf16, #tpu.memory_space<vmem>> -> memref<1000x640xi16, #tpu.memory_space<vmem>>
    %swap3A_2527 = arith.constant 304 : index
    %swap3A_2528 = arith.constant 0 : index
    %swap3A_2529 = vector.load %swap3A_2526[%swap3A_2527, %swap3A_2528] : memref<1000x640xi16, #tpu.memory_space<vmem>>, vector<8x640xi16>
    tpu.vector_store %swap3A_2526[%swap3A_2527, %swap3A_2528], %convert_element_type3A_2525 {strides = array<i32>} : memref<1000x640xi16, #tpu.memory_space<vmem>>, vector<8x640xi16>,
    %get3A_2530 = arith.constant 312 : index
    %get3A_2531 = arith.constant 0 : index
    %get3A_2532 = vector.load %arg4[%get3A_2530, %get3A_2531] : memref<1000x640xf32, #tpu.memory_space<vmem>>, vector<8x640xf32>
    %mul3A_2533 = vector.broadcast %mul3A_1476 : vector<1x640xf32> to vector<8x640xf32>
    %mul3A_2534 = arith.mulf %get3A_2532, %mul3A_2533 : vector<8x640xf32>
    %bitcast_convert_type3A_2535 = tpu.bitcast %mul3A_2534 : vector<8x640xf32> -> vector<8x640xi32>
    %add3A_2536 = arith.constant 4096 : i32
    %add3A_2537 = vector.broadcast %add3A_2536 : i32 to vector<8x640xi32>
    %add3A_2538 = arith.addi %bitcast_convert_type3A_2535, %add3A_2537 : vector<8x640xi32>
    %shift_right_logical3A_2539 = arith.constant 13 : i32
    %shift_right_logical3A_2540 = vector.broadcast %shift_right_logical3A_2539 : i32 to vector<8x640xi32>
    %shift_right_logical3A_2541 = arith.shrui %add3A_2538, %shift_right_logical3A_2540 : vector<8x640xi32>
    %and3A_2542 = arith.constant 32767 : i32
    %and3A_2543 = vector.broadcast %and3A_2542 : i32 to vector<8x640xi32>
    %and3A_2544 = arith.andi %shift_right_logical3A_2541, %and3A_2543 : vector<8x640xi32>
    %shift_right_logical3A_2545 = arith.constant 16 : i32
    %shift_right_logical3A_2546 = vector.broadcast %shift_right_logical3A_2545 : i32 to vector<8x640xi32>
    %shift_right_logical3A_2547 = arith.shrui %bitcast_convert_type3A_2535, %shift_right_logical3A_2546 : vector<8x640xi32>
    %and3A_2548 = arith.constant 32768 : i32
    %and3A_2549 = vector.broadcast %and3A_2548 : i32 to vector<8x640xi32>
    %and3A_2550 = arith.andi %shift_right_logical3A_2547, %and3A_2549 : vector<8x640xi32>
    %or3A_2551 = arith.ori %and3A_2550, %and3A_2544 : vector<8x640xi32>
    %convert_element_type3A_2552 = arith.trunci %or3A_2551 : vector<8x640xi32> to vector<8x640xi16>
    %swap3A_2553 = tpu.memref_bitcast %arg8 : memref<1000x640xf16, #tpu.memory_space<vmem>> -> memref<1000x640xi16, #tpu.memory_space<vmem>>
    %swap3A_2554 = arith.constant 312 : index
    %swap3A_2555 = arith.constant 0 : index
    %swap3A_2556 = vector.load %swap3A_2553[%swap3A_2554, %swap3A_2555] : memref<1000x640xi16, #tpu.memory_space<vmem>>, vector<8x640xi16>
    tpu.vector_store %swap3A_2553[%swap3A_2554, %swap3A_2555], %convert_element_type3A_2552 {strides = array<i32>} : memref<1000x640xi16, #tpu.memory_space<vmem>>, vector<8x640xi16>,
    %get3A_2557 = arith.constant 320 : index
    %get3A_2558 = arith.constant 0 : index
    %get3A_2559 = vector.load %arg4[%get3A_2557, %get3A_2558] : memref<1000x640xf32, #tpu.memory_space<vmem>>, vector<8x640xf32>
    %mul3A_2560 = vector.broadcast %mul3A_1476 : vector<1x640xf32> to vector<8x640xf32>
    %mul3A_2561 = arith.mulf %get3A_2559, %mul3A_2560 : vector<8x640xf32>
    %bitcast_convert_type3A_2562 = tpu.bitcast %mul3A_2561 : vector<8x640xf32> -> vector<8x640xi32>
    %add3A_2563 = arith.constant 4096 : i32
    %add3A_2564 = vector.broadcast %add3A_2563 : i32 to vector<8x640xi32>
    %add3A_2565 = arith.addi %bitcast_convert_type3A_2562, %add3A_2564 : vector<8x640xi32>
    %shift_right_logical3A_2566 = arith.constant 13 : i32
    %shift_right_logical3A_2567 = vector.broadcast %shift_right_logical3A_2566 : i32 to vector<8x640xi32>
    %shift_right_logical3A_2568 = arith.shrui %add3A_2565, %shift_right_logical3A_2567 : vector<8x640xi32>
    %and3A_2569 = arith.constant 32767 : i32
    %and3A_2570 = vector.broadcast %and3A_2569 : i32 to vector<8x640xi32>
    %and3A_2571 = arith.andi %shift_right_logical3A_2568, %and3A_2570 : vector<8x640xi32>
    %shift_right_logical3A_2572 = arith.constant 16 : i32
    %shift_right_logical3A_2573 = vector.broadcast %shift_right_logical3A_2572 : i32 to vector<8x640xi32>
    %shift_right_logical3A_2574 = arith.shrui %bitcast_convert_type3A_2562, %shift_right_logical3A_2573 : vector<8x640xi32>
    %and3A_2575 = arith.constant 32768 : i32
    %and3A_2576 = vector.broadcast %and3A_2575 : i32 to vector<8x640xi32>
    %and3A_2577 = arith.andi %shift_right_logical3A_2574, %and3A_2576 : vector<8x640xi32>
    %or3A_2578 = arith.ori %and3A_2577, %and3A_2571 : vector<8x640xi32>
    %convert_element_type3A_2579 = arith.trunci %or3A_2578 : vector<8x640xi32> to vector<8x640xi16>
    %swap3A_2580 = tpu.memref_bitcast %arg8 : memref<1000x640xf16, #tpu.memory_space<vmem>> -> memref<1000x640xi16, #tpu.memory_space<vmem>>
    %swap3A_2581 = arith.constant 320 : index
    %swap3A_2582 = arith.constant 0 : index
    %swap3A_2583 = vector.load %swap3A_2580[%swap3A_2581, %swap3A_2582] : memref<1000x640xi16, #tpu.memory_space<vmem>>, vector<8x640xi16>
    tpu.vector_store %swap3A_2580[%swap3A_2581, %swap3A_2582], %convert_element_type3A_2579 {strides = array<i32>} : memref<1000x640xi16, #tpu.memory_space<vmem>>, vector<8x640xi16>,
    %get3A_2584 = arith.constant 328 : index
    %get3A_2585 = arith.constant 0 : index
    %get3A_2586 = vector.load %arg4[%get3A_2584, %get3A_2585] : memref<1000x640xf32, #tpu.memory_space<vmem>>, vector<8x640xf32>
    %mul3A_2587 = vector.broadcast %mul3A_1476 : vector<1x640xf32> to vector<8x640xf32>
    %mul3A_2588 = arith.mulf %get3A_2586, %mul3A_2587 : vector<8x640xf32>
    %bitcast_convert_type3A_2589 = tpu.bitcast %mul3A_2588 : vector<8x640xf32> -> vector<8x640xi32>
    %add3A_2590 = arith.constant 4096 : i32
    %add3A_2591 = vector.broadcast %add3A_2590 : i32 to vector<8x640xi32>
    %add3A_2592 = arith.addi %bitcast_convert_type3A_2589, %add3A_2591 : vector<8x640xi32>
    %shift_right_logical3A_2593 = arith.constant 13 : i32
    %shift_right_logical3A_2594 = vector.broadcast %shift_right_logical3A_2593 : i32 to vector<8x640xi32>
    %shift_right_logical3A_2595 = arith.shrui %add3A_2592, %shift_right_logical3A_2594 : vector<8x640xi32>
    %and3A_2596 = arith.constant 32767 : i32
    %and3A_2597 = vector.broadcast %and3A_2596 : i32 to vector<8x640xi32>
    %and3A_2598 = arith.andi %shift_right_logical3A_2595, %and3A_2597 : vector<8x640xi32>
    %shift_right_logical3A_2599 = arith.constant 16 : i32
    %shift_right_logical3A_2600 = vector.broadcast %shift_right_logical3A_2599 : i32 to vector<8x640xi32>
    %shift_right_logical3A_2601 = arith.shrui %bitcast_convert_type3A_2589, %shift_right_logical3A_2600 : vector<8x640xi32>
    %and3A_2602 = arith.constant 32768 : i32
    %and3A_2603 = vector.broadcast %and3A_2602 : i32 to vector<8x640xi32>
    %and3A_2604 = arith.andi %shift_right_logical3A_2601, %and3A_2603 : vector<8x640xi32>
    %or3A_2605 = arith.ori %and3A_2604, %and3A_2598 : vector<8x640xi32>
    %convert_element_type3A_2606 = arith.trunci %or3A_2605 : vector<8x640xi32> to vector<8x640xi16>
    %swap3A_2607 = tpu.memref_bitcast %arg8 : memref<1000x640xf16, #tpu.memory_space<vmem>> -> memref<1000x640xi16, #tpu.memory_space<vmem>>
    %swap3A_2608 = arith.constant 328 : index
    %swap3A_2609 = arith.constant 0 : index
    %swap3A_2610 = vector.load %swap3A_2607[%swap3A_2608, %swap3A_2609] : memref<1000x640xi16, #tpu.memory_space<vmem>>, vector<8x640xi16>
    tpu.vector_store %swap3A_2607[%swap3A_2608, %swap3A_2609], %convert_element_type3A_2606 {strides = array<i32>} : memref<1000x640xi16, #tpu.memory_space<vmem>>, vector<8x640xi16>,
    %get3A_2611 = arith.constant 336 : index
    %get3A_2612 = arith.constant 0 : index
    %get3A_2613 = vector.load %arg4[%get3A_2611, %get3A_2612] : memref<1000x640xf32, #tpu.memory_space<vmem>>, vector<8x640xf32>
    %mul3A_2614 = vector.broadcast %mul3A_1476 : vector<1x640xf32> to vector<8x640xf32>
    %mul3A_2615 = arith.mulf %get3A_2613, %mul3A_2614 : vector<8x640xf32>
    %bitcast_convert_type3A_2616 = tpu.bitcast %mul3A_2615 : vector<8x640xf32> -> vector<8x640xi32>
    %add3A_2617 = arith.constant 4096 : i32
    %add3A_2618 = vector.broadcast %add3A_2617 : i32 to vector<8x640xi32>
    %add3A_2619 = arith.addi %bitcast_convert_type3A_2616, %add3A_2618 : vector<8x640xi32>
    %shift_right_logical3A_2620 = arith.constant 13 : i32
    %shift_right_logical3A_2621 = vector.broadcast %shift_right_logical3A_2620 : i32 to vector<8x640xi32>
    %shift_right_logical3A_2622 = arith.shrui %add3A_2619, %shift_right_logical3A_2621 : vector<8x640xi32>
    %and3A_2623 = arith.constant 32767 : i32
    %and3A_2624 = vector.broadcast %and3A_2623 : i32 to vector<8x640xi32>
    %and3A_2625 = arith.andi %shift_right_logical3A_2622, %and3A_2624 : vector<8x640xi32>
    %shift_right_logical3A_2626 = arith.constant 16 : i32
    %shift_right_logical3A_2627 = vector.broadcast %shift_right_logical3A_2626 : i32 to vector<8x640xi32>
    %shift_right_logical3A_2628 = arith.shrui %bitcast_convert_type3A_2616, %shift_right_logical3A_2627 : vector<8x640xi32>
    %and3A_2629 = arith.constant 32768 : i32
    %and3A_2630 = vector.broadcast %and3A_2629 : i32 to vector<8x640xi32>
    %and3A_2631 = arith.andi %shift_right_logical3A_2628, %and3A_2630 : vector<8x640xi32>
    %or3A_2632 = arith.ori %and3A_2631, %and3A_2625 : vector<8x640xi32>
    %convert_element_type3A_2633 = arith.trunci %or3A_2632 : vector<8x640xi32> to vector<8x640xi16>
    %swap3A_2634 = tpu.memref_bitcast %arg8 : memref<1000x640xf16, #tpu.memory_space<vmem>> -> memref<1000x640xi16, #tpu.memory_space<vmem>>
    %swap3A_2635 = arith.constant 336 : index
    %swap3A_2636 = arith.constant 0 : index
    %swap3A_2637 = vector.load %swap3A_2634[%swap3A_2635, %swap3A_2636] : memref<1000x640xi16, #tpu.memory_space<vmem>>, vector<8x640xi16>
    tpu.vector_store %swap3A_2634[%swap3A_2635, %swap3A_2636], %convert_element_type3A_2633 {strides = array<i32>} : memref<1000x640xi16, #tpu.memory_space<vmem>>, vector<8x640xi16>,
    %get3A_2638 = arith.constant 344 : index
    %get3A_2639 = arith.constant 0 : index
    %get3A_2640 = vector.load %arg4[%get3A_2638, %get3A_2639] : memref<1000x640xf32, #tpu.memory_space<vmem>>, vector<8x640xf32>
    %mul3A_2641 = vector.broadcast %mul3A_1476 : vector<1x640xf32> to vector<8x640xf32>
    %mul3A_2642 = arith.mulf %get3A_2640, %mul3A_2641 : vector<8x640xf32>
    %bitcast_convert_type3A_2643 = tpu.bitcast %mul3A_2642 : vector<8x640xf32> -> vector<8x640xi32>
    %add3A_2644 = arith.constant 4096 : i32
    %add3A_2645 = vector.broadcast %add3A_2644 : i32 to vector<8x640xi32>
    %add3A_2646 = arith.addi %bitcast_convert_type3A_2643, %add3A_2645 : vector<8x640xi32>
    %shift_right_logical3A_2647 = arith.constant 13 : i32
    %shift_right_logical3A_2648 = vector.broadcast %shift_right_logical3A_2647 : i32 to vector<8x640xi32>
    %shift_right_logical3A_2649 = arith.shrui %add3A_2646, %shift_right_logical3A_2648 : vector<8x640xi32>
    %and3A_2650 = arith.constant 32767 : i32
    %and3A_2651 = vector.broadcast %and3A_2650 : i32 to vector<8x640xi32>
    %and3A_2652 = arith.andi %shift_right_logical3A_2649, %and3A_2651 : vector<8x640xi32>
    %shift_right_logical3A_2653 = arith.constant 16 : i32
    %shift_right_logical3A_2654 = vector.broadcast %shift_right_logical3A_2653 : i32 to vector<8x640xi32>
    %shift_right_logical3A_2655 = arith.shrui %bitcast_convert_type3A_2643, %shift_right_logical3A_2654 : vector<8x640xi32>
    %and3A_2656 = arith.constant 32768 : i32
    %and3A_2657 = vector.broadcast %and3A_2656 : i32 to vector<8x640xi32>
    %and3A_2658 = arith.andi %shift_right_logical3A_2655, %and3A_2657 : vector<8x640xi32>
    %or3A_2659 = arith.ori %and3A_2658, %and3A_2652 : vector<8x640xi32>
    %convert_element_type3A_2660 = arith.trunci %or3A_2659 : vector<8x640xi32> to vector<8x640xi16>
    %swap3A_2661 = tpu.memref_bitcast %arg8 : memref<1000x640xf16, #tpu.memory_space<vmem>> -> memref<1000x640xi16, #tpu.memory_space<vmem>>
    %swap3A_2662 = arith.constant 344 : index
    %swap3A_2663 = arith.constant 0 : index
    %swap3A_2664 = vector.load %swap3A_2661[%swap3A_2662, %swap3A_2663] : memref<1000x640xi16, #tpu.memory_space<vmem>>, vector<8x640xi16>
    tpu.vector_store %swap3A_2661[%swap3A_2662, %swap3A_2663], %convert_element_type3A_2660 {strides = array<i32>} : memref<1000x640xi16, #tpu.memory_space<vmem>>, vector<8x640xi16>,
    %get3A_2665 = arith.constant 352 : index
    %get3A_2666 = arith.constant 0 : index
    %get3A_2667 = vector.load %arg4[%get3A_2665, %get3A_2666] : memref<1000x640xf32, #tpu.memory_space<vmem>>, vector<8x640xf32>
    %mul3A_2668 = vector.broadcast %mul3A_1476 : vector<1x640xf32> to vector<8x640xf32>
    %mul3A_2669 = arith.mulf %get3A_2667, %mul3A_2668 : vector<8x640xf32>
    %bitcast_convert_type3A_2670 = tpu.bitcast %mul3A_2669 : vector<8x640xf32> -> vector<8x640xi32>
    %add3A_2671 = arith.constant 4096 : i32
    %add3A_2672 = vector.broadcast %add3A_2671 : i32 to vector<8x640xi32>
    %add3A_2673 = arith.addi %bitcast_convert_type3A_2670, %add3A_2672 : vector<8x640xi32>
    %shift_right_logical3A_2674 = arith.constant 13 : i32
    %shift_right_logical3A_2675 = vector.broadcast %shift_right_logical3A_2674 : i32 to vector<8x640xi32>
    %shift_right_logical3A_2676 = arith.shrui %add3A_2673, %shift_right_logical3A_2675 : vector<8x640xi32>
    %and3A_2677 = arith.constant 32767 : i32
    %and3A_2678 = vector.broadcast %and3A_2677 : i32 to vector<8x640xi32>
    %and3A_2679 = arith.andi %shift_right_logical3A_2676, %and3A_2678 : vector<8x640xi32>
    %shift_right_logical3A_2680 = arith.constant 16 : i32
    %shift_right_logical3A_2681 = vector.broadcast %shift_right_logical3A_2680 : i32 to vector<8x640xi32>
    %shift_right_logical3A_2682 = arith.shrui %bitcast_convert_type3A_2670, %shift_right_logical3A_2681 : vector<8x640xi32>
    %and3A_2683 = arith.constant 32768 : i32
    %and3A_2684 = vector.broadcast %and3A_2683 : i32 to vector<8x640xi32>
    %and3A_2685 = arith.andi %shift_right_logical3A_2682, %and3A_2684 : vector<8x640xi32>
    %or3A_2686 = arith.ori %and3A_2685, %and3A_2679 : vector<8x640xi32>
    %convert_element_type3A_2687 = arith.trunci %or3A_2686 : vector<8x640xi32> to vector<8x640xi16>
    %swap3A_2688 = tpu.memref_bitcast %arg8 : memref<1000x640xf16, #tpu.memory_space<vmem>> -> memref<1000x640xi16, #tpu.memory_space<vmem>>
    %swap3A_2689 = arith.constant 352 : index
    %swap3A_2690 = arith.constant 0 : index
    %swap3A_2691 = vector.load %swap3A_2688[%swap3A_2689, %swap3A_2690] : memref<1000x640xi16, #tpu.memory_space<vmem>>, vector<8x640xi16>
    tpu.vector_store %swap3A_2688[%swap3A_2689, %swap3A_2690], %convert_element_type3A_2687 {strides = array<i32>} : memref<1000x640xi16, #tpu.memory_space<vmem>>, vector<8x640xi16>,
    %get3A_2692 = arith.constant 360 : index
    %get3A_2693 = arith.constant 0 : index
    %get3A_2694 = vector.load %arg4[%get3A_2692, %get3A_2693] : memref<1000x640xf32, #tpu.memory_space<vmem>>, vector<8x640xf32>
    %mul3A_2695 = vector.broadcast %mul3A_1476 : vector<1x640xf32> to vector<8x640xf32>
    %mul3A_2696 = arith.mulf %get3A_2694, %mul3A_2695 : vector<8x640xf32>
    %bitcast_convert_type3A_2697 = tpu.bitcast %mul3A_2696 : vector<8x640xf32> -> vector<8x640xi32>
    %add3A_2698 = arith.constant 4096 : i32
    %add3A_2699 = vector.broadcast %add3A_2698 : i32 to vector<8x640xi32>
    %add3A_2700 = arith.addi %bitcast_convert_type3A_2697, %add3A_2699 : vector<8x640xi32>
    %shift_right_logical3A_2701 = arith.constant 13 : i32
    %shift_right_logical3A_2702 = vector.broadcast %shift_right_logical3A_2701 : i32 to vector<8x640xi32>
    %shift_right_logical3A_2703 = arith.shrui %add3A_2700, %shift_right_logical3A_2702 : vector<8x640xi32>
    %and3A_2704 = arith.constant 32767 : i32
    %and3A_2705 = vector.broadcast %and3A_2704 : i32 to vector<8x640xi32>
    %and3A_2706 = arith.andi %shift_right_logical3A_2703, %and3A_2705 : vector<8x640xi32>
    %shift_right_logical3A_2707 = arith.constant 16 : i32
    %shift_right_logical3A_2708 = vector.broadcast %shift_right_logical3A_2707 : i32 to vector<8x640xi32>
    %shift_right_logical3A_2709 = arith.shrui %bitcast_convert_type3A_2697, %shift_right_logical3A_2708 : vector<8x640xi32>
    %and3A_2710 = arith.constant 32768 : i32
    %and3A_2711 = vector.broadcast %and3A_2710 : i32 to vector<8x640xi32>
    %and3A_2712 = arith.andi %shift_right_logical3A_2709, %and3A_2711 : vector<8x640xi32>
    %or3A_2713 = arith.ori %and3A_2712, %and3A_2706 : vector<8x640xi32>
    %convert_element_type3A_2714 = arith.trunci %or3A_2713 : vector<8x640xi32> to vector<8x640xi16>
    %swap3A_2715 = tpu.memref_bitcast %arg8 : memref<1000x640xf16, #tpu.memory_space<vmem>> -> memref<1000x640xi16, #tpu.memory_space<vmem>>
    %swap3A_2716 = arith.constant 360 : index
    %swap3A_2717 = arith.constant 0 : index
    %swap3A_2718 = vector.load %swap3A_2715[%swap3A_2716, %swap3A_2717] : memref<1000x640xi16, #tpu.memory_space<vmem>>, vector<8x640xi16>
    tpu.vector_store %swap3A_2715[%swap3A_2716, %swap3A_2717], %convert_element_type3A_2714 {strides = array<i32>} : memref<1000x640xi16, #tpu.memory_space<vmem>>, vector<8x640xi16>,
    %get3A_2719 = arith.constant 368 : index
    %get3A_2720 = arith.constant 0 : index
    %get3A_2721 = vector.load %arg4[%get3A_2719, %get3A_2720] : memref<1000x640xf32, #tpu.memory_space<vmem>>, vector<8x640xf32>
    %mul3A_2722 = vector.broadcast %mul3A_1476 : vector<1x640xf32> to vector<8x640xf32>
    %mul3A_2723 = arith.mulf %get3A_2721, %mul3A_2722 : vector<8x640xf32>
    %bitcast_convert_type3A_2724 = tpu.bitcast %mul3A_2723 : vector<8x640xf32> -> vector<8x640xi32>
    %add3A_2725 = arith.constant 4096 : i32
    %add3A_2726 = vector.broadcast %add3A_2725 : i32 to vector<8x640xi32>
    %add3A_2727 = arith.addi %bitcast_convert_type3A_2724, %add3A_2726 : vector<8x640xi32>
    %shift_right_logical3A_2728 = arith.constant 13 : i32
    %shift_right_logical3A_2729 = vector.broadcast %shift_right_logical3A_2728 : i32 to vector<8x640xi32>
    %shift_right_logical3A_2730 = arith.shrui %add3A_2727, %shift_right_logical3A_2729 : vector<8x640xi32>
    %and3A_2731 = arith.constant 32767 : i32
    %and3A_2732 = vector.broadcast %and3A_2731 : i32 to vector<8x640xi32>
    %and3A_2733 = arith.andi %shift_right_logical3A_2730, %and3A_2732 : vector<8x640xi32>
    %shift_right_logical3A_2734 = arith.constant 16 : i32
    %shift_right_logical3A_2735 = vector.broadcast %shift_right_logical3A_2734 : i32 to vector<8x640xi32>
    %shift_right_logical3A_2736 = arith.shrui %bitcast_convert_type3A_2724, %shift_right_logical3A_2735 : vector<8x640xi32>
    %and3A_2737 = arith.constant 32768 : i32
    %and3A_2738 = vector.broadcast %and3A_2737 : i32 to vector<8x640xi32>
    %and3A_2739 = arith.andi %shift_right_logical3A_2736, %and3A_2738 : vector<8x640xi32>
    %or3A_2740 = arith.ori %and3A_2739, %and3A_2733 : vector<8x640xi32>
    %convert_element_type3A_2741 = arith.trunci %or3A_2740 : vector<8x640xi32> to vector<8x640xi16>
    %swap3A_2742 = tpu.memref_bitcast %arg8 : memref<1000x640xf16, #tpu.memory_space<vmem>> -> memref<1000x640xi16, #tpu.memory_space<vmem>>
    %swap3A_2743 = arith.constant 368 : index
    %swap3A_2744 = arith.constant 0 : index
    %swap3A_2745 = vector.load %swap3A_2742[%swap3A_2743, %swap3A_2744] : memref<1000x640xi16, #tpu.memory_space<vmem>>, vector<8x640xi16>
    tpu.vector_store %swap3A_2742[%swap3A_2743, %swap3A_2744], %convert_element_type3A_2741 {strides = array<i32>} : memref<1000x640xi16, #tpu.memory_space<vmem>>, vector<8x640xi16>,
    %get3A_2746 = arith.constant 376 : index
    %get3A_2747 = arith.constant 0 : index
    %get3A_2748 = vector.load %arg4[%get3A_2746, %get3A_2747] : memref<1000x640xf32, #tpu.memory_space<vmem>>, vector<8x640xf32>
    %mul3A_2749 = vector.broadcast %mul3A_1476 : vector<1x640xf32> to vector<8x640xf32>
    %mul3A_2750 = arith.mulf %get3A_2748, %mul3A_2749 : vector<8x640xf32>
    %bitcast_convert_type3A_2751 = tpu.bitcast %mul3A_2750 : vector<8x640xf32> -> vector<8x640xi32>
    %add3A_2752 = arith.constant 4096 : i32
    %add3A_2753 = vector.broadcast %add3A_2752 : i32 to vector<8x640xi32>
    %add3A_2754 = arith.addi %bitcast_convert_type3A_2751, %add3A_2753 : vector<8x640xi32>
    %shift_right_logical3A_2755 = arith.constant 13 : i32
    %shift_right_logical3A_2756 = vector.broadcast %shift_right_logical3A_2755 : i32 to vector<8x640xi32>
    %shift_right_logical3A_2757 = arith.shrui %add3A_2754, %shift_right_logical3A_2756 : vector<8x640xi32>
    %and3A_2758 = arith.constant 32767 : i32
    %and3A_2759 = vector.broadcast %and3A_2758 : i32 to vector<8x640xi32>
    %and3A_2760 = arith.andi %shift_right_logical3A_2757, %and3A_2759 : vector<8x640xi32>
    %shift_right_logical3A_2761 = arith.constant 16 : i32
    %shift_right_logical3A_2762 = vector.broadcast %shift_right_logical3A_2761 : i32 to vector<8x640xi32>
    %shift_right_logical3A_2763 = arith.shrui %bitcast_convert_type3A_2751, %shift_right_logical3A_2762 : vector<8x640xi32>
    %and3A_2764 = arith.constant 32768 : i32
    %and3A_2765 = vector.broadcast %and3A_2764 : i32 to vector<8x640xi32>
    %and3A_2766 = arith.andi %shift_right_logical3A_2763, %and3A_2765 : vector<8x640xi32>
    %or3A_2767 = arith.ori %and3A_2766, %and3A_2760 : vector<8x640xi32>
    %convert_element_type3A_2768 = arith.trunci %or3A_2767 : vector<8x640xi32> to vector<8x640xi16>
    %swap3A_2769 = tpu.memref_bitcast %arg8 : memref<1000x640xf16, #tpu.memory_space<vmem>> -> memref<1000x640xi16, #tpu.memory_space<vmem>>
    %swap3A_2770 = arith.constant 376 : index
    %swap3A_2771 = arith.constant 0 : index
    %swap3A_2772 = vector.load %swap3A_2769[%swap3A_2770, %swap3A_2771] : memref<1000x640xi16, #tpu.memory_space<vmem>>, vector<8x640xi16>
    tpu.vector_store %swap3A_2769[%swap3A_2770, %swap3A_2771], %convert_element_type3A_2768 {strides = array<i32>} : memref<1000x640xi16, #tpu.memory_space<vmem>>, vector<8x640xi16>,
    %get3A_2773 = arith.constant 384 : index
    %get3A_2774 = arith.constant 0 : index
    %get3A_2775 = vector.load %arg4[%get3A_2773, %get3A_2774] : memref<1000x640xf32, #tpu.memory_space<vmem>>, vector<8x640xf32>
    %mul3A_2776 = vector.broadcast %mul3A_1476 : vector<1x640xf32> to vector<8x640xf32>
    %mul3A_2777 = arith.mulf %get3A_2775, %mul3A_2776 : vector<8x640xf32>
    %bitcast_convert_type3A_2778 = tpu.bitcast %mul3A_2777 : vector<8x640xf32> -> vector<8x640xi32>
    %add3A_2779 = arith.constant 4096 : i32
    %add3A_2780 = vector.broadcast %add3A_2779 : i32 to vector<8x640xi32>
    %add3A_2781 = arith.addi %bitcast_convert_type3A_2778, %add3A_2780 : vector<8x640xi32>
    %shift_right_logical3A_2782 = arith.constant 13 : i32
    %shift_right_logical3A_2783 = vector.broadcast %shift_right_logical3A_2782 : i32 to vector<8x640xi32>
    %shift_right_logical3A_2784 = arith.shrui %add3A_2781, %shift_right_logical3A_2783 : vector<8x640xi32>
    %and3A_2785 = arith.constant 32767 : i32
    %and3A_2786 = vector.broadcast %and3A_2785 : i32 to vector<8x640xi32>
    %and3A_2787 = arith.andi %shift_right_logical3A_2784, %and3A_2786 : vector<8x640xi32>
    %shift_right_logical3A_2788 = arith.constant 16 : i32
    %shift_right_logical3A_2789 = vector.broadcast %shift_right_logical3A_2788 : i32 to vector<8x640xi32>
    %shift_right_logical3A_2790 = arith.shrui %bitcast_convert_type3A_2778, %shift_right_logical3A_2789 : vector<8x640xi32>
    %and3A_2791 = arith.constant 32768 : i32
    %and3A_2792 = vector.broadcast %and3A_2791 : i32 to vector<8x640xi32>
    %and3A_2793 = arith.andi %shift_right_logical3A_2790, %and3A_2792 : vector<8x640xi32>
    %or3A_2794 = arith.ori %and3A_2793, %and3A_2787 : vector<8x640xi32>
    %convert_element_type3A_2795 = arith.trunci %or3A_2794 : vector<8x640xi32> to vector<8x640xi16>
    %swap3A_2796 = tpu.memref_bitcast %arg8 : memref<1000x640xf16, #tpu.memory_space<vmem>> -> memref<1000x640xi16, #tpu.memory_space<vmem>>
    %swap3A_2797 = arith.constant 384 : index
    %swap3A_2798 = arith.constant 0 : index
    %swap3A_2799 = vector.load %swap3A_2796[%swap3A_2797, %swap3A_2798] : memref<1000x640xi16, #tpu.memory_space<vmem>>, vector<8x640xi16>
    tpu.vector_store %swap3A_2796[%swap3A_2797, %swap3A_2798], %convert_element_type3A_2795 {strides = array<i32>} : memref<1000x640xi16, #tpu.memory_space<vmem>>, vector<8x640xi16>,
    %get3A_2800 = arith.constant 392 : index
    %get3A_2801 = arith.constant 0 : index
    %get3A_2802 = vector.load %arg4[%get3A_2800, %get3A_2801] : memref<1000x640xf32, #tpu.memory_space<vmem>>, vector<8x640xf32>
    %mul3A_2803 = vector.broadcast %mul3A_1476 : vector<1x640xf32> to vector<8x640xf32>
    %mul3A_2804 = arith.mulf %get3A_2802, %mul3A_2803 : vector<8x640xf32>
    %bitcast_convert_type3A_2805 = tpu.bitcast %mul3A_2804 : vector<8x640xf32> -> vector<8x640xi32>
    %add3A_2806 = arith.constant 4096 : i32
    %add3A_2807 = vector.broadcast %add3A_2806 : i32 to vector<8x640xi32>
    %add3A_2808 = arith.addi %bitcast_convert_type3A_2805, %add3A_2807 : vector<8x640xi32>
    %shift_right_logical3A_2809 = arith.constant 13 : i32
    %shift_right_logical3A_2810 = vector.broadcast %shift_right_logical3A_2809 : i32 to vector<8x640xi32>
    %shift_right_logical3A_2811 = arith.shrui %add3A_2808, %shift_right_logical3A_2810 : vector<8x640xi32>
    %and3A_2812 = arith.constant 32767 : i32
    %and3A_2813 = vector.broadcast %and3A_2812 : i32 to vector<8x640xi32>
    %and3A_2814 = arith.andi %shift_right_logical3A_2811, %and3A_2813 : vector<8x640xi32>
    %shift_right_logical3A_2815 = arith.constant 16 : i32
    %shift_right_logical3A_2816 = vector.broadcast %shift_right_logical3A_2815 : i32 to vector<8x640xi32>
    %shift_right_logical3A_2817 = arith.shrui %bitcast_convert_type3A_2805, %shift_right_logical3A_2816 : vector<8x640xi32>
    %and3A_2818 = arith.constant 32768 : i32
    %and3A_2819 = vector.broadcast %and3A_2818 : i32 to vector<8x640xi32>
    %and3A_2820 = arith.andi %shift_right_logical3A_2817, %and3A_2819 : vector<8x640xi32>
    %or3A_2821 = arith.ori %and3A_2820, %and3A_2814 : vector<8x640xi32>
    %convert_element_type3A_2822 = arith.trunci %or3A_2821 : vector<8x640xi32> to vector<8x640xi16>
    %swap3A_2823 = tpu.memref_bitcast %arg8 : memref<1000x640xf16, #tpu.memory_space<vmem>> -> memref<1000x640xi16, #tpu.memory_space<vmem>>
    %swap3A_2824 = arith.constant 392 : index
    %swap3A_2825 = arith.constant 0 : index
    %swap3A_2826 = vector.load %swap3A_2823[%swap3A_2824, %swap3A_2825] : memref<1000x640xi16, #tpu.memory_space<vmem>>, vector<8x640xi16>
    tpu.vector_store %swap3A_2823[%swap3A_2824, %swap3A_2825], %convert_element_type3A_2822 {strides = array<i32>} : memref<1000x640xi16, #tpu.memory_space<vmem>>, vector<8x640xi16>,
    %get3A_2827 = arith.constant 400 : index
    %get3A_2828 = arith.constant 0 : index
    %get3A_2829 = vector.load %arg4[%get3A_2827, %get3A_2828] : memref<1000x640xf32, #tpu.memory_space<vmem>>, vector<8x640xf32>
    %mul3A_2830 = vector.broadcast %mul3A_1476 : vector<1x640xf32> to vector<8x640xf32>
    %mul3A_2831 = arith.mulf %get3A_2829, %mul3A_2830 : vector<8x640xf32>
    %bitcast_convert_type3A_2832 = tpu.bitcast %mul3A_2831 : vector<8x640xf32> -> vector<8x640xi32>
    %add3A_2833 = arith.constant 4096 : i32
    %add3A_2834 = vector.broadcast %add3A_2833 : i32 to vector<8x640xi32>
    %add3A_2835 = arith.addi %bitcast_convert_type3A_2832, %add3A_2834 : vector<8x640xi32>
    %shift_right_logical3A_2836 = arith.constant 13 : i32
    %shift_right_logical3A_2837 = vector.broadcast %shift_right_logical3A_2836 : i32 to vector<8x640xi32>
    %shift_right_logical3A_2838 = arith.shrui %add3A_2835, %shift_right_logical3A_2837 : vector<8x640xi32>
    %and3A_2839 = arith.constant 32767 : i32
    %and3A_2840 = vector.broadcast %and3A_2839 : i32 to vector<8x640xi32>
    %and3A_2841 = arith.andi %shift_right_logical3A_2838, %and3A_2840 : vector<8x640xi32>
    %shift_right_logical3A_2842 = arith.constant 16 : i32
    %shift_right_logical3A_2843 = vector.broadcast %shift_right_logical3A_2842 : i32 to vector<8x640xi32>
    %shift_right_logical3A_2844 = arith.shrui %bitcast_convert_type3A_2832, %shift_right_logical3A_2843 : vector<8x640xi32>
    %and3A_2845 = arith.constant 32768 : i32
    %and3A_2846 = vector.broadcast %and3A_2845 : i32 to vector<8x640xi32>
    %and3A_2847 = arith.andi %shift_right_logical3A_2844, %and3A_2846 : vector<8x640xi32>
    %or3A_2848 = arith.ori %and3A_2847, %and3A_2841 : vector<8x640xi32>
    %convert_element_type3A_2849 = arith.trunci %or3A_2848 : vector<8x640xi32> to vector<8x640xi16>
    %swap3A_2850 = tpu.memref_bitcast %arg8 : memref<1000x640xf16, #tpu.memory_space<vmem>> -> memref<1000x640xi16, #tpu.memory_space<vmem>>
    %swap3A_2851 = arith.constant 400 : index
    %swap3A_2852 = arith.constant 0 : index
    %swap3A_2853 = vector.load %swap3A_2850[%swap3A_2851, %swap3A_2852] : memref<1000x640xi16, #tpu.memory_space<vmem>>, vector<8x640xi16>
    tpu.vector_store %swap3A_2850[%swap3A_2851, %swap3A_2852], %convert_element_type3A_2849 {strides = array<i32>} : memref<1000x640xi16, #tpu.memory_space<vmem>>, vector<8x640xi16>,
    %get3A_2854 = arith.constant 408 : index
    %get3A_2855 = arith.constant 0 : index
    %get3A_2856 = vector.load %arg4[%get3A_2854, %get3A_2855] : memref<1000x640xf32, #tpu.memory_space<vmem>>, vector<8x640xf32>
    %mul3A_2857 = vector.broadcast %mul3A_1476 : vector<1x640xf32> to vector<8x640xf32>
    %mul3A_2858 = arith.mulf %get3A_2856, %mul3A_2857 : vector<8x640xf32>
    %bitcast_convert_type3A_2859 = tpu.bitcast %mul3A_2858 : vector<8x640xf32> -> vector<8x640xi32>
    %add3A_2860 = arith.constant 4096 : i32
    %add3A_2861 = vector.broadcast %add3A_2860 : i32 to vector<8x640xi32>
    %add3A_2862 = arith.addi %bitcast_convert_type3A_2859, %add3A_2861 : vector<8x640xi32>
    %shift_right_logical3A_2863 = arith.constant 13 : i32
    %shift_right_logical3A_2864 = vector.broadcast %shift_right_logical3A_2863 : i32 to vector<8x640xi32>
    %shift_right_logical3A_2865 = arith.shrui %add3A_2862, %shift_right_logical3A_2864 : vector<8x640xi32>
    %and3A_2866 = arith.constant 32767 : i32
    %and3A_2867 = vector.broadcast %and3A_2866 : i32 to vector<8x640xi32>
    %and3A_2868 = arith.andi %shift_right_logical3A_2865, %and3A_2867 : vector<8x640xi32>
    %shift_right_logical3A_2869 = arith.constant 16 : i32
    %shift_right_logical3A_2870 = vector.broadcast %shift_right_logical3A_2869 : i32 to vector<8x640xi32>
    %shift_right_logical3A_2871 = arith.shrui %bitcast_convert_type3A_2859, %shift_right_logical3A_2870 : vector<8x640xi32>
    %and3A_2872 = arith.constant 32768 : i32
    %and3A_2873 = vector.broadcast %and3A_2872 : i32 to vector<8x640xi32>
    %and3A_2874 = arith.andi %shift_right_logical3A_2871, %and3A_2873 : vector<8x640xi32>
    %or3A_2875 = arith.ori %and3A_2874, %and3A_2868 : vector<8x640xi32>
    %convert_element_type3A_2876 = arith.trunci %or3A_2875 : vector<8x640xi32> to vector<8x640xi16>
    %swap3A_2877 = tpu.memref_bitcast %arg8 : memref<1000x640xf16, #tpu.memory_space<vmem>> -> memref<1000x640xi16, #tpu.memory_space<vmem>>
    %swap3A_2878 = arith.constant 408 : index
    %swap3A_2879 = arith.constant 0 : index
    %swap3A_2880 = vector.load %swap3A_2877[%swap3A_2878, %swap3A_2879] : memref<1000x640xi16, #tpu.memory_space<vmem>>, vector<8x640xi16>
    tpu.vector_store %swap3A_2877[%swap3A_2878, %swap3A_2879], %convert_element_type3A_2876 {strides = array<i32>} : memref<1000x640xi16, #tpu.memory_space<vmem>>, vector<8x640xi16>,
    %get3A_2881 = arith.constant 416 : index
    %get3A_2882 = arith.constant 0 : index
    %get3A_2883 = vector.load %arg4[%get3A_2881, %get3A_2882] : memref<1000x640xf32, #tpu.memory_space<vmem>>, vector<8x640xf32>
    %mul3A_2884 = vector.broadcast %mul3A_1476 : vector<1x640xf32> to vector<8x640xf32>
    %mul3A_2885 = arith.mulf %get3A_2883, %mul3A_2884 : vector<8x640xf32>
    %bitcast_convert_type3A_2886 = tpu.bitcast %mul3A_2885 : vector<8x640xf32> -> vector<8x640xi32>
    %add3A_2887 = arith.constant 4096 : i32
    %add3A_2888 = vector.broadcast %add3A_2887 : i32 to vector<8x640xi32>
    %add3A_2889 = arith.addi %bitcast_convert_type3A_2886, %add3A_2888 : vector<8x640xi32>
    %shift_right_logical3A_2890 = arith.constant 13 : i32
    %shift_right_logical3A_2891 = vector.broadcast %shift_right_logical3A_2890 : i32 to vector<8x640xi32>
    %shift_right_logical3A_2892 = arith.shrui %add3A_2889, %shift_right_logical3A_2891 : vector<8x640xi32>
    %and3A_2893 = arith.constant 32767 : i32
    %and3A_2894 = vector.broadcast %and3A_2893 : i32 to vector<8x640xi32>
    %and3A_2895 = arith.andi %shift_right_logical3A_2892, %and3A_2894 : vector<8x640xi32>
    %shift_right_logical3A_2896 = arith.constant 16 : i32
    %shift_right_logical3A_2897 = vector.broadcast %shift_right_logical3A_2896 : i32 to vector<8x640xi32>
    %shift_right_logical3A_2898 = arith.shrui %bitcast_convert_type3A_2886, %shift_right_logical3A_2897 : vector<8x640xi32>
    %and3A_2899 = arith.constant 32768 : i32
    %and3A_2900 = vector.broadcast %and3A_2899 : i32 to vector<8x640xi32>
    %and3A_2901 = arith.andi %shift_right_logical3A_2898, %and3A_2900 : vector<8x640xi32>
    %or3A_2902 = arith.ori %and3A_2901, %and3A_2895 : vector<8x640xi32>
    %convert_element_type3A_2903 = arith.trunci %or3A_2902 : vector<8x640xi32> to vector<8x640xi16>
    %swap3A_2904 = tpu.memref_bitcast %arg8 : memref<1000x640xf16, #tpu.memory_space<vmem>> -> memref<1000x640xi16, #tpu.memory_space<vmem>>
    %swap3A_2905 = arith.constant 416 : index
    %swap3A_2906 = arith.constant 0 : index
    %swap3A_2907 = vector.load %swap3A_2904[%swap3A_2905, %swap3A_2906] : memref<1000x640xi16, #tpu.memory_space<vmem>>, vector<8x640xi16>
    tpu.vector_store %swap3A_2904[%swap3A_2905, %swap3A_2906], %convert_element_type3A_2903 {strides = array<i32>} : memref<1000x640xi16, #tpu.memory_space<vmem>>, vector<8x640xi16>,
    %get3A_2908 = arith.constant 424 : index
    %get3A_2909 = arith.constant 0 : index
    %get3A_2910 = vector.load %arg4[%get3A_2908, %get3A_2909] : memref<1000x640xf32, #tpu.memory_space<vmem>>, vector<8x640xf32>
    %mul3A_2911 = vector.broadcast %mul3A_1476 : vector<1x640xf32> to vector<8x640xf32>
    %mul3A_2912 = arith.mulf %get3A_2910, %mul3A_2911 : vector<8x640xf32>
    %bitcast_convert_type3A_2913 = tpu.bitcast %mul3A_2912 : vector<8x640xf32> -> vector<8x640xi32>
    %add3A_2914 = arith.constant 4096 : i32
    %add3A_2915 = vector.broadcast %add3A_2914 : i32 to vector<8x640xi32>
    %add3A_2916 = arith.addi %bitcast_convert_type3A_2913, %add3A_2915 : vector<8x640xi32>
    %shift_right_logical3A_2917 = arith.constant 13 : i32
    %shift_right_logical3A_2918 = vector.broadcast %shift_right_logical3A_2917 : i32 to vector<8x640xi32>
    %shift_right_logical3A_2919 = arith.shrui %add3A_2916, %shift_right_logical3A_2918 : vector<8x640xi32>
    %and3A_2920 = arith.constant 32767 : i32
    %and3A_2921 = vector.broadcast %and3A_2920 : i32 to vector<8x640xi32>
    %and3A_2922 = arith.andi %shift_right_logical3A_2919, %and3A_2921 : vector<8x640xi32>
    %shift_right_logical3A_2923 = arith.constant 16 : i32
    %shift_right_logical3A_2924 = vector.broadcast %shift_right_logical3A_2923 : i32 to vector<8x640xi32>
    %shift_right_logical3A_2925 = arith.shrui %bitcast_convert_type3A_2913, %shift_right_logical3A_2924 : vector<8x640xi32>
    %and3A_2926 = arith.constant 32768 : i32
    %and3A_2927 = vector.broadcast %and3A_2926 : i32 to vector<8x640xi32>
    %and3A_2928 = arith.andi %shift_right_logical3A_2925, %and3A_2927 : vector<8x640xi32>
    %or3A_2929 = arith.ori %and3A_2928, %and3A_2922 : vector<8x640xi32>
    %convert_element_type3A_2930 = arith.trunci %or3A_2929 : vector<8x640xi32> to vector<8x640xi16>
    %swap3A_2931 = tpu.memref_bitcast %arg8 : memref<1000x640xf16, #tpu.memory_space<vmem>> -> memref<1000x640xi16, #tpu.memory_space<vmem>>
    %swap3A_2932 = arith.constant 424 : index
    %swap3A_2933 = arith.constant 0 : index
    %swap3A_2934 = vector.load %swap3A_2931[%swap3A_2932, %swap3A_2933] : memref<1000x640xi16, #tpu.memory_space<vmem>>, vector<8x640xi16>
    tpu.vector_store %swap3A_2931[%swap3A_2932, %swap3A_2933], %convert_element_type3A_2930 {strides = array<i32>} : memref<1000x640xi16, #tpu.memory_space<vmem>>, vector<8x640xi16>,
    %get3A_2935 = arith.constant 432 : index
    %get3A_2936 = arith.constant 0 : index
    %get3A_2937 = vector.load %arg4[%get3A_2935, %get3A_2936] : memref<1000x640xf32, #tpu.memory_space<vmem>>, vector<8x640xf32>
    %mul3A_2938 = vector.broadcast %mul3A_1476 : vector<1x640xf32> to vector<8x640xf32>
    %mul3A_2939 = arith.mulf %get3A_2937, %mul3A_2938 : vector<8x640xf32>
    %bitcast_convert_type3A_2940 = tpu.bitcast %mul3A_2939 : vector<8x640xf32> -> vector<8x640xi32>
    %add3A_2941 = arith.constant 4096 : i32
    %add3A_2942 = vector.broadcast %add3A_2941 : i32 to vector<8x640xi32>
    %add3A_2943 = arith.addi %bitcast_convert_type3A_2940, %add3A_2942 : vector<8x640xi32>
    %shift_right_logical3A_2944 = arith.constant 13 : i32
    %shift_right_logical3A_2945 = vector.broadcast %shift_right_logical3A_2944 : i32 to vector<8x640xi32>
    %shift_right_logical3A_2946 = arith.shrui %add3A_2943, %shift_right_logical3A_2945 : vector<8x640xi32>
    %and3A_2947 = arith.constant 32767 : i32
    %and3A_2948 = vector.broadcast %and3A_2947 : i32 to vector<8x640xi32>
    %and3A_2949 = arith.andi %shift_right_logical3A_2946, %and3A_2948 : vector<8x640xi32>
    %shift_right_logical3A_2950 = arith.constant 16 : i32
    %shift_right_logical3A_2951 = vector.broadcast %shift_right_logical3A_2950 : i32 to vector<8x640xi32>
    %shift_right_logical3A_2952 = arith.shrui %bitcast_convert_type3A_2940, %shift_right_logical3A_2951 : vector<8x640xi32>
    %and3A_2953 = arith.constant 32768 : i32
    %and3A_2954 = vector.broadcast %and3A_2953 : i32 to vector<8x640xi32>
    %and3A_2955 = arith.andi %shift_right_logical3A_2952, %and3A_2954 : vector<8x640xi32>
    %or3A_2956 = arith.ori %and3A_2955, %and3A_2949 : vector<8x640xi32>
    %convert_element_type3A_2957 = arith.trunci %or3A_2956 : vector<8x640xi32> to vector<8x640xi16>
    %swap3A_2958 = tpu.memref_bitcast %arg8 : memref<1000x640xf16, #tpu.memory_space<vmem>> -> memref<1000x640xi16, #tpu.memory_space<vmem>>
    %swap3A_2959 = arith.constant 432 : index
    %swap3A_2960 = arith.constant 0 : index
    %swap3A_2961 = vector.load %swap3A_2958[%swap3A_2959, %swap3A_2960] : memref<1000x640xi16, #tpu.memory_space<vmem>>, vector<8x640xi16>
    tpu.vector_store %swap3A_2958[%swap3A_2959, %swap3A_2960], %convert_element_type3A_2957 {strides = array<i32>} : memref<1000x640xi16, #tpu.memory_space<vmem>>, vector<8x640xi16>,
    %get3A_2962 = arith.constant 440 : index
    %get3A_2963 = arith.constant 0 : index
    %get3A_2964 = vector.load %arg4[%get3A_2962, %get3A_2963] : memref<1000x640xf32, #tpu.memory_space<vmem>>, vector<8x640xf32>
    %mul3A_2965 = vector.broadcast %mul3A_1476 : vector<1x640xf32> to vector<8x640xf32>
    %mul3A_2966 = arith.mulf %get3A_2964, %mul3A_2965 : vector<8x640xf32>
    %bitcast_convert_type3A_2967 = tpu.bitcast %mul3A_2966 : vector<8x640xf32> -> vector<8x640xi32>
    %add3A_2968 = arith.constant 4096 : i32
    %add3A_2969 = vector.broadcast %add3A_2968 : i32 to vector<8x640xi32>
    %add3A_2970 = arith.addi %bitcast_convert_type3A_2967, %add3A_2969 : vector<8x640xi32>
    %shift_right_logical3A_2971 = arith.constant 13 : i32
    %shift_right_logical3A_2972 = vector.broadcast %shift_right_logical3A_2971 : i32 to vector<8x640xi32>
    %shift_right_logical3A_2973 = arith.shrui %add3A_2970, %shift_right_logical3A_2972 : vector<8x640xi32>
    %and3A_2974 = arith.constant 32767 : i32
    %and3A_2975 = vector.broadcast %and3A_2974 : i32 to vector<8x640xi32>
    %and3A_2976 = arith.andi %shift_right_logical3A_2973, %and3A_2975 : vector<8x640xi32>
    %shift_right_logical3A_2977 = arith.constant 16 : i32
    %shift_right_logical3A_2978 = vector.broadcast %shift_right_logical3A_2977 : i32 to vector<8x640xi32>
    %shift_right_logical3A_2979 = arith.shrui %bitcast_convert_type3A_2967, %shift_right_logical3A_2978 : vector<8x640xi32>
    %and3A_2980 = arith.constant 32768 : i32
    %and3A_2981 = vector.broadcast %and3A_2980 : i32 to vector<8x640xi32>
    %and3A_2982 = arith.andi %shift_right_logical3A_2979, %and3A_2981 : vector<8x640xi32>
    %or3A_2983 = arith.ori %and3A_2982, %and3A_2976 : vector<8x640xi32>
    %convert_element_type3A_2984 = arith.trunci %or3A_2983 : vector<8x640xi32> to vector<8x640xi16>
    %swap3A_2985 = tpu.memref_bitcast %arg8 : memref<1000x640xf16, #tpu.memory_space<vmem>> -> memref<1000x640xi16, #tpu.memory_space<vmem>>
    %swap3A_2986 = arith.constant 440 : index
    %swap3A_2987 = arith.constant 0 : index
    %swap3A_2988 = vector.load %swap3A_2985[%swap3A_2986, %swap3A_2987] : memref<1000x640xi16, #tpu.memory_space<vmem>>, vector<8x640xi16>
    tpu.vector_store %swap3A_2985[%swap3A_2986, %swap3A_2987], %convert_element_type3A_2984 {strides = array<i32>} : memref<1000x640xi16, #tpu.memory_space<vmem>>, vector<8x640xi16>,
    %get3A_2989 = arith.constant 448 : index
    %get3A_2990 = arith.constant 0 : index
    %get3A_2991 = vector.load %arg4[%get3A_2989, %get3A_2990] : memref<1000x640xf32, #tpu.memory_space<vmem>>, vector<8x640xf32>
    %mul3A_2992 = vector.broadcast %mul3A_1476 : vector<1x640xf32> to vector<8x640xf32>
    %mul3A_2993 = arith.mulf %get3A_2991, %mul3A_2992 : vector<8x640xf32>
    %bitcast_convert_type3A_2994 = tpu.bitcast %mul3A_2993 : vector<8x640xf32> -> vector<8x640xi32>
    %add3A_2995 = arith.constant 4096 : i32
    %add3A_2996 = vector.broadcast %add3A_2995 : i32 to vector<8x640xi32>
    %add3A_2997 = arith.addi %bitcast_convert_type3A_2994, %add3A_2996 : vector<8x640xi32>
    %shift_right_logical3A_2998 = arith.constant 13 : i32
    %shift_right_logical3A_2999 = vector.broadcast %shift_right_logical3A_2998 : i32 to vector<8x640xi32>
    %shift_right_logical3A_3000 = arith.shrui %add3A_2997, %shift_right_logical3A_2999 : vector<8x640xi32>
    %and3A_3001 = arith.constant 32767 : i32
    %and3A_3002 = vector.broadcast %and3A_3001 : i32 to vector<8x640xi32>
    %and3A_3003 = arith.andi %shift_right_logical3A_3000, %and3A_3002 : vector<8x640xi32>
    %shift_right_logical3A_3004 = arith.constant 16 : i32
    %shift_right_logical3A_3005 = vector.broadcast %shift_right_logical3A_3004 : i32 to vector<8x640xi32>
    %shift_right_logical3A_3006 = arith.shrui %bitcast_convert_type3A_2994, %shift_right_logical3A_3005 : vector<8x640xi32>
    %and3A_3007 = arith.constant 32768 : i32
    %and3A_3008 = vector.broadcast %and3A_3007 : i32 to vector<8x640xi32>
    %and3A_3009 = arith.andi %shift_right_logical3A_3006, %and3A_3008 : vector<8x640xi32>
    %or3A_3010 = arith.ori %and3A_3009, %and3A_3003 : vector<8x640xi32>
    %convert_element_type3A_3011 = arith.trunci %or3A_3010 : vector<8x640xi32> to vector<8x640xi16>
    %swap3A_3012 = tpu.memref_bitcast %arg8 : memref<1000x640xf16, #tpu.memory_space<vmem>> -> memref<1000x640xi16, #tpu.memory_space<vmem>>
    %swap3A_3013 = arith.constant 448 : index
    %swap3A_3014 = arith.constant 0 : index
    %swap3A_3015 = vector.load %swap3A_3012[%swap3A_3013, %swap3A_3014] : memref<1000x640xi16, #tpu.memory_space<vmem>>, vector<8x640xi16>
    tpu.vector_store %swap3A_3012[%swap3A_3013, %swap3A_3014], %convert_element_type3A_3011 {strides = array<i32>} : memref<1000x640xi16, #tpu.memory_space<vmem>>, vector<8x640xi16>,
    %get3A_3016 = arith.constant 456 : index
    %get3A_3017 = arith.constant 0 : index
    %get3A_3018 = vector.load %arg4[%get3A_3016, %get3A_3017] : memref<1000x640xf32, #tpu.memory_space<vmem>>, vector<8x640xf32>
    %mul3A_3019 = vector.broadcast %mul3A_1476 : vector<1x640xf32> to vector<8x640xf32>
    %mul3A_3020 = arith.mulf %get3A_3018, %mul3A_3019 : vector<8x640xf32>
    %bitcast_convert_type3A_3021 = tpu.bitcast %mul3A_3020 : vector<8x640xf32> -> vector<8x640xi32>
    %add3A_3022 = arith.constant 4096 : i32
    %add3A_3023 = vector.broadcast %add3A_3022 : i32 to vector<8x640xi32>
    %add3A_3024 = arith.addi %bitcast_convert_type3A_3021, %add3A_3023 : vector<8x640xi32>
    %shift_right_logical3A_3025 = arith.constant 13 : i32
    %shift_right_logical3A_3026 = vector.broadcast %shift_right_logical3A_3025 : i32 to vector<8x640xi32>
    %shift_right_logical3A_3027 = arith.shrui %add3A_3024, %shift_right_logical3A_3026 : vector<8x640xi32>
    %and3A_3028 = arith.constant 32767 : i32
    %and3A_3029 = vector.broadcast %and3A_3028 : i32 to vector<8x640xi32>
    %and3A_3030 = arith.andi %shift_right_logical3A_3027, %and3A_3029 : vector<8x640xi32>
    %shift_right_logical3A_3031 = arith.constant 16 : i32
    %shift_right_logical3A_3032 = vector.broadcast %shift_right_logical3A_3031 : i32 to vector<8x640xi32>
    %shift_right_logical3A_3033 = arith.shrui %bitcast_convert_type3A_3021, %shift_right_logical3A_3032 : vector<8x640xi32>
    %and3A_3034 = arith.constant 32768 : i32
    %and3A_3035 = vector.broadcast %and3A_3034 : i32 to vector<8x640xi32>
    %and3A_3036 = arith.andi %shift_right_logical3A_3033, %and3A_3035 : vector<8x640xi32>
    %or3A_3037 = arith.ori %and3A_3036, %and3A_3030 : vector<8x640xi32>
    %convert_element_type3A_3038 = arith.trunci %or3A_3037 : vector<8x640xi32> to vector<8x640xi16>
    %swap3A_3039 = tpu.memref_bitcast %arg8 : memref<1000x640xf16, #tpu.memory_space<vmem>> -> memref<1000x640xi16, #tpu.memory_space<vmem>>
    %swap3A_3040 = arith.constant 456 : index
    %swap3A_3041 = arith.constant 0 : index
    %swap3A_3042 = vector.load %swap3A_3039[%swap3A_3040, %swap3A_3041] : memref<1000x640xi16, #tpu.memory_space<vmem>>, vector<8x640xi16>
    tpu.vector_store %swap3A_3039[%swap3A_3040, %swap3A_3041], %convert_element_type3A_3038 {strides = array<i32>} : memref<1000x640xi16, #tpu.memory_space<vmem>>, vector<8x640xi16>,
    %get3A_3043 = arith.constant 464 : index
    %get3A_3044 = arith.constant 0 : index
    %get3A_3045 = vector.load %arg4[%get3A_3043, %get3A_3044] : memref<1000x640xf32, #tpu.memory_space<vmem>>, vector<8x640xf32>
    %mul3A_3046 = vector.broadcast %mul3A_1476 : vector<1x640xf32> to vector<8x640xf32>
    %mul3A_3047 = arith.mulf %get3A_3045, %mul3A_3046 : vector<8x640xf32>
    %bitcast_convert_type3A_3048 = tpu.bitcast %mul3A_3047 : vector<8x640xf32> -> vector<8x640xi32>
    %add3A_3049 = arith.constant 4096 : i32
    %add3A_3050 = vector.broadcast %add3A_3049 : i32 to vector<8x640xi32>
    %add3A_3051 = arith.addi %bitcast_convert_type3A_3048, %add3A_3050 : vector<8x640xi32>
    %shift_right_logical3A_3052 = arith.constant 13 : i32
    %shift_right_logical3A_3053 = vector.broadcast %shift_right_logical3A_3052 : i32 to vector<8x640xi32>
    %shift_right_logical3A_3054 = arith.shrui %add3A_3051, %shift_right_logical3A_3053 : vector<8x640xi32>
    %and3A_3055 = arith.constant 32767 : i32
    %and3A_3056 = vector.broadcast %and3A_3055 : i32 to vector<8x640xi32>
    %and3A_3057 = arith.andi %shift_right_logical3A_3054, %and3A_3056 : vector<8x640xi32>
    %shift_right_logical3A_3058 = arith.constant 16 : i32
    %shift_right_logical3A_3059 = vector.broadcast %shift_right_logical3A_3058 : i32 to vector<8x640xi32>
    %shift_right_logical3A_3060 = arith.shrui %bitcast_convert_type3A_3048, %shift_right_logical3A_3059 : vector<8x640xi32>
    %and3A_3061 = arith.constant 32768 : i32
    %and3A_3062 = vector.broadcast %and3A_3061 : i32 to vector<8x640xi32>
    %and3A_3063 = arith.andi %shift_right_logical3A_3060, %and3A_3062 : vector<8x640xi32>
    %or3A_3064 = arith.ori %and3A_3063, %and3A_3057 : vector<8x640xi32>
    %convert_element_type3A_3065 = arith.trunci %or3A_3064 : vector<8x640xi32> to vector<8x640xi16>
    %swap3A_3066 = tpu.memref_bitcast %arg8 : memref<1000x640xf16, #tpu.memory_space<vmem>> -> memref<1000x640xi16, #tpu.memory_space<vmem>>
    %swap3A_3067 = arith.constant 464 : index
    %swap3A_3068 = arith.constant 0 : index
    %swap3A_3069 = vector.load %swap3A_3066[%swap3A_3067, %swap3A_3068] : memref<1000x640xi16, #tpu.memory_space<vmem>>, vector<8x640xi16>
    tpu.vector_store %swap3A_3066[%swap3A_3067, %swap3A_3068], %convert_element_type3A_3065 {strides = array<i32>} : memref<1000x640xi16, #tpu.memory_space<vmem>>, vector<8x640xi16>,
    %get3A_3070 = arith.constant 472 : index
    %get3A_3071 = arith.constant 0 : index
    %get3A_3072 = vector.load %arg4[%get3A_3070, %get3A_3071] : memref<1000x640xf32, #tpu.memory_space<vmem>>, vector<8x640xf32>
    %mul3A_3073 = vector.broadcast %mul3A_1476 : vector<1x640xf32> to vector<8x640xf32>
    %mul3A_3074 = arith.mulf %get3A_3072, %mul3A_3073 : vector<8x640xf32>
    %bitcast_convert_type3A_3075 = tpu.bitcast %mul3A_3074 : vector<8x640xf32> -> vector<8x640xi32>
    %add3A_3076 = arith.constant 4096 : i32
    %add3A_3077 = vector.broadcast %add3A_3076 : i32 to vector<8x640xi32>
    %add3A_3078 = arith.addi %bitcast_convert_type3A_3075, %add3A_3077 : vector<8x640xi32>
    %shift_right_logical3A_3079 = arith.constant 13 : i32
    %shift_right_logical3A_3080 = vector.broadcast %shift_right_logical3A_3079 : i32 to vector<8x640xi32>
    %shift_right_logical3A_3081 = arith.shrui %add3A_3078, %shift_right_logical3A_3080 : vector<8x640xi32>
    %and3A_3082 = arith.constant 32767 : i32
    %and3A_3083 = vector.broadcast %and3A_3082 : i32 to vector<8x640xi32>
    %and3A_3084 = arith.andi %shift_right_logical3A_3081, %and3A_3083 : vector<8x640xi32>
    %shift_right_logical3A_3085 = arith.constant 16 : i32
    %shift_right_logical3A_3086 = vector.broadcast %shift_right_logical3A_3085 : i32 to vector<8x640xi32>
    %shift_right_logical3A_3087 = arith.shrui %bitcast_convert_type3A_3075, %shift_right_logical3A_3086 : vector<8x640xi32>
    %and3A_3088 = arith.constant 32768 : i32
    %and3A_3089 = vector.broadcast %and3A_3088 : i32 to vector<8x640xi32>
    %and3A_3090 = arith.andi %shift_right_logical3A_3087, %and3A_3089 : vector<8x640xi32>
    %or3A_3091 = arith.ori %and3A_3090, %and3A_3084 : vector<8x640xi32>
    %convert_element_type3A_3092 = arith.trunci %or3A_3091 : vector<8x640xi32> to vector<8x640xi16>
    %swap3A_3093 = tpu.memref_bitcast %arg8 : memref<1000x640xf16, #tpu.memory_space<vmem>> -> memref<1000x640xi16, #tpu.memory_space<vmem>>
    %swap3A_3094 = arith.constant 472 : index
    %swap3A_3095 = arith.constant 0 : index
    %swap3A_3096 = vector.load %swap3A_3093[%swap3A_3094, %swap3A_3095] : memref<1000x640xi16, #tpu.memory_space<vmem>>, vector<8x640xi16>
    tpu.vector_store %swap3A_3093[%swap3A_3094, %swap3A_3095], %convert_element_type3A_3092 {strides = array<i32>} : memref<1000x640xi16, #tpu.memory_space<vmem>>, vector<8x640xi16>,
    %get3A_3097 = arith.constant 480 : index
    %get3A_3098 = arith.constant 0 : index
    %get3A_3099 = vector.load %arg4[%get3A_3097, %get3A_3098] : memref<1000x640xf32, #tpu.memory_space<vmem>>, vector<8x640xf32>
    %mul3A_3100 = vector.broadcast %mul3A_1476 : vector<1x640xf32> to vector<8x640xf32>
    %mul3A_3101 = arith.mulf %get3A_3099, %mul3A_3100 : vector<8x640xf32>
    %bitcast_convert_type3A_3102 = tpu.bitcast %mul3A_3101 : vector<8x640xf32> -> vector<8x640xi32>
    %add3A_3103 = arith.constant 4096 : i32
    %add3A_3104 = vector.broadcast %add3A_3103 : i32 to vector<8x640xi32>
    %add3A_3105 = arith.addi %bitcast_convert_type3A_3102, %add3A_3104 : vector<8x640xi32>
    %shift_right_logical3A_3106 = arith.constant 13 : i32
    %shift_right_logical3A_3107 = vector.broadcast %shift_right_logical3A_3106 : i32 to vector<8x640xi32>
    %shift_right_logical3A_3108 = arith.shrui %add3A_3105, %shift_right_logical3A_3107 : vector<8x640xi32>
    %and3A_3109 = arith.constant 32767 : i32
    %and3A_3110 = vector.broadcast %and3A_3109 : i32 to vector<8x640xi32>
    %and3A_3111 = arith.andi %shift_right_logical3A_3108, %and3A_3110 : vector<8x640xi32>
    %shift_right_logical3A_3112 = arith.constant 16 : i32
    %shift_right_logical3A_3113 = vector.broadcast %shift_right_logical3A_3112 : i32 to vector<8x640xi32>
    %shift_right_logical3A_3114 = arith.shrui %bitcast_convert_type3A_3102, %shift_right_logical3A_3113 : vector<8x640xi32>
    %and3A_3115 = arith.constant 32768 : i32
    %and3A_3116 = vector.broadcast %and3A_3115 : i32 to vector<8x640xi32>
    %and3A_3117 = arith.andi %shift_right_logical3A_3114, %and3A_3116 : vector<8x640xi32>
    %or3A_3118 = arith.ori %and3A_3117, %and3A_3111 : vector<8x640xi32>
    %convert_element_type3A_3119 = arith.trunci %or3A_3118 : vector<8x640xi32> to vector<8x640xi16>
    %swap3A_3120 = tpu.memref_bitcast %arg8 : memref<1000x640xf16, #tpu.memory_space<vmem>> -> memref<1000x640xi16, #tpu.memory_space<vmem>>
    %swap3A_3121 = arith.constant 480 : index
    %swap3A_3122 = arith.constant 0 : index
    %swap3A_3123 = vector.load %swap3A_3120[%swap3A_3121, %swap3A_3122] : memref<1000x640xi16, #tpu.memory_space<vmem>>, vector<8x640xi16>
    tpu.vector_store %swap3A_3120[%swap3A_3121, %swap3A_3122], %convert_element_type3A_3119 {strides = array<i32>} : memref<1000x640xi16, #tpu.memory_space<vmem>>, vector<8x640xi16>,
    %get3A_3124 = arith.constant 488 : index
    %get3A_3125 = arith.constant 0 : index
    %get3A_3126 = vector.load %arg4[%get3A_3124, %get3A_3125] : memref<1000x640xf32, #tpu.memory_space<vmem>>, vector<8x640xf32>
    %mul3A_3127 = vector.broadcast %mul3A_1476 : vector<1x640xf32> to vector<8x640xf32>
    %mul3A_3128 = arith.mulf %get3A_3126, %mul3A_3127 : vector<8x640xf32>
    %bitcast_convert_type3A_3129 = tpu.bitcast %mul3A_3128 : vector<8x640xf32> -> vector<8x640xi32>
    %add3A_3130 = arith.constant 4096 : i32
    %add3A_3131 = vector.broadcast %add3A_3130 : i32 to vector<8x640xi32>
    %add3A_3132 = arith.addi %bitcast_convert_type3A_3129, %add3A_3131 : vector<8x640xi32>
    %shift_right_logical3A_3133 = arith.constant 13 : i32
    %shift_right_logical3A_3134 = vector.broadcast %shift_right_logical3A_3133 : i32 to vector<8x640xi32>
    %shift_right_logical3A_3135 = arith.shrui %add3A_3132, %shift_right_logical3A_3134 : vector<8x640xi32>
    %and3A_3136 = arith.constant 32767 : i32
    %and3A_3137 = vector.broadcast %and3A_3136 : i32 to vector<8x640xi32>
    %and3A_3138 = arith.andi %shift_right_logical3A_3135, %and3A_3137 : vector<8x640xi32>
    %shift_right_logical3A_3139 = arith.constant 16 : i32
    %shift_right_logical3A_3140 = vector.broadcast %shift_right_logical3A_3139 : i32 to vector<8x640xi32>
    %shift_right_logical3A_3141 = arith.shrui %bitcast_convert_type3A_3129, %shift_right_logical3A_3140 : vector<8x640xi32>
    %and3A_3142 = arith.constant 32768 : i32
    %and3A_3143 = vector.broadcast %and3A_3142 : i32 to vector<8x640xi32>
    %and3A_3144 = arith.andi %shift_right_logical3A_3141, %and3A_3143 : vector<8x640xi32>
    %or3A_3145 = arith.ori %and3A_3144, %and3A_3138 : vector<8x640xi32>
    %convert_element_type3A_3146 = arith.trunci %or3A_3145 : vector<8x640xi32> to vector<8x640xi16>
    %swap3A_3147 = tpu.memref_bitcast %arg8 : memref<1000x640xf16, #tpu.memory_space<vmem>> -> memref<1000x640xi16, #tpu.memory_space<vmem>>
    %swap3A_3148 = arith.constant 488 : index
    %swap3A_3149 = arith.constant 0 : index
    %swap3A_3150 = vector.load %swap3A_3147[%swap3A_3148, %swap3A_3149] : memref<1000x640xi16, #tpu.memory_space<vmem>>, vector<8x640xi16>
    tpu.vector_store %swap3A_3147[%swap3A_3148, %swap3A_3149], %convert_element_type3A_3146 {strides = array<i32>} : memref<1000x640xi16, #tpu.memory_space<vmem>>, vector<8x640xi16>,
    %get3A_3151 = arith.constant 496 : index
    %get3A_3152 = arith.constant 0 : index
    %get3A_3153 = vector.load %arg4[%get3A_3151, %get3A_3152] : memref<1000x640xf32, #tpu.memory_space<vmem>>, vector<8x640xf32>
    %mul3A_3154 = vector.broadcast %mul3A_1476 : vector<1x640xf32> to vector<8x640xf32>
    %mul3A_3155 = arith.mulf %get3A_3153, %mul3A_3154 : vector<8x640xf32>
    %bitcast_convert_type3A_3156 = tpu.bitcast %mul3A_3155 : vector<8x640xf32> -> vector<8x640xi32>
    %add3A_3157 = arith.constant 4096 : i32
    %add3A_3158 = vector.broadcast %add3A_3157 : i32 to vector<8x640xi32>
    %add3A_3159 = arith.addi %bitcast_convert_type3A_3156, %add3A_3158 : vector<8x640xi32>
    %shift_right_logical3A_3160 = arith.constant 13 : i32
    %shift_right_logical3A_3161 = vector.broadcast %shift_right_logical3A_3160 : i32 to vector<8x640xi32>
    %shift_right_logical3A_3162 = arith.shrui %add3A_3159, %shift_right_logical3A_3161 : vector<8x640xi32>
    %and3A_3163 = arith.constant 32767 : i32
    %and3A_3164 = vector.broadcast %and3A_3163 : i32 to vector<8x640xi32>
    %and3A_3165 = arith.andi %shift_right_logical3A_3162, %and3A_3164 : vector<8x640xi32>
    %shift_right_logical3A_3166 = arith.constant 16 : i32
    %shift_right_logical3A_3167 = vector.broadcast %shift_right_logical3A_3166 : i32 to vector<8x640xi32>
    %shift_right_logical3A_3168 = arith.shrui %bitcast_convert_type3A_3156, %shift_right_logical3A_3167 : vector<8x640xi32>
    %and3A_3169 = arith.constant 32768 : i32
    %and3A_3170 = vector.broadcast %and3A_3169 : i32 to vector<8x640xi32>
    %and3A_3171 = arith.andi %shift_right_logical3A_3168, %and3A_3170 : vector<8x640xi32>
    %or3A_3172 = arith.ori %and3A_3171, %and3A_3165 : vector<8x640xi32>
    %convert_element_type3A_3173 = arith.trunci %or3A_3172 : vector<8x640xi32> to vector<8x640xi16>
    %swap3A_3174 = tpu.memref_bitcast %arg8 : memref<1000x640xf16, #tpu.memory_space<vmem>> -> memref<1000x640xi16, #tpu.memory_space<vmem>>
    %swap3A_3175 = arith.constant 496 : index
    %swap3A_3176 = arith.constant 0 : index
    %swap3A_3177 = vector.load %swap3A_3174[%swap3A_3175, %swap3A_3176] : memref<1000x640xi16, #tpu.memory_space<vmem>>, vector<8x640xi16>
    tpu.vector_store %swap3A_3174[%swap3A_3175, %swap3A_3176], %convert_element_type3A_3173 {strides = array<i32>} : memref<1000x640xi16, #tpu.memory_space<vmem>>, vector<8x640xi16>,
    %get3A_3178 = arith.constant 504 : index
    %get3A_3179 = arith.constant 0 : index
    %get3A_3180 = vector.load %arg4[%get3A_3178, %get3A_3179] : memref<1000x640xf32, #tpu.memory_space<vmem>>, vector<8x640xf32>
    %mul3A_3181 = vector.broadcast %mul3A_1476 : vector<1x640xf32> to vector<8x640xf32>
    %mul3A_3182 = arith.mulf %get3A_3180, %mul3A_3181 : vector<8x640xf32>
    %bitcast_convert_type3A_3183 = tpu.bitcast %mul3A_3182 : vector<8x640xf32> -> vector<8x640xi32>
    %add3A_3184 = arith.constant 4096 : i32
    %add3A_3185 = vector.broadcast %add3A_3184 : i32 to vector<8x640xi32>
    %add3A_3186 = arith.addi %bitcast_convert_type3A_3183, %add3A_3185 : vector<8x640xi32>
    %shift_right_logical3A_3187 = arith.constant 13 : i32
    %shift_right_logical3A_3188 = vector.broadcast %shift_right_logical3A_3187 : i32 to vector<8x640xi32>
    %shift_right_logical3A_3189 = arith.shrui %add3A_3186, %shift_right_logical3A_3188 : vector<8x640xi32>
    %and3A_3190 = arith.constant 32767 : i32
    %and3A_3191 = vector.broadcast %and3A_3190 : i32 to vector<8x640xi32>
    %and3A_3192 = arith.andi %shift_right_logical3A_3189, %and3A_3191 : vector<8x640xi32>
    %shift_right_logical3A_3193 = arith.constant 16 : i32
    %shift_right_logical3A_3194 = vector.broadcast %shift_right_logical3A_3193 : i32 to vector<8x640xi32>
    %shift_right_logical3A_3195 = arith.shrui %bitcast_convert_type3A_3183, %shift_right_logical3A_3194 : vector<8x640xi32>
    %and3A_3196 = arith.constant 32768 : i32
    %and3A_3197 = vector.broadcast %and3A_3196 : i32 to vector<8x640xi32>
    %and3A_3198 = arith.andi %shift_right_logical3A_3195, %and3A_3197 : vector<8x640xi32>
    %or3A_3199 = arith.ori %and3A_3198, %and3A_3192 : vector<8x640xi32>
    %convert_element_type3A_3200 = arith.trunci %or3A_3199 : vector<8x640xi32> to vector<8x640xi16>
    %swap3A_3201 = tpu.memref_bitcast %arg8 : memref<1000x640xf16, #tpu.memory_space<vmem>> -> memref<1000x640xi16, #tpu.memory_space<vmem>>
    %swap3A_3202 = arith.constant 504 : index
    %swap3A_3203 = arith.constant 0 : index
    %swap3A_3204 = vector.load %swap3A_3201[%swap3A_3202, %swap3A_3203] : memref<1000x640xi16, #tpu.memory_space<vmem>>, vector<8x640xi16>
    tpu.vector_store %swap3A_3201[%swap3A_3202, %swap3A_3203], %convert_element_type3A_3200 {strides = array<i32>} : memref<1000x640xi16, #tpu.memory_space<vmem>>, vector<8x640xi16>,
    %get3A_3205 = arith.constant 512 : index
    %get3A_3206 = arith.constant 0 : index
    %get3A_3207 = vector.load %arg4[%get3A_3205, %get3A_3206] : memref<1000x640xf32, #tpu.memory_space<vmem>>, vector<8x640xf32>
    %mul3A_3208 = vector.broadcast %mul3A_1476 : vector<1x640xf32> to vector<8x640xf32>
    %mul3A_3209 = arith.mulf %get3A_3207, %mul3A_3208 : vector<8x640xf32>
    %bitcast_convert_type3A_3210 = tpu.bitcast %mul3A_3209 : vector<8x640xf32> -> vector<8x640xi32>
    %add3A_3211 = arith.constant 4096 : i32
    %add3A_3212 = vector.broadcast %add3A_3211 : i32 to vector<8x640xi32>
    %add3A_3213 = arith.addi %bitcast_convert_type3A_3210, %add3A_3212 : vector<8x640xi32>
    %shift_right_logical3A_3214 = arith.constant 13 : i32
    %shift_right_logical3A_3215 = vector.broadcast %shift_right_logical3A_3214 : i32 to vector<8x640xi32>
    %shift_right_logical3A_3216 = arith.shrui %add3A_3213, %shift_right_logical3A_3215 : vector<8x640xi32>
    %and3A_3217 = arith.constant 32767 : i32
    %and3A_3218 = vector.broadcast %and3A_3217 : i32 to vector<8x640xi32>
    %and3A_3219 = arith.andi %shift_right_logical3A_3216, %and3A_3218 : vector<8x640xi32>
    %shift_right_logical3A_3220 = arith.constant 16 : i32
    %shift_right_logical3A_3221 = vector.broadcast %shift_right_logical3A_3220 : i32 to vector<8x640xi32>
    %shift_right_logical3A_3222 = arith.shrui %bitcast_convert_type3A_3210, %shift_right_logical3A_3221 : vector<8x640xi32>
    %and3A_3223 = arith.constant 32768 : i32
    %and3A_3224 = vector.broadcast %and3A_3223 : i32 to vector<8x640xi32>
    %and3A_3225 = arith.andi %shift_right_logical3A_3222, %and3A_3224 : vector<8x640xi32>
    %or3A_3226 = arith.ori %and3A_3225, %and3A_3219 : vector<8x640xi32>
    %convert_element_type3A_3227 = arith.trunci %or3A_3226 : vector<8x640xi32> to vector<8x640xi16>
    %swap3A_3228 = tpu.memref_bitcast %arg8 : memref<1000x640xf16, #tpu.memory_space<vmem>> -> memref<1000x640xi16, #tpu.memory_space<vmem>>
    %swap3A_3229 = arith.constant 512 : index
    %swap3A_3230 = arith.constant 0 : index
    %swap3A_3231 = vector.load %swap3A_3228[%swap3A_3229, %swap3A_3230] : memref<1000x640xi16, #tpu.memory_space<vmem>>, vector<8x640xi16>
    tpu.vector_store %swap3A_3228[%swap3A_3229, %swap3A_3230], %convert_element_type3A_3227 {strides = array<i32>} : memref<1000x640xi16, #tpu.memory_space<vmem>>, vector<8x640xi16>,
    %get3A_3232 = arith.constant 520 : index
    %get3A_3233 = arith.constant 0 : index
    %get3A_3234 = vector.load %arg4[%get3A_3232, %get3A_3233] : memref<1000x640xf32, #tpu.memory_space<vmem>>, vector<8x640xf32>
    %mul3A_3235 = vector.broadcast %mul3A_1476 : vector<1x640xf32> to vector<8x640xf32>
    %mul3A_3236 = arith.mulf %get3A_3234, %mul3A_3235 : vector<8x640xf32>
    %bitcast_convert_type3A_3237 = tpu.bitcast %mul3A_3236 : vector<8x640xf32> -> vector<8x640xi32>
    %add3A_3238 = arith.constant 4096 : i32
    %add3A_3239 = vector.broadcast %add3A_3238 : i32 to vector<8x640xi32>
    %add3A_3240 = arith.addi %bitcast_convert_type3A_3237, %add3A_3239 : vector<8x640xi32>
    %shift_right_logical3A_3241 = arith.constant 13 : i32
    %shift_right_logical3A_3242 = vector.broadcast %shift_right_logical3A_3241 : i32 to vector<8x640xi32>
    %shift_right_logical3A_3243 = arith.shrui %add3A_3240, %shift_right_logical3A_3242 : vector<8x640xi32>
    %and3A_3244 = arith.constant 32767 : i32
    %and3A_3245 = vector.broadcast %and3A_3244 : i32 to vector<8x640xi32>
    %and3A_3246 = arith.andi %shift_right_logical3A_3243, %and3A_3245 : vector<8x640xi32>
    %shift_right_logical3A_3247 = arith.constant 16 : i32
    %shift_right_logical3A_3248 = vector.broadcast %shift_right_logical3A_3247 : i32 to vector<8x640xi32>
    %shift_right_logical3A_3249 = arith.shrui %bitcast_convert_type3A_3237, %shift_right_logical3A_3248 : vector<8x640xi32>
    %and3A_3250 = arith.constant 32768 : i32
    %and3A_3251 = vector.broadcast %and3A_3250 : i32 to vector<8x640xi32>
    %and3A_3252 = arith.andi %shift_right_logical3A_3249, %and3A_3251 : vector<8x640xi32>
    %or3A_3253 = arith.ori %and3A_3252, %and3A_3246 : vector<8x640xi32>
    %convert_element_type3A_3254 = arith.trunci %or3A_3253 : vector<8x640xi32> to vector<8x640xi16>
    %swap3A_3255 = tpu.memref_bitcast %arg8 : memref<1000x640xf16, #tpu.memory_space<vmem>> -> memref<1000x640xi16, #tpu.memory_space<vmem>>
    %swap3A_3256 = arith.constant 520 : index
    %swap3A_3257 = arith.constant 0 : index
    %swap3A_3258 = vector.load %swap3A_3255[%swap3A_3256, %swap3A_3257] : memref<1000x640xi16, #tpu.memory_space<vmem>>, vector<8x640xi16>
    tpu.vector_store %swap3A_3255[%swap3A_3256, %swap3A_3257], %convert_element_type3A_3254 {strides = array<i32>} : memref<1000x640xi16, #tpu.memory_space<vmem>>, vector<8x640xi16>,
    %get3A_3259 = arith.constant 528 : index
    %get3A_3260 = arith.constant 0 : index
    %get3A_3261 = vector.load %arg4[%get3A_3259, %get3A_3260] : memref<1000x640xf32, #tpu.memory_space<vmem>>, vector<8x640xf32>
    %mul3A_3262 = vector.broadcast %mul3A_1476 : vector<1x640xf32> to vector<8x640xf32>
    %mul3A_3263 = arith.mulf %get3A_3261, %mul3A_3262 : vector<8x640xf32>
    %bitcast_convert_type3A_3264 = tpu.bitcast %mul3A_3263 : vector<8x640xf32> -> vector<8x640xi32>
    %add3A_3265 = arith.constant 4096 : i32
    %add3A_3266 = vector.broadcast %add3A_3265 : i32 to vector<8x640xi32>
    %add3A_3267 = arith.addi %bitcast_convert_type3A_3264, %add3A_3266 : vector<8x640xi32>
    %shift_right_logical3A_3268 = arith.constant 13 : i32
    %shift_right_logical3A_3269 = vector.broadcast %shift_right_logical3A_3268 : i32 to vector<8x640xi32>
    %shift_right_logical3A_3270 = arith.shrui %add3A_3267, %shift_right_logical3A_3269 : vector<8x640xi32>
    %and3A_3271 = arith.constant 32767 : i32
    %and3A_3272 = vector.broadcast %and3A_3271 : i32 to vector<8x640xi32>
    %and3A_3273 = arith.andi %shift_right_logical3A_3270, %and3A_3272 : vector<8x640xi32>
    %shift_right_logical3A_3274 = arith.constant 16 : i32
    %shift_right_logical3A_3275 = vector.broadcast %shift_right_logical3A_3274 : i32 to vector<8x640xi32>
    %shift_right_logical3A_3276 = arith.shrui %bitcast_convert_type3A_3264, %shift_right_logical3A_3275 : vector<8x640xi32>
    %and3A_3277 = arith.constant 32768 : i32
    %and3A_3278 = vector.broadcast %and3A_3277 : i32 to vector<8x640xi32>
    %and3A_3279 = arith.andi %shift_right_logical3A_3276, %and3A_3278 : vector<8x640xi32>
    %or3A_3280 = arith.ori %and3A_3279, %and3A_3273 : vector<8x640xi32>
    %convert_element_type3A_3281 = arith.trunci %or3A_3280 : vector<8x640xi32> to vector<8x640xi16>
    %swap3A_3282 = tpu.memref_bitcast %arg8 : memref<1000x640xf16, #tpu.memory_space<vmem>> -> memref<1000x640xi16, #tpu.memory_space<vmem>>
    %swap3A_3283 = arith.constant 528 : index
    %swap3A_3284 = arith.constant 0 : index
    %swap3A_3285 = vector.load %swap3A_3282[%swap3A_3283, %swap3A_3284] : memref<1000x640xi16, #tpu.memory_space<vmem>>, vector<8x640xi16>
    tpu.vector_store %swap3A_3282[%swap3A_3283, %swap3A_3284], %convert_element_type3A_3281 {strides = array<i32>} : memref<1000x640xi16, #tpu.memory_space<vmem>>, vector<8x640xi16>,
    %get3A_3286 = arith.constant 536 : index
    %get3A_3287 = arith.constant 0 : index
    %get3A_3288 = vector.load %arg4[%get3A_3286, %get3A_3287] : memref<1000x640xf32, #tpu.memory_space<vmem>>, vector<8x640xf32>
    %mul3A_3289 = vector.broadcast %mul3A_1476 : vector<1x640xf32> to vector<8x640xf32>
    %mul3A_3290 = arith.mulf %get3A_3288, %mul3A_3289 : vector<8x640xf32>
    %bitcast_convert_type3A_3291 = tpu.bitcast %mul3A_3290 : vector<8x640xf32> -> vector<8x640xi32>
    %add3A_3292 = arith.constant 4096 : i32
    %add3A_3293 = vector.broadcast %add3A_3292 : i32 to vector<8x640xi32>
    %add3A_3294 = arith.addi %bitcast_convert_type3A_3291, %add3A_3293 : vector<8x640xi32>
    %shift_right_logical3A_3295 = arith.constant 13 : i32
    %shift_right_logical3A_3296 = vector.broadcast %shift_right_logical3A_3295 : i32 to vector<8x640xi32>
    %shift_right_logical3A_3297 = arith.shrui %add3A_3294, %shift_right_logical3A_3296 : vector<8x640xi32>
    %and3A_3298 = arith.constant 32767 : i32
    %and3A_3299 = vector.broadcast %and3A_3298 : i32 to vector<8x640xi32>
    %and3A_3300 = arith.andi %shift_right_logical3A_3297, %and3A_3299 : vector<8x640xi32>
    %shift_right_logical3A_3301 = arith.constant 16 : i32
    %shift_right_logical3A_3302 = vector.broadcast %shift_right_logical3A_3301 : i32 to vector<8x640xi32>
    %shift_right_logical3A_3303 = arith.shrui %bitcast_convert_type3A_3291, %shift_right_logical3A_3302 : vector<8x640xi32>
    %and3A_3304 = arith.constant 32768 : i32
    %and3A_3305 = vector.broadcast %and3A_3304 : i32 to vector<8x640xi32>
    %and3A_3306 = arith.andi %shift_right_logical3A_3303, %and3A_3305 : vector<8x640xi32>
    %or3A_3307 = arith.ori %and3A_3306, %and3A_3300 : vector<8x640xi32>
    %convert_element_type3A_3308 = arith.trunci %or3A_3307 : vector<8x640xi32> to vector<8x640xi16>
    %swap3A_3309 = tpu.memref_bitcast %arg8 : memref<1000x640xf16, #tpu.memory_space<vmem>> -> memref<1000x640xi16, #tpu.memory_space<vmem>>
    %swap3A_3310 = arith.constant 536 : index
    %swap3A_3311 = arith.constant 0 : index
    %swap3A_3312 = vector.load %swap3A_3309[%swap3A_3310, %swap3A_3311] : memref<1000x640xi16, #tpu.memory_space<vmem>>, vector<8x640xi16>
    tpu.vector_store %swap3A_3309[%swap3A_3310, %swap3A_3311], %convert_element_type3A_3308 {strides = array<i32>} : memref<1000x640xi16, #tpu.memory_space<vmem>>, vector<8x640xi16>,
    %get3A_3313 = arith.constant 544 : index
    %get3A_3314 = arith.constant 0 : index
    %get3A_3315 = vector.load %arg4[%get3A_3313, %get3A_3314] : memref<1000x640xf32, #tpu.memory_space<vmem>>, vector<8x640xf32>
    %mul3A_3316 = vector.broadcast %mul3A_1476 : vector<1x640xf32> to vector<8x640xf32>
    %mul3A_3317 = arith.mulf %get3A_3315, %mul3A_3316 : vector<8x640xf32>
    %bitcast_convert_type3A_3318 = tpu.bitcast %mul3A_3317 : vector<8x640xf32> -> vector<8x640xi32>
    %add3A_3319 = arith.constant 4096 : i32
    %add3A_3320 = vector.broadcast %add3A_3319 : i32 to vector<8x640xi32>
    %add3A_3321 = arith.addi %bitcast_convert_type3A_3318, %add3A_3320 : vector<8x640xi32>
    %shift_right_logical3A_3322 = arith.constant 13 : i32
    %shift_right_logical3A_3323 = vector.broadcast %shift_right_logical3A_3322 : i32 to vector<8x640xi32>
    %shift_right_logical3A_3324 = arith.shrui %add3A_3321, %shift_right_logical3A_3323 : vector<8x640xi32>
    %and3A_3325 = arith.constant 32767 : i32
    %and3A_3326 = vector.broadcast %and3A_3325 : i32 to vector<8x640xi32>
    %and3A_3327 = arith.andi %shift_right_logical3A_3324, %and3A_3326 : vector<8x640xi32>
    %shift_right_logical3A_3328 = arith.constant 16 : i32
    %shift_right_logical3A_3329 = vector.broadcast %shift_right_logical3A_3328 : i32 to vector<8x640xi32>
    %shift_right_logical3A_3330 = arith.shrui %bitcast_convert_type3A_3318, %shift_right_logical3A_3329 : vector<8x640xi32>
    %and3A_3331 = arith.constant 32768 : i32
    %and3A_3332 = vector.broadcast %and3A_3331 : i32 to vector<8x640xi32>
    %and3A_3333 = arith.andi %shift_right_logical3A_3330, %and3A_3332 : vector<8x640xi32>
    %or3A_3334 = arith.ori %and3A_3333, %and3A_3327 : vector<8x640xi32>
    %convert_element_type3A_3335 = arith.trunci %or3A_3334 : vector<8x640xi32> to vector<8x640xi16>
    %swap3A_3336 = tpu.memref_bitcast %arg8 : memref<1000x640xf16, #tpu.memory_space<vmem>> -> memref<1000x640xi16, #tpu.memory_space<vmem>>
    %swap3A_3337 = arith.constant 544 : index
    %swap3A_3338 = arith.constant 0 : index
    %swap3A_3339 = vector.load %swap3A_3336[%swap3A_3337, %swap3A_3338] : memref<1000x640xi16, #tpu.memory_space<vmem>>, vector<8x640xi16>
    tpu.vector_store %swap3A_3336[%swap3A_3337, %swap3A_3338], %convert_element_type3A_3335 {strides = array<i32>} : memref<1000x640xi16, #tpu.memory_space<vmem>>, vector<8x640xi16>,
    %get3A_3340 = arith.constant 552 : index
    %get3A_3341 = arith.constant 0 : index
    %get3A_3342 = vector.load %arg4[%get3A_3340, %get3A_3341] : memref<1000x640xf32, #tpu.memory_space<vmem>>, vector<8x640xf32>
    %mul3A_3343 = vector.broadcast %mul3A_1476 : vector<1x640xf32> to vector<8x640xf32>
    %mul3A_3344 = arith.mulf %get3A_3342, %mul3A_3343 : vector<8x640xf32>
    %bitcast_convert_type3A_3345 = tpu.bitcast %mul3A_3344 : vector<8x640xf32> -> vector<8x640xi32>
    %add3A_3346 = arith.constant 4096 : i32
    %add3A_3347 = vector.broadcast %add3A_3346 : i32 to vector<8x640xi32>
    %add3A_3348 = arith.addi %bitcast_convert_type3A_3345, %add3A_3347 : vector<8x640xi32>
    %shift_right_logical3A_3349 = arith.constant 13 : i32
    %shift_right_logical3A_3350 = vector.broadcast %shift_right_logical3A_3349 : i32 to vector<8x640xi32>
    %shift_right_logical3A_3351 = arith.shrui %add3A_3348, %shift_right_logical3A_3350 : vector<8x640xi32>
    %and3A_3352 = arith.constant 32767 : i32
    %and3A_3353 = vector.broadcast %and3A_3352 : i32 to vector<8x640xi32>
    %and3A_3354 = arith.andi %shift_right_logical3A_3351, %and3A_3353 : vector<8x640xi32>
    %shift_right_logical3A_3355 = arith.constant 16 : i32
    %shift_right_logical3A_3356 = vector.broadcast %shift_right_logical3A_3355 : i32 to vector<8x640xi32>
    %shift_right_logical3A_3357 = arith.shrui %bitcast_convert_type3A_3345, %shift_right_logical3A_3356 : vector<8x640xi32>
    %and3A_3358 = arith.constant 32768 : i32
    %and3A_3359 = vector.broadcast %and3A_3358 : i32 to vector<8x640xi32>
    %and3A_3360 = arith.andi %shift_right_logical3A_3357, %and3A_3359 : vector<8x640xi32>
    %or3A_3361 = arith.ori %and3A_3360, %and3A_3354 : vector<8x640xi32>
    %convert_element_type3A_3362 = arith.trunci %or3A_3361 : vector<8x640xi32> to vector<8x640xi16>
    %swap3A_3363 = tpu.memref_bitcast %arg8 : memref<1000x640xf16, #tpu.memory_space<vmem>> -> memref<1000x640xi16, #tpu.memory_space<vmem>>
    %swap3A_3364 = arith.constant 552 : index
    %swap3A_3365 = arith.constant 0 : index
    %swap3A_3366 = vector.load %swap3A_3363[%swap3A_3364, %swap3A_3365] : memref<1000x640xi16, #tpu.memory_space<vmem>>, vector<8x640xi16>
    tpu.vector_store %swap3A_3363[%swap3A_3364, %swap3A_3365], %convert_element_type3A_3362 {strides = array<i32>} : memref<1000x640xi16, #tpu.memory_space<vmem>>, vector<8x640xi16>,
    %get3A_3367 = arith.constant 560 : index
    %get3A_3368 = arith.constant 0 : index
    %get3A_3369 = vector.load %arg4[%get3A_3367, %get3A_3368] : memref<1000x640xf32, #tpu.memory_space<vmem>>, vector<8x640xf32>
    %mul3A_3370 = vector.broadcast %mul3A_1476 : vector<1x640xf32> to vector<8x640xf32>
    %mul3A_3371 = arith.mulf %get3A_3369, %mul3A_3370 : vector<8x640xf32>
    %bitcast_convert_type3A_3372 = tpu.bitcast %mul3A_3371 : vector<8x640xf32> -> vector<8x640xi32>
    %add3A_3373 = arith.constant 4096 : i32
    %add3A_3374 = vector.broadcast %add3A_3373 : i32 to vector<8x640xi32>
    %add3A_3375 = arith.addi %bitcast_convert_type3A_3372, %add3A_3374 : vector<8x640xi32>
    %shift_right_logical3A_3376 = arith.constant 13 : i32
    %shift_right_logical3A_3377 = vector.broadcast %shift_right_logical3A_3376 : i32 to vector<8x640xi32>
    %shift_right_logical3A_3378 = arith.shrui %add3A_3375, %shift_right_logical3A_3377 : vector<8x640xi32>
    %and3A_3379 = arith.constant 32767 : i32
    %and3A_3380 = vector.broadcast %and3A_3379 : i32 to vector<8x640xi32>
    %and3A_3381 = arith.andi %shift_right_logical3A_3378, %and3A_3380 : vector<8x640xi32>
    %shift_right_logical3A_3382 = arith.constant 16 : i32
    %shift_right_logical3A_3383 = vector.broadcast %shift_right_logical3A_3382 : i32 to vector<8x640xi32>
    %shift_right_logical3A_3384 = arith.shrui %bitcast_convert_type3A_3372, %shift_right_logical3A_3383 : vector<8x640xi32>
    %and3A_3385 = arith.constant 32768 : i32
    %and3A_3386 = vector.broadcast %and3A_3385 : i32 to vector<8x640xi32>
    %and3A_3387 = arith.andi %shift_right_logical3A_3384, %and3A_3386 : vector<8x640xi32>
    %or3A_3388 = arith.ori %and3A_3387, %and3A_3381 : vector<8x640xi32>
    %convert_element_type3A_3389 = arith.trunci %or3A_3388 : vector<8x640xi32> to vector<8x640xi16>
    %swap3A_3390 = tpu.memref_bitcast %arg8 : memref<1000x640xf16, #tpu.memory_space<vmem>> -> memref<1000x640xi16, #tpu.memory_space<vmem>>
    %swap3A_3391 = arith.constant 560 : index
    %swap3A_3392 = arith.constant 0 : index
    %swap3A_3393 = vector.load %swap3A_3390[%swap3A_3391, %swap3A_3392] : memref<1000x640xi16, #tpu.memory_space<vmem>>, vector<8x640xi16>
    tpu.vector_store %swap3A_3390[%swap3A_3391, %swap3A_3392], %convert_element_type3A_3389 {strides = array<i32>} : memref<1000x640xi16, #tpu.memory_space<vmem>>, vector<8x640xi16>,
    %get3A_3394 = arith.constant 568 : index
    %get3A_3395 = arith.constant 0 : index
    %get3A_3396 = vector.load %arg4[%get3A_3394, %get3A_3395] : memref<1000x640xf32, #tpu.memory_space<vmem>>, vector<8x640xf32>
    %mul3A_3397 = vector.broadcast %mul3A_1476 : vector<1x640xf32> to vector<8x640xf32>
    %mul3A_3398 = arith.mulf %get3A_3396, %mul3A_3397 : vector<8x640xf32>
    %bitcast_convert_type3A_3399 = tpu.bitcast %mul3A_3398 : vector<8x640xf32> -> vector<8x640xi32>
    %add3A_3400 = arith.constant 4096 : i32
    %add3A_3401 = vector.broadcast %add3A_3400 : i32 to vector<8x640xi32>
    %add3A_3402 = arith.addi %bitcast_convert_type3A_3399, %add3A_3401 : vector<8x640xi32>
    %shift_right_logical3A_3403 = arith.constant 13 : i32
    %shift_right_logical3A_3404 = vector.broadcast %shift_right_logical3A_3403 : i32 to vector<8x640xi32>
    %shift_right_logical3A_3405 = arith.shrui %add3A_3402, %shift_right_logical3A_3404 : vector<8x640xi32>
    %and3A_3406 = arith.constant 32767 : i32
    %and3A_3407 = vector.broadcast %and3A_3406 : i32 to vector<8x640xi32>
    %and3A_3408 = arith.andi %shift_right_logical3A_3405, %and3A_3407 : vector<8x640xi32>
    %shift_right_logical3A_3409 = arith.constant 16 : i32
    %shift_right_logical3A_3410 = vector.broadcast %shift_right_logical3A_3409 : i32 to vector<8x640xi32>
    %shift_right_logical3A_3411 = arith.shrui %bitcast_convert_type3A_3399, %shift_right_logical3A_3410 : vector<8x640xi32>
    %and3A_3412 = arith.constant 32768 : i32
    %and3A_3413 = vector.broadcast %and3A_3412 : i32 to vector<8x640xi32>
    %and3A_3414 = arith.andi %shift_right_logical3A_3411, %and3A_3413 : vector<8x640xi32>
    %or3A_3415 = arith.ori %and3A_3414, %and3A_3408 : vector<8x640xi32>
    %convert_element_type3A_3416 = arith.trunci %or3A_3415 : vector<8x640xi32> to vector<8x640xi16>
    %swap3A_3417 = tpu.memref_bitcast %arg8 : memref<1000x640xf16, #tpu.memory_space<vmem>> -> memref<1000x640xi16, #tpu.memory_space<vmem>>
    %swap3A_3418 = arith.constant 568 : index
    %swap3A_3419 = arith.constant 0 : index
    %swap3A_3420 = vector.load %swap3A_3417[%swap3A_3418, %swap3A_3419] : memref<1000x640xi16, #tpu.memory_space<vmem>>, vector<8x640xi16>
    tpu.vector_store %swap3A_3417[%swap3A_3418, %swap3A_3419], %convert_element_type3A_3416 {strides = array<i32>} : memref<1000x640xi16, #tpu.memory_space<vmem>>, vector<8x640xi16>,
    %get3A_3421 = arith.constant 576 : index
    %get3A_3422 = arith.constant 0 : index
    %get3A_3423 = vector.load %arg4[%get3A_3421, %get3A_3422] : memref<1000x640xf32, #tpu.memory_space<vmem>>, vector<8x640xf32>
    %mul3A_3424 = vector.broadcast %mul3A_1476 : vector<1x640xf32> to vector<8x640xf32>
    %mul3A_3425 = arith.mulf %get3A_3423, %mul3A_3424 : vector<8x640xf32>
    %bitcast_convert_type3A_3426 = tpu.bitcast %mul3A_3425 : vector<8x640xf32> -> vector<8x640xi32>
    %add3A_3427 = arith.constant 4096 : i32
    %add3A_3428 = vector.broadcast %add3A_3427 : i32 to vector<8x640xi32>
    %add3A_3429 = arith.addi %bitcast_convert_type3A_3426, %add3A_3428 : vector<8x640xi32>
    %shift_right_logical3A_3430 = arith.constant 13 : i32
    %shift_right_logical3A_3431 = vector.broadcast %shift_right_logical3A_3430 : i32 to vector<8x640xi32>
    %shift_right_logical3A_3432 = arith.shrui %add3A_3429, %shift_right_logical3A_3431 : vector<8x640xi32>
    %and3A_3433 = arith.constant 32767 : i32
    %and3A_3434 = vector.broadcast %and3A_3433 : i32 to vector<8x640xi32>
    %and3A_3435 = arith.andi %shift_right_logical3A_3432, %and3A_3434 : vector<8x640xi32>
    %shift_right_logical3A_3436 = arith.constant 16 : i32
    %shift_right_logical3A_3437 = vector.broadcast %shift_right_logical3A_3436 : i32 to vector<8x640xi32>
    %shift_right_logical3A_3438 = arith.shrui %bitcast_convert_type3A_3426, %shift_right_logical3A_3437 : vector<8x640xi32>
    %and3A_3439 = arith.constant 32768 : i32
    %and3A_3440 = vector.broadcast %and3A_3439 : i32 to vector<8x640xi32>
    %and3A_3441 = arith.andi %shift_right_logical3A_3438, %and3A_3440 : vector<8x640xi32>
    %or3A_3442 = arith.ori %and3A_3441, %and3A_3435 : vector<8x640xi32>
    %convert_element_type3A_3443 = arith.trunci %or3A_3442 : vector<8x640xi32> to vector<8x640xi16>
    %swap3A_3444 = tpu.memref_bitcast %arg8 : memref<1000x640xf16, #tpu.memory_space<vmem>> -> memref<1000x640xi16, #tpu.memory_space<vmem>>
    %swap3A_3445 = arith.constant 576 : index
    %swap3A_3446 = arith.constant 0 : index
    %swap3A_3447 = vector.load %swap3A_3444[%swap3A_3445, %swap3A_3446] : memref<1000x640xi16, #tpu.memory_space<vmem>>, vector<8x640xi16>
    tpu.vector_store %swap3A_3444[%swap3A_3445, %swap3A_3446], %convert_element_type3A_3443 {strides = array<i32>} : memref<1000x640xi16, #tpu.memory_space<vmem>>, vector<8x640xi16>,
    %get3A_3448 = arith.constant 584 : index
    %get3A_3449 = arith.constant 0 : index
    %get3A_3450 = vector.load %arg4[%get3A_3448, %get3A_3449] : memref<1000x640xf32, #tpu.memory_space<vmem>>, vector<8x640xf32>
    %mul3A_3451 = vector.broadcast %mul3A_1476 : vector<1x640xf32> to vector<8x640xf32>
    %mul3A_3452 = arith.mulf %get3A_3450, %mul3A_3451 : vector<8x640xf32>
    %bitcast_convert_type3A_3453 = tpu.bitcast %mul3A_3452 : vector<8x640xf32> -> vector<8x640xi32>
    %add3A_3454 = arith.constant 4096 : i32
    %add3A_3455 = vector.broadcast %add3A_3454 : i32 to vector<8x640xi32>
    %add3A_3456 = arith.addi %bitcast_convert_type3A_3453, %add3A_3455 : vector<8x640xi32>
    %shift_right_logical3A_3457 = arith.constant 13 : i32
    %shift_right_logical3A_3458 = vector.broadcast %shift_right_logical3A_3457 : i32 to vector<8x640xi32>
    %shift_right_logical3A_3459 = arith.shrui %add3A_3456, %shift_right_logical3A_3458 : vector<8x640xi32>
    %and3A_3460 = arith.constant 32767 : i32
    %and3A_3461 = vector.broadcast %and3A_3460 : i32 to vector<8x640xi32>
    %and3A_3462 = arith.andi %shift_right_logical3A_3459, %and3A_3461 : vector<8x640xi32>
    %shift_right_logical3A_3463 = arith.constant 16 : i32
    %shift_right_logical3A_3464 = vector.broadcast %shift_right_logical3A_3463 : i32 to vector<8x640xi32>
    %shift_right_logical3A_3465 = arith.shrui %bitcast_convert_type3A_3453, %shift_right_logical3A_3464 : vector<8x640xi32>
    %and3A_3466 = arith.constant 32768 : i32
    %and3A_3467 = vector.broadcast %and3A_3466 : i32 to vector<8x640xi32>
    %and3A_3468 = arith.andi %shift_right_logical3A_3465, %and3A_3467 : vector<8x640xi32>
    %or3A_3469 = arith.ori %and3A_3468, %and3A_3462 : vector<8x640xi32>
    %convert_element_type3A_3470 = arith.trunci %or3A_3469 : vector<8x640xi32> to vector<8x640xi16>
    %swap3A_3471 = tpu.memref_bitcast %arg8 : memref<1000x640xf16, #tpu.memory_space<vmem>> -> memref<1000x640xi16, #tpu.memory_space<vmem>>
    %swap3A_3472 = arith.constant 584 : index
    %swap3A_3473 = arith.constant 0 : index
    %swap3A_3474 = vector.load %swap3A_3471[%swap3A_3472, %swap3A_3473] : memref<1000x640xi16, #tpu.memory_space<vmem>>, vector<8x640xi16>
    tpu.vector_store %swap3A_3471[%swap3A_3472, %swap3A_3473], %convert_element_type3A_3470 {strides = array<i32>} : memref<1000x640xi16, #tpu.memory_space<vmem>>, vector<8x640xi16>,
    %get3A_3475 = arith.constant 592 : index
    %get3A_3476 = arith.constant 0 : index
    %get3A_3477 = vector.load %arg4[%get3A_3475, %get3A_3476] : memref<1000x640xf32, #tpu.memory_space<vmem>>, vector<8x640xf32>
    %mul3A_3478 = vector.broadcast %mul3A_1476 : vector<1x640xf32> to vector<8x640xf32>
    %mul3A_3479 = arith.mulf %get3A_3477, %mul3A_3478 : vector<8x640xf32>
    %bitcast_convert_type3A_3480 = tpu.bitcast %mul3A_3479 : vector<8x640xf32> -> vector<8x640xi32>
    %add3A_3481 = arith.constant 4096 : i32
    %add3A_3482 = vector.broadcast %add3A_3481 : i32 to vector<8x640xi32>
    %add3A_3483 = arith.addi %bitcast_convert_type3A_3480, %add3A_3482 : vector<8x640xi32>
    %shift_right_logical3A_3484 = arith.constant 13 : i32
    %shift_right_logical3A_3485 = vector.broadcast %shift_right_logical3A_3484 : i32 to vector<8x640xi32>
    %shift_right_logical3A_3486 = arith.shrui %add3A_3483, %shift_right_logical3A_3485 : vector<8x640xi32>
    %and3A_3487 = arith.constant 32767 : i32
    %and3A_3488 = vector.broadcast %and3A_3487 : i32 to vector<8x640xi32>
    %and3A_3489 = arith.andi %shift_right_logical3A_3486, %and3A_3488 : vector<8x640xi32>
    %shift_right_logical3A_3490 = arith.constant 16 : i32
    %shift_right_logical3A_3491 = vector.broadcast %shift_right_logical3A_3490 : i32 to vector<8x640xi32>
    %shift_right_logical3A_3492 = arith.shrui %bitcast_convert_type3A_3480, %shift_right_logical3A_3491 : vector<8x640xi32>
    %and3A_3493 = arith.constant 32768 : i32
    %and3A_3494 = vector.broadcast %and3A_3493 : i32 to vector<8x640xi32>
    %and3A_3495 = arith.andi %shift_right_logical3A_3492, %and3A_3494 : vector<8x640xi32>
    %or3A_3496 = arith.ori %and3A_3495, %and3A_3489 : vector<8x640xi32>
    %convert_element_type3A_3497 = arith.trunci %or3A_3496 : vector<8x640xi32> to vector<8x640xi16>
    %swap3A_3498 = tpu.memref_bitcast %arg8 : memref<1000x640xf16, #tpu.memory_space<vmem>> -> memref<1000x640xi16, #tpu.memory_space<vmem>>
    %swap3A_3499 = arith.constant 592 : index
    %swap3A_3500 = arith.constant 0 : index
    %swap3A_3501 = vector.load %swap3A_3498[%swap3A_3499, %swap3A_3500] : memref<1000x640xi16, #tpu.memory_space<vmem>>, vector<8x640xi16>
    tpu.vector_store %swap3A_3498[%swap3A_3499, %swap3A_3500], %convert_element_type3A_3497 {strides = array<i32>} : memref<1000x640xi16, #tpu.memory_space<vmem>>, vector<8x640xi16>,
    %get3A_3502 = arith.constant 600 : index
    %get3A_3503 = arith.constant 0 : index
    %get3A_3504 = vector.load %arg4[%get3A_3502, %get3A_3503] : memref<1000x640xf32, #tpu.memory_space<vmem>>, vector<8x640xf32>
    %mul3A_3505 = vector.broadcast %mul3A_1476 : vector<1x640xf32> to vector<8x640xf32>
    %mul3A_3506 = arith.mulf %get3A_3504, %mul3A_3505 : vector<8x640xf32>
    %bitcast_convert_type3A_3507 = tpu.bitcast %mul3A_3506 : vector<8x640xf32> -> vector<8x640xi32>
    %add3A_3508 = arith.constant 4096 : i32
    %add3A_3509 = vector.broadcast %add3A_3508 : i32 to vector<8x640xi32>
    %add3A_3510 = arith.addi %bitcast_convert_type3A_3507, %add3A_3509 : vector<8x640xi32>
    %shift_right_logical3A_3511 = arith.constant 13 : i32
    %shift_right_logical3A_3512 = vector.broadcast %shift_right_logical3A_3511 : i32 to vector<8x640xi32>
    %shift_right_logical3A_3513 = arith.shrui %add3A_3510, %shift_right_logical3A_3512 : vector<8x640xi32>
    %and3A_3514 = arith.constant 32767 : i32
    %and3A_3515 = vector.broadcast %and3A_3514 : i32 to vector<8x640xi32>
    %and3A_3516 = arith.andi %shift_right_logical3A_3513, %and3A_3515 : vector<8x640xi32>
    %shift_right_logical3A_3517 = arith.constant 16 : i32
    %shift_right_logical3A_3518 = vector.broadcast %shift_right_logical3A_3517 : i32 to vector<8x640xi32>
    %shift_right_logical3A_3519 = arith.shrui %bitcast_convert_type3A_3507, %shift_right_logical3A_3518 : vector<8x640xi32>
    %and3A_3520 = arith.constant 32768 : i32
    %and3A_3521 = vector.broadcast %and3A_3520 : i32 to vector<8x640xi32>
    %and3A_3522 = arith.andi %shift_right_logical3A_3519, %and3A_3521 : vector<8x640xi32>
    %or3A_3523 = arith.ori %and3A_3522, %and3A_3516 : vector<8x640xi32>
    %convert_element_type3A_3524 = arith.trunci %or3A_3523 : vector<8x640xi32> to vector<8x640xi16>
    %swap3A_3525 = tpu.memref_bitcast %arg8 : memref<1000x640xf16, #tpu.memory_space<vmem>> -> memref<1000x640xi16, #tpu.memory_space<vmem>>
    %swap3A_3526 = arith.constant 600 : index
    %swap3A_3527 = arith.constant 0 : index
    %swap3A_3528 = vector.load %swap3A_3525[%swap3A_3526, %swap3A_3527] : memref<1000x640xi16, #tpu.memory_space<vmem>>, vector<8x640xi16>
    tpu.vector_store %swap3A_3525[%swap3A_3526, %swap3A_3527], %convert_element_type3A_3524 {strides = array<i32>} : memref<1000x640xi16, #tpu.memory_space<vmem>>, vector<8x640xi16>,
    %get3A_3529 = arith.constant 608 : index
    %get3A_3530 = arith.constant 0 : index
    %get3A_3531 = vector.load %arg4[%get3A_3529, %get3A_3530] : memref<1000x640xf32, #tpu.memory_space<vmem>>, vector<8x640xf32>
    %mul3A_3532 = vector.broadcast %mul3A_1476 : vector<1x640xf32> to vector<8x640xf32>
    %mul3A_3533 = arith.mulf %get3A_3531, %mul3A_3532 : vector<8x640xf32>
    %bitcast_convert_type3A_3534 = tpu.bitcast %mul3A_3533 : vector<8x640xf32> -> vector<8x640xi32>
    %add3A_3535 = arith.constant 4096 : i32
    %add3A_3536 = vector.broadcast %add3A_3535 : i32 to vector<8x640xi32>
    %add3A_3537 = arith.addi %bitcast_convert_type3A_3534, %add3A_3536 : vector<8x640xi32>
    %shift_right_logical3A_3538 = arith.constant 13 : i32
    %shift_right_logical3A_3539 = vector.broadcast %shift_right_logical3A_3538 : i32 to vector<8x640xi32>
    %shift_right_logical3A_3540 = arith.shrui %add3A_3537, %shift_right_logical3A_3539 : vector<8x640xi32>
    %and3A_3541 = arith.constant 32767 : i32
    %and3A_3542 = vector.broadcast %and3A_3541 : i32 to vector<8x640xi32>
    %and3A_3543 = arith.andi %shift_right_logical3A_3540, %and3A_3542 : vector<8x640xi32>
    %shift_right_logical3A_3544 = arith.constant 16 : i32
    %shift_right_logical3A_3545 = vector.broadcast %shift_right_logical3A_3544 : i32 to vector<8x640xi32>
    %shift_right_logical3A_3546 = arith.shrui %bitcast_convert_type3A_3534, %shift_right_logical3A_3545 : vector<8x640xi32>
    %and3A_3547 = arith.constant 32768 : i32
    %and3A_3548 = vector.broadcast %and3A_3547 : i32 to vector<8x640xi32>
    %and3A_3549 = arith.andi %shift_right_logical3A_3546, %and3A_3548 : vector<8x640xi32>
    %or3A_3550 = arith.ori %and3A_3549, %and3A_3543 : vector<8x640xi32>
    %convert_element_type3A_3551 = arith.trunci %or3A_3550 : vector<8x640xi32> to vector<8x640xi16>
    %swap3A_3552 = tpu.memref_bitcast %arg8 : memref<1000x640xf16, #tpu.memory_space<vmem>> -> memref<1000x640xi16, #tpu.memory_space<vmem>>
    %swap3A_3553 = arith.constant 608 : index
    %swap3A_3554 = arith.constant 0 : index
    %swap3A_3555 = vector.load %swap3A_3552[%swap3A_3553, %swap3A_3554] : memref<1000x640xi16, #tpu.memory_space<vmem>>, vector<8x640xi16>
    tpu.vector_store %swap3A_3552[%swap3A_3553, %swap3A_3554], %convert_element_type3A_3551 {strides = array<i32>} : memref<1000x640xi16, #tpu.memory_space<vmem>>, vector<8x640xi16>,
    %get3A_3556 = arith.constant 616 : index
    %get3A_3557 = arith.constant 0 : index
    %get3A_3558 = vector.load %arg4[%get3A_3556, %get3A_3557] : memref<1000x640xf32, #tpu.memory_space<vmem>>, vector<8x640xf32>
    %mul3A_3559 = vector.broadcast %mul3A_1476 : vector<1x640xf32> to vector<8x640xf32>
    %mul3A_3560 = arith.mulf %get3A_3558, %mul3A_3559 : vector<8x640xf32>
    %bitcast_convert_type3A_3561 = tpu.bitcast %mul3A_3560 : vector<8x640xf32> -> vector<8x640xi32>
    %add3A_3562 = arith.constant 4096 : i32
    %add3A_3563 = vector.broadcast %add3A_3562 : i32 to vector<8x640xi32>
    %add3A_3564 = arith.addi %bitcast_convert_type3A_3561, %add3A_3563 : vector<8x640xi32>
    %shift_right_logical3A_3565 = arith.constant 13 : i32
    %shift_right_logical3A_3566 = vector.broadcast %shift_right_logical3A_3565 : i32 to vector<8x640xi32>
    %shift_right_logical3A_3567 = arith.shrui %add3A_3564, %shift_right_logical3A_3566 : vector<8x640xi32>
    %and3A_3568 = arith.constant 32767 : i32
    %and3A_3569 = vector.broadcast %and3A_3568 : i32 to vector<8x640xi32>
    %and3A_3570 = arith.andi %shift_right_logical3A_3567, %and3A_3569 : vector<8x640xi32>
    %shift_right_logical3A_3571 = arith.constant 16 : i32
    %shift_right_logical3A_3572 = vector.broadcast %shift_right_logical3A_3571 : i32 to vector<8x640xi32>
    %shift_right_logical3A_3573 = arith.shrui %bitcast_convert_type3A_3561, %shift_right_logical3A_3572 : vector<8x640xi32>
    %and3A_3574 = arith.constant 32768 : i32
    %and3A_3575 = vector.broadcast %and3A_3574 : i32 to vector<8x640xi32>
    %and3A_3576 = arith.andi %shift_right_logical3A_3573, %and3A_3575 : vector<8x640xi32>
    %or3A_3577 = arith.ori %and3A_3576, %and3A_3570 : vector<8x640xi32>
    %convert_element_type3A_3578 = arith.trunci %or3A_3577 : vector<8x640xi32> to vector<8x640xi16>
    %swap3A_3579 = tpu.memref_bitcast %arg8 : memref<1000x640xf16, #tpu.memory_space<vmem>> -> memref<1000x640xi16, #tpu.memory_space<vmem>>
    %swap3A_3580 = arith.constant 616 : index
    %swap3A_3581 = arith.constant 0 : index
    %swap3A_3582 = vector.load %swap3A_3579[%swap3A_3580, %swap3A_3581] : memref<1000x640xi16, #tpu.memory_space<vmem>>, vector<8x640xi16>
    tpu.vector_store %swap3A_3579[%swap3A_3580, %swap3A_3581], %convert_element_type3A_3578 {strides = array<i32>} : memref<1000x640xi16, #tpu.memory_space<vmem>>, vector<8x640xi16>,
    %get3A_3583 = arith.constant 624 : index
    %get3A_3584 = arith.constant 0 : index
    %get3A_3585 = vector.load %arg4[%get3A_3583, %get3A_3584] : memref<1000x640xf32, #tpu.memory_space<vmem>>, vector<8x640xf32>
    %mul3A_3586 = vector.broadcast %mul3A_1476 : vector<1x640xf32> to vector<8x640xf32>
    %mul3A_3587 = arith.mulf %get3A_3585, %mul3A_3586 : vector<8x640xf32>
    %bitcast_convert_type3A_3588 = tpu.bitcast %mul3A_3587 : vector<8x640xf32> -> vector<8x640xi32>
    %add3A_3589 = arith.constant 4096 : i32
    %add3A_3590 = vector.broadcast %add3A_3589 : i32 to vector<8x640xi32>
    %add3A_3591 = arith.addi %bitcast_convert_type3A_3588, %add3A_3590 : vector<8x640xi32>
    %shift_right_logical3A_3592 = arith.constant 13 : i32
    %shift_right_logical3A_3593 = vector.broadcast %shift_right_logical3A_3592 : i32 to vector<8x640xi32>
    %shift_right_logical3A_3594 = arith.shrui %add3A_3591, %shift_right_logical3A_3593 : vector<8x640xi32>
    %and3A_3595 = arith.constant 32767 : i32
    %and3A_3596 = vector.broadcast %and3A_3595 : i32 to vector<8x640xi32>
    %and3A_3597 = arith.andi %shift_right_logical3A_3594, %and3A_3596 : vector<8x640xi32>
    %shift_right_logical3A_3598 = arith.constant 16 : i32
    %shift_right_logical3A_3599 = vector.broadcast %shift_right_logical3A_3598 : i32 to vector<8x640xi32>
    %shift_right_logical3A_3600 = arith.shrui %bitcast_convert_type3A_3588, %shift_right_logical3A_3599 : vector<8x640xi32>
    %and3A_3601 = arith.constant 32768 : i32
    %and3A_3602 = vector.broadcast %and3A_3601 : i32 to vector<8x640xi32>
    %and3A_3603 = arith.andi %shift_right_logical3A_3600, %and3A_3602 : vector<8x640xi32>
    %or3A_3604 = arith.ori %and3A_3603, %and3A_3597 : vector<8x640xi32>
    %convert_element_type3A_3605 = arith.trunci %or3A_3604 : vector<8x640xi32> to vector<8x640xi16>
    %swap3A_3606 = tpu.memref_bitcast %arg8 : memref<1000x640xf16, #tpu.memory_space<vmem>> -> memref<1000x640xi16, #tpu.memory_space<vmem>>
    %swap3A_3607 = arith.constant 624 : index
    %swap3A_3608 = arith.constant 0 : index
    %swap3A_3609 = vector.load %swap3A_3606[%swap3A_3607, %swap3A_3608] : memref<1000x640xi16, #tpu.memory_space<vmem>>, vector<8x640xi16>
    tpu.vector_store %swap3A_3606[%swap3A_3607, %swap3A_3608], %convert_element_type3A_3605 {strides = array<i32>} : memref<1000x640xi16, #tpu.memory_space<vmem>>, vector<8x640xi16>,
    %get3A_3610 = arith.constant 632 : index
    %get3A_3611 = arith.constant 0 : index
    %get3A_3612 = vector.load %arg4[%get3A_3610, %get3A_3611] : memref<1000x640xf32, #tpu.memory_space<vmem>>, vector<8x640xf32>
    %mul3A_3613 = vector.broadcast %mul3A_1476 : vector<1x640xf32> to vector<8x640xf32>
    %mul3A_3614 = arith.mulf %get3A_3612, %mul3A_3613 : vector<8x640xf32>
    %bitcast_convert_type3A_3615 = tpu.bitcast %mul3A_3614 : vector<8x640xf32> -> vector<8x640xi32>
    %add3A_3616 = arith.constant 4096 : i32
    %add3A_3617 = vector.broadcast %add3A_3616 : i32 to vector<8x640xi32>
    %add3A_3618 = arith.addi %bitcast_convert_type3A_3615, %add3A_3617 : vector<8x640xi32>
    %shift_right_logical3A_3619 = arith.constant 13 : i32
    %shift_right_logical3A_3620 = vector.broadcast %shift_right_logical3A_3619 : i32 to vector<8x640xi32>
    %shift_right_logical3A_3621 = arith.shrui %add3A_3618, %shift_right_logical3A_3620 : vector<8x640xi32>
    %and3A_3622 = arith.constant 32767 : i32
    %and3A_3623 = vector.broadcast %and3A_3622 : i32 to vector<8x640xi32>
    %and3A_3624 = arith.andi %shift_right_logical3A_3621, %and3A_3623 : vector<8x640xi32>
    %shift_right_logical3A_3625 = arith.constant 16 : i32
    %shift_right_logical3A_3626 = vector.broadcast %shift_right_logical3A_3625 : i32 to vector<8x640xi32>
    %shift_right_logical3A_3627 = arith.shrui %bitcast_convert_type3A_3615, %shift_right_logical3A_3626 : vector<8x640xi32>
    %and3A_3628 = arith.constant 32768 : i32
    %and3A_3629 = vector.broadcast %and3A_3628 : i32 to vector<8x640xi32>
    %and3A_3630 = arith.andi %shift_right_logical3A_3627, %and3A_3629 : vector<8x640xi32>
    %or3A_3631 = arith.ori %and3A_3630, %and3A_3624 : vector<8x640xi32>
    %convert_element_type3A_3632 = arith.trunci %or3A_3631 : vector<8x640xi32> to vector<8x640xi16>
    %swap3A_3633 = tpu.memref_bitcast %arg8 : memref<1000x640xf16, #tpu.memory_space<vmem>> -> memref<1000x640xi16, #tpu.memory_space<vmem>>
    %swap3A_3634 = arith.constant 632 : index
    %swap3A_3635 = arith.constant 0 : index
    %swap3A_3636 = vector.load %swap3A_3633[%swap3A_3634, %swap3A_3635] : memref<1000x640xi16, #tpu.memory_space<vmem>>, vector<8x640xi16>
    tpu.vector_store %swap3A_3633[%swap3A_3634, %swap3A_3635], %convert_element_type3A_3632 {strides = array<i32>} : memref<1000x640xi16, #tpu.memory_space<vmem>>, vector<8x640xi16>,
    %get3A_3637 = arith.constant 640 : index
    %get3A_3638 = arith.constant 0 : index
    %get3A_3639 = vector.load %arg4[%get3A_3637, %get3A_3638] : memref<1000x640xf32, #tpu.memory_space<vmem>>, vector<8x640xf32>
    %mul3A_3640 = vector.broadcast %mul3A_1476 : vector<1x640xf32> to vector<8x640xf32>
    %mul3A_3641 = arith.mulf %get3A_3639, %mul3A_3640 : vector<8x640xf32>
    %bitcast_convert_type3A_3642 = tpu.bitcast %mul3A_3641 : vector<8x640xf32> -> vector<8x640xi32>
    %add3A_3643 = arith.constant 4096 : i32
    %add3A_3644 = vector.broadcast %add3A_3643 : i32 to vector<8x640xi32>
    %add3A_3645 = arith.addi %bitcast_convert_type3A_3642, %add3A_3644 : vector<8x640xi32>
    %shift_right_logical3A_3646 = arith.constant 13 : i32
    %shift_right_logical3A_3647 = vector.broadcast %shift_right_logical3A_3646 : i32 to vector<8x640xi32>
    %shift_right_logical3A_3648 = arith.shrui %add3A_3645, %shift_right_logical3A_3647 : vector<8x640xi32>
    %and3A_3649 = arith.constant 32767 : i32
    %and3A_3650 = vector.broadcast %and3A_3649 : i32 to vector<8x640xi32>
    %and3A_3651 = arith.andi %shift_right_logical3A_3648, %and3A_3650 : vector<8x640xi32>
    %shift_right_logical3A_3652 = arith.constant 16 : i32
    %shift_right_logical3A_3653 = vector.broadcast %shift_right_logical3A_3652 : i32 to vector<8x640xi32>
    %shift_right_logical3A_3654 = arith.shrui %bitcast_convert_type3A_3642, %shift_right_logical3A_3653 : vector<8x640xi32>
    %and3A_3655 = arith.constant 32768 : i32
    %and3A_3656 = vector.broadcast %and3A_3655 : i32 to vector<8x640xi32>
    %and3A_3657 = arith.andi %shift_right_logical3A_3654, %and3A_3656 : vector<8x640xi32>
    %or3A_3658 = arith.ori %and3A_3657, %and3A_3651 : vector<8x640xi32>
    %convert_element_type3A_3659 = arith.trunci %or3A_3658 : vector<8x640xi32> to vector<8x640xi16>
    %swap3A_3660 = tpu.memref_bitcast %arg8 : memref<1000x640xf16, #tpu.memory_space<vmem>> -> memref<1000x640xi16, #tpu.memory_space<vmem>>
    %swap3A_3661 = arith.constant 640 : index
    %swap3A_3662 = arith.constant 0 : index
    %swap3A_3663 = vector.load %swap3A_3660[%swap3A_3661, %swap3A_3662] : memref<1000x640xi16, #tpu.memory_space<vmem>>, vector<8x640xi16>
    tpu.vector_store %swap3A_3660[%swap3A_3661, %swap3A_3662], %convert_element_type3A_3659 {strides = array<i32>} : memref<1000x640xi16, #tpu.memory_space<vmem>>, vector<8x640xi16>,
    %get3A_3664 = arith.constant 648 : index
    %get3A_3665 = arith.constant 0 : index
    %get3A_3666 = vector.load %arg4[%get3A_3664, %get3A_3665] : memref<1000x640xf32, #tpu.memory_space<vmem>>, vector<8x640xf32>
    %mul3A_3667 = vector.broadcast %mul3A_1476 : vector<1x640xf32> to vector<8x640xf32>
    %mul3A_3668 = arith.mulf %get3A_3666, %mul3A_3667 : vector<8x640xf32>
    %bitcast_convert_type3A_3669 = tpu.bitcast %mul3A_3668 : vector<8x640xf32> -> vector<8x640xi32>
    %add3A_3670 = arith.constant 4096 : i32
    %add3A_3671 = vector.broadcast %add3A_3670 : i32 to vector<8x640xi32>
    %add3A_3672 = arith.addi %bitcast_convert_type3A_3669, %add3A_3671 : vector<8x640xi32>
    %shift_right_logical3A_3673 = arith.constant 13 : i32
    %shift_right_logical3A_3674 = vector.broadcast %shift_right_logical3A_3673 : i32 to vector<8x640xi32>
    %shift_right_logical3A_3675 = arith.shrui %add3A_3672, %shift_right_logical3A_3674 : vector<8x640xi32>
    %and3A_3676 = arith.constant 32767 : i32
    %and3A_3677 = vector.broadcast %and3A_3676 : i32 to vector<8x640xi32>
    %and3A_3678 = arith.andi %shift_right_logical3A_3675, %and3A_3677 : vector<8x640xi32>
    %shift_right_logical3A_3679 = arith.constant 16 : i32
    %shift_right_logical3A_3680 = vector.broadcast %shift_right_logical3A_3679 : i32 to vector<8x640xi32>
    %shift_right_logical3A_3681 = arith.shrui %bitcast_convert_type3A_3669, %shift_right_logical3A_3680 : vector<8x640xi32>
    %and3A_3682 = arith.constant 32768 : i32
    %and3A_3683 = vector.broadcast %and3A_3682 : i32 to vector<8x640xi32>
    %and3A_3684 = arith.andi %shift_right_logical3A_3681, %and3A_3683 : vector<8x640xi32>
    %or3A_3685 = arith.ori %and3A_3684, %and3A_3678 : vector<8x640xi32>
    %convert_element_type3A_3686 = arith.trunci %or3A_3685 : vector<8x640xi32> to vector<8x640xi16>
    %swap3A_3687 = tpu.memref_bitcast %arg8 : memref<1000x640xf16, #tpu.memory_space<vmem>> -> memref<1000x640xi16, #tpu.memory_space<vmem>>
    %swap3A_3688 = arith.constant 648 : index
    %swap3A_3689 = arith.constant 0 : index
    %swap3A_3690 = vector.load %swap3A_3687[%swap3A_3688, %swap3A_3689] : memref<1000x640xi16, #tpu.memory_space<vmem>>, vector<8x640xi16>
    tpu.vector_store %swap3A_3687[%swap3A_3688, %swap3A_3689], %convert_element_type3A_3686 {strides = array<i32>} : memref<1000x640xi16, #tpu.memory_space<vmem>>, vector<8x640xi16>,
    %get3A_3691 = arith.constant 656 : index
    %get3A_3692 = arith.constant 0 : index
    %get3A_3693 = vector.load %arg4[%get3A_3691, %get3A_3692] : memref<1000x640xf32, #tpu.memory_space<vmem>>, vector<8x640xf32>
    %mul3A_3694 = vector.broadcast %mul3A_1476 : vector<1x640xf32> to vector<8x640xf32>
    %mul3A_3695 = arith.mulf %get3A_3693, %mul3A_3694 : vector<8x640xf32>
    %bitcast_convert_type3A_3696 = tpu.bitcast %mul3A_3695 : vector<8x640xf32> -> vector<8x640xi32>
    %add3A_3697 = arith.constant 4096 : i32
    %add3A_3698 = vector.broadcast %add3A_3697 : i32 to vector<8x640xi32>
    %add3A_3699 = arith.addi %bitcast_convert_type3A_3696, %add3A_3698 : vector<8x640xi32>
    %shift_right_logical3A_3700 = arith.constant 13 : i32
    %shift_right_logical3A_3701 = vector.broadcast %shift_right_logical3A_3700 : i32 to vector<8x640xi32>
    %shift_right_logical3A_3702 = arith.shrui %add3A_3699, %shift_right_logical3A_3701 : vector<8x640xi32>
    %and3A_3703 = arith.constant 32767 : i32
    %and3A_3704 = vector.broadcast %and3A_3703 : i32 to vector<8x640xi32>
    %and3A_3705 = arith.andi %shift_right_logical3A_3702, %and3A_3704 : vector<8x640xi32>
    %shift_right_logical3A_3706 = arith.constant 16 : i32
    %shift_right_logical3A_3707 = vector.broadcast %shift_right_logical3A_3706 : i32 to vector<8x640xi32>
    %shift_right_logical3A_3708 = arith.shrui %bitcast_convert_type3A_3696, %shift_right_logical3A_3707 : vector<8x640xi32>
    %and3A_3709 = arith.constant 32768 : i32
    %and3A_3710 = vector.broadcast %and3A_3709 : i32 to vector<8x640xi32>
    %and3A_3711 = arith.andi %shift_right_logical3A_3708, %and3A_3710 : vector<8x640xi32>
    %or3A_3712 = arith.ori %and3A_3711, %and3A_3705 : vector<8x640xi32>
    %convert_element_type3A_3713 = arith.trunci %or3A_3712 : vector<8x640xi32> to vector<8x640xi16>
    %swap3A_3714 = tpu.memref_bitcast %arg8 : memref<1000x640xf16, #tpu.memory_space<vmem>> -> memref<1000x640xi16, #tpu.memory_space<vmem>>
    %swap3A_3715 = arith.constant 656 : index
    %swap3A_3716 = arith.constant 0 : index
    %swap3A_3717 = vector.load %swap3A_3714[%swap3A_3715, %swap3A_3716] : memref<1000x640xi16, #tpu.memory_space<vmem>>, vector<8x640xi16>
    tpu.vector_store %swap3A_3714[%swap3A_3715, %swap3A_3716], %convert_element_type3A_3713 {strides = array<i32>} : memref<1000x640xi16, #tpu.memory_space<vmem>>, vector<8x640xi16>,
    %get3A_3718 = arith.constant 664 : index
    %get3A_3719 = arith.constant 0 : index
    %get3A_3720 = vector.load %arg4[%get3A_3718, %get3A_3719] : memref<1000x640xf32, #tpu.memory_space<vmem>>, vector<8x640xf32>
    %mul3A_3721 = vector.broadcast %mul3A_1476 : vector<1x640xf32> to vector<8x640xf32>
    %mul3A_3722 = arith.mulf %get3A_3720, %mul3A_3721 : vector<8x640xf32>
    %bitcast_convert_type3A_3723 = tpu.bitcast %mul3A_3722 : vector<8x640xf32> -> vector<8x640xi32>
    %add3A_3724 = arith.constant 4096 : i32
    %add3A_3725 = vector.broadcast %add3A_3724 : i32 to vector<8x640xi32>
    %add3A_3726 = arith.addi %bitcast_convert_type3A_3723, %add3A_3725 : vector<8x640xi32>
    %shift_right_logical3A_3727 = arith.constant 13 : i32
    %shift_right_logical3A_3728 = vector.broadcast %shift_right_logical3A_3727 : i32 to vector<8x640xi32>
    %shift_right_logical3A_3729 = arith.shrui %add3A_3726, %shift_right_logical3A_3728 : vector<8x640xi32>
    %and3A_3730 = arith.constant 32767 : i32
    %and3A_3731 = vector.broadcast %and3A_3730 : i32 to vector<8x640xi32>
    %and3A_3732 = arith.andi %shift_right_logical3A_3729, %and3A_3731 : vector<8x640xi32>
    %shift_right_logical3A_3733 = arith.constant 16 : i32
    %shift_right_logical3A_3734 = vector.broadcast %shift_right_logical3A_3733 : i32 to vector<8x640xi32>
    %shift_right_logical3A_3735 = arith.shrui %bitcast_convert_type3A_3723, %shift_right_logical3A_3734 : vector<8x640xi32>
    %and3A_3736 = arith.constant 32768 : i32
    %and3A_3737 = vector.broadcast %and3A_3736 : i32 to vector<8x640xi32>
    %and3A_3738 = arith.andi %shift_right_logical3A_3735, %and3A_3737 : vector<8x640xi32>
    %or3A_3739 = arith.ori %and3A_3738, %and3A_3732 : vector<8x640xi32>
    %convert_element_type3A_3740 = arith.trunci %or3A_3739 : vector<8x640xi32> to vector<8x640xi16>
    %swap3A_3741 = tpu.memref_bitcast %arg8 : memref<1000x640xf16, #tpu.memory_space<vmem>> -> memref<1000x640xi16, #tpu.memory_space<vmem>>
    %swap3A_3742 = arith.constant 664 : index
    %swap3A_3743 = arith.constant 0 : index
    %swap3A_3744 = vector.load %swap3A_3741[%swap3A_3742, %swap3A_3743] : memref<1000x640xi16, #tpu.memory_space<vmem>>, vector<8x640xi16>
    tpu.vector_store %swap3A_3741[%swap3A_3742, %swap3A_3743], %convert_element_type3A_3740 {strides = array<i32>} : memref<1000x640xi16, #tpu.memory_space<vmem>>, vector<8x640xi16>,
    %get3A_3745 = arith.constant 672 : index
    %get3A_3746 = arith.constant 0 : index
    %get3A_3747 = vector.load %arg4[%get3A_3745, %get3A_3746] : memref<1000x640xf32, #tpu.memory_space<vmem>>, vector<8x640xf32>
    %mul3A_3748 = vector.broadcast %mul3A_1476 : vector<1x640xf32> to vector<8x640xf32>
    %mul3A_3749 = arith.mulf %get3A_3747, %mul3A_3748 : vector<8x640xf32>
    %bitcast_convert_type3A_3750 = tpu.bitcast %mul3A_3749 : vector<8x640xf32> -> vector<8x640xi32>
    %add3A_3751 = arith.constant 4096 : i32
    %add3A_3752 = vector.broadcast %add3A_3751 : i32 to vector<8x640xi32>
    %add3A_3753 = arith.addi %bitcast_convert_type3A_3750, %add3A_3752 : vector<8x640xi32>
    %shift_right_logical3A_3754 = arith.constant 13 : i32
    %shift_right_logical3A_3755 = vector.broadcast %shift_right_logical3A_3754 : i32 to vector<8x640xi32>
    %shift_right_logical3A_3756 = arith.shrui %add3A_3753, %shift_right_logical3A_3755 : vector<8x640xi32>
    %and3A_3757 = arith.constant 32767 : i32
    %and3A_3758 = vector.broadcast %and3A_3757 : i32 to vector<8x640xi32>
    %and3A_3759 = arith.andi %shift_right_logical3A_3756, %and3A_3758 : vector<8x640xi32>
    %shift_right_logical3A_3760 = arith.constant 16 : i32
    %shift_right_logical3A_3761 = vector.broadcast %shift_right_logical3A_3760 : i32 to vector<8x640xi32>
    %shift_right_logical3A_3762 = arith.shrui %bitcast_convert_type3A_3750, %shift_right_logical3A_3761 : vector<8x640xi32>
    %and3A_3763 = arith.constant 32768 : i32
    %and3A_3764 = vector.broadcast %and3A_3763 : i32 to vector<8x640xi32>
    %and3A_3765 = arith.andi %shift_right_logical3A_3762, %and3A_3764 : vector<8x640xi32>
    %or3A_3766 = arith.ori %and3A_3765, %and3A_3759 : vector<8x640xi32>
    %convert_element_type3A_3767 = arith.trunci %or3A_3766 : vector<8x640xi32> to vector<8x640xi16>
    %swap3A_3768 = tpu.memref_bitcast %arg8 : memref<1000x640xf16, #tpu.memory_space<vmem>> -> memref<1000x640xi16, #tpu.memory_space<vmem>>
    %swap3A_3769 = arith.constant 672 : index
    %swap3A_3770 = arith.constant 0 : index
    %swap3A_3771 = vector.load %swap3A_3768[%swap3A_3769, %swap3A_3770] : memref<1000x640xi16, #tpu.memory_space<vmem>>, vector<8x640xi16>
    tpu.vector_store %swap3A_3768[%swap3A_3769, %swap3A_3770], %convert_element_type3A_3767 {strides = array<i32>} : memref<1000x640xi16, #tpu.memory_space<vmem>>, vector<8x640xi16>,
    %get3A_3772 = arith.constant 680 : index
    %get3A_3773 = arith.constant 0 : index
    %get3A_3774 = vector.load %arg4[%get3A_3772, %get3A_3773] : memref<1000x640xf32, #tpu.memory_space<vmem>>, vector<8x640xf32>
    %mul3A_3775 = vector.broadcast %mul3A_1476 : vector<1x640xf32> to vector<8x640xf32>
    %mul3A_3776 = arith.mulf %get3A_3774, %mul3A_3775 : vector<8x640xf32>
    %bitcast_convert_type3A_3777 = tpu.bitcast %mul3A_3776 : vector<8x640xf32> -> vector<8x640xi32>
    %add3A_3778 = arith.constant 4096 : i32
    %add3A_3779 = vector.broadcast %add3A_3778 : i32 to vector<8x640xi32>
    %add3A_3780 = arith.addi %bitcast_convert_type3A_3777, %add3A_3779 : vector<8x640xi32>
    %shift_right_logical3A_3781 = arith.constant 13 : i32
    %shift_right_logical3A_3782 = vector.broadcast %shift_right_logical3A_3781 : i32 to vector<8x640xi32>
    %shift_right_logical3A_3783 = arith.shrui %add3A_3780, %shift_right_logical3A_3782 : vector<8x640xi32>
    %and3A_3784 = arith.constant 32767 : i32
    %and3A_3785 = vector.broadcast %and3A_3784 : i32 to vector<8x640xi32>
    %and3A_3786 = arith.andi %shift_right_logical3A_3783, %and3A_3785 : vector<8x640xi32>
    %shift_right_logical3A_3787 = arith.constant 16 : i32
    %shift_right_logical3A_3788 = vector.broadcast %shift_right_logical3A_3787 : i32 to vector<8x640xi32>
    %shift_right_logical3A_3789 = arith.shrui %bitcast_convert_type3A_3777, %shift_right_logical3A_3788 : vector<8x640xi32>
    %and3A_3790 = arith.constant 32768 : i32
    %and3A_3791 = vector.broadcast %and3A_3790 : i32 to vector<8x640xi32>
    %and3A_3792 = arith.andi %shift_right_logical3A_3789, %and3A_3791 : vector<8x640xi32>
    %or3A_3793 = arith.ori %and3A_3792, %and3A_3786 : vector<8x640xi32>
    %convert_element_type3A_3794 = arith.trunci %or3A_3793 : vector<8x640xi32> to vector<8x640xi16>
    %swap3A_3795 = tpu.memref_bitcast %arg8 : memref<1000x640xf16, #tpu.memory_space<vmem>> -> memref<1000x640xi16, #tpu.memory_space<vmem>>
    %swap3A_3796 = arith.constant 680 : index
    %swap3A_3797 = arith.constant 0 : index
    %swap3A_3798 = vector.load %swap3A_3795[%swap3A_3796, %swap3A_3797] : memref<1000x640xi16, #tpu.memory_space<vmem>>, vector<8x640xi16>
    tpu.vector_store %swap3A_3795[%swap3A_3796, %swap3A_3797], %convert_element_type3A_3794 {strides = array<i32>} : memref<1000x640xi16, #tpu.memory_space<vmem>>, vector<8x640xi16>,
    %get3A_3799 = arith.constant 688 : index
    %get3A_3800 = arith.constant 0 : index
    %get3A_3801 = vector.load %arg4[%get3A_3799, %get3A_3800] : memref<1000x640xf32, #tpu.memory_space<vmem>>, vector<8x640xf32>
    %mul3A_3802 = vector.broadcast %mul3A_1476 : vector<1x640xf32> to vector<8x640xf32>
    %mul3A_3803 = arith.mulf %get3A_3801, %mul3A_3802 : vector<8x640xf32>
    %bitcast_convert_type3A_3804 = tpu.bitcast %mul3A_3803 : vector<8x640xf32> -> vector<8x640xi32>
    %add3A_3805 = arith.constant 4096 : i32
    %add3A_3806 = vector.broadcast %add3A_3805 : i32 to vector<8x640xi32>
    %add3A_3807 = arith.addi %bitcast_convert_type3A_3804, %add3A_3806 : vector<8x640xi32>
    %shift_right_logical3A_3808 = arith.constant 13 : i32
    %shift_right_logical3A_3809 = vector.broadcast %shift_right_logical3A_3808 : i32 to vector<8x640xi32>
    %shift_right_logical3A_3810 = arith.shrui %add3A_3807, %shift_right_logical3A_3809 : vector<8x640xi32>
    %and3A_3811 = arith.constant 32767 : i32
    %and3A_3812 = vector.broadcast %and3A_3811 : i32 to vector<8x640xi32>
    %and3A_3813 = arith.andi %shift_right_logical3A_3810, %and3A_3812 : vector<8x640xi32>
    %shift_right_logical3A_3814 = arith.constant 16 : i32
    %shift_right_logical3A_3815 = vector.broadcast %shift_right_logical3A_3814 : i32 to vector<8x640xi32>
    %shift_right_logical3A_3816 = arith.shrui %bitcast_convert_type3A_3804, %shift_right_logical3A_3815 : vector<8x640xi32>
    %and3A_3817 = arith.constant 32768 : i32
    %and3A_3818 = vector.broadcast %and3A_3817 : i32 to vector<8x640xi32>
    %and3A_3819 = arith.andi %shift_right_logical3A_3816, %and3A_3818 : vector<8x640xi32>
    %or3A_3820 = arith.ori %and3A_3819, %and3A_3813 : vector<8x640xi32>
    %convert_element_type3A_3821 = arith.trunci %or3A_3820 : vector<8x640xi32> to vector<8x640xi16>
    %swap3A_3822 = tpu.memref_bitcast %arg8 : memref<1000x640xf16, #tpu.memory_space<vmem>> -> memref<1000x640xi16, #tpu.memory_space<vmem>>
    %swap3A_3823 = arith.constant 688 : index
    %swap3A_3824 = arith.constant 0 : index
    %swap3A_3825 = vector.load %swap3A_3822[%swap3A_3823, %swap3A_3824] : memref<1000x640xi16, #tpu.memory_space<vmem>>, vector<8x640xi16>
    tpu.vector_store %swap3A_3822[%swap3A_3823, %swap3A_3824], %convert_element_type3A_3821 {strides = array<i32>} : memref<1000x640xi16, #tpu.memory_space<vmem>>, vector<8x640xi16>,
    %get3A_3826 = arith.constant 696 : index
    %get3A_3827 = arith.constant 0 : index
    %get3A_3828 = vector.load %arg4[%get3A_3826, %get3A_3827] : memref<1000x640xf32, #tpu.memory_space<vmem>>, vector<8x640xf32>
    %mul3A_3829 = vector.broadcast %mul3A_1476 : vector<1x640xf32> to vector<8x640xf32>
    %mul3A_3830 = arith.mulf %get3A_3828, %mul3A_3829 : vector<8x640xf32>
    %bitcast_convert_type3A_3831 = tpu.bitcast %mul3A_3830 : vector<8x640xf32> -> vector<8x640xi32>
    %add3A_3832 = arith.constant 4096 : i32
    %add3A_3833 = vector.broadcast %add3A_3832 : i32 to vector<8x640xi32>
    %add3A_3834 = arith.addi %bitcast_convert_type3A_3831, %add3A_3833 : vector<8x640xi32>
    %shift_right_logical3A_3835 = arith.constant 13 : i32
    %shift_right_logical3A_3836 = vector.broadcast %shift_right_logical3A_3835 : i32 to vector<8x640xi32>
    %shift_right_logical3A_3837 = arith.shrui %add3A_3834, %shift_right_logical3A_3836 : vector<8x640xi32>
    %and3A_3838 = arith.constant 32767 : i32
    %and3A_3839 = vector.broadcast %and3A_3838 : i32 to vector<8x640xi32>
    %and3A_3840 = arith.andi %shift_right_logical3A_3837, %and3A_3839 : vector<8x640xi32>
    %shift_right_logical3A_3841 = arith.constant 16 : i32
    %shift_right_logical3A_3842 = vector.broadcast %shift_right_logical3A_3841 : i32 to vector<8x640xi32>
    %shift_right_logical3A_3843 = arith.shrui %bitcast_convert_type3A_3831, %shift_right_logical3A_3842 : vector<8x640xi32>
    %and3A_3844 = arith.constant 32768 : i32
    %and3A_3845 = vector.broadcast %and3A_3844 : i32 to vector<8x640xi32>
    %and3A_3846 = arith.andi %shift_right_logical3A_3843, %and3A_3845 : vector<8x640xi32>
    %or3A_3847 = arith.ori %and3A_3846, %and3A_3840 : vector<8x640xi32>
    %convert_element_type3A_3848 = arith.trunci %or3A_3847 : vector<8x640xi32> to vector<8x640xi16>
    %swap3A_3849 = tpu.memref_bitcast %arg8 : memref<1000x640xf16, #tpu.memory_space<vmem>> -> memref<1000x640xi16, #tpu.memory_space<vmem>>
    %swap3A_3850 = arith.constant 696 : index
    %swap3A_3851 = arith.constant 0 : index
    %swap3A_3852 = vector.load %swap3A_3849[%swap3A_3850, %swap3A_3851] : memref<1000x640xi16, #tpu.memory_space<vmem>>, vector<8x640xi16>
    tpu.vector_store %swap3A_3849[%swap3A_3850, %swap3A_3851], %convert_element_type3A_3848 {strides = array<i32>} : memref<1000x640xi16, #tpu.memory_space<vmem>>, vector<8x640xi16>,
    %get3A_3853 = arith.constant 704 : index
    %get3A_3854 = arith.constant 0 : index
    %get3A_3855 = vector.load %arg4[%get3A_3853, %get3A_3854] : memref<1000x640xf32, #tpu.memory_space<vmem>>, vector<8x640xf32>
    %mul3A_3856 = vector.broadcast %mul3A_1476 : vector<1x640xf32> to vector<8x640xf32>
    %mul3A_3857 = arith.mulf %get3A_3855, %mul3A_3856 : vector<8x640xf32>
    %bitcast_convert_type3A_3858 = tpu.bitcast %mul3A_3857 : vector<8x640xf32> -> vector<8x640xi32>
    %add3A_3859 = arith.constant 4096 : i32
    %add3A_3860 = vector.broadcast %add3A_3859 : i32 to vector<8x640xi32>
    %add3A_3861 = arith.addi %bitcast_convert_type3A_3858, %add3A_3860 : vector<8x640xi32>
    %shift_right_logical3A_3862 = arith.constant 13 : i32
    %shift_right_logical3A_3863 = vector.broadcast %shift_right_logical3A_3862 : i32 to vector<8x640xi32>
    %shift_right_logical3A_3864 = arith.shrui %add3A_3861, %shift_right_logical3A_3863 : vector<8x640xi32>
    %and3A_3865 = arith.constant 32767 : i32
    %and3A_3866 = vector.broadcast %and3A_3865 : i32 to vector<8x640xi32>
    %and3A_3867 = arith.andi %shift_right_logical3A_3864, %and3A_3866 : vector<8x640xi32>
    %shift_right_logical3A_3868 = arith.constant 16 : i32
    %shift_right_logical3A_3869 = vector.broadcast %shift_right_logical3A_3868 : i32 to vector<8x640xi32>
    %shift_right_logical3A_3870 = arith.shrui %bitcast_convert_type3A_3858, %shift_right_logical3A_3869 : vector<8x640xi32>
    %and3A_3871 = arith.constant 32768 : i32
    %and3A_3872 = vector.broadcast %and3A_3871 : i32 to vector<8x640xi32>
    %and3A_3873 = arith.andi %shift_right_logical3A_3870, %and3A_3872 : vector<8x640xi32>
    %or3A_3874 = arith.ori %and3A_3873, %and3A_3867 : vector<8x640xi32>
    %convert_element_type3A_3875 = arith.trunci %or3A_3874 : vector<8x640xi32> to vector<8x640xi16>
    %swap3A_3876 = tpu.memref_bitcast %arg8 : memref<1000x640xf16, #tpu.memory_space<vmem>> -> memref<1000x640xi16, #tpu.memory_space<vmem>>
    %swap3A_3877 = arith.constant 704 : index
    %swap3A_3878 = arith.constant 0 : index
    %swap3A_3879 = vector.load %swap3A_3876[%swap3A_3877, %swap3A_3878] : memref<1000x640xi16, #tpu.memory_space<vmem>>, vector<8x640xi16>
    tpu.vector_store %swap3A_3876[%swap3A_3877, %swap3A_3878], %convert_element_type3A_3875 {strides = array<i32>} : memref<1000x640xi16, #tpu.memory_space<vmem>>, vector<8x640xi16>,
    %get3A_3880 = arith.constant 712 : index
    %get3A_3881 = arith.constant 0 : index
    %get3A_3882 = vector.load %arg4[%get3A_3880, %get3A_3881] : memref<1000x640xf32, #tpu.memory_space<vmem>>, vector<8x640xf32>
    %mul3A_3883 = vector.broadcast %mul3A_1476 : vector<1x640xf32> to vector<8x640xf32>
    %mul3A_3884 = arith.mulf %get3A_3882, %mul3A_3883 : vector<8x640xf32>
    %bitcast_convert_type3A_3885 = tpu.bitcast %mul3A_3884 : vector<8x640xf32> -> vector<8x640xi32>
    %add3A_3886 = arith.constant 4096 : i32
    %add3A_3887 = vector.broadcast %add3A_3886 : i32 to vector<8x640xi32>
    %add3A_3888 = arith.addi %bitcast_convert_type3A_3885, %add3A_3887 : vector<8x640xi32>
    %shift_right_logical3A_3889 = arith.constant 13 : i32
    %shift_right_logical3A_3890 = vector.broadcast %shift_right_logical3A_3889 : i32 to vector<8x640xi32>
    %shift_right_logical3A_3891 = arith.shrui %add3A_3888, %shift_right_logical3A_3890 : vector<8x640xi32>
    %and3A_3892 = arith.constant 32767 : i32
    %and3A_3893 = vector.broadcast %and3A_3892 : i32 to vector<8x640xi32>
    %and3A_3894 = arith.andi %shift_right_logical3A_3891, %and3A_3893 : vector<8x640xi32>
    %shift_right_logical3A_3895 = arith.constant 16 : i32
    %shift_right_logical3A_3896 = vector.broadcast %shift_right_logical3A_3895 : i32 to vector<8x640xi32>
    %shift_right_logical3A_3897 = arith.shrui %bitcast_convert_type3A_3885, %shift_right_logical3A_3896 : vector<8x640xi32>
    %and3A_3898 = arith.constant 32768 : i32
    %and3A_3899 = vector.broadcast %and3A_3898 : i32 to vector<8x640xi32>
    %and3A_3900 = arith.andi %shift_right_logical3A_3897, %and3A_3899 : vector<8x640xi32>
    %or3A_3901 = arith.ori %and3A_3900, %and3A_3894 : vector<8x640xi32>
    %convert_element_type3A_3902 = arith.trunci %or3A_3901 : vector<8x640xi32> to vector<8x640xi16>
    %swap3A_3903 = tpu.memref_bitcast %arg8 : memref<1000x640xf16, #tpu.memory_space<vmem>> -> memref<1000x640xi16, #tpu.memory_space<vmem>>
    %swap3A_3904 = arith.constant 712 : index
    %swap3A_3905 = arith.constant 0 : index
    %swap3A_3906 = vector.load %swap3A_3903[%swap3A_3904, %swap3A_3905] : memref<1000x640xi16, #tpu.memory_space<vmem>>, vector<8x640xi16>
    tpu.vector_store %swap3A_3903[%swap3A_3904, %swap3A_3905], %convert_element_type3A_3902 {strides = array<i32>} : memref<1000x640xi16, #tpu.memory_space<vmem>>, vector<8x640xi16>,
    %get3A_3907 = arith.constant 720 : index
    %get3A_3908 = arith.constant 0 : index
    %get3A_3909 = vector.load %arg4[%get3A_3907, %get3A_3908] : memref<1000x640xf32, #tpu.memory_space<vmem>>, vector<8x640xf32>
    %mul3A_3910 = vector.broadcast %mul3A_1476 : vector<1x640xf32> to vector<8x640xf32>
    %mul3A_3911 = arith.mulf %get3A_3909, %mul3A_3910 : vector<8x640xf32>
    %bitcast_convert_type3A_3912 = tpu.bitcast %mul3A_3911 : vector<8x640xf32> -> vector<8x640xi32>
    %add3A_3913 = arith.constant 4096 : i32
    %add3A_3914 = vector.broadcast %add3A_3913 : i32 to vector<8x640xi32>
    %add3A_3915 = arith.addi %bitcast_convert_type3A_3912, %add3A_3914 : vector<8x640xi32>
    %shift_right_logical3A_3916 = arith.constant 13 : i32
    %shift_right_logical3A_3917 = vector.broadcast %shift_right_logical3A_3916 : i32 to vector<8x640xi32>
    %shift_right_logical3A_3918 = arith.shrui %add3A_3915, %shift_right_logical3A_3917 : vector<8x640xi32>
    %and3A_3919 = arith.constant 32767 : i32
    %and3A_3920 = vector.broadcast %and3A_3919 : i32 to vector<8x640xi32>
    %and3A_3921 = arith.andi %shift_right_logical3A_3918, %and3A_3920 : vector<8x640xi32>
    %shift_right_logical3A_3922 = arith.constant 16 : i32
    %shift_right_logical3A_3923 = vector.broadcast %shift_right_logical3A_3922 : i32 to vector<8x640xi32>
    %shift_right_logical3A_3924 = arith.shrui %bitcast_convert_type3A_3912, %shift_right_logical3A_3923 : vector<8x640xi32>
    %and3A_3925 = arith.constant 32768 : i32
    %and3A_3926 = vector.broadcast %and3A_3925 : i32 to vector<8x640xi32>
    %and3A_3927 = arith.andi %shift_right_logical3A_3924, %and3A_3926 : vector<8x640xi32>
    %or3A_3928 = arith.ori %and3A_3927, %and3A_3921 : vector<8x640xi32>
    %convert_element_type3A_3929 = arith.trunci %or3A_3928 : vector<8x640xi32> to vector<8x640xi16>
    %swap3A_3930 = tpu.memref_bitcast %arg8 : memref<1000x640xf16, #tpu.memory_space<vmem>> -> memref<1000x640xi16, #tpu.memory_space<vmem>>
    %swap3A_3931 = arith.constant 720 : index
    %swap3A_3932 = arith.constant 0 : index
    %swap3A_3933 = vector.load %swap3A_3930[%swap3A_3931, %swap3A_3932] : memref<1000x640xi16, #tpu.memory_space<vmem>>, vector<8x640xi16>
    tpu.vector_store %swap3A_3930[%swap3A_3931, %swap3A_3932], %convert_element_type3A_3929 {strides = array<i32>} : memref<1000x640xi16, #tpu.memory_space<vmem>>, vector<8x640xi16>,
    %get3A_3934 = arith.constant 728 : index
    %get3A_3935 = arith.constant 0 : index
    %get3A_3936 = vector.load %arg4[%get3A_3934, %get3A_3935] : memref<1000x640xf32, #tpu.memory_space<vmem>>, vector<8x640xf32>
    %mul3A_3937 = vector.broadcast %mul3A_1476 : vector<1x640xf32> to vector<8x640xf32>
    %mul3A_3938 = arith.mulf %get3A_3936, %mul3A_3937 : vector<8x640xf32>
    %bitcast_convert_type3A_3939 = tpu.bitcast %mul3A_3938 : vector<8x640xf32> -> vector<8x640xi32>
    %add3A_3940 = arith.constant 4096 : i32
    %add3A_3941 = vector.broadcast %add3A_3940 : i32 to vector<8x640xi32>
    %add3A_3942 = arith.addi %bitcast_convert_type3A_3939, %add3A_3941 : vector<8x640xi32>
    %shift_right_logical3A_3943 = arith.constant 13 : i32
    %shift_right_logical3A_3944 = vector.broadcast %shift_right_logical3A_3943 : i32 to vector<8x640xi32>
    %shift_right_logical3A_3945 = arith.shrui %add3A_3942, %shift_right_logical3A_3944 : vector<8x640xi32>
    %and3A_3946 = arith.constant 32767 : i32
    %and3A_3947 = vector.broadcast %and3A_3946 : i32 to vector<8x640xi32>
    %and3A_3948 = arith.andi %shift_right_logical3A_3945, %and3A_3947 : vector<8x640xi32>
    %shift_right_logical3A_3949 = arith.constant 16 : i32
    %shift_right_logical3A_3950 = vector.broadcast %shift_right_logical3A_3949 : i32 to vector<8x640xi32>
    %shift_right_logical3A_3951 = arith.shrui %bitcast_convert_type3A_3939, %shift_right_logical3A_3950 : vector<8x640xi32>
    %and3A_3952 = arith.constant 32768 : i32
    %and3A_3953 = vector.broadcast %and3A_3952 : i32 to vector<8x640xi32>
    %and3A_3954 = arith.andi %shift_right_logical3A_3951, %and3A_3953 : vector<8x640xi32>
    %or3A_3955 = arith.ori %and3A_3954, %and3A_3948 : vector<8x640xi32>
    %convert_element_type3A_3956 = arith.trunci %or3A_3955 : vector<8x640xi32> to vector<8x640xi16>
    %swap3A_3957 = tpu.memref_bitcast %arg8 : memref<1000x640xf16, #tpu.memory_space<vmem>> -> memref<1000x640xi16, #tpu.memory_space<vmem>>
    %swap3A_3958 = arith.constant 728 : index
    %swap3A_3959 = arith.constant 0 : index
    %swap3A_3960 = vector.load %swap3A_3957[%swap3A_3958, %swap3A_3959] : memref<1000x640xi16, #tpu.memory_space<vmem>>, vector<8x640xi16>
    tpu.vector_store %swap3A_3957[%swap3A_3958, %swap3A_3959], %convert_element_type3A_3956 {strides = array<i32>} : memref<1000x640xi16, #tpu.memory_space<vmem>>, vector<8x640xi16>,
    %get3A_3961 = arith.constant 736 : index
    %get3A_3962 = arith.constant 0 : index
    %get3A_3963 = vector.load %arg4[%get3A_3961, %get3A_3962] : memref<1000x640xf32, #tpu.memory_space<vmem>>, vector<8x640xf32>
    %mul3A_3964 = vector.broadcast %mul3A_1476 : vector<1x640xf32> to vector<8x640xf32>
    %mul3A_3965 = arith.mulf %get3A_3963, %mul3A_3964 : vector<8x640xf32>
    %bitcast_convert_type3A_3966 = tpu.bitcast %mul3A_3965 : vector<8x640xf32> -> vector<8x640xi32>
    %add3A_3967 = arith.constant 4096 : i32
    %add3A_3968 = vector.broadcast %add3A_3967 : i32 to vector<8x640xi32>
    %add3A_3969 = arith.addi %bitcast_convert_type3A_3966, %add3A_3968 : vector<8x640xi32>
    %shift_right_logical3A_3970 = arith.constant 13 : i32
    %shift_right_logical3A_3971 = vector.broadcast %shift_right_logical3A_3970 : i32 to vector<8x640xi32>
    %shift_right_logical3A_3972 = arith.shrui %add3A_3969, %shift_right_logical3A_3971 : vector<8x640xi32>
    %and3A_3973 = arith.constant 32767 : i32
    %and3A_3974 = vector.broadcast %and3A_3973 : i32 to vector<8x640xi32>
    %and3A_3975 = arith.andi %shift_right_logical3A_3972, %and3A_3974 : vector<8x640xi32>
    %shift_right_logical3A_3976 = arith.constant 16 : i32
    %shift_right_logical3A_3977 = vector.broadcast %shift_right_logical3A_3976 : i32 to vector<8x640xi32>
    %shift_right_logical3A_3978 = arith.shrui %bitcast_convert_type3A_3966, %shift_right_logical3A_3977 : vector<8x640xi32>
    %and3A_3979 = arith.constant 32768 : i32
    %and3A_3980 = vector.broadcast %and3A_3979 : i32 to vector<8x640xi32>
    %and3A_3981 = arith.andi %shift_right_logical3A_3978, %and3A_3980 : vector<8x640xi32>
    %or3A_3982 = arith.ori %and3A_3981, %and3A_3975 : vector<8x640xi32>
    %convert_element_type3A_3983 = arith.trunci %or3A_3982 : vector<8x640xi32> to vector<8x640xi16>
    %swap3A_3984 = tpu.memref_bitcast %arg8 : memref<1000x640xf16, #tpu.memory_space<vmem>> -> memref<1000x640xi16, #tpu.memory_space<vmem>>
    %swap3A_3985 = arith.constant 736 : index
    %swap3A_3986 = arith.constant 0 : index
    %swap3A_3987 = vector.load %swap3A_3984[%swap3A_3985, %swap3A_3986] : memref<1000x640xi16, #tpu.memory_space<vmem>>, vector<8x640xi16>
    tpu.vector_store %swap3A_3984[%swap3A_3985, %swap3A_3986], %convert_element_type3A_3983 {strides = array<i32>} : memref<1000x640xi16, #tpu.memory_space<vmem>>, vector<8x640xi16>,
    %get3A_3988 = arith.constant 744 : index
    %get3A_3989 = arith.constant 0 : index
    %get3A_3990 = vector.load %arg4[%get3A_3988, %get3A_3989] : memref<1000x640xf32, #tpu.memory_space<vmem>>, vector<8x640xf32>
    %mul3A_3991 = vector.broadcast %mul3A_1476 : vector<1x640xf32> to vector<8x640xf32>
    %mul3A_3992 = arith.mulf %get3A_3990, %mul3A_3991 : vector<8x640xf32>
    %bitcast_convert_type3A_3993 = tpu.bitcast %mul3A_3992 : vector<8x640xf32> -> vector<8x640xi32>
    %add3A_3994 = arith.constant 4096 : i32
    %add3A_3995 = vector.broadcast %add3A_3994 : i32 to vector<8x640xi32>
    %add3A_3996 = arith.addi %bitcast_convert_type3A_3993, %add3A_3995 : vector<8x640xi32>
    %shift_right_logical3A_3997 = arith.constant 13 : i32
    %shift_right_logical3A_3998 = vector.broadcast %shift_right_logical3A_3997 : i32 to vector<8x640xi32>
    %shift_right_logical3A_3999 = arith.shrui %add3A_3996, %shift_right_logical3A_3998 : vector<8x640xi32>
    %and3A_4000 = arith.constant 32767 : i32
    %and3A_4001 = vector.broadcast %and3A_4000 : i32 to vector<8x640xi32>
    %and3A_4002 = arith.andi %shift_right_logical3A_3999, %and3A_4001 : vector<8x640xi32>
    %shift_right_logical3A_4003 = arith.constant 16 : i32
    %shift_right_logical3A_4004 = vector.broadcast %shift_right_logical3A_4003 : i32 to vector<8x640xi32>
    %shift_right_logical3A_4005 = arith.shrui %bitcast_convert_type3A_3993, %shift_right_logical3A_4004 : vector<8x640xi32>
    %and3A_4006 = arith.constant 32768 : i32
    %and3A_4007 = vector.broadcast %and3A_4006 : i32 to vector<8x640xi32>
    %and3A_4008 = arith.andi %shift_right_logical3A_4005, %and3A_4007 : vector<8x640xi32>
    %or3A_4009 = arith.ori %and3A_4008, %and3A_4002 : vector<8x640xi32>
    %convert_element_type3A_4010 = arith.trunci %or3A_4009 : vector<8x640xi32> to vector<8x640xi16>
    %swap3A_4011 = tpu.memref_bitcast %arg8 : memref<1000x640xf16, #tpu.memory_space<vmem>> -> memref<1000x640xi16, #tpu.memory_space<vmem>>
    %swap3A_4012 = arith.constant 744 : index
    %swap3A_4013 = arith.constant 0 : index
    %swap3A_4014 = vector.load %swap3A_4011[%swap3A_4012, %swap3A_4013] : memref<1000x640xi16, #tpu.memory_space<vmem>>, vector<8x640xi16>
    tpu.vector_store %swap3A_4011[%swap3A_4012, %swap3A_4013], %convert_element_type3A_4010 {strides = array<i32>} : memref<1000x640xi16, #tpu.memory_space<vmem>>, vector<8x640xi16>,
    %get3A_4015 = arith.constant 752 : index
    %get3A_4016 = arith.constant 0 : index
    %get3A_4017 = vector.load %arg4[%get3A_4015, %get3A_4016] : memref<1000x640xf32, #tpu.memory_space<vmem>>, vector<8x640xf32>
    %mul3A_4018 = vector.broadcast %mul3A_1476 : vector<1x640xf32> to vector<8x640xf32>
    %mul3A_4019 = arith.mulf %get3A_4017, %mul3A_4018 : vector<8x640xf32>
    %bitcast_convert_type3A_4020 = tpu.bitcast %mul3A_4019 : vector<8x640xf32> -> vector<8x640xi32>
    %add3A_4021 = arith.constant 4096 : i32
    %add3A_4022 = vector.broadcast %add3A_4021 : i32 to vector<8x640xi32>
    %add3A_4023 = arith.addi %bitcast_convert_type3A_4020, %add3A_4022 : vector<8x640xi32>
    %shift_right_logical3A_4024 = arith.constant 13 : i32
    %shift_right_logical3A_4025 = vector.broadcast %shift_right_logical3A_4024 : i32 to vector<8x640xi32>
    %shift_right_logical3A_4026 = arith.shrui %add3A_4023, %shift_right_logical3A_4025 : vector<8x640xi32>
    %and3A_4027 = arith.constant 32767 : i32
    %and3A_4028 = vector.broadcast %and3A_4027 : i32 to vector<8x640xi32>
    %and3A_4029 = arith.andi %shift_right_logical3A_4026, %and3A_4028 : vector<8x640xi32>
    %shift_right_logical3A_4030 = arith.constant 16 : i32
    %shift_right_logical3A_4031 = vector.broadcast %shift_right_logical3A_4030 : i32 to vector<8x640xi32>
    %shift_right_logical3A_4032 = arith.shrui %bitcast_convert_type3A_4020, %shift_right_logical3A_4031 : vector<8x640xi32>
    %and3A_4033 = arith.constant 32768 : i32
    %and3A_4034 = vector.broadcast %and3A_4033 : i32 to vector<8x640xi32>
    %and3A_4035 = arith.andi %shift_right_logical3A_4032, %and3A_4034 : vector<8x640xi32>
    %or3A_4036 = arith.ori %and3A_4035, %and3A_4029 : vector<8x640xi32>
    %convert_element_type3A_4037 = arith.trunci %or3A_4036 : vector<8x640xi32> to vector<8x640xi16>
    %swap3A_4038 = tpu.memref_bitcast %arg8 : memref<1000x640xf16, #tpu.memory_space<vmem>> -> memref<1000x640xi16, #tpu.memory_space<vmem>>
    %swap3A_4039 = arith.constant 752 : index
    %swap3A_4040 = arith.constant 0 : index
    %swap3A_4041 = vector.load %swap3A_4038[%swap3A_4039, %swap3A_4040] : memref<1000x640xi16, #tpu.memory_space<vmem>>, vector<8x640xi16>
    tpu.vector_store %swap3A_4038[%swap3A_4039, %swap3A_4040], %convert_element_type3A_4037 {strides = array<i32>} : memref<1000x640xi16, #tpu.memory_space<vmem>>, vector<8x640xi16>,
    %get3A_4042 = arith.constant 760 : index
    %get3A_4043 = arith.constant 0 : index
    %get3A_4044 = vector.load %arg4[%get3A_4042, %get3A_4043] : memref<1000x640xf32, #tpu.memory_space<vmem>>, vector<8x640xf32>
    %mul3A_4045 = vector.broadcast %mul3A_1476 : vector<1x640xf32> to vector<8x640xf32>
    %mul3A_4046 = arith.mulf %get3A_4044, %mul3A_4045 : vector<8x640xf32>
    %bitcast_convert_type3A_4047 = tpu.bitcast %mul3A_4046 : vector<8x640xf32> -> vector<8x640xi32>
    %add3A_4048 = arith.constant 4096 : i32
    %add3A_4049 = vector.broadcast %add3A_4048 : i32 to vector<8x640xi32>
    %add3A_4050 = arith.addi %bitcast_convert_type3A_4047, %add3A_4049 : vector<8x640xi32>
    %shift_right_logical3A_4051 = arith.constant 13 : i32
    %shift_right_logical3A_4052 = vector.broadcast %shift_right_logical3A_4051 : i32 to vector<8x640xi32>
    %shift_right_logical3A_4053 = arith.shrui %add3A_4050, %shift_right_logical3A_4052 : vector<8x640xi32>
    %and3A_4054 = arith.constant 32767 : i32
    %and3A_4055 = vector.broadcast %and3A_4054 : i32 to vector<8x640xi32>
    %and3A_4056 = arith.andi %shift_right_logical3A_4053, %and3A_4055 : vector<8x640xi32>
    %shift_right_logical3A_4057 = arith.constant 16 : i32
    %shift_right_logical3A_4058 = vector.broadcast %shift_right_logical3A_4057 : i32 to vector<8x640xi32>
    %shift_right_logical3A_4059 = arith.shrui %bitcast_convert_type3A_4047, %shift_right_logical3A_4058 : vector<8x640xi32>
    %and3A_4060 = arith.constant 32768 : i32
    %and3A_4061 = vector.broadcast %and3A_4060 : i32 to vector<8x640xi32>
    %and3A_4062 = arith.andi %shift_right_logical3A_4059, %and3A_4061 : vector<8x640xi32>
    %or3A_4063 = arith.ori %and3A_4062, %and3A_4056 : vector<8x640xi32>
    %convert_element_type3A_4064 = arith.trunci %or3A_4063 : vector<8x640xi32> to vector<8x640xi16>
    %swap3A_4065 = tpu.memref_bitcast %arg8 : memref<1000x640xf16, #tpu.memory_space<vmem>> -> memref<1000x640xi16, #tpu.memory_space<vmem>>
    %swap3A_4066 = arith.constant 760 : index
    %swap3A_4067 = arith.constant 0 : index
    %swap3A_4068 = vector.load %swap3A_4065[%swap3A_4066, %swap3A_4067] : memref<1000x640xi16, #tpu.memory_space<vmem>>, vector<8x640xi16>
    tpu.vector_store %swap3A_4065[%swap3A_4066, %swap3A_4067], %convert_element_type3A_4064 {strides = array<i32>} : memref<1000x640xi16, #tpu.memory_space<vmem>>, vector<8x640xi16>,
    %get3A_4069 = arith.constant 768 : index
    %get3A_4070 = arith.constant 0 : index
    %get3A_4071 = vector.load %arg4[%get3A_4069, %get3A_4070] : memref<1000x640xf32, #tpu.memory_space<vmem>>, vector<8x640xf32>
    %mul3A_4072 = vector.broadcast %mul3A_1476 : vector<1x640xf32> to vector<8x640xf32>
    %mul3A_4073 = arith.mulf %get3A_4071, %mul3A_4072 : vector<8x640xf32>
    %bitcast_convert_type3A_4074 = tpu.bitcast %mul3A_4073 : vector<8x640xf32> -> vector<8x640xi32>
    %add3A_4075 = arith.constant 4096 : i32
    %add3A_4076 = vector.broadcast %add3A_4075 : i32 to vector<8x640xi32>
    %add3A_4077 = arith.addi %bitcast_convert_type3A_4074, %add3A_4076 : vector<8x640xi32>
    %shift_right_logical3A_4078 = arith.constant 13 : i32
    %shift_right_logical3A_4079 = vector.broadcast %shift_right_logical3A_4078 : i32 to vector<8x640xi32>
    %shift_right_logical3A_4080 = arith.shrui %add3A_4077, %shift_right_logical3A_4079 : vector<8x640xi32>
    %and3A_4081 = arith.constant 32767 : i32
    %and3A_4082 = vector.broadcast %and3A_4081 : i32 to vector<8x640xi32>
    %and3A_4083 = arith.andi %shift_right_logical3A_4080, %and3A_4082 : vector<8x640xi32>
    %shift_right_logical3A_4084 = arith.constant 16 : i32
    %shift_right_logical3A_4085 = vector.broadcast %shift_right_logical3A_4084 : i32 to vector<8x640xi32>
    %shift_right_logical3A_4086 = arith.shrui %bitcast_convert_type3A_4074, %shift_right_logical3A_4085 : vector<8x640xi32>
    %and3A_4087 = arith.constant 32768 : i32
    %and3A_4088 = vector.broadcast %and3A_4087 : i32 to vector<8x640xi32>
    %and3A_4089 = arith.andi %shift_right_logical3A_4086, %and3A_4088 : vector<8x640xi32>
    %or3A_4090 = arith.ori %and3A_4089, %and3A_4083 : vector<8x640xi32>
    %convert_element_type3A_4091 = arith.trunci %or3A_4090 : vector<8x640xi32> to vector<8x640xi16>
    %swap3A_4092 = tpu.memref_bitcast %arg8 : memref<1000x640xf16, #tpu.memory_space<vmem>> -> memref<1000x640xi16, #tpu.memory_space<vmem>>
    %swap3A_4093 = arith.constant 768 : index
    %swap3A_4094 = arith.constant 0 : index
    %swap3A_4095 = vector.load %swap3A_4092[%swap3A_4093, %swap3A_4094] : memref<1000x640xi16, #tpu.memory_space<vmem>>, vector<8x640xi16>
    tpu.vector_store %swap3A_4092[%swap3A_4093, %swap3A_4094], %convert_element_type3A_4091 {strides = array<i32>} : memref<1000x640xi16, #tpu.memory_space<vmem>>, vector<8x640xi16>,
    %get3A_4096 = arith.constant 776 : index
    %get3A_4097 = arith.constant 0 : index
    %get3A_4098 = vector.load %arg4[%get3A_4096, %get3A_4097] : memref<1000x640xf32, #tpu.memory_space<vmem>>, vector<8x640xf32>
    %mul3A_4099 = vector.broadcast %mul3A_1476 : vector<1x640xf32> to vector<8x640xf32>
    %mul3A_4100 = arith.mulf %get3A_4098, %mul3A_4099 : vector<8x640xf32>
    %bitcast_convert_type3A_4101 = tpu.bitcast %mul3A_4100 : vector<8x640xf32> -> vector<8x640xi32>
    %add3A_4102 = arith.constant 4096 : i32
    %add3A_4103 = vector.broadcast %add3A_4102 : i32 to vector<8x640xi32>
    %add3A_4104 = arith.addi %bitcast_convert_type3A_4101, %add3A_4103 : vector<8x640xi32>
    %shift_right_logical3A_4105 = arith.constant 13 : i32
    %shift_right_logical3A_4106 = vector.broadcast %shift_right_logical3A_4105 : i32 to vector<8x640xi32>
    %shift_right_logical3A_4107 = arith.shrui %add3A_4104, %shift_right_logical3A_4106 : vector<8x640xi32>
    %and3A_4108 = arith.constant 32767 : i32
    %and3A_4109 = vector.broadcast %and3A_4108 : i32 to vector<8x640xi32>
    %and3A_4110 = arith.andi %shift_right_logical3A_4107, %and3A_4109 : vector<8x640xi32>
    %shift_right_logical3A_4111 = arith.constant 16 : i32
    %shift_right_logical3A_4112 = vector.broadcast %shift_right_logical3A_4111 : i32 to vector<8x640xi32>
    %shift_right_logical3A_4113 = arith.shrui %bitcast_convert_type3A_4101, %shift_right_logical3A_4112 : vector<8x640xi32>
    %and3A_4114 = arith.constant 32768 : i32
    %and3A_4115 = vector.broadcast %and3A_4114 : i32 to vector<8x640xi32>
    %and3A_4116 = arith.andi %shift_right_logical3A_4113, %and3A_4115 : vector<8x640xi32>
    %or3A_4117 = arith.ori %and3A_4116, %and3A_4110 : vector<8x640xi32>
    %convert_element_type3A_4118 = arith.trunci %or3A_4117 : vector<8x640xi32> to vector<8x640xi16>
    %swap3A_4119 = tpu.memref_bitcast %arg8 : memref<1000x640xf16, #tpu.memory_space<vmem>> -> memref<1000x640xi16, #tpu.memory_space<vmem>>
    %swap3A_4120 = arith.constant 776 : index
    %swap3A_4121 = arith.constant 0 : index
    %swap3A_4122 = vector.load %swap3A_4119[%swap3A_4120, %swap3A_4121] : memref<1000x640xi16, #tpu.memory_space<vmem>>, vector<8x640xi16>
    tpu.vector_store %swap3A_4119[%swap3A_4120, %swap3A_4121], %convert_element_type3A_4118 {strides = array<i32>} : memref<1000x640xi16, #tpu.memory_space<vmem>>, vector<8x640xi16>,
    %get3A_4123 = arith.constant 784 : index
    %get3A_4124 = arith.constant 0 : index
    %get3A_4125 = vector.load %arg4[%get3A_4123, %get3A_4124] : memref<1000x640xf32, #tpu.memory_space<vmem>>, vector<8x640xf32>
    %mul3A_4126 = vector.broadcast %mul3A_1476 : vector<1x640xf32> to vector<8x640xf32>
    %mul3A_4127 = arith.mulf %get3A_4125, %mul3A_4126 : vector<8x640xf32>
    %bitcast_convert_type3A_4128 = tpu.bitcast %mul3A_4127 : vector<8x640xf32> -> vector<8x640xi32>
    %add3A_4129 = arith.constant 4096 : i32
    %add3A_4130 = vector.broadcast %add3A_4129 : i32 to vector<8x640xi32>
    %add3A_4131 = arith.addi %bitcast_convert_type3A_4128, %add3A_4130 : vector<8x640xi32>
    %shift_right_logical3A_4132 = arith.constant 13 : i32
    %shift_right_logical3A_4133 = vector.broadcast %shift_right_logical3A_4132 : i32 to vector<8x640xi32>
    %shift_right_logical3A_4134 = arith.shrui %add3A_4131, %shift_right_logical3A_4133 : vector<8x640xi32>
    %and3A_4135 = arith.constant 32767 : i32
    %and3A_4136 = vector.broadcast %and3A_4135 : i32 to vector<8x640xi32>
    %and3A_4137 = arith.andi %shift_right_logical3A_4134, %and3A_4136 : vector<8x640xi32>
    %shift_right_logical3A_4138 = arith.constant 16 : i32
    %shift_right_logical3A_4139 = vector.broadcast %shift_right_logical3A_4138 : i32 to vector<8x640xi32>
    %shift_right_logical3A_4140 = arith.shrui %bitcast_convert_type3A_4128, %shift_right_logical3A_4139 : vector<8x640xi32>
    %and3A_4141 = arith.constant 32768 : i32
    %and3A_4142 = vector.broadcast %and3A_4141 : i32 to vector<8x640xi32>
    %and3A_4143 = arith.andi %shift_right_logical3A_4140, %and3A_4142 : vector<8x640xi32>
    %or3A_4144 = arith.ori %and3A_4143, %and3A_4137 : vector<8x640xi32>
    %convert_element_type3A_4145 = arith.trunci %or3A_4144 : vector<8x640xi32> to vector<8x640xi16>
    %swap3A_4146 = tpu.memref_bitcast %arg8 : memref<1000x640xf16, #tpu.memory_space<vmem>> -> memref<1000x640xi16, #tpu.memory_space<vmem>>
    %swap3A_4147 = arith.constant 784 : index
    %swap3A_4148 = arith.constant 0 : index
    %swap3A_4149 = vector.load %swap3A_4146[%swap3A_4147, %swap3A_4148] : memref<1000x640xi16, #tpu.memory_space<vmem>>, vector<8x640xi16>
    tpu.vector_store %swap3A_4146[%swap3A_4147, %swap3A_4148], %convert_element_type3A_4145 {strides = array<i32>} : memref<1000x640xi16, #tpu.memory_space<vmem>>, vector<8x640xi16>,
    %get3A_4150 = arith.constant 792 : index
    %get3A_4151 = arith.constant 0 : index
    %get3A_4152 = vector.load %arg4[%get3A_4150, %get3A_4151] : memref<1000x640xf32, #tpu.memory_space<vmem>>, vector<8x640xf32>
    %mul3A_4153 = vector.broadcast %mul3A_1476 : vector<1x640xf32> to vector<8x640xf32>
    %mul3A_4154 = arith.mulf %get3A_4152, %mul3A_4153 : vector<8x640xf32>
    %bitcast_convert_type3A_4155 = tpu.bitcast %mul3A_4154 : vector<8x640xf32> -> vector<8x640xi32>
    %add3A_4156 = arith.constant 4096 : i32
    %add3A_4157 = vector.broadcast %add3A_4156 : i32 to vector<8x640xi32>
    %add3A_4158 = arith.addi %bitcast_convert_type3A_4155, %add3A_4157 : vector<8x640xi32>
    %shift_right_logical3A_4159 = arith.constant 13 : i32
    %shift_right_logical3A_4160 = vector.broadcast %shift_right_logical3A_4159 : i32 to vector<8x640xi32>
    %shift_right_logical3A_4161 = arith.shrui %add3A_4158, %shift_right_logical3A_4160 : vector<8x640xi32>
    %and3A_4162 = arith.constant 32767 : i32
    %and3A_4163 = vector.broadcast %and3A_4162 : i32 to vector<8x640xi32>
    %and3A_4164 = arith.andi %shift_right_logical3A_4161, %and3A_4163 : vector<8x640xi32>
    %shift_right_logical3A_4165 = arith.constant 16 : i32
    %shift_right_logical3A_4166 = vector.broadcast %shift_right_logical3A_4165 : i32 to vector<8x640xi32>
    %shift_right_logical3A_4167 = arith.shrui %bitcast_convert_type3A_4155, %shift_right_logical3A_4166 : vector<8x640xi32>
    %and3A_4168 = arith.constant 32768 : i32
    %and3A_4169 = vector.broadcast %and3A_4168 : i32 to vector<8x640xi32>
    %and3A_4170 = arith.andi %shift_right_logical3A_4167, %and3A_4169 : vector<8x640xi32>
    %or3A_4171 = arith.ori %and3A_4170, %and3A_4164 : vector<8x640xi32>
    %convert_element_type3A_4172 = arith.trunci %or3A_4171 : vector<8x640xi32> to vector<8x640xi16>
    %swap3A_4173 = tpu.memref_bitcast %arg8 : memref<1000x640xf16, #tpu.memory_space<vmem>> -> memref<1000x640xi16, #tpu.memory_space<vmem>>
    %swap3A_4174 = arith.constant 792 : index
    %swap3A_4175 = arith.constant 0 : index
    %swap3A_4176 = vector.load %swap3A_4173[%swap3A_4174, %swap3A_4175] : memref<1000x640xi16, #tpu.memory_space<vmem>>, vector<8x640xi16>
    tpu.vector_store %swap3A_4173[%swap3A_4174, %swap3A_4175], %convert_element_type3A_4172 {strides = array<i32>} : memref<1000x640xi16, #tpu.memory_space<vmem>>, vector<8x640xi16>,
    %get3A_4177 = arith.constant 800 : index
    %get3A_4178 = arith.constant 0 : index
    %get3A_4179 = vector.load %arg4[%get3A_4177, %get3A_4178] : memref<1000x640xf32, #tpu.memory_space<vmem>>, vector<8x640xf32>
    %mul3A_4180 = vector.broadcast %mul3A_1476 : vector<1x640xf32> to vector<8x640xf32>
    %mul3A_4181 = arith.mulf %get3A_4179, %mul3A_4180 : vector<8x640xf32>
    %bitcast_convert_type3A_4182 = tpu.bitcast %mul3A_4181 : vector<8x640xf32> -> vector<8x640xi32>
    %add3A_4183 = arith.constant 4096 : i32
    %add3A_4184 = vector.broadcast %add3A_4183 : i32 to vector<8x640xi32>
    %add3A_4185 = arith.addi %bitcast_convert_type3A_4182, %add3A_4184 : vector<8x640xi32>
    %shift_right_logical3A_4186 = arith.constant 13 : i32
    %shift_right_logical3A_4187 = vector.broadcast %shift_right_logical3A_4186 : i32 to vector<8x640xi32>
    %shift_right_logical3A_4188 = arith.shrui %add3A_4185, %shift_right_logical3A_4187 : vector<8x640xi32>
    %and3A_4189 = arith.constant 32767 : i32
    %and3A_4190 = vector.broadcast %and3A_4189 : i32 to vector<8x640xi32>
    %and3A_4191 = arith.andi %shift_right_logical3A_4188, %and3A_4190 : vector<8x640xi32>
    %shift_right_logical3A_4192 = arith.constant 16 : i32
    %shift_right_logical3A_4193 = vector.broadcast %shift_right_logical3A_4192 : i32 to vector<8x640xi32>
    %shift_right_logical3A_4194 = arith.shrui %bitcast_convert_type3A_4182, %shift_right_logical3A_4193 : vector<8x640xi32>
    %and3A_4195 = arith.constant 32768 : i32
    %and3A_4196 = vector.broadcast %and3A_4195 : i32 to vector<8x640xi32>
    %and3A_4197 = arith.andi %shift_right_logical3A_4194, %and3A_4196 : vector<8x640xi32>
    %or3A_4198 = arith.ori %and3A_4197, %and3A_4191 : vector<8x640xi32>
    %convert_element_type3A_4199 = arith.trunci %or3A_4198 : vector<8x640xi32> to vector<8x640xi16>
    %swap3A_4200 = tpu.memref_bitcast %arg8 : memref<1000x640xf16, #tpu.memory_space<vmem>> -> memref<1000x640xi16, #tpu.memory_space<vmem>>
    %swap3A_4201 = arith.constant 800 : index
    %swap3A_4202 = arith.constant 0 : index
    %swap3A_4203 = vector.load %swap3A_4200[%swap3A_4201, %swap3A_4202] : memref<1000x640xi16, #tpu.memory_space<vmem>>, vector<8x640xi16>
    tpu.vector_store %swap3A_4200[%swap3A_4201, %swap3A_4202], %convert_element_type3A_4199 {strides = array<i32>} : memref<1000x640xi16, #tpu.memory_space<vmem>>, vector<8x640xi16>,
    %get3A_4204 = arith.constant 808 : index
    %get3A_4205 = arith.constant 0 : index
    %get3A_4206 = vector.load %arg4[%get3A_4204, %get3A_4205] : memref<1000x640xf32, #tpu.memory_space<vmem>>, vector<8x640xf32>
    %mul3A_4207 = vector.broadcast %mul3A_1476 : vector<1x640xf32> to vector<8x640xf32>
    %mul3A_4208 = arith.mulf %get3A_4206, %mul3A_4207 : vector<8x640xf32>
    %bitcast_convert_type3A_4209 = tpu.bitcast %mul3A_4208 : vector<8x640xf32> -> vector<8x640xi32>
    %add3A_4210 = arith.constant 4096 : i32
    %add3A_4211 = vector.broadcast %add3A_4210 : i32 to vector<8x640xi32>
    %add3A_4212 = arith.addi %bitcast_convert_type3A_4209, %add3A_4211 : vector<8x640xi32>
    %shift_right_logical3A_4213 = arith.constant 13 : i32
    %shift_right_logical3A_4214 = vector.broadcast %shift_right_logical3A_4213 : i32 to vector<8x640xi32>
    %shift_right_logical3A_4215 = arith.shrui %add3A_4212, %shift_right_logical3A_4214 : vector<8x640xi32>
    %and3A_4216 = arith.constant 32767 : i32
    %and3A_4217 = vector.broadcast %and3A_4216 : i32 to vector<8x640xi32>
    %and3A_4218 = arith.andi %shift_right_logical3A_4215, %and3A_4217 : vector<8x640xi32>
    %shift_right_logical3A_4219 = arith.constant 16 : i32
    %shift_right_logical3A_4220 = vector.broadcast %shift_right_logical3A_4219 : i32 to vector<8x640xi32>
    %shift_right_logical3A_4221 = arith.shrui %bitcast_convert_type3A_4209, %shift_right_logical3A_4220 : vector<8x640xi32>
    %and3A_4222 = arith.constant 32768 : i32
    %and3A_4223 = vector.broadcast %and3A_4222 : i32 to vector<8x640xi32>
    %and3A_4224 = arith.andi %shift_right_logical3A_4221, %and3A_4223 : vector<8x640xi32>
    %or3A_4225 = arith.ori %and3A_4224, %and3A_4218 : vector<8x640xi32>
    %convert_element_type3A_4226 = arith.trunci %or3A_4225 : vector<8x640xi32> to vector<8x640xi16>
    %swap3A_4227 = tpu.memref_bitcast %arg8 : memref<1000x640xf16, #tpu.memory_space<vmem>> -> memref<1000x640xi16, #tpu.memory_space<vmem>>
    %swap3A_4228 = arith.constant 808 : index
    %swap3A_4229 = arith.constant 0 : index
    %swap3A_4230 = vector.load %swap3A_4227[%swap3A_4228, %swap3A_4229] : memref<1000x640xi16, #tpu.memory_space<vmem>>, vector<8x640xi16>
    tpu.vector_store %swap3A_4227[%swap3A_4228, %swap3A_4229], %convert_element_type3A_4226 {strides = array<i32>} : memref<1000x640xi16, #tpu.memory_space<vmem>>, vector<8x640xi16>,
    %get3A_4231 = arith.constant 816 : index
    %get3A_4232 = arith.constant 0 : index
    %get3A_4233 = vector.load %arg4[%get3A_4231, %get3A_4232] : memref<1000x640xf32, #tpu.memory_space<vmem>>, vector<8x640xf32>
    %mul3A_4234 = vector.broadcast %mul3A_1476 : vector<1x640xf32> to vector<8x640xf32>
    %mul3A_4235 = arith.mulf %get3A_4233, %mul3A_4234 : vector<8x640xf32>
    %bitcast_convert_type3A_4236 = tpu.bitcast %mul3A_4235 : vector<8x640xf32> -> vector<8x640xi32>
    %add3A_4237 = arith.constant 4096 : i32
    %add3A_4238 = vector.broadcast %add3A_4237 : i32 to vector<8x640xi32>
    %add3A_4239 = arith.addi %bitcast_convert_type3A_4236, %add3A_4238 : vector<8x640xi32>
    %shift_right_logical3A_4240 = arith.constant 13 : i32
    %shift_right_logical3A_4241 = vector.broadcast %shift_right_logical3A_4240 : i32 to vector<8x640xi32>
    %shift_right_logical3A_4242 = arith.shrui %add3A_4239, %shift_right_logical3A_4241 : vector<8x640xi32>
    %and3A_4243 = arith.constant 32767 : i32
    %and3A_4244 = vector.broadcast %and3A_4243 : i32 to vector<8x640xi32>
    %and3A_4245 = arith.andi %shift_right_logical3A_4242, %and3A_4244 : vector<8x640xi32>
    %shift_right_logical3A_4246 = arith.constant 16 : i32
    %shift_right_logical3A_4247 = vector.broadcast %shift_right_logical3A_4246 : i32 to vector<8x640xi32>
    %shift_right_logical3A_4248 = arith.shrui %bitcast_convert_type3A_4236, %shift_right_logical3A_4247 : vector<8x640xi32>
    %and3A_4249 = arith.constant 32768 : i32
    %and3A_4250 = vector.broadcast %and3A_4249 : i32 to vector<8x640xi32>
    %and3A_4251 = arith.andi %shift_right_logical3A_4248, %and3A_4250 : vector<8x640xi32>
    %or3A_4252 = arith.ori %and3A_4251, %and3A_4245 : vector<8x640xi32>
    %convert_element_type3A_4253 = arith.trunci %or3A_4252 : vector<8x640xi32> to vector<8x640xi16>
    %swap3A_4254 = tpu.memref_bitcast %arg8 : memref<1000x640xf16, #tpu.memory_space<vmem>> -> memref<1000x640xi16, #tpu.memory_space<vmem>>
    %swap3A_4255 = arith.constant 816 : index
    %swap3A_4256 = arith.constant 0 : index
    %swap3A_4257 = vector.load %swap3A_4254[%swap3A_4255, %swap3A_4256] : memref<1000x640xi16, #tpu.memory_space<vmem>>, vector<8x640xi16>
    tpu.vector_store %swap3A_4254[%swap3A_4255, %swap3A_4256], %convert_element_type3A_4253 {strides = array<i32>} : memref<1000x640xi16, #tpu.memory_space<vmem>>, vector<8x640xi16>,
    %get3A_4258 = arith.constant 824 : index
    %get3A_4259 = arith.constant 0 : index
    %get3A_4260 = vector.load %arg4[%get3A_4258, %get3A_4259] : memref<1000x640xf32, #tpu.memory_space<vmem>>, vector<8x640xf32>
    %mul3A_4261 = vector.broadcast %mul3A_1476 : vector<1x640xf32> to vector<8x640xf32>
    %mul3A_4262 = arith.mulf %get3A_4260, %mul3A_4261 : vector<8x640xf32>
    %bitcast_convert_type3A_4263 = tpu.bitcast %mul3A_4262 : vector<8x640xf32> -> vector<8x640xi32>
    %add3A_4264 = arith.constant 4096 : i32
    %add3A_4265 = vector.broadcast %add3A_4264 : i32 to vector<8x640xi32>
    %add3A_4266 = arith.addi %bitcast_convert_type3A_4263, %add3A_4265 : vector<8x640xi32>
    %shift_right_logical3A_4267 = arith.constant 13 : i32
    %shift_right_logical3A_4268 = vector.broadcast %shift_right_logical3A_4267 : i32 to vector<8x640xi32>
    %shift_right_logical3A_4269 = arith.shrui %add3A_4266, %shift_right_logical3A_4268 : vector<8x640xi32>
    %and3A_4270 = arith.constant 32767 : i32
    %and3A_4271 = vector.broadcast %and3A_4270 : i32 to vector<8x640xi32>
    %and3A_4272 = arith.andi %shift_right_logical3A_4269, %and3A_4271 : vector<8x640xi32>
    %shift_right_logical3A_4273 = arith.constant 16 : i32
    %shift_right_logical3A_4274 = vector.broadcast %shift_right_logical3A_4273 : i32 to vector<8x640xi32>
    %shift_right_logical3A_4275 = arith.shrui %bitcast_convert_type3A_4263, %shift_right_logical3A_4274 : vector<8x640xi32>
    %and3A_4276 = arith.constant 32768 : i32
    %and3A_4277 = vector.broadcast %and3A_4276 : i32 to vector<8x640xi32>
    %and3A_4278 = arith.andi %shift_right_logical3A_4275, %and3A_4277 : vector<8x640xi32>
    %or3A_4279 = arith.ori %and3A_4278, %and3A_4272 : vector<8x640xi32>
    %convert_element_type3A_4280 = arith.trunci %or3A_4279 : vector<8x640xi32> to vector<8x640xi16>
    %swap3A_4281 = tpu.memref_bitcast %arg8 : memref<1000x640xf16, #tpu.memory_space<vmem>> -> memref<1000x640xi16, #tpu.memory_space<vmem>>
    %swap3A_4282 = arith.constant 824 : index
    %swap3A_4283 = arith.constant 0 : index
    %swap3A_4284 = vector.load %swap3A_4281[%swap3A_4282, %swap3A_4283] : memref<1000x640xi16, #tpu.memory_space<vmem>>, vector<8x640xi16>
    tpu.vector_store %swap3A_4281[%swap3A_4282, %swap3A_4283], %convert_element_type3A_4280 {strides = array<i32>} : memref<1000x640xi16, #tpu.memory_space<vmem>>, vector<8x640xi16>,
    %get3A_4285 = arith.constant 832 : index
    %get3A_4286 = arith.constant 0 : index
    %get3A_4287 = vector.load %arg4[%get3A_4285, %get3A_4286] : memref<1000x640xf32, #tpu.memory_space<vmem>>, vector<8x640xf32>
    %mul3A_4288 = vector.broadcast %mul3A_1476 : vector<1x640xf32> to vector<8x640xf32>
    %mul3A_4289 = arith.mulf %get3A_4287, %mul3A_4288 : vector<8x640xf32>
    %bitcast_convert_type3A_4290 = tpu.bitcast %mul3A_4289 : vector<8x640xf32> -> vector<8x640xi32>
    %add3A_4291 = arith.constant 4096 : i32
    %add3A_4292 = vector.broadcast %add3A_4291 : i32 to vector<8x640xi32>
    %add3A_4293 = arith.addi %bitcast_convert_type3A_4290, %add3A_4292 : vector<8x640xi32>
    %shift_right_logical3A_4294 = arith.constant 13 : i32
    %shift_right_logical3A_4295 = vector.broadcast %shift_right_logical3A_4294 : i32 to vector<8x640xi32>
    %shift_right_logical3A_4296 = arith.shrui %add3A_4293, %shift_right_logical3A_4295 : vector<8x640xi32>
    %and3A_4297 = arith.constant 32767 : i32
    %and3A_4298 = vector.broadcast %and3A_4297 : i32 to vector<8x640xi32>
    %and3A_4299 = arith.andi %shift_right_logical3A_4296, %and3A_4298 : vector<8x640xi32>
    %shift_right_logical3A_4300 = arith.constant 16 : i32
    %shift_right_logical3A_4301 = vector.broadcast %shift_right_logical3A_4300 : i32 to vector<8x640xi32>
    %shift_right_logical3A_4302 = arith.shrui %bitcast_convert_type3A_4290, %shift_right_logical3A_4301 : vector<8x640xi32>
    %and3A_4303 = arith.constant 32768 : i32
    %and3A_4304 = vector.broadcast %and3A_4303 : i32 to vector<8x640xi32>
    %and3A_4305 = arith.andi %shift_right_logical3A_4302, %and3A_4304 : vector<8x640xi32>
    %or3A_4306 = arith.ori %and3A_4305, %and3A_4299 : vector<8x640xi32>
    %convert_element_type3A_4307 = arith.trunci %or3A_4306 : vector<8x640xi32> to vector<8x640xi16>
    %swap3A_4308 = tpu.memref_bitcast %arg8 : memref<1000x640xf16, #tpu.memory_space<vmem>> -> memref<1000x640xi16, #tpu.memory_space<vmem>>
    %swap3A_4309 = arith.constant 832 : index
    %swap3A_4310 = arith.constant 0 : index
    %swap3A_4311 = vector.load %swap3A_4308[%swap3A_4309, %swap3A_4310] : memref<1000x640xi16, #tpu.memory_space<vmem>>, vector<8x640xi16>
    tpu.vector_store %swap3A_4308[%swap3A_4309, %swap3A_4310], %convert_element_type3A_4307 {strides = array<i32>} : memref<1000x640xi16, #tpu.memory_space<vmem>>, vector<8x640xi16>,
    %get3A_4312 = arith.constant 840 : index
    %get3A_4313 = arith.constant 0 : index
    %get3A_4314 = vector.load %arg4[%get3A_4312, %get3A_4313] : memref<1000x640xf32, #tpu.memory_space<vmem>>, vector<8x640xf32>
    %mul3A_4315 = vector.broadcast %mul3A_1476 : vector<1x640xf32> to vector<8x640xf32>
    %mul3A_4316 = arith.mulf %get3A_4314, %mul3A_4315 : vector<8x640xf32>
    %bitcast_convert_type3A_4317 = tpu.bitcast %mul3A_4316 : vector<8x640xf32> -> vector<8x640xi32>
    %add3A_4318 = arith.constant 4096 : i32
    %add3A_4319 = vector.broadcast %add3A_4318 : i32 to vector<8x640xi32>
    %add3A_4320 = arith.addi %bitcast_convert_type3A_4317, %add3A_4319 : vector<8x640xi32>
    %shift_right_logical3A_4321 = arith.constant 13 : i32
    %shift_right_logical3A_4322 = vector.broadcast %shift_right_logical3A_4321 : i32 to vector<8x640xi32>
    %shift_right_logical3A_4323 = arith.shrui %add3A_4320, %shift_right_logical3A_4322 : vector<8x640xi32>
    %and3A_4324 = arith.constant 32767 : i32
    %and3A_4325 = vector.broadcast %and3A_4324 : i32 to vector<8x640xi32>
    %and3A_4326 = arith.andi %shift_right_logical3A_4323, %and3A_4325 : vector<8x640xi32>
    %shift_right_logical3A_4327 = arith.constant 16 : i32
    %shift_right_logical3A_4328 = vector.broadcast %shift_right_logical3A_4327 : i32 to vector<8x640xi32>
    %shift_right_logical3A_4329 = arith.shrui %bitcast_convert_type3A_4317, %shift_right_logical3A_4328 : vector<8x640xi32>
    %and3A_4330 = arith.constant 32768 : i32
    %and3A_4331 = vector.broadcast %and3A_4330 : i32 to vector<8x640xi32>
    %and3A_4332 = arith.andi %shift_right_logical3A_4329, %and3A_4331 : vector<8x640xi32>
    %or3A_4333 = arith.ori %and3A_4332, %and3A_4326 : vector<8x640xi32>
    %convert_element_type3A_4334 = arith.trunci %or3A_4333 : vector<8x640xi32> to vector<8x640xi16>
    %swap3A_4335 = tpu.memref_bitcast %arg8 : memref<1000x640xf16, #tpu.memory_space<vmem>> -> memref<1000x640xi16, #tpu.memory_space<vmem>>
    %swap3A_4336 = arith.constant 840 : index
    %swap3A_4337 = arith.constant 0 : index
    %swap3A_4338 = vector.load %swap3A_4335[%swap3A_4336, %swap3A_4337] : memref<1000x640xi16, #tpu.memory_space<vmem>>, vector<8x640xi16>
    tpu.vector_store %swap3A_4335[%swap3A_4336, %swap3A_4337], %convert_element_type3A_4334 {strides = array<i32>} : memref<1000x640xi16, #tpu.memory_space<vmem>>, vector<8x640xi16>,
    %get3A_4339 = arith.constant 848 : index
    %get3A_4340 = arith.constant 0 : index
    %get3A_4341 = vector.load %arg4[%get3A_4339, %get3A_4340] : memref<1000x640xf32, #tpu.memory_space<vmem>>, vector<8x640xf32>
    %mul3A_4342 = vector.broadcast %mul3A_1476 : vector<1x640xf32> to vector<8x640xf32>
    %mul3A_4343 = arith.mulf %get3A_4341, %mul3A_4342 : vector<8x640xf32>
    %bitcast_convert_type3A_4344 = tpu.bitcast %mul3A_4343 : vector<8x640xf32> -> vector<8x640xi32>
    %add3A_4345 = arith.constant 4096 : i32
    %add3A_4346 = vector.broadcast %add3A_4345 : i32 to vector<8x640xi32>
    %add3A_4347 = arith.addi %bitcast_convert_type3A_4344, %add3A_4346 : vector<8x640xi32>
    %shift_right_logical3A_4348 = arith.constant 13 : i32
    %shift_right_logical3A_4349 = vector.broadcast %shift_right_logical3A_4348 : i32 to vector<8x640xi32>
    %shift_right_logical3A_4350 = arith.shrui %add3A_4347, %shift_right_logical3A_4349 : vector<8x640xi32>
    %and3A_4351 = arith.constant 32767 : i32
    %and3A_4352 = vector.broadcast %and3A_4351 : i32 to vector<8x640xi32>
    %and3A_4353 = arith.andi %shift_right_logical3A_4350, %and3A_4352 : vector<8x640xi32>
    %shift_right_logical3A_4354 = arith.constant 16 : i32
    %shift_right_logical3A_4355 = vector.broadcast %shift_right_logical3A_4354 : i32 to vector<8x640xi32>
    %shift_right_logical3A_4356 = arith.shrui %bitcast_convert_type3A_4344, %shift_right_logical3A_4355 : vector<8x640xi32>
    %and3A_4357 = arith.constant 32768 : i32
    %and3A_4358 = vector.broadcast %and3A_4357 : i32 to vector<8x640xi32>
    %and3A_4359 = arith.andi %shift_right_logical3A_4356, %and3A_4358 : vector<8x640xi32>
    %or3A_4360 = arith.ori %and3A_4359, %and3A_4353 : vector<8x640xi32>
    %convert_element_type3A_4361 = arith.trunci %or3A_4360 : vector<8x640xi32> to vector<8x640xi16>
    %swap3A_4362 = tpu.memref_bitcast %arg8 : memref<1000x640xf16, #tpu.memory_space<vmem>> -> memref<1000x640xi16, #tpu.memory_space<vmem>>
    %swap3A_4363 = arith.constant 848 : index
    %swap3A_4364 = arith.constant 0 : index
    %swap3A_4365 = vector.load %swap3A_4362[%swap3A_4363, %swap3A_4364] : memref<1000x640xi16, #tpu.memory_space<vmem>>, vector<8x640xi16>
    tpu.vector_store %swap3A_4362[%swap3A_4363, %swap3A_4364], %convert_element_type3A_4361 {strides = array<i32>} : memref<1000x640xi16, #tpu.memory_space<vmem>>, vector<8x640xi16>,
    %get3A_4366 = arith.constant 856 : index
    %get3A_4367 = arith.constant 0 : index
    %get3A_4368 = vector.load %arg4[%get3A_4366, %get3A_4367] : memref<1000x640xf32, #tpu.memory_space<vmem>>, vector<8x640xf32>
    %mul3A_4369 = vector.broadcast %mul3A_1476 : vector<1x640xf32> to vector<8x640xf32>
    %mul3A_4370 = arith.mulf %get3A_4368, %mul3A_4369 : vector<8x640xf32>
    %bitcast_convert_type3A_4371 = tpu.bitcast %mul3A_4370 : vector<8x640xf32> -> vector<8x640xi32>
    %add3A_4372 = arith.constant 4096 : i32
    %add3A_4373 = vector.broadcast %add3A_4372 : i32 to vector<8x640xi32>
    %add3A_4374 = arith.addi %bitcast_convert_type3A_4371, %add3A_4373 : vector<8x640xi32>
    %shift_right_logical3A_4375 = arith.constant 13 : i32
    %shift_right_logical3A_4376 = vector.broadcast %shift_right_logical3A_4375 : i32 to vector<8x640xi32>
    %shift_right_logical3A_4377 = arith.shrui %add3A_4374, %shift_right_logical3A_4376 : vector<8x640xi32>
    %and3A_4378 = arith.constant 32767 : i32
    %and3A_4379 = vector.broadcast %and3A_4378 : i32 to vector<8x640xi32>
    %and3A_4380 = arith.andi %shift_right_logical3A_4377, %and3A_4379 : vector<8x640xi32>
    %shift_right_logical3A_4381 = arith.constant 16 : i32
    %shift_right_logical3A_4382 = vector.broadcast %shift_right_logical3A_4381 : i32 to vector<8x640xi32>
    %shift_right_logical3A_4383 = arith.shrui %bitcast_convert_type3A_4371, %shift_right_logical3A_4382 : vector<8x640xi32>
    %and3A_4384 = arith.constant 32768 : i32
    %and3A_4385 = vector.broadcast %and3A_4384 : i32 to vector<8x640xi32>
    %and3A_4386 = arith.andi %shift_right_logical3A_4383, %and3A_4385 : vector<8x640xi32>
    %or3A_4387 = arith.ori %and3A_4386, %and3A_4380 : vector<8x640xi32>
    %convert_element_type3A_4388 = arith.trunci %or3A_4387 : vector<8x640xi32> to vector<8x640xi16>
    %swap3A_4389 = tpu.memref_bitcast %arg8 : memref<1000x640xf16, #tpu.memory_space<vmem>> -> memref<1000x640xi16, #tpu.memory_space<vmem>>
    %swap3A_4390 = arith.constant 856 : index
    %swap3A_4391 = arith.constant 0 : index
    %swap3A_4392 = vector.load %swap3A_4389[%swap3A_4390, %swap3A_4391] : memref<1000x640xi16, #tpu.memory_space<vmem>>, vector<8x640xi16>
    tpu.vector_store %swap3A_4389[%swap3A_4390, %swap3A_4391], %convert_element_type3A_4388 {strides = array<i32>} : memref<1000x640xi16, #tpu.memory_space<vmem>>, vector<8x640xi16>,
    %get3A_4393 = arith.constant 864 : index
    %get3A_4394 = arith.constant 0 : index
    %get3A_4395 = vector.load %arg4[%get3A_4393, %get3A_4394] : memref<1000x640xf32, #tpu.memory_space<vmem>>, vector<8x640xf32>
    %mul3A_4396 = vector.broadcast %mul3A_1476 : vector<1x640xf32> to vector<8x640xf32>
    %mul3A_4397 = arith.mulf %get3A_4395, %mul3A_4396 : vector<8x640xf32>
    %bitcast_convert_type3A_4398 = tpu.bitcast %mul3A_4397 : vector<8x640xf32> -> vector<8x640xi32>
    %add3A_4399 = arith.constant 4096 : i32
    %add3A_4400 = vector.broadcast %add3A_4399 : i32 to vector<8x640xi32>
    %add3A_4401 = arith.addi %bitcast_convert_type3A_4398, %add3A_4400 : vector<8x640xi32>
    %shift_right_logical3A_4402 = arith.constant 13 : i32
    %shift_right_logical3A_4403 = vector.broadcast %shift_right_logical3A_4402 : i32 to vector<8x640xi32>
    %shift_right_logical3A_4404 = arith.shrui %add3A_4401, %shift_right_logical3A_4403 : vector<8x640xi32>
    %and3A_4405 = arith.constant 32767 : i32
    %and3A_4406 = vector.broadcast %and3A_4405 : i32 to vector<8x640xi32>
    %and3A_4407 = arith.andi %shift_right_logical3A_4404, %and3A_4406 : vector<8x640xi32>
    %shift_right_logical3A_4408 = arith.constant 16 : i32
    %shift_right_logical3A_4409 = vector.broadcast %shift_right_logical3A_4408 : i32 to vector<8x640xi32>
    %shift_right_logical3A_4410 = arith.shrui %bitcast_convert_type3A_4398, %shift_right_logical3A_4409 : vector<8x640xi32>
    %and3A_4411 = arith.constant 32768 : i32
    %and3A_4412 = vector.broadcast %and3A_4411 : i32 to vector<8x640xi32>
    %and3A_4413 = arith.andi %shift_right_logical3A_4410, %and3A_4412 : vector<8x640xi32>
    %or3A_4414 = arith.ori %and3A_4413, %and3A_4407 : vector<8x640xi32>
    %convert_element_type3A_4415 = arith.trunci %or3A_4414 : vector<8x640xi32> to vector<8x640xi16>
    %swap3A_4416 = tpu.memref_bitcast %arg8 : memref<1000x640xf16, #tpu.memory_space<vmem>> -> memref<1000x640xi16, #tpu.memory_space<vmem>>
    %swap3A_4417 = arith.constant 864 : index
    %swap3A_4418 = arith.constant 0 : index
    %swap3A_4419 = vector.load %swap3A_4416[%swap3A_4417, %swap3A_4418] : memref<1000x640xi16, #tpu.memory_space<vmem>>, vector<8x640xi16>
    tpu.vector_store %swap3A_4416[%swap3A_4417, %swap3A_4418], %convert_element_type3A_4415 {strides = array<i32>} : memref<1000x640xi16, #tpu.memory_space<vmem>>, vector<8x640xi16>,
    %get3A_4420 = arith.constant 872 : index
    %get3A_4421 = arith.constant 0 : index
    %get3A_4422 = vector.load %arg4[%get3A_4420, %get3A_4421] : memref<1000x640xf32, #tpu.memory_space<vmem>>, vector<8x640xf32>
    %mul3A_4423 = vector.broadcast %mul3A_1476 : vector<1x640xf32> to vector<8x640xf32>
    %mul3A_4424 = arith.mulf %get3A_4422, %mul3A_4423 : vector<8x640xf32>
    %bitcast_convert_type3A_4425 = tpu.bitcast %mul3A_4424 : vector<8x640xf32> -> vector<8x640xi32>
    %add3A_4426 = arith.constant 4096 : i32
    %add3A_4427 = vector.broadcast %add3A_4426 : i32 to vector<8x640xi32>
    %add3A_4428 = arith.addi %bitcast_convert_type3A_4425, %add3A_4427 : vector<8x640xi32>
    %shift_right_logical3A_4429 = arith.constant 13 : i32
    %shift_right_logical3A_4430 = vector.broadcast %shift_right_logical3A_4429 : i32 to vector<8x640xi32>
    %shift_right_logical3A_4431 = arith.shrui %add3A_4428, %shift_right_logical3A_4430 : vector<8x640xi32>
    %and3A_4432 = arith.constant 32767 : i32
    %and3A_4433 = vector.broadcast %and3A_4432 : i32 to vector<8x640xi32>
    %and3A_4434 = arith.andi %shift_right_logical3A_4431, %and3A_4433 : vector<8x640xi32>
    %shift_right_logical3A_4435 = arith.constant 16 : i32
    %shift_right_logical3A_4436 = vector.broadcast %shift_right_logical3A_4435 : i32 to vector<8x640xi32>
    %shift_right_logical3A_4437 = arith.shrui %bitcast_convert_type3A_4425, %shift_right_logical3A_4436 : vector<8x640xi32>
    %and3A_4438 = arith.constant 32768 : i32
    %and3A_4439 = vector.broadcast %and3A_4438 : i32 to vector<8x640xi32>
    %and3A_4440 = arith.andi %shift_right_logical3A_4437, %and3A_4439 : vector<8x640xi32>
    %or3A_4441 = arith.ori %and3A_4440, %and3A_4434 : vector<8x640xi32>
    %convert_element_type3A_4442 = arith.trunci %or3A_4441 : vector<8x640xi32> to vector<8x640xi16>
    %swap3A_4443 = tpu.memref_bitcast %arg8 : memref<1000x640xf16, #tpu.memory_space<vmem>> -> memref<1000x640xi16, #tpu.memory_space<vmem>>
    %swap3A_4444 = arith.constant 872 : index
    %swap3A_4445 = arith.constant 0 : index
    %swap3A_4446 = vector.load %swap3A_4443[%swap3A_4444, %swap3A_4445] : memref<1000x640xi16, #tpu.memory_space<vmem>>, vector<8x640xi16>
    tpu.vector_store %swap3A_4443[%swap3A_4444, %swap3A_4445], %convert_element_type3A_4442 {strides = array<i32>} : memref<1000x640xi16, #tpu.memory_space<vmem>>, vector<8x640xi16>,
    %get3A_4447 = arith.constant 880 : index
    %get3A_4448 = arith.constant 0 : index
    %get3A_4449 = vector.load %arg4[%get3A_4447, %get3A_4448] : memref<1000x640xf32, #tpu.memory_space<vmem>>, vector<8x640xf32>
    %mul3A_4450 = vector.broadcast %mul3A_1476 : vector<1x640xf32> to vector<8x640xf32>
    %mul3A_4451 = arith.mulf %get3A_4449, %mul3A_4450 : vector<8x640xf32>
    %bitcast_convert_type3A_4452 = tpu.bitcast %mul3A_4451 : vector<8x640xf32> -> vector<8x640xi32>
    %add3A_4453 = arith.constant 4096 : i32
    %add3A_4454 = vector.broadcast %add3A_4453 : i32 to vector<8x640xi32>
    %add3A_4455 = arith.addi %bitcast_convert_type3A_4452, %add3A_4454 : vector<8x640xi32>
    %shift_right_logical3A_4456 = arith.constant 13 : i32
    %shift_right_logical3A_4457 = vector.broadcast %shift_right_logical3A_4456 : i32 to vector<8x640xi32>
    %shift_right_logical3A_4458 = arith.shrui %add3A_4455, %shift_right_logical3A_4457 : vector<8x640xi32>
    %and3A_4459 = arith.constant 32767 : i32
    %and3A_4460 = vector.broadcast %and3A_4459 : i32 to vector<8x640xi32>
    %and3A_4461 = arith.andi %shift_right_logical3A_4458, %and3A_4460 : vector<8x640xi32>
    %shift_right_logical3A_4462 = arith.constant 16 : i32
    %shift_right_logical3A_4463 = vector.broadcast %shift_right_logical3A_4462 : i32 to vector<8x640xi32>
    %shift_right_logical3A_4464 = arith.shrui %bitcast_convert_type3A_4452, %shift_right_logical3A_4463 : vector<8x640xi32>
    %and3A_4465 = arith.constant 32768 : i32
    %and3A_4466 = vector.broadcast %and3A_4465 : i32 to vector<8x640xi32>
    %and3A_4467 = arith.andi %shift_right_logical3A_4464, %and3A_4466 : vector<8x640xi32>
    %or3A_4468 = arith.ori %and3A_4467, %and3A_4461 : vector<8x640xi32>
    %convert_element_type3A_4469 = arith.trunci %or3A_4468 : vector<8x640xi32> to vector<8x640xi16>
    %swap3A_4470 = tpu.memref_bitcast %arg8 : memref<1000x640xf16, #tpu.memory_space<vmem>> -> memref<1000x640xi16, #tpu.memory_space<vmem>>
    %swap3A_4471 = arith.constant 880 : index
    %swap3A_4472 = arith.constant 0 : index
    %swap3A_4473 = vector.load %swap3A_4470[%swap3A_4471, %swap3A_4472] : memref<1000x640xi16, #tpu.memory_space<vmem>>, vector<8x640xi16>
    tpu.vector_store %swap3A_4470[%swap3A_4471, %swap3A_4472], %convert_element_type3A_4469 {strides = array<i32>} : memref<1000x640xi16, #tpu.memory_space<vmem>>, vector<8x640xi16>,
    %get3A_4474 = arith.constant 888 : index
    %get3A_4475 = arith.constant 0 : index
    %get3A_4476 = vector.load %arg4[%get3A_4474, %get3A_4475] : memref<1000x640xf32, #tpu.memory_space<vmem>>, vector<8x640xf32>
    %mul3A_4477 = vector.broadcast %mul3A_1476 : vector<1x640xf32> to vector<8x640xf32>
    %mul3A_4478 = arith.mulf %get3A_4476, %mul3A_4477 : vector<8x640xf32>
    %bitcast_convert_type3A_4479 = tpu.bitcast %mul3A_4478 : vector<8x640xf32> -> vector<8x640xi32>
    %add3A_4480 = arith.constant 4096 : i32
    %add3A_4481 = vector.broadcast %add3A_4480 : i32 to vector<8x640xi32>
    %add3A_4482 = arith.addi %bitcast_convert_type3A_4479, %add3A_4481 : vector<8x640xi32>
    %shift_right_logical3A_4483 = arith.constant 13 : i32
    %shift_right_logical3A_4484 = vector.broadcast %shift_right_logical3A_4483 : i32 to vector<8x640xi32>
    %shift_right_logical3A_4485 = arith.shrui %add3A_4482, %shift_right_logical3A_4484 : vector<8x640xi32>
    %and3A_4486 = arith.constant 32767 : i32
    %and3A_4487 = vector.broadcast %and3A_4486 : i32 to vector<8x640xi32>
    %and3A_4488 = arith.andi %shift_right_logical3A_4485, %and3A_4487 : vector<8x640xi32>
    %shift_right_logical3A_4489 = arith.constant 16 : i32
    %shift_right_logical3A_4490 = vector.broadcast %shift_right_logical3A_4489 : i32 to vector<8x640xi32>
    %shift_right_logical3A_4491 = arith.shrui %bitcast_convert_type3A_4479, %shift_right_logical3A_4490 : vector<8x640xi32>
    %and3A_4492 = arith.constant 32768 : i32
    %and3A_4493 = vector.broadcast %and3A_4492 : i32 to vector<8x640xi32>
    %and3A_4494 = arith.andi %shift_right_logical3A_4491, %and3A_4493 : vector<8x640xi32>
    %or3A_4495 = arith.ori %and3A_4494, %and3A_4488 : vector<8x640xi32>
    %convert_element_type3A_4496 = arith.trunci %or3A_4495 : vector<8x640xi32> to vector<8x640xi16>
    %swap3A_4497 = tpu.memref_bitcast %arg8 : memref<1000x640xf16, #tpu.memory_space<vmem>> -> memref<1000x640xi16, #tpu.memory_space<vmem>>
    %swap3A_4498 = arith.constant 888 : index
    %swap3A_4499 = arith.constant 0 : index
    %swap3A_4500 = vector.load %swap3A_4497[%swap3A_4498, %swap3A_4499] : memref<1000x640xi16, #tpu.memory_space<vmem>>, vector<8x640xi16>
    tpu.vector_store %swap3A_4497[%swap3A_4498, %swap3A_4499], %convert_element_type3A_4496 {strides = array<i32>} : memref<1000x640xi16, #tpu.memory_space<vmem>>, vector<8x640xi16>,
    %get3A_4501 = arith.constant 896 : index
    %get3A_4502 = arith.constant 0 : index
    %get3A_4503 = vector.load %arg4[%get3A_4501, %get3A_4502] : memref<1000x640xf32, #tpu.memory_space<vmem>>, vector<8x640xf32>
    %mul3A_4504 = vector.broadcast %mul3A_1476 : vector<1x640xf32> to vector<8x640xf32>
    %mul3A_4505 = arith.mulf %get3A_4503, %mul3A_4504 : vector<8x640xf32>
    %bitcast_convert_type3A_4506 = tpu.bitcast %mul3A_4505 : vector<8x640xf32> -> vector<8x640xi32>
    %add3A_4507 = arith.constant 4096 : i32
    %add3A_4508 = vector.broadcast %add3A_4507 : i32 to vector<8x640xi32>
    %add3A_4509 = arith.addi %bitcast_convert_type3A_4506, %add3A_4508 : vector<8x640xi32>
    %shift_right_logical3A_4510 = arith.constant 13 : i32
    %shift_right_logical3A_4511 = vector.broadcast %shift_right_logical3A_4510 : i32 to vector<8x640xi32>
    %shift_right_logical3A_4512 = arith.shrui %add3A_4509, %shift_right_logical3A_4511 : vector<8x640xi32>
    %and3A_4513 = arith.constant 32767 : i32
    %and3A_4514 = vector.broadcast %and3A_4513 : i32 to vector<8x640xi32>
    %and3A_4515 = arith.andi %shift_right_logical3A_4512, %and3A_4514 : vector<8x640xi32>
    %shift_right_logical3A_4516 = arith.constant 16 : i32
    %shift_right_logical3A_4517 = vector.broadcast %shift_right_logical3A_4516 : i32 to vector<8x640xi32>
    %shift_right_logical3A_4518 = arith.shrui %bitcast_convert_type3A_4506, %shift_right_logical3A_4517 : vector<8x640xi32>
    %and3A_4519 = arith.constant 32768 : i32
    %and3A_4520 = vector.broadcast %and3A_4519 : i32 to vector<8x640xi32>
    %and3A_4521 = arith.andi %shift_right_logical3A_4518, %and3A_4520 : vector<8x640xi32>
    %or3A_4522 = arith.ori %and3A_4521, %and3A_4515 : vector<8x640xi32>
    %convert_element_type3A_4523 = arith.trunci %or3A_4522 : vector<8x640xi32> to vector<8x640xi16>
    %swap3A_4524 = tpu.memref_bitcast %arg8 : memref<1000x640xf16, #tpu.memory_space<vmem>> -> memref<1000x640xi16, #tpu.memory_space<vmem>>
    %swap3A_4525 = arith.constant 896 : index
    %swap3A_4526 = arith.constant 0 : index
    %swap3A_4527 = vector.load %swap3A_4524[%swap3A_4525, %swap3A_4526] : memref<1000x640xi16, #tpu.memory_space<vmem>>, vector<8x640xi16>
    tpu.vector_store %swap3A_4524[%swap3A_4525, %swap3A_4526], %convert_element_type3A_4523 {strides = array<i32>} : memref<1000x640xi16, #tpu.memory_space<vmem>>, vector<8x640xi16>,
    %get3A_4528 = arith.constant 904 : index
    %get3A_4529 = arith.constant 0 : index
    %get3A_4530 = vector.load %arg4[%get3A_4528, %get3A_4529] : memref<1000x640xf32, #tpu.memory_space<vmem>>, vector<8x640xf32>
    %mul3A_4531 = vector.broadcast %mul3A_1476 : vector<1x640xf32> to vector<8x640xf32>
    %mul3A_4532 = arith.mulf %get3A_4530, %mul3A_4531 : vector<8x640xf32>
    %bitcast_convert_type3A_4533 = tpu.bitcast %mul3A_4532 : vector<8x640xf32> -> vector<8x640xi32>
    %add3A_4534 = arith.constant 4096 : i32
    %add3A_4535 = vector.broadcast %add3A_4534 : i32 to vector<8x640xi32>
    %add3A_4536 = arith.addi %bitcast_convert_type3A_4533, %add3A_4535 : vector<8x640xi32>
    %shift_right_logical3A_4537 = arith.constant 13 : i32
    %shift_right_logical3A_4538 = vector.broadcast %shift_right_logical3A_4537 : i32 to vector<8x640xi32>
    %shift_right_logical3A_4539 = arith.shrui %add3A_4536, %shift_right_logical3A_4538 : vector<8x640xi32>
    %and3A_4540 = arith.constant 32767 : i32
    %and3A_4541 = vector.broadcast %and3A_4540 : i32 to vector<8x640xi32>
    %and3A_4542 = arith.andi %shift_right_logical3A_4539, %and3A_4541 : vector<8x640xi32>
    %shift_right_logical3A_4543 = arith.constant 16 : i32
    %shift_right_logical3A_4544 = vector.broadcast %shift_right_logical3A_4543 : i32 to vector<8x640xi32>
    %shift_right_logical3A_4545 = arith.shrui %bitcast_convert_type3A_4533, %shift_right_logical3A_4544 : vector<8x640xi32>
    %and3A_4546 = arith.constant 32768 : i32
    %and3A_4547 = vector.broadcast %and3A_4546 : i32 to vector<8x640xi32>
    %and3A_4548 = arith.andi %shift_right_logical3A_4545, %and3A_4547 : vector<8x640xi32>
    %or3A_4549 = arith.ori %and3A_4548, %and3A_4542 : vector<8x640xi32>
    %convert_element_type3A_4550 = arith.trunci %or3A_4549 : vector<8x640xi32> to vector<8x640xi16>
    %swap3A_4551 = tpu.memref_bitcast %arg8 : memref<1000x640xf16, #tpu.memory_space<vmem>> -> memref<1000x640xi16, #tpu.memory_space<vmem>>
    %swap3A_4552 = arith.constant 904 : index
    %swap3A_4553 = arith.constant 0 : index
    %swap3A_4554 = vector.load %swap3A_4551[%swap3A_4552, %swap3A_4553] : memref<1000x640xi16, #tpu.memory_space<vmem>>, vector<8x640xi16>
    tpu.vector_store %swap3A_4551[%swap3A_4552, %swap3A_4553], %convert_element_type3A_4550 {strides = array<i32>} : memref<1000x640xi16, #tpu.memory_space<vmem>>, vector<8x640xi16>,
    %get3A_4555 = arith.constant 912 : index
    %get3A_4556 = arith.constant 0 : index
    %get3A_4557 = vector.load %arg4[%get3A_4555, %get3A_4556] : memref<1000x640xf32, #tpu.memory_space<vmem>>, vector<8x640xf32>
    %mul3A_4558 = vector.broadcast %mul3A_1476 : vector<1x640xf32> to vector<8x640xf32>
    %mul3A_4559 = arith.mulf %get3A_4557, %mul3A_4558 : vector<8x640xf32>
    %bitcast_convert_type3A_4560 = tpu.bitcast %mul3A_4559 : vector<8x640xf32> -> vector<8x640xi32>
    %add3A_4561 = arith.constant 4096 : i32
    %add3A_4562 = vector.broadcast %add3A_4561 : i32 to vector<8x640xi32>
    %add3A_4563 = arith.addi %bitcast_convert_type3A_4560, %add3A_4562 : vector<8x640xi32>
    %shift_right_logical3A_4564 = arith.constant 13 : i32
    %shift_right_logical3A_4565 = vector.broadcast %shift_right_logical3A_4564 : i32 to vector<8x640xi32>
    %shift_right_logical3A_4566 = arith.shrui %add3A_4563, %shift_right_logical3A_4565 : vector<8x640xi32>
    %and3A_4567 = arith.constant 32767 : i32
    %and3A_4568 = vector.broadcast %and3A_4567 : i32 to vector<8x640xi32>
    %and3A_4569 = arith.andi %shift_right_logical3A_4566, %and3A_4568 : vector<8x640xi32>
    %shift_right_logical3A_4570 = arith.constant 16 : i32
    %shift_right_logical3A_4571 = vector.broadcast %shift_right_logical3A_4570 : i32 to vector<8x640xi32>
    %shift_right_logical3A_4572 = arith.shrui %bitcast_convert_type3A_4560, %shift_right_logical3A_4571 : vector<8x640xi32>
    %and3A_4573 = arith.constant 32768 : i32
    %and3A_4574 = vector.broadcast %and3A_4573 : i32 to vector<8x640xi32>
    %and3A_4575 = arith.andi %shift_right_logical3A_4572, %and3A_4574 : vector<8x640xi32>
    %or3A_4576 = arith.ori %and3A_4575, %and3A_4569 : vector<8x640xi32>
    %convert_element_type3A_4577 = arith.trunci %or3A_4576 : vector<8x640xi32> to vector<8x640xi16>
    %swap3A_4578 = tpu.memref_bitcast %arg8 : memref<1000x640xf16, #tpu.memory_space<vmem>> -> memref<1000x640xi16, #tpu.memory_space<vmem>>
    %swap3A_4579 = arith.constant 912 : index
    %swap3A_4580 = arith.constant 0 : index
    %swap3A_4581 = vector.load %swap3A_4578[%swap3A_4579, %swap3A_4580] : memref<1000x640xi16, #tpu.memory_space<vmem>>, vector<8x640xi16>
    tpu.vector_store %swap3A_4578[%swap3A_4579, %swap3A_4580], %convert_element_type3A_4577 {strides = array<i32>} : memref<1000x640xi16, #tpu.memory_space<vmem>>, vector<8x640xi16>,
    %get3A_4582 = arith.constant 920 : index
    %get3A_4583 = arith.constant 0 : index
    %get3A_4584 = vector.load %arg4[%get3A_4582, %get3A_4583] : memref<1000x640xf32, #tpu.memory_space<vmem>>, vector<8x640xf32>
    %mul3A_4585 = vector.broadcast %mul3A_1476 : vector<1x640xf32> to vector<8x640xf32>
    %mul3A_4586 = arith.mulf %get3A_4584, %mul3A_4585 : vector<8x640xf32>
    %bitcast_convert_type3A_4587 = tpu.bitcast %mul3A_4586 : vector<8x640xf32> -> vector<8x640xi32>
    %add3A_4588 = arith.constant 4096 : i32
    %add3A_4589 = vector.broadcast %add3A_4588 : i32 to vector<8x640xi32>
    %add3A_4590 = arith.addi %bitcast_convert_type3A_4587, %add3A_4589 : vector<8x640xi32>
    %shift_right_logical3A_4591 = arith.constant 13 : i32
    %shift_right_logical3A_4592 = vector.broadcast %shift_right_logical3A_4591 : i32 to vector<8x640xi32>
    %shift_right_logical3A_4593 = arith.shrui %add3A_4590, %shift_right_logical3A_4592 : vector<8x640xi32>
    %and3A_4594 = arith.constant 32767 : i32
    %and3A_4595 = vector.broadcast %and3A_4594 : i32 to vector<8x640xi32>
    %and3A_4596 = arith.andi %shift_right_logical3A_4593, %and3A_4595 : vector<8x640xi32>
    %shift_right_logical3A_4597 = arith.constant 16 : i32
    %shift_right_logical3A_4598 = vector.broadcast %shift_right_logical3A_4597 : i32 to vector<8x640xi32>
    %shift_right_logical3A_4599 = arith.shrui %bitcast_convert_type3A_4587, %shift_right_logical3A_4598 : vector<8x640xi32>
    %and3A_4600 = arith.constant 32768 : i32
    %and3A_4601 = vector.broadcast %and3A_4600 : i32 to vector<8x640xi32>
    %and3A_4602 = arith.andi %shift_right_logical3A_4599, %and3A_4601 : vector<8x640xi32>
    %or3A_4603 = arith.ori %and3A_4602, %and3A_4596 : vector<8x640xi32>
    %convert_element_type3A_4604 = arith.trunci %or3A_4603 : vector<8x640xi32> to vector<8x640xi16>
    %swap3A_4605 = tpu.memref_bitcast %arg8 : memref<1000x640xf16, #tpu.memory_space<vmem>> -> memref<1000x640xi16, #tpu.memory_space<vmem>>
    %swap3A_4606 = arith.constant 920 : index
    %swap3A_4607 = arith.constant 0 : index
    %swap3A_4608 = vector.load %swap3A_4605[%swap3A_4606, %swap3A_4607] : memref<1000x640xi16, #tpu.memory_space<vmem>>, vector<8x640xi16>
    tpu.vector_store %swap3A_4605[%swap3A_4606, %swap3A_4607], %convert_element_type3A_4604 {strides = array<i32>} : memref<1000x640xi16, #tpu.memory_space<vmem>>, vector<8x640xi16>,
    %get3A_4609 = arith.constant 928 : index
    %get3A_4610 = arith.constant 0 : index
    %get3A_4611 = vector.load %arg4[%get3A_4609, %get3A_4610] : memref<1000x640xf32, #tpu.memory_space<vmem>>, vector<8x640xf32>
    %mul3A_4612 = vector.broadcast %mul3A_1476 : vector<1x640xf32> to vector<8x640xf32>
    %mul3A_4613 = arith.mulf %get3A_4611, %mul3A_4612 : vector<8x640xf32>
    %bitcast_convert_type3A_4614 = tpu.bitcast %mul3A_4613 : vector<8x640xf32> -> vector<8x640xi32>
    %add3A_4615 = arith.constant 4096 : i32
    %add3A_4616 = vector.broadcast %add3A_4615 : i32 to vector<8x640xi32>
    %add3A_4617 = arith.addi %bitcast_convert_type3A_4614, %add3A_4616 : vector<8x640xi32>
    %shift_right_logical3A_4618 = arith.constant 13 : i32
    %shift_right_logical3A_4619 = vector.broadcast %shift_right_logical3A_4618 : i32 to vector<8x640xi32>
    %shift_right_logical3A_4620 = arith.shrui %add3A_4617, %shift_right_logical3A_4619 : vector<8x640xi32>
    %and3A_4621 = arith.constant 32767 : i32
    %and3A_4622 = vector.broadcast %and3A_4621 : i32 to vector<8x640xi32>
    %and3A_4623 = arith.andi %shift_right_logical3A_4620, %and3A_4622 : vector<8x640xi32>
    %shift_right_logical3A_4624 = arith.constant 16 : i32
    %shift_right_logical3A_4625 = vector.broadcast %shift_right_logical3A_4624 : i32 to vector<8x640xi32>
    %shift_right_logical3A_4626 = arith.shrui %bitcast_convert_type3A_4614, %shift_right_logical3A_4625 : vector<8x640xi32>
    %and3A_4627 = arith.constant 32768 : i32
    %and3A_4628 = vector.broadcast %and3A_4627 : i32 to vector<8x640xi32>
    %and3A_4629 = arith.andi %shift_right_logical3A_4626, %and3A_4628 : vector<8x640xi32>
    %or3A_4630 = arith.ori %and3A_4629, %and3A_4623 : vector<8x640xi32>
    %convert_element_type3A_4631 = arith.trunci %or3A_4630 : vector<8x640xi32> to vector<8x640xi16>
    %swap3A_4632 = tpu.memref_bitcast %arg8 : memref<1000x640xf16, #tpu.memory_space<vmem>> -> memref<1000x640xi16, #tpu.memory_space<vmem>>
    %swap3A_4633 = arith.constant 928 : index
    %swap3A_4634 = arith.constant 0 : index
    %swap3A_4635 = vector.load %swap3A_4632[%swap3A_4633, %swap3A_4634] : memref<1000x640xi16, #tpu.memory_space<vmem>>, vector<8x640xi16>
    tpu.vector_store %swap3A_4632[%swap3A_4633, %swap3A_4634], %convert_element_type3A_4631 {strides = array<i32>} : memref<1000x640xi16, #tpu.memory_space<vmem>>, vector<8x640xi16>,
    %get3A_4636 = arith.constant 936 : index
    %get3A_4637 = arith.constant 0 : index
    %get3A_4638 = vector.load %arg4[%get3A_4636, %get3A_4637] : memref<1000x640xf32, #tpu.memory_space<vmem>>, vector<8x640xf32>
    %mul3A_4639 = vector.broadcast %mul3A_1476 : vector<1x640xf32> to vector<8x640xf32>
    %mul3A_4640 = arith.mulf %get3A_4638, %mul3A_4639 : vector<8x640xf32>
    %bitcast_convert_type3A_4641 = tpu.bitcast %mul3A_4640 : vector<8x640xf32> -> vector<8x640xi32>
    %add3A_4642 = arith.constant 4096 : i32
    %add3A_4643 = vector.broadcast %add3A_4642 : i32 to vector<8x640xi32>
    %add3A_4644 = arith.addi %bitcast_convert_type3A_4641, %add3A_4643 : vector<8x640xi32>
    %shift_right_logical3A_4645 = arith.constant 13 : i32
    %shift_right_logical3A_4646 = vector.broadcast %shift_right_logical3A_4645 : i32 to vector<8x640xi32>
    %shift_right_logical3A_4647 = arith.shrui %add3A_4644, %shift_right_logical3A_4646 : vector<8x640xi32>
    %and3A_4648 = arith.constant 32767 : i32
    %and3A_4649 = vector.broadcast %and3A_4648 : i32 to vector<8x640xi32>
    %and3A_4650 = arith.andi %shift_right_logical3A_4647, %and3A_4649 : vector<8x640xi32>
    %shift_right_logical3A_4651 = arith.constant 16 : i32
    %shift_right_logical3A_4652 = vector.broadcast %shift_right_logical3A_4651 : i32 to vector<8x640xi32>
    %shift_right_logical3A_4653 = arith.shrui %bitcast_convert_type3A_4641, %shift_right_logical3A_4652 : vector<8x640xi32>
    %and3A_4654 = arith.constant 32768 : i32
    %and3A_4655 = vector.broadcast %and3A_4654 : i32 to vector<8x640xi32>
    %and3A_4656 = arith.andi %shift_right_logical3A_4653, %and3A_4655 : vector<8x640xi32>
    %or3A_4657 = arith.ori %and3A_4656, %and3A_4650 : vector<8x640xi32>
    %convert_element_type3A_4658 = arith.trunci %or3A_4657 : vector<8x640xi32> to vector<8x640xi16>
    %swap3A_4659 = tpu.memref_bitcast %arg8 : memref<1000x640xf16, #tpu.memory_space<vmem>> -> memref<1000x640xi16, #tpu.memory_space<vmem>>
    %swap3A_4660 = arith.constant 936 : index
    %swap3A_4661 = arith.constant 0 : index
    %swap3A_4662 = vector.load %swap3A_4659[%swap3A_4660, %swap3A_4661] : memref<1000x640xi16, #tpu.memory_space<vmem>>, vector<8x640xi16>
    tpu.vector_store %swap3A_4659[%swap3A_4660, %swap3A_4661], %convert_element_type3A_4658 {strides = array<i32>} : memref<1000x640xi16, #tpu.memory_space<vmem>>, vector<8x640xi16>,
    %get3A_4663 = arith.constant 944 : index
    %get3A_4664 = arith.constant 0 : index
    %get3A_4665 = vector.load %arg4[%get3A_4663, %get3A_4664] : memref<1000x640xf32, #tpu.memory_space<vmem>>, vector<8x640xf32>
    %mul3A_4666 = vector.broadcast %mul3A_1476 : vector<1x640xf32> to vector<8x640xf32>
    %mul3A_4667 = arith.mulf %get3A_4665, %mul3A_4666 : vector<8x640xf32>
    %bitcast_convert_type3A_4668 = tpu.bitcast %mul3A_4667 : vector<8x640xf32> -> vector<8x640xi32>
    %add3A_4669 = arith.constant 4096 : i32
    %add3A_4670 = vector.broadcast %add3A_4669 : i32 to vector<8x640xi32>
    %add3A_4671 = arith.addi %bitcast_convert_type3A_4668, %add3A_4670 : vector<8x640xi32>
    %shift_right_logical3A_4672 = arith.constant 13 : i32
    %shift_right_logical3A_4673 = vector.broadcast %shift_right_logical3A_4672 : i32 to vector<8x640xi32>
    %shift_right_logical3A_4674 = arith.shrui %add3A_4671, %shift_right_logical3A_4673 : vector<8x640xi32>
    %and3A_4675 = arith.constant 32767 : i32
    %and3A_4676 = vector.broadcast %and3A_4675 : i32 to vector<8x640xi32>
    %and3A_4677 = arith.andi %shift_right_logical3A_4674, %and3A_4676 : vector<8x640xi32>
    %shift_right_logical3A_4678 = arith.constant 16 : i32
    %shift_right_logical3A_4679 = vector.broadcast %shift_right_logical3A_4678 : i32 to vector<8x640xi32>
    %shift_right_logical3A_4680 = arith.shrui %bitcast_convert_type3A_4668, %shift_right_logical3A_4679 : vector<8x640xi32>
    %and3A_4681 = arith.constant 32768 : i32
    %and3A_4682 = vector.broadcast %and3A_4681 : i32 to vector<8x640xi32>
    %and3A_4683 = arith.andi %shift_right_logical3A_4680, %and3A_4682 : vector<8x640xi32>
    %or3A_4684 = arith.ori %and3A_4683, %and3A_4677 : vector<8x640xi32>
    %convert_element_type3A_4685 = arith.trunci %or3A_4684 : vector<8x640xi32> to vector<8x640xi16>
    %swap3A_4686 = tpu.memref_bitcast %arg8 : memref<1000x640xf16, #tpu.memory_space<vmem>> -> memref<1000x640xi16, #tpu.memory_space<vmem>>
    %swap3A_4687 = arith.constant 944 : index
    %swap3A_4688 = arith.constant 0 : index
    %swap3A_4689 = vector.load %swap3A_4686[%swap3A_4687, %swap3A_4688] : memref<1000x640xi16, #tpu.memory_space<vmem>>, vector<8x640xi16>
    tpu.vector_store %swap3A_4686[%swap3A_4687, %swap3A_4688], %convert_element_type3A_4685 {strides = array<i32>} : memref<1000x640xi16, #tpu.memory_space<vmem>>, vector<8x640xi16>,
    %get3A_4690 = arith.constant 952 : index
    %get3A_4691 = arith.constant 0 : index
    %get3A_4692 = vector.load %arg4[%get3A_4690, %get3A_4691] : memref<1000x640xf32, #tpu.memory_space<vmem>>, vector<8x640xf32>
    %mul3A_4693 = vector.broadcast %mul3A_1476 : vector<1x640xf32> to vector<8x640xf32>
    %mul3A_4694 = arith.mulf %get3A_4692, %mul3A_4693 : vector<8x640xf32>
    %bitcast_convert_type3A_4695 = tpu.bitcast %mul3A_4694 : vector<8x640xf32> -> vector<8x640xi32>
    %add3A_4696 = arith.constant 4096 : i32
    %add3A_4697 = vector.broadcast %add3A_4696 : i32 to vector<8x640xi32>
    %add3A_4698 = arith.addi %bitcast_convert_type3A_4695, %add3A_4697 : vector<8x640xi32>
    %shift_right_logical3A_4699 = arith.constant 13 : i32
    %shift_right_logical3A_4700 = vector.broadcast %shift_right_logical3A_4699 : i32 to vector<8x640xi32>
    %shift_right_logical3A_4701 = arith.shrui %add3A_4698, %shift_right_logical3A_4700 : vector<8x640xi32>
    %and3A_4702 = arith.constant 32767 : i32
    %and3A_4703 = vector.broadcast %and3A_4702 : i32 to vector<8x640xi32>
    %and3A_4704 = arith.andi %shift_right_logical3A_4701, %and3A_4703 : vector<8x640xi32>
    %shift_right_logical3A_4705 = arith.constant 16 : i32
    %shift_right_logical3A_4706 = vector.broadcast %shift_right_logical3A_4705 : i32 to vector<8x640xi32>
    %shift_right_logical3A_4707 = arith.shrui %bitcast_convert_type3A_4695, %shift_right_logical3A_4706 : vector<8x640xi32>
    %and3A_4708 = arith.constant 32768 : i32
    %and3A_4709 = vector.broadcast %and3A_4708 : i32 to vector<8x640xi32>
    %and3A_4710 = arith.andi %shift_right_logical3A_4707, %and3A_4709 : vector<8x640xi32>
    %or3A_4711 = arith.ori %and3A_4710, %and3A_4704 : vector<8x640xi32>
    %convert_element_type3A_4712 = arith.trunci %or3A_4711 : vector<8x640xi32> to vector<8x640xi16>
    %swap3A_4713 = tpu.memref_bitcast %arg8 : memref<1000x640xf16, #tpu.memory_space<vmem>> -> memref<1000x640xi16, #tpu.memory_space<vmem>>
    %swap3A_4714 = arith.constant 952 : index
    %swap3A_4715 = arith.constant 0 : index
    %swap3A_4716 = vector.load %swap3A_4713[%swap3A_4714, %swap3A_4715] : memref<1000x640xi16, #tpu.memory_space<vmem>>, vector<8x640xi16>
    tpu.vector_store %swap3A_4713[%swap3A_4714, %swap3A_4715], %convert_element_type3A_4712 {strides = array<i32>} : memref<1000x640xi16, #tpu.memory_space<vmem>>, vector<8x640xi16>,
    %get3A_4717 = arith.constant 960 : index
    %get3A_4718 = arith.constant 0 : index
    %get3A_4719 = vector.load %arg4[%get3A_4717, %get3A_4718] : memref<1000x640xf32, #tpu.memory_space<vmem>>, vector<8x640xf32>
    %mul3A_4720 = vector.broadcast %mul3A_1476 : vector<1x640xf32> to vector<8x640xf32>
    %mul3A_4721 = arith.mulf %get3A_4719, %mul3A_4720 : vector<8x640xf32>
    %bitcast_convert_type3A_4722 = tpu.bitcast %mul3A_4721 : vector<8x640xf32> -> vector<8x640xi32>
    %add3A_4723 = arith.constant 4096 : i32
    %add3A_4724 = vector.broadcast %add3A_4723 : i32 to vector<8x640xi32>
    %add3A_4725 = arith.addi %bitcast_convert_type3A_4722, %add3A_4724 : vector<8x640xi32>
    %shift_right_logical3A_4726 = arith.constant 13 : i32
    %shift_right_logical3A_4727 = vector.broadcast %shift_right_logical3A_4726 : i32 to vector<8x640xi32>
    %shift_right_logical3A_4728 = arith.shrui %add3A_4725, %shift_right_logical3A_4727 : vector<8x640xi32>
    %and3A_4729 = arith.constant 32767 : i32
    %and3A_4730 = vector.broadcast %and3A_4729 : i32 to vector<8x640xi32>
    %and3A_4731 = arith.andi %shift_right_logical3A_4728, %and3A_4730 : vector<8x640xi32>
    %shift_right_logical3A_4732 = arith.constant 16 : i32
    %shift_right_logical3A_4733 = vector.broadcast %shift_right_logical3A_4732 : i32 to vector<8x640xi32>
    %shift_right_logical3A_4734 = arith.shrui %bitcast_convert_type3A_4722, %shift_right_logical3A_4733 : vector<8x640xi32>
    %and3A_4735 = arith.constant 32768 : i32
    %and3A_4736 = vector.broadcast %and3A_4735 : i32 to vector<8x640xi32>
    %and3A_4737 = arith.andi %shift_right_logical3A_4734, %and3A_4736 : vector<8x640xi32>
    %or3A_4738 = arith.ori %and3A_4737, %and3A_4731 : vector<8x640xi32>
    %convert_element_type3A_4739 = arith.trunci %or3A_4738 : vector<8x640xi32> to vector<8x640xi16>
    %swap3A_4740 = tpu.memref_bitcast %arg8 : memref<1000x640xf16, #tpu.memory_space<vmem>> -> memref<1000x640xi16, #tpu.memory_space<vmem>>
    %swap3A_4741 = arith.constant 960 : index
    %swap3A_4742 = arith.constant 0 : index
    %swap3A_4743 = vector.load %swap3A_4740[%swap3A_4741, %swap3A_4742] : memref<1000x640xi16, #tpu.memory_space<vmem>>, vector<8x640xi16>
    tpu.vector_store %swap3A_4740[%swap3A_4741, %swap3A_4742], %convert_element_type3A_4739 {strides = array<i32>} : memref<1000x640xi16, #tpu.memory_space<vmem>>, vector<8x640xi16>,
    %get3A_4744 = arith.constant 968 : index
    %get3A_4745 = arith.constant 0 : index
    %get3A_4746 = vector.load %arg4[%get3A_4744, %get3A_4745] : memref<1000x640xf32, #tpu.memory_space<vmem>>, vector<8x640xf32>
    %mul3A_4747 = vector.broadcast %mul3A_1476 : vector<1x640xf32> to vector<8x640xf32>
    %mul3A_4748 = arith.mulf %get3A_4746, %mul3A_4747 : vector<8x640xf32>
    %bitcast_convert_type3A_4749 = tpu.bitcast %mul3A_4748 : vector<8x640xf32> -> vector<8x640xi32>
    %add3A_4750 = arith.constant 4096 : i32
    %add3A_4751 = vector.broadcast %add3A_4750 : i32 to vector<8x640xi32>
    %add3A_4752 = arith.addi %bitcast_convert_type3A_4749, %add3A_4751 : vector<8x640xi32>
    %shift_right_logical3A_4753 = arith.constant 13 : i32
    %shift_right_logical3A_4754 = vector.broadcast %shift_right_logical3A_4753 : i32 to vector<8x640xi32>
    %shift_right_logical3A_4755 = arith.shrui %add3A_4752, %shift_right_logical3A_4754 : vector<8x640xi32>
    %and3A_4756 = arith.constant 32767 : i32
    %and3A_4757 = vector.broadcast %and3A_4756 : i32 to vector<8x640xi32>
    %and3A_4758 = arith.andi %shift_right_logical3A_4755, %and3A_4757 : vector<8x640xi32>
    %shift_right_logical3A_4759 = arith.constant 16 : i32
    %shift_right_logical3A_4760 = vector.broadcast %shift_right_logical3A_4759 : i32 to vector<8x640xi32>
    %shift_right_logical3A_4761 = arith.shrui %bitcast_convert_type3A_4749, %shift_right_logical3A_4760 : vector<8x640xi32>
    %and3A_4762 = arith.constant 32768 : i32
    %and3A_4763 = vector.broadcast %and3A_4762 : i32 to vector<8x640xi32>
    %and3A_4764 = arith.andi %shift_right_logical3A_4761, %and3A_4763 : vector<8x640xi32>
    %or3A_4765 = arith.ori %and3A_4764, %and3A_4758 : vector<8x640xi32>
    %convert_element_type3A_4766 = arith.trunci %or3A_4765 : vector<8x640xi32> to vector<8x640xi16>
    %swap3A_4767 = tpu.memref_bitcast %arg8 : memref<1000x640xf16, #tpu.memory_space<vmem>> -> memref<1000x640xi16, #tpu.memory_space<vmem>>
    %swap3A_4768 = arith.constant 968 : index
    %swap3A_4769 = arith.constant 0 : index
    %swap3A_4770 = vector.load %swap3A_4767[%swap3A_4768, %swap3A_4769] : memref<1000x640xi16, #tpu.memory_space<vmem>>, vector<8x640xi16>
    tpu.vector_store %swap3A_4767[%swap3A_4768, %swap3A_4769], %convert_element_type3A_4766 {strides = array<i32>} : memref<1000x640xi16, #tpu.memory_space<vmem>>, vector<8x640xi16>,
    %get3A_4771 = arith.constant 976 : index
    %get3A_4772 = arith.constant 0 : index
    %get3A_4773 = vector.load %arg4[%get3A_4771, %get3A_4772] : memref<1000x640xf32, #tpu.memory_space<vmem>>, vector<8x640xf32>
    %mul3A_4774 = vector.broadcast %mul3A_1476 : vector<1x640xf32> to vector<8x640xf32>
    %mul3A_4775 = arith.mulf %get3A_4773, %mul3A_4774 : vector<8x640xf32>
    %bitcast_convert_type3A_4776 = tpu.bitcast %mul3A_4775 : vector<8x640xf32> -> vector<8x640xi32>
    %add3A_4777 = arith.constant 4096 : i32
    %add3A_4778 = vector.broadcast %add3A_4777 : i32 to vector<8x640xi32>
    %add3A_4779 = arith.addi %bitcast_convert_type3A_4776, %add3A_4778 : vector<8x640xi32>
    %shift_right_logical3A_4780 = arith.constant 13 : i32
    %shift_right_logical3A_4781 = vector.broadcast %shift_right_logical3A_4780 : i32 to vector<8x640xi32>
    %shift_right_logical3A_4782 = arith.shrui %add3A_4779, %shift_right_logical3A_4781 : vector<8x640xi32>
    %and3A_4783 = arith.constant 32767 : i32
    %and3A_4784 = vector.broadcast %and3A_4783 : i32 to vector<8x640xi32>
    %and3A_4785 = arith.andi %shift_right_logical3A_4782, %and3A_4784 : vector<8x640xi32>
    %shift_right_logical3A_4786 = arith.constant 16 : i32
    %shift_right_logical3A_4787 = vector.broadcast %shift_right_logical3A_4786 : i32 to vector<8x640xi32>
    %shift_right_logical3A_4788 = arith.shrui %bitcast_convert_type3A_4776, %shift_right_logical3A_4787 : vector<8x640xi32>
    %and3A_4789 = arith.constant 32768 : i32
    %and3A_4790 = vector.broadcast %and3A_4789 : i32 to vector<8x640xi32>
    %and3A_4791 = arith.andi %shift_right_logical3A_4788, %and3A_4790 : vector<8x640xi32>
    %or3A_4792 = arith.ori %and3A_4791, %and3A_4785 : vector<8x640xi32>
    %convert_element_type3A_4793 = arith.trunci %or3A_4792 : vector<8x640xi32> to vector<8x640xi16>
    %swap3A_4794 = tpu.memref_bitcast %arg8 : memref<1000x640xf16, #tpu.memory_space<vmem>> -> memref<1000x640xi16, #tpu.memory_space<vmem>>
    %swap3A_4795 = arith.constant 976 : index
    %swap3A_4796 = arith.constant 0 : index
    %swap3A_4797 = vector.load %swap3A_4794[%swap3A_4795, %swap3A_4796] : memref<1000x640xi16, #tpu.memory_space<vmem>>, vector<8x640xi16>
    tpu.vector_store %swap3A_4794[%swap3A_4795, %swap3A_4796], %convert_element_type3A_4793 {strides = array<i32>} : memref<1000x640xi16, #tpu.memory_space<vmem>>, vector<8x640xi16>,
    %get3A_4798 = arith.constant 984 : index
    %get3A_4799 = arith.constant 0 : index
    %get3A_4800 = vector.load %arg4[%get3A_4798, %get3A_4799] : memref<1000x640xf32, #tpu.memory_space<vmem>>, vector<8x640xf32>
    %mul3A_4801 = vector.broadcast %mul3A_1476 : vector<1x640xf32> to vector<8x640xf32>
    %mul3A_4802 = arith.mulf %get3A_4800, %mul3A_4801 : vector<8x640xf32>
    %bitcast_convert_type3A_4803 = tpu.bitcast %mul3A_4802 : vector<8x640xf32> -> vector<8x640xi32>
    %add3A_4804 = arith.constant 4096 : i32
    %add3A_4805 = vector.broadcast %add3A_4804 : i32 to vector<8x640xi32>
    %add3A_4806 = arith.addi %bitcast_convert_type3A_4803, %add3A_4805 : vector<8x640xi32>
    %shift_right_logical3A_4807 = arith.constant 13 : i32
    %shift_right_logical3A_4808 = vector.broadcast %shift_right_logical3A_4807 : i32 to vector<8x640xi32>
    %shift_right_logical3A_4809 = arith.shrui %add3A_4806, %shift_right_logical3A_4808 : vector<8x640xi32>
    %and3A_4810 = arith.constant 32767 : i32
    %and3A_4811 = vector.broadcast %and3A_4810 : i32 to vector<8x640xi32>
    %and3A_4812 = arith.andi %shift_right_logical3A_4809, %and3A_4811 : vector<8x640xi32>
    %shift_right_logical3A_4813 = arith.constant 16 : i32
    %shift_right_logical3A_4814 = vector.broadcast %shift_right_logical3A_4813 : i32 to vector<8x640xi32>
    %shift_right_logical3A_4815 = arith.shrui %bitcast_convert_type3A_4803, %shift_right_logical3A_4814 : vector<8x640xi32>
    %and3A_4816 = arith.constant 32768 : i32
    %and3A_4817 = vector.broadcast %and3A_4816 : i32 to vector<8x640xi32>
    %and3A_4818 = arith.andi %shift_right_logical3A_4815, %and3A_4817 : vector<8x640xi32>
    %or3A_4819 = arith.ori %and3A_4818, %and3A_4812 : vector<8x640xi32>
    %convert_element_type3A_4820 = arith.trunci %or3A_4819 : vector<8x640xi32> to vector<8x640xi16>
    %swap3A_4821 = tpu.memref_bitcast %arg8 : memref<1000x640xf16, #tpu.memory_space<vmem>> -> memref<1000x640xi16, #tpu.memory_space<vmem>>
    %swap3A_4822 = arith.constant 984 : index
    %swap3A_4823 = arith.constant 0 : index
    %swap3A_4824 = vector.load %swap3A_4821[%swap3A_4822, %swap3A_4823] : memref<1000x640xi16, #tpu.memory_space<vmem>>, vector<8x640xi16>
    tpu.vector_store %swap3A_4821[%swap3A_4822, %swap3A_4823], %convert_element_type3A_4820 {strides = array<i32>} : memref<1000x640xi16, #tpu.memory_space<vmem>>, vector<8x640xi16>,
    %get3A_4825 = arith.constant 992 : index
    %get3A_4826 = arith.constant 0 : index
    %get3A_4827 = vector.load %arg4[%get3A_4825, %get3A_4826] : memref<1000x640xf32, #tpu.memory_space<vmem>>, vector<8x640xf32>
    %mul3A_4828 = vector.broadcast %mul3A_1476 : vector<1x640xf32> to vector<8x640xf32>
    %mul3A_4829 = arith.mulf %get3A_4827, %mul3A_4828 : vector<8x640xf32>
    %bitcast_convert_type3A_4830 = tpu.bitcast %mul3A_4829 : vector<8x640xf32> -> vector<8x640xi32>
    %add3A_4831 = arith.constant 4096 : i32
    %add3A_4832 = vector.broadcast %add3A_4831 : i32 to vector<8x640xi32>
    %add3A_4833 = arith.addi %bitcast_convert_type3A_4830, %add3A_4832 : vector<8x640xi32>
    %shift_right_logical3A_4834 = arith.constant 13 : i32
    %shift_right_logical3A_4835 = vector.broadcast %shift_right_logical3A_4834 : i32 to vector<8x640xi32>
    %shift_right_logical3A_4836 = arith.shrui %add3A_4833, %shift_right_logical3A_4835 : vector<8x640xi32>
    %and3A_4837 = arith.constant 32767 : i32
    %and3A_4838 = vector.broadcast %and3A_4837 : i32 to vector<8x640xi32>
    %and3A_4839 = arith.andi %shift_right_logical3A_4836, %and3A_4838 : vector<8x640xi32>
    %shift_right_logical3A_4840 = arith.constant 16 : i32
    %shift_right_logical3A_4841 = vector.broadcast %shift_right_logical3A_4840 : i32 to vector<8x640xi32>
    %shift_right_logical3A_4842 = arith.shrui %bitcast_convert_type3A_4830, %shift_right_logical3A_4841 : vector<8x640xi32>
    %and3A_4843 = arith.constant 32768 : i32
    %and3A_4844 = vector.broadcast %and3A_4843 : i32 to vector<8x640xi32>
    %and3A_4845 = arith.andi %shift_right_logical3A_4842, %and3A_4844 : vector<8x640xi32>
    %or3A_4846 = arith.ori %and3A_4845, %and3A_4839 : vector<8x640xi32>
    %convert_element_type3A_4847 = arith.trunci %or3A_4846 : vector<8x640xi32> to vector<8x640xi16>
    %swap3A_4848 = tpu.memref_bitcast %arg8 : memref<1000x640xf16, #tpu.memory_space<vmem>> -> memref<1000x640xi16, #tpu.memory_space<vmem>>
    %swap3A_4849 = arith.constant 992 : index
    %swap3A_4850 = arith.constant 0 : index
    %swap3A_4851 = vector.load %swap3A_4848[%swap3A_4849, %swap3A_4850] : memref<1000x640xi16, #tpu.memory_space<vmem>>, vector<8x640xi16>
    tpu.vector_store %swap3A_4848[%swap3A_4849, %swap3A_4850], %convert_element_type3A_4847 {strides = array<i32>} : memref<1000x640xi16, #tpu.memory_space<vmem>>, vector<8x640xi16>,
    return
  }
  func.func @transform_0(%arg0: i32) -> (i32, i32) {
    %c0_i32 = arith.constant 0 : i32
    %c0_i32_0 = arith.constant 0 : i32
    return %arg0, %c0_i32 : i32, i32
  }
  func.func @transform_1(%arg0: i32) -> (i32, i32) {
    %c0_i32 = arith.constant 0 : i32
    %c0_i32_0 = arith.constant 0 : i32
    return %arg0, %c0_i32 : i32, i32
  }
  func.func @transform_2(%arg0: i32) -> (i32, i32) {
    %c0_i32 = arith.constant 0 : i32
    %c0_i32_0 = arith.constant 0 : i32
    return %arg0, %c0_i32 : i32, i32
  }
  func.func @transform_3(%arg0: i32) -> (i32, i32) {
    %c0_i32 = arith.constant 0 : i32
    %c0_i32_0 = arith.constant 0 : i32
    return %c0_i32, %arg0 : i32, i32
  }
  func.func @transform_4(%arg0: i32) -> (i32, i32) {
    %c0_i32 = arith.constant 0 : i32
    %c0_i32_0 = arith.constant 0 : i32
    return %c0_i32, %arg0 : i32, i32
  }
  func.func @transform_5(%arg0: i32) -> (i32, i32) {
    %c0_i32 = arith.constant 0 : i32
    %c0_i32_0 = arith.constant 0 : i32
    return %arg0, %c0_i32 : i32, i32
  }
  func.func @transform_6(%arg0: i32) -> (i32, i32) {
    %c0_i32 = arith.constant 0 : i32
    %c0_i32_0 = arith.constant 0 : i32
    return %arg0, %c0_i32 : i32, i32
  }
  func.func @transform_7(%arg0: i32) -> (i32, i32) {
    %c0_i32 = arith.constant 0 : i32
    %c0_i32_0 = arith.constant 0 : i32
    return %c0_i32, %arg0 : i32, i32
  }
}

</mosaic_0001>

<sc_bundles>
// kernel: kernel.4.cloned.1.call-start
scs
__scs_entry_jumppad:
0x0: {  	(pc) =	sbr.rel $0x88, $3  }
0x1: {  	(tag) =	ssettag $0x0;
	lr =	simm.s32 $0x1  }
0x2: {  	[smem:$0x3F9B] =	sst lr;
	_ =	strace $0xD0000000  }
0x3: {  	_ = 	snop  }
0x4: {  	_ = 	snop  }
0x5: {  	_ = 	snop  }
0x6: {  	_ = 	snop  }
0x7: {  	_ = 	snop  }
__scs_overlays_trampoline_lowered:
0x8: {  	[smem:$0x3FAA] =	sst s0  }
0x9: {  	[smem:$0x3FAB] =	sst s1  }
0xa: {  	[smem:$0x3FAC] =	sst s2  }
0xb: {  	[smem:$0x3FAD] =	sst s3  }
0xc: {  	[smem:$0x3FAE] =	sst s4  }
0xd: {  	[smem:$0x3FAF] =	sst s5  }
0xe: {  	[smem:$0x3FB0] =	sst s6  }
0xf: {  	[smem:$0x3FB1] =	sst s7  }
0x10: {  	[smem:$0x3FB2] =	sst s8  }
0x11: {  	[smem:$0x3FB3] =	sst s9;
	s0 =	simm.s32 @!p0 $0x0  }
0x12: {  	s1 =	sld [smem:$0x3F99];
	s0 =	simm.s32 @p0 $0x1  }
0x13: {  	[smem:$0x3FB4] =	sst s0;
	s0 =	simm.s32 @!p1 $0x0  }
0x14: {  	s2 =	sld [smem:$0x3F98];
	s0 =	simm.s32 @p1 $0x1  }
0x15: {  	[smem:$0x3FB5] =	sst s0;
	s0 =	simm.s32 @!p2 $0x0  }
0x16: {  	s3 =	sld [smem:$0x3FDB];
	s0 =	simm.s32 @p2 $0x1  }
0x17: {  	s4 =	simm.s32 $0x1BF5;
	[smem:$0x3FB7] =	sst s0  }
0x18: {  	s0 =	sld [smem:$0x3F9A];
	_ =	swait.ge [sflag:s4], $0x0  }
0x19: {  	s7 =	sld [smem:$0x3F9B]  }
0x1a: {  	s8 =	sadd.s32 $0xFFFFE003, lr  }
0x1b: {  	s9 =	sadd.s32 $0xFFFFFEF7, lr;
	s5 =	simm.s32 $0xFFFFFFFF;
	p2 =	slt.u32 s8, $0xFFFFF086  }
0x1c: {  	p1 =	slt.u32 s9, $0xF7A;
	s5 =	simm.s32 @!p2 $0x0  }
0x1d: {  	s5 =	simm.s32 @p1 $0x1;
	p0 =	seq.s32 s7, s2  }
0x1e: {  	s7 =	smul.u32 @!p0 $0xF7A, s2;
	p2 =	seq.s32 @!p0 s5, $0x0  }
0x1f: {  	s9 =	smul.u32 $0xF7A, s1;
	s8 =	simm.s32 @!p0 $0x1BF5;
	p2 =	por !p2, p0  }
0x20: {  	[sflag:s8] =	ssyncset.s32 @!p0 $0xFFFFF086;
	s6 =	sadd.s32 @!p0 s3, s7;
	s7 =	simm.s32 @!p0 $0x108  }
0x21: {  	s3 =	sadd.s32 s3, s9;
	s6 =	sadd.s32 @!p0 $0x88, s6;
	s7 =	simm.s32 @p2 $0x1082  }
0x22: {  	[simem:s7], [sflag:s8] =	dma.local @!p0 [hbm:s6], $0xF7A  }
0x23: {  	s9 =	sor.u32 $0xD0000000, s2;
	s6 =	simm.s32 $0x108;
	_ =	swait.ge @!p0 [sflag:s8], $0x0  }
0x24: {  	s3 =	sadd.s32 $0x88, s3;
	s6 =	simm.s32 @!p1 $0x1082;
	[sflag:s4] =	ssyncset.s32 $0xFFFFF086  }
0x25: {  	[simem:s6], [sflag:s4] =	dma.local [hbm:s3], $0xF7A  }
0x26: {  	[smem:$0x3F9B] =	sst s1;
	(tag) =	ssettag s2;
	_ =	strace s9  }
0x27: {  	s1 =	sld [smem:$0x3FAB]  }
0x28: {  	s2 =	sld [smem:$0x3FAC]  }
0x29: {  	s4 =	sld [smem:$0x3FAE]  }
0x2a: {  	p0 =	seq.s32 s5, $0x0;
	s5 =	sld [smem:$0x3FAF]  }
0x2b: {  	s6 =	sld [smem:$0x3FB0]  }
0x2c: {  	s7 =	sld [smem:$0x3FB1]  }
0x2d: {  	s3 =	simm.s32 $0x108;
	s8 =	sld [smem:$0x3FB2]  }
0x2e: {  	s3 =	simm.s32 @!p0 $0x1082;
	s9 =	sld [smem:$0x3FB3]  }
0x2f: {  	lr =	sadd.s32 s0, s3;
	s0 =	sld [smem:$0x3FAA]  }
0x30: {  	s3 =	sld [smem:$0x3FAD]  }
0x31: {  	[smem:$0x3FB6] =	sst s10  }
0x32: {  	s10 =	sld [smem:$0x3FB4];
	_ =	sdelay $0x3  }
0x33: {  	p0 =	seq.s32 s10, $0x1;
	s10 =	sld [smem:$0x3FB6];
	_ =	sdelay $0x3  }
0x34: {  	[smem:$0x3FB6] =	sst s10  }
0x35: {  	s10 =	sld [smem:$0x3FB5];
	_ =	sdelay $0x3  }
0x36: {  	p1 =	seq.s32 s10, $0x1;
	s10 =	sld [smem:$0x3FB6];
	_ =	sdelay $0x3  }
0x37: {  	[smem:$0x3FB6] =	sst s10  }
0x38: {  	s10 =	sld [smem:$0x3FB7]  }
0x39: {  	_ = 	snop;
	(pc) =	sbr.ind lr, $3  }
0x3a: {  	_ = 	snop  }
0x3b: {  	_ = 	snop  }
0x3c: {  	p2 =	seq.s32 s10, $0x1;
	s10 =	sld [smem:$0x3FB6]  }
0x3d: {  	_ =	shalt  }
0x3e: {  	_ =	shalt  }
0x3f: {  	_ =	shalt  }
0x40: {  	_ =	shalt  }
0x41: {  	_ =	shalt  }
0x42: {  	_ =	shalt  }
0x43: {  	_ =	shalt  }
0x44: {  	_ =	shalt  }
0x45: {  	_ =	shalt  }
0x46: {  	_ =	shalt  }
0x47: {  	_ =	shalt  }
0x48: {  	_ =	shalt  }
0x49: {  	_ =	shalt  }
0x4a: {  	_ =	shalt  }
0x4b: {  	_ =	shalt  }
0x4c: {  	_ =	shalt  }
0x4d: {  	_ =	shalt  }
0x4e: {  	_ =	shalt  }
0x4f: {  	_ =	shalt  }
0x50: {  	_ =	shalt  }
0x51: {  	_ =	shalt  }
0x52: {  	_ =	shalt  }
0x53: {  	_ =	shalt  }
0x54: {  	_ =	shalt  }
0x55: {  	_ =	shalt  }
0x56: {  	_ =	shalt  }
0x57: {  	_ =	shalt  }
0x58: {  	_ =	shalt  }
0x59: {  	_ =	shalt  }
0x5a: {  	_ =	shalt  }
0x5b: {  	_ =	shalt  }
0x5c: {  	_ =	shalt  }
0x5d: {  	_ =	shalt  }
0x5e: {  	_ =	shalt  }
0x5f: {  	_ =	shalt  }
0x60: {  	_ =	shalt  }
0x61: {  	_ =	shalt  }
0x62: {  	_ =	shalt  }
0x63: {  	_ =	shalt  }
0x64: {  	_ =	shalt  }
0x65: {  	_ =	shalt  }
0x66: {  	_ =	shalt  }
0x67: {  	_ =	shalt  }
0x68: {  	_ =	shalt  }
0x69: {  	_ =	shalt  }
0x6a: {  	_ =	shalt  }
0x6b: {  	_ =	shalt  }
0x6c: {  	_ =	shalt  }
0x6d: {  	_ =	shalt  }
0x6e: {  	_ =	shalt  }
0x6f: {  	_ =	shalt  }
0x70: {  	_ =	shalt  }
0x71: {  	_ =	shalt  }
0x72: {  	_ =	shalt  }
0x73: {  	_ =	shalt  }
0x74: {  	_ =	shalt  }
0x75: {  	_ =	shalt  }
0x76: {  	_ =	shalt  }
0x77: {  	_ =	shalt  }
0x78: {  	_ =	shalt  }
0x79: {  	_ =	shalt  }
0x7a: {  	_ =	shalt  }
0x7b: {  	_ =	shalt  }
0x7c: {  	_ =	shalt  }
0x7d: {  	_ =	shalt  }
0x7e: {  	_ =	shalt  }
0x7f: {  	_ =	shalt  }
0x80: {  	_ =	shalt  }
0x81: {  	_ =	shalt  }
0x82: {  	_ =	shalt  }
0x83: {  	_ =	shalt  }
0x84: {  	_ =	shalt  }
0x85: {  	_ =	shalt  }
0x86: {  	_ =	shalt  }
0x87: {  	_ =	shalt  }
.Lfunc_end0:
.L_simem_size_0:
called_computation_lowered:
.L_overlay_start_0:
0x88: {  	s2 =	sld [smem:$0x3FD9]  }
0x89: {  	s3 =	sld [smem:$0x3FFE];
	_ =	sdelay $0x1  }
0x8a: {  	s1 =	srdreg.scid  }
0x8b: {  	s0 =	sand.u32 $0x1, s1  }
0x8c: {  	s15 =	sshll.u32 s0, $0xA;
	s2 =	sadd.s32 s3, s2  }
0x8d: {  	s2 =	sadd.s32 s2, s15  }
0x8e: {  	[smem:$0x3FC2] =	sst s2  }
0x8f: {  	_ = 	snop  }
0x90: {  	s2 =	sld [smem:$0x3FD0];
	_ =	sdelay $0x2  }
0x91: {  	s4 =	simm.s32 $0xA;
	s5 =	simm.s32 $0x10;
	s16 =	sld [smem:$0x3FC4]  }
0x92: {  	[smem:s5], [sflag:s4] =	dma.local [hbm:s2], $0x1  }
0x93: {  	_ =	swait.eq [sflag:s4], $0x1  }
0x94: {  	[sflag:s4] =	ssyncset.done $0x0  }
0x95: {  	s17 =	sld [smem:$0x11];
	[sflag:s4] =	ssyncadd.s32 $0xFFFFFFFF  }
0x96: {  	s18 =	sld [smem:$0x12];
	(tm) =	ssettm $0x1  }
0x97: {  	s19 =	sld [smem:$0x3FFB];
	_ =	sdelay $0x3  }
0x98: {  	_ =	strace s19  }
0x99: {  	s5 =	sld [smem:$0x3FFC];
	_ =	sdelay $0x3  }
0x9a: {  	_ =	strace s5  }
0x9b: {  	s5 =	sld [smem:$0x3FFD];
	_ =	sdelay $0x3  }
0x9c: {  	_ =	strace s5  }
0x9d: {  	_ =	strace $0x8FFFFFFF  }
0x9e: {  	s20 =	sld [smem:$0x3FDB];
	_ =	sdelay $0x1  }
0x9f: {  	s6 =	simm.s32 $_scs_section_size  }
0xa0: {  	s7 =	simm.s32 $_size__tile_overlayer_lowered;
	s8 =	simm.s32 $_tile_overlayer_lowered  }
0xa1: {  	s23 =	simm.s32 $0x1BFF;
	s22 =	sshll.u32 s8, $0x1;
	s5 =	sadd.s32 s6, s20  }
0xa2: {  	s9 =	simm.s32 $0x0;
	s21 =	sshll.u32 s7, $0x1;
	s7 =	sadd.s32 s22, s5  }
0xa3: {  	[timem:s9], [sflag:s23] =	dma.local [hbm:s7], s21  }
0xa4: {  	_ =	swait.ge [sflag:s23], s21  }
0xa5: {  	s6 =	ssub.s32 $0x0, s21;
	[sflag:s23] =	ssyncset.done $0x0  }
0xa6: {  	[sflag:s23] =	ssyncadd.s32 s6;
	_ =	sdelay $0x1  }
0xa7: {  	s24 =	simm.s32 $0x1B8B  }
0xa8: {  	_ =	swait.ge [sflag:s24], $0x1  }
0xa9: {  	[sflag:s24] =	ssyncset.done $0x0  }
0xaa: {  	s25 =	simm.s32 $0x1B8E;
	[sflag:s24] =	ssyncadd.s32 $0xFFFFFFFF  }
0xab: {  	s26 =	simm.s32 $execute0_lowered;
	[smem:$0x3FD2] =	sst s25  }
0xac: {  	s6 =	sshll.u32 s26, $0x1;
	_ =	strace $0x80000046;
	[dreg:$0x1] =	wrdreg $0xFFFFFFFF  }
0xad: {  	s28 =	simm.s32 $_size_execute0_lowered;
	s5 =	sadd.s32 s5, s6;
	[dreg:$0x0] =	wrdreg $0x0  }
0xae: {  	s6 =	sshll.u32 s28, $0x1;
	[dreg:$0x2] =	wrdreg s5  }
0xaf: {  	[dreg:$0x3] =	wrdreg s6  }
0xb0: {  	[dreg:$0x4] =	wrdreg $0xC0  }
0xb1: {  	_ =	task [dreg:s9], $0x5FFFF  }
0xb2: {  	[dreg:$0x1] =	wrdreg $0xFFFFFFFF  }
0xb3: {  	[dreg:$0x0] =	wrdreg $0x60  }
0xb4: {  	[dreg:$0x2] =	wrdreg s17  }
0xb5: {  	[dreg:$0x3] =	wrdreg s16  }
0xb6: {  	[dreg:$0x4] =	wrdreg s18  }
0xb7: {  	[dreg:$0x5] =	wrdreg $0x9  }
0xb8: {  	_ =	task.clear_ibuf [dreg:s9], $0x6FFFF;
	_ =	strace $0x90000046  }
0xb9: {  	s29 =	simm.s32 $0x9;
	_ =	strace $0x80000048  }
0xba: {  	_ =	swait.ge [sflag:s29], $0x1  }
0xbb: {  	[sflag:s29] =	ssyncadd.s32 $0xFFFFFFFF  }
0xbc: {  	_ =	strace $0x90000048  }
0xbd: {  	_ =	sfence  }
0xbe: {  	s30 =	sld [smem:$0x0];
	_ =	sdelay $0x2  }
0xbf: {  	s31 =	sshll.u32 s1, $0xD;
	s1 =	sshrl.u32 s1, $0x2  }
0xc0: {  	s3 =	sand.u32 $0x4000, s31;
	s1 =	sadd.s32 s1, s30  }
0xc1: {  	s0 =	sor.u32 s3, s0;
	s1 =	sshll.u32 s1, $0x11  }
0xc2: {  	s0 =	sor.u32 s1, s0  }
0xc3: {  	s0 =	sadd.s32 $0x8F2B, s0  }
0xc4: {  	[sflag:s0] =	ssyncadd.remote.s32 $0x1  }
0xc5: {  	_ =	sfence.sel $0xFFFF  }
0xc6: {  	[dreg:$0x0] =	wrdreg $0xFFFFFFFF;
	(pc) =	sbr.abs _section_cstart, $3  }
0xc7: {  	[dreg:$0x1] =	wrdreg $0xFFFFFFFF  }
0xc8: {  	_ =	task.clear_ibuf [dreg:s9], $0x2FFFF;
	_ =	strace $0x9FFFFFFF  }
0xc9: {  	(tm) =	ssettm $0x7FFFFFFF  }
tec
execute0_lowered:
.L_overlay_start_1:
0x0: {  	(tag) =	ssettag $0x1  }
0x1: {  	s1 =	srdreg.scid;
	s0 =	stileid.u32  }
0x2: {  	s6 =	sand.u32 $0x1, s1;
	s7 =	sshll.u32 s0, $0x1  }
0x3: {  	s7 =	sor.u32 s6, s7  }
0x4: {  	p0 =	sgt.u32 s7, $0x18  }
.Ltmp0:
0x5: {  	s4 =	rddreg [dreg:$0x0];
	(pc) =	sbr.rel @p0 .LBB2_7-.Ltmp0, $4  }
0x6: {  	s2 =	rddreg [dreg:$0x1]  }
0x7: {  	s5 =	rddreg [dreg:$0x2];
	s3 =	simm.s32 $0x0  }
0x8: {  	[smem:$0x7FF] =	sst s3  }
0x9: {  	s1 =	rddreg [dreg:$0x3];
	_ =	strace $0x80000047  }
0xa: {  	s8 =	smul.u32 $0xA00, s7  }
0xb: {  	s6 =	ssub.s32 $0x2, s6;
	s31 =	smul.u32 $0x1400, s7  }
0xc: {  	s7 =	simm.s32 $0x1;
	s10 =	simm.s32 $0x0;
	s9 =	sshrl.u32 s6, $0x1  }
0xd: {  	s4 =	sadd.s32 s4, s8;
	s6 =	ssub.s32 s6, s9;
	s5 =	sadd.s32 s5, s31  }
0xe: {  	v0 =	vimm.f32 $0.0e+00;
	s8 =	simm.s32 $0x200;
	s9 =	simm.s32 $0x5200;
	s6 =	smax.u32 s6, $0x1  }
.LBB2_2:
0xf: {  	s11 =	simm.s32 $0x0  }
0x10: {  	[tilespmem:s11], [sflag:$0x1] =	stream.linear.gather [hbm4b:s2+s11], $0x200, $0x38;
	[tilespmem:$0xF200] =	vst v63  }
0x11: {  	_ =	swait.ge [sflag:s7], $0x200  }
0x12: {  	[sflag:s7] =	ssyncset.done $0x0  }
0x13: {  	[sflag:s7] =	ssyncadd.s32 $0xFFFFFE00  }
0x14: {  	[tilespmem:s8], [sflag:$0x1] =	stream.linear.gather [hbm4b:s4+s11], $0x5000, $0x38;
	[tilespmem:$0xF200] =	vst v63  }
0x15: {  	_ =	swait.ge [sflag:s7], $0x5000  }
0x16: {  	[sflag:s7] =	ssyncset.done $0x0  }
0x17: {  	s12 =	simm.s32 $0x1000;
	s11 =	simm.s32 $0x0;
	[sflag:s7] =	ssyncadd.s32 $0xFFFFB000  }
.LBB2_3:
0x18: {  	p0 =	sne.s32 s12, $0x27000;
	[tilespmem:s11+$0x55F0] =	vst v0  }
0x19: {  	[tilespmem:s11+$0x5200] =	vst v0  }
0x1a: {  	[tilespmem:s11+$0x5210] =	vst v0  }
0x1b: {  	[tilespmem:s11+$0x5220] =	vst v0  }
0x1c: {  	[tilespmem:s11+$0x5230] =	vst v0  }
0x1d: {  	[tilespmem:s11+$0x5240] =	vst v0  }
0x1e: {  	[tilespmem:s11+$0x5250] =	vst v0  }
0x1f: {  	[tilespmem:s11+$0x5260] =	vst v0  }
0x20: {  	[tilespmem:s11+$0x5270] =	vst v0  }
0x21: {  	[tilespmem:s11+$0x5280] =	vst v0  }
0x22: {  	[tilespmem:s11+$0x5290] =	vst v0  }
0x23: {  	[tilespmem:s11+$0x52A0] =	vst v0  }
0x24: {  	[tilespmem:s11+$0x52B0] =	vst v0  }
0x25: {  	[tilespmem:s11+$0x52C0] =	vst v0  }
0x26: {  	[tilespmem:s11+$0x52D0] =	vst v0  }
0x27: {  	[tilespmem:s11+$0x52E0] =	vst v0  }
0x28: {  	[tilespmem:s11+$0x52F0] =	vst v0  }
0x29: {  	[tilespmem:s11+$0x5300] =	vst v0  }
0x2a: {  	[tilespmem:s11+$0x5310] =	vst v0  }
0x2b: {  	[tilespmem:s11+$0x5320] =	vst v0  }
0x2c: {  	[tilespmem:s11+$0x5330] =	vst v0  }
0x2d: {  	[tilespmem:s11+$0x5340] =	vst v0  }
0x2e: {  	[tilespmem:s11+$0x5350] =	vst v0  }
0x2f: {  	[tilespmem:s11+$0x5360] =	vst v0  }
0x30: {  	[tilespmem:s11+$0x5370] =	vst v0  }
0x31: {  	[tilespmem:s11+$0x5380] =	vst v0  }
0x32: {  	[tilespmem:s11+$0x5390] =	vst v0  }
0x33: {  	[tilespmem:s11+$0x53A0] =	vst v0  }
0x34: {  	[tilespmem:s11+$0x53B0] =	vst v0  }
0x35: {  	[tilespmem:s11+$0x53C0] =	vst v0  }
0x36: {  	[tilespmem:s11+$0x53D0] =	vst v0  }
0x37: {  	[tilespmem:s11+$0x53E0] =	vst v0  }
0x38: {  	[tilespmem:s11+$0x53F0] =	vst v0  }
0x39: {  	[tilespmem:s11+$0x5400] =	vst v0  }
0x3a: {  	[tilespmem:s11+$0x5410] =	vst v0  }
0x3b: {  	[tilespmem:s11+$0x5420] =	vst v0  }
0x3c: {  	[tilespmem:s11+$0x5430] =	vst v0  }
0x3d: {  	[tilespmem:s11+$0x5440] =	vst v0  }
0x3e: {  	[tilespmem:s11+$0x5450] =	vst v0  }
0x3f: {  	[tilespmem:s11+$0x5460] =	vst v0  }
0x40: {  	[tilespmem:s11+$0x5470] =	vst v0  }
0x41: {  	[tilespmem:s11+$0x5480] =	vst v0  }
0x42: {  	[tilespmem:s11+$0x5490] =	vst v0  }
0x43: {  	[tilespmem:s11+$0x54A0] =	vst v0  }
0x44: {  	[tilespmem:s11+$0x54B0] =	vst v0  }
0x45: {  	[tilespmem:s11+$0x54C0] =	vst v0  }
0x46: {  	[tilespmem:s11+$0x54D0] =	vst v0  }
0x47: {  	[tilespmem:s11+$0x54E0] =	vst v0  }
0x48: {  	[tilespmem:s11+$0x54F0] =	vst v0  }
0x49: {  	[tilespmem:s11+$0x5500] =	vst v0  }
0x4a: {  	[tilespmem:s11+$0x5510] =	vst v0  }
0x4b: {  	[tilespmem:s11+$0x5520] =	vst v0  }
0x4c: {  	[tilespmem:s11+$0x5530] =	vst v0  }
0x4d: {  	[tilespmem:s11+$0x5540] =	vst v0  }
0x4e: {  	[tilespmem:s11+$0x5550] =	vst v0  }
0x4f: {  	[tilespmem:s11+$0x5560] =	vst v0  }
0x50: {  	[tilespmem:s11+$0x5570] =	vst v0  }
0x51: {  	[tilespmem:s11+$0x5580] =	vst v0  }
0x52: {  	[tilespmem:s11+$0x5590] =	vst v0  }
.Ltmp1:
0x53: {  	[tilespmem:s11+$0x55A0] =	vst v0;
	(pc) =	sbr.rel @p0 .LBB2_3-.Ltmp1, $4  }
0x54: {  	[tilespmem:s11+$0x55B0] =	vst v0  }
0x55: {  	[tilespmem:s11+$0x55C0] =	vst v0  }
0x56: {  	[tilespmem:s11+$0x55D0] =	vst v0  }
0x57: {  	[tilespmem:s11+$0x55E0] =	vst v0;
	s11 =	sshra.s32 s12, $0x2;
	s12 =	sadd.s32 $0x1000, s12  }
0x58: {  	[tilespmem:s11+$0x55F0] =	vst v0  }
0x59: {  	[tilespmem:s11+$0x5200] =	vst v0  }
0x5a: {  	[tilespmem:s11+$0x5210] =	vst v0  }
0x5b: {  	[tilespmem:s11+$0x5220] =	vst v0  }
0x5c: {  	[tilespmem:s11+$0x5230] =	vst v0  }
0x5d: {  	[tilespmem:s11+$0x5240] =	vst v0  }
0x5e: {  	[tilespmem:s11+$0x5250] =	vst v0  }
0x5f: {  	[tilespmem:s11+$0x5260] =	vst v0  }
0x60: {  	[tilespmem:s11+$0x5270] =	vst v0  }
0x61: {  	[tilespmem:s11+$0x5280] =	vst v0  }
0x62: {  	[tilespmem:s11+$0x5290] =	vst v0  }
0x63: {  	[tilespmem:s11+$0x52A0] =	vst v0  }
0x64: {  	[tilespmem:s11+$0x52B0] =	vst v0  }
0x65: {  	[tilespmem:s11+$0x52C0] =	vst v0  }
0x66: {  	[tilespmem:s11+$0x52D0] =	vst v0  }
0x67: {  	[tilespmem:s11+$0x52E0] =	vst v0  }
0x68: {  	[tilespmem:s11+$0x52F0] =	vst v0  }
0x69: {  	[tilespmem:s11+$0x5300] =	vst v0  }
0x6a: {  	[tilespmem:s11+$0x5310] =	vst v0  }
0x6b: {  	[tilespmem:s11+$0x5320] =	vst v0  }
0x6c: {  	[tilespmem:s11+$0x5330] =	vst v0  }
0x6d: {  	[tilespmem:s11+$0x5340] =	vst v0  }
0x6e: {  	[tilespmem:s11+$0x5350] =	vst v0  }
0x6f: {  	[tilespmem:s11+$0x5360] =	vst v0  }
0x70: {  	[tilespmem:s11+$0x5370] =	vst v0  }
0x71: {  	[tilespmem:s11+$0x5380] =	vst v0  }
0x72: {  	[tilespmem:s11+$0x5390] =	vst v0  }
0x73: {  	[tilespmem:s11+$0x53A0] =	vst v0  }
0x74: {  	[tilespmem:s11+$0x53B0] =	vst v0  }
0x75: {  	[tilespmem:s11+$0x53C0] =	vst v0  }
0x76: {  	[tilespmem:s11+$0x53D0] =	vst v0  }
0x77: {  	[tilespmem:s11+$0x53E0] =	vst v0  }
0x78: {  	[tilespmem:s11+$0x53F0] =	vst v0  }
0x79: {  	[tilespmem:s11+$0x5400] =	vst v0  }
0x7a: {  	[tilespmem:s11+$0x5410] =	vst v0  }
0x7b: {  	[tilespmem:s11+$0x5420] =	vst v0  }
0x7c: {  	[tilespmem:s11+$0x5430] =	vst v0  }
0x7d: {  	[tilespmem:s11+$0x5440] =	vst v0  }
0x7e: {  	[tilespmem:s11+$0x5450] =	vst v0  }
0x7f: {  	[tilespmem:s11+$0x5460] =	vst v0  }
0x80: {  	[tilespmem:s11+$0x5470] =	vst v0  }
0x81: {  	[tilespmem:s11+$0x5480] =	vst v0  }
0x82: {  	[tilespmem:s11+$0x5490] =	vst v0  }
0x83: {  	[tilespmem:s11+$0x54A0] =	vst v0  }
0x84: {  	[tilespmem:s11+$0x54B0] =	vst v0  }
0x85: {  	[tilespmem:s11+$0x54C0] =	vst v0  }
0x86: {  	[tilespmem:s11+$0x54D0] =	vst v0  }
0x87: {  	[tilespmem:s11+$0x54E0] =	vst v0  }
0x88: {  	[tilespmem:s11+$0x54F0] =	vst v0  }
0x89: {  	[tilespmem:s11+$0x5500] =	vst v0  }
0x8a: {  	[tilespmem:s11+$0x5510] =	vst v0  }
0x8b: {  	[tilespmem:s11+$0x5520] =	vst v0  }
0x8c: {  	[tilespmem:s11+$0x5530] =	vst v0  }
0x8d: {  	[tilespmem:s11+$0x5540] =	vst v0  }
0x8e: {  	[tilespmem:s11+$0x5550] =	vst v0  }
0x8f: {  	[tilespmem:s11+$0x5560] =	vst v0  }
0x90: {  	[tilespmem:s11+$0x5570] =	vst v0  }
0x91: {  	[tilespmem:s11+$0x5580] =	vst v0  }
0x92: {  	[tilespmem:s11+$0x5590] =	vst v0  }
0x93: {  	[tilespmem:s11+$0x55A0] =	vst v0  }
0x94: {  	[tilespmem:s11+$0x55B0] =	vst v0  }
0x95: {  	[tilespmem:s11+$0x55C0] =	vst v0  }
0x96: {  	[tilespmem:s11+$0x55D0] =	vst v0  }
0x97: {  	[tilespmem:s11+$0x55E0] =	vst v0  }
0x98: {  	v32 =	vld [tilespmem:$0x0]  }
0x99: {  	v31 =	vld [tilespmem:$0x10]  }
0x9a: {  	v30 =	vld [tilespmem:$0x20]  }
0x9b: {  	v29 =	vld [tilespmem:$0x30]  }
0x9c: {  	v28 =	vld [tilespmem:$0x40]  }
0x9d: {  	v27 =	vld [tilespmem:$0x50]  }
0x9e: {  	v26 =	vld [tilespmem:$0x60]  }
0x9f: {  	v25 =	vld [tilespmem:$0x70]  }
0xa0: {  	v24 =	vld [tilespmem:$0x80]  }
0xa1: {  	v23 =	vld [tilespmem:$0x90]  }
0xa2: {  	v22 =	vld [tilespmem:$0xA0]  }
0xa3: {  	v21 =	vld [tilespmem:$0xB0]  }
0xa4: {  	v20 =	vld [tilespmem:$0xC0]  }
0xa5: {  	v19 =	vld [tilespmem:$0xD0]  }
0xa6: {  	v18 =	vld [tilespmem:$0xE0]  }
0xa7: {  	v17 =	vld [tilespmem:$0xF0]  }
0xa8: {  	v16 =	vld [tilespmem:$0x100]  }
0xa9: {  	v15 =	vld [tilespmem:$0x110]  }
0xaa: {  	v14 =	vld [tilespmem:$0x120]  }
0xab: {  	v13 =	vld [tilespmem:$0x130]  }
0xac: {  	v12 =	vld [tilespmem:$0x140]  }
0xad: {  	v11 =	vld [tilespmem:$0x150]  }
0xae: {  	v10 =	vld [tilespmem:$0x160]  }
0xaf: {  	v9 =	vld [tilespmem:$0x170]  }
0xb0: {  	v8 =	vld [tilespmem:$0x180]  }
0xb1: {  	v7 =	vld [tilespmem:$0x190]  }
0xb2: {  	v6 =	vld [tilespmem:$0x1A0]  }
0xb3: {  	v5 =	vld [tilespmem:$0x1B0]  }
0xb4: {  	v4 =	vld [tilespmem:$0x1C0]  }
0xb5: {  	v3 =	vld [tilespmem:$0x1D0]  }
0xb6: {  	v2 =	vld [tilespmem:$0x1E0]  }
0xb7: {  	s11 =	simm.s32 $0x300;
	s12 =	simm.s32 $0x0;
	s13 =	simm.s32 $0x1;
	v1 =	vld [tilespmem:$0x1F0]  }
.LBB2_5:
0xb8: {  	p0 =	sne.s32 s13, $0x27;
	v33 =	vld [tilespmem:s11+$0xFFFFFF00];
	v34 =	vadd.s32 s12, v32;
	_ =	sdelay $0x4  }
0xb9: {  	[tilespmem:v34+s9+$0x0] =	vst.idx.msk $0xffff, v33  }
0xba: {  	v34 =	vadd.s32 s12, v31;
	v33 =	vld [tilespmem:s11+$0xFFFFFF10];
	_ =	sdelay $0x4  }
0xbb: {  	[tilespmem:v34+s9+$0x0] =	vst.idx.msk $0xffff, v33  }
0xbc: {  	v34 =	vadd.s32 s12, v30;
	v33 =	vld [tilespmem:s11+$0xFFFFFF20];
	_ =	sdelay $0x4  }
0xbd: {  	[tilespmem:v34+s9+$0x0] =	vst.idx.msk $0xffff, v33  }
0xbe: {  	v34 =	vadd.s32 s12, v29;
	v33 =	vld [tilespmem:s11+$0xFFFFFF30];
	_ =	sdelay $0x4  }
0xbf: {  	[tilespmem:v34+s9+$0x0] =	vst.idx.msk $0xffff, v33  }
0xc0: {  	v34 =	vadd.s32 s12, v28;
	v33 =	vld [tilespmem:s11+$0xFFFFFF40];
	_ =	sdelay $0x4  }
0xc1: {  	[tilespmem:v34+s9+$0x0] =	vst.idx.msk $0xffff, v33  }
0xc2: {  	v34 =	vadd.s32 s12, v27;
	v33 =	vld [tilespmem:s11+$0xFFFFFF50];
	_ =	sdelay $0x4  }
0xc3: {  	[tilespmem:v34+s9+$0x0] =	vst.idx.msk $0xffff, v33  }
0xc4: {  	v34 =	vadd.s32 s12, v26;
	v33 =	vld [tilespmem:s11+$0xFFFFFF60];
	_ =	sdelay $0x4  }
0xc5: {  	[tilespmem:v34+s9+$0x0] =	vst.idx.msk $0xffff, v33  }
0xc6: {  	v34 =	vadd.s32 s12, v25;
	v33 =	vld [tilespmem:s11+$0xFFFFFF70];
	_ =	sdelay $0x4  }
0xc7: {  	[tilespmem:v34+s9+$0x0] =	vst.idx.msk $0xffff, v33  }
0xc8: {  	v34 =	vadd.s32 s12, v24;
	v33 =	vld [tilespmem:s11+$0xFFFFFF80];
	_ =	sdelay $0x4  }
0xc9: {  	[tilespmem:v34+s9+$0x0] =	vst.idx.msk $0xffff, v33  }
0xca: {  	v34 =	vadd.s32 s12, v23;
	v33 =	vld [tilespmem:s11+$0xFFFFFF90];
	_ =	sdelay $0x4  }
0xcb: {  	[tilespmem:v34+s9+$0x0] =	vst.idx.msk $0xffff, v33  }
0xcc: {  	v34 =	vadd.s32 s12, v22;
	v33 =	vld [tilespmem:s11+$0xFFFFFFA0];
	_ =	sdelay $0x4  }
0xcd: {  	[tilespmem:v34+s9+$0x0] =	vst.idx.msk $0xffff, v33  }
0xce: {  	v34 =	vadd.s32 s12, v21;
	v33 =	vld [tilespmem:s11+$0xFFFFFFB0];
	_ =	sdelay $0x4  }
0xcf: {  	[tilespmem:v34+s9+$0x0] =	vst.idx.msk $0xffff, v33  }
0xd0: {  	v34 =	vadd.s32 s12, v20;
	v33 =	vld [tilespmem:s11+$0xFFFFFFC0];
	_ =	sdelay $0x4  }
0xd1: {  	[tilespmem:v34+s9+$0x0] =	vst.idx.msk $0xffff, v33  }
0xd2: {  	v34 =	vadd.s32 s12, v19;
	v33 =	vld [tilespmem:s11+$0xFFFFFFD0];
	_ =	sdelay $0x4  }
0xd3: {  	[tilespmem:v34+s9+$0x0] =	vst.idx.msk $0xffff, v33  }
0xd4: {  	v34 =	vadd.s32 s12, v18;
	v33 =	vld [tilespmem:s11+$0xFFFFFFE0];
	_ =	sdelay $0x4  }
0xd5: {  	[tilespmem:v34+s9+$0x0] =	vst.idx.msk $0xffff, v33  }
0xd6: {  	v34 =	vadd.s32 s12, v17;
	v33 =	vld [tilespmem:s11+$0xFFFFFFF0];
	_ =	sdelay $0x4  }
0xd7: {  	[tilespmem:v34+s9+$0x0] =	vst.idx.msk $0xffff, v33  }
0xd8: {  	v34 =	vadd.s32 s12, v16;
	v33 =	vld [tilespmem:s11+$0x0];
	_ =	sdelay $0x4  }
0xd9: {  	[tilespmem:v34+s9+$0x0] =	vst.idx.msk $0xffff, v33  }
0xda: {  	v34 =	vadd.s32 s12, v15;
	v33 =	vld [tilespmem:s11+$0x10];
	_ =	sdelay $0x4  }
0xdb: {  	[tilespmem:v34+s9+$0x0] =	vst.idx.msk $0xffff, v33  }
0xdc: {  	v34 =	vadd.s32 s12, v14;
	v33 =	vld [tilespmem:s11+$0x20];
	_ =	sdelay $0x4  }
0xdd: {  	[tilespmem:v34+s9+$0x0] =	vst.idx.msk $0xffff, v33  }
0xde: {  	v34 =	vadd.s32 s12, v13;
	v33 =	vld [tilespmem:s11+$0x30];
	_ =	sdelay $0x4  }
0xdf: {  	[tilespmem:v34+s9+$0x0] =	vst.idx.msk $0xffff, v33  }
0xe0: {  	v34 =	vadd.s32 s12, v12;
	v33 =	vld [tilespmem:s11+$0x40];
	_ =	sdelay $0x4  }
0xe1: {  	[tilespmem:v34+s9+$0x0] =	vst.idx.msk $0xffff, v33  }
0xe2: {  	v34 =	vadd.s32 s12, v11;
	v33 =	vld [tilespmem:s11+$0x50];
	_ =	sdelay $0x4  }
0xe3: {  	[tilespmem:v34+s9+$0x0] =	vst.idx.msk $0xffff, v33  }
0xe4: {  	v34 =	vadd.s32 s12, v10;
	v33 =	vld [tilespmem:s11+$0x60];
	_ =	sdelay $0x4  }
0xe5: {  	[tilespmem:v34+s9+$0x0] =	vst.idx.msk $0xffff, v33  }
0xe6: {  	v34 =	vadd.s32 s12, v9;
	v33 =	vld [tilespmem:s11+$0x70];
	_ =	sdelay $0x4  }
0xe7: {  	[tilespmem:v34+s9+$0x0] =	vst.idx.msk $0xffff, v33  }
0xe8: {  	v34 =	vadd.s32 s12, v8;
	v33 =	vld [tilespmem:s11+$0x80];
	_ =	sdelay $0x4  }
0xe9: {  	[tilespmem:v34+s9+$0x0] =	vst.idx.msk $0xffff, v33  }
0xea: {  	v34 =	vadd.s32 s12, v7;
	v33 =	vld [tilespmem:s11+$0x90];
	_ =	sdelay $0x4  }
0xeb: {  	[tilespmem:v34+s9+$0x0] =	vst.idx.msk $0xffff, v33  }
0xec: {  	v34 =	vadd.s32 s12, v6;
	v33 =	vld [tilespmem:s11+$0xA0];
	_ =	sdelay $0x4  }
0xed: {  	[tilespmem:v34+s9+$0x0] =	vst.idx.msk $0xffff, v33  }
0xee: {  	v34 =	vadd.s32 s12, v5;
	v33 =	vld [tilespmem:s11+$0xB0];
	_ =	sdelay $0x4  }
0xef: {  	[tilespmem:v34+s9+$0x0] =	vst.idx.msk $0xffff, v33  }
0xf0: {  	v34 =	vadd.s32 s12, v4;
	v33 =	vld [tilespmem:s11+$0xC0];
	_ =	sdelay $0x4  }
0xf1: {  	[tilespmem:v34+s9+$0x0] =	vst.idx.msk $0xffff, v33  }
0xf2: {  	v34 =	vadd.s32 s12, v3;
	v33 =	vld [tilespmem:s11+$0xD0];
	_ =	sdelay $0x4  }
0xf3: {  	[tilespmem:v34+s9+$0x0] =	vst.idx.msk $0xffff, v33  }
0xf4: {  	v34 =	vadd.s32 s12, v2;
	v33 =	vld [tilespmem:s11+$0xE0];
	_ =	sdelay $0x4  }
0xf5: {  	[tilespmem:v34+s9+$0x0] =	vst.idx.msk $0xffff, v33  }
0xf6: {  	v34 =	vadd.s32 s12, v1;
	v33 =	vld [tilespmem:s11+$0xF0]  }
.Ltmp2:
0xf7: {  	(pc) =	sbr.rel @p0 .LBB2_5-.Ltmp2, $2  }
0xf8: {  	_ =	sdelay $0x2  }
0xf9: {  	s12 =	sshll.u32 s13, $0xA;
	s13 =	sadd.s32 $0x1, s13;
	s11 =	sadd.s32 $0x200, s11;
	[tilespmem:v34+s9+$0x0] =	vst.idx.msk $0xffff, v33  }
0xfa: {  	v33 =	vld [tilespmem:s11+$0xFFFFFF00];
	v32 =	vadd.s32 s12, v32;
	_ =	sdelay $0x4  }
0xfb: {  	[tilespmem:v32+s9+$0x0] =	vst.idx.msk $0xffff, v33  }
0xfc: {  	v31 =	vadd.s32 s12, v31;
	v32 =	vld [tilespmem:s11+$0xFFFFFF10];
	_ =	sdelay $0x4  }
0xfd: {  	[tilespmem:v31+s9+$0x0] =	vst.idx.msk $0xffff, v32  }
0xfe: {  	v30 =	vadd.s32 s12, v30;
	v31 =	vld [tilespmem:s11+$0xFFFFFF20];
	_ =	sdelay $0x4  }
0xff: {  	[tilespmem:v30+s9+$0x0] =	vst.idx.msk $0xffff, v31  }
0x100: {  	v29 =	vadd.s32 s12, v29;
	v30 =	vld [tilespmem:s11+$0xFFFFFF30];
	_ =	sdelay $0x4  }
0x101: {  	[tilespmem:v29+s9+$0x0] =	vst.idx.msk $0xffff, v30  }
0x102: {  	v28 =	vadd.s32 s12, v28;
	v29 =	vld [tilespmem:s11+$0xFFFFFF40];
	_ =	sdelay $0x4  }
0x103: {  	[tilespmem:v28+s9+$0x0] =	vst.idx.msk $0xffff, v29  }
0x104: {  	v27 =	vadd.s32 s12, v27;
	v28 =	vld [tilespmem:s11+$0xFFFFFF50];
	_ =	sdelay $0x4  }
0x105: {  	[tilespmem:v27+s9+$0x0] =	vst.idx.msk $0xffff, v28  }
0x106: {  	v26 =	vadd.s32 s12, v26;
	v27 =	vld [tilespmem:s11+$0xFFFFFF60];
	_ =	sdelay $0x4  }
0x107: {  	[tilespmem:v26+s9+$0x0] =	vst.idx.msk $0xffff, v27  }
0x108: {  	v25 =	vadd.s32 s12, v25;
	v26 =	vld [tilespmem:s11+$0xFFFFFF70];
	_ =	sdelay $0x4  }
0x109: {  	[tilespmem:v25+s9+$0x0] =	vst.idx.msk $0xffff, v26  }
0x10a: {  	v24 =	vadd.s32 s12, v24;
	v25 =	vld [tilespmem:s11+$0xFFFFFF80];
	_ =	sdelay $0x4  }
0x10b: {  	[tilespmem:v24+s9+$0x0] =	vst.idx.msk $0xffff, v25  }
0x10c: {  	v23 =	vadd.s32 s12, v23;
	v24 =	vld [tilespmem:s11+$0xFFFFFF90];
	_ =	sdelay $0x4  }
0x10d: {  	[tilespmem:v23+s9+$0x0] =	vst.idx.msk $0xffff, v24  }
0x10e: {  	v22 =	vadd.s32 s12, v22;
	v23 =	vld [tilespmem:s11+$0xFFFFFFA0];
	_ =	sdelay $0x4  }
0x10f: {  	[tilespmem:v22+s9+$0x0] =	vst.idx.msk $0xffff, v23  }
0x110: {  	v21 =	vadd.s32 s12, v21;
	v22 =	vld [tilespmem:s11+$0xFFFFFFB0];
	_ =	sdelay $0x4  }
0x111: {  	[tilespmem:v21+s9+$0x0] =	vst.idx.msk $0xffff, v22  }
0x112: {  	v20 =	vadd.s32 s12, v20;
	v21 =	vld [tilespmem:s11+$0xFFFFFFC0];
	_ =	sdelay $0x4  }
0x113: {  	[tilespmem:v20+s9+$0x0] =	vst.idx.msk $0xffff, v21  }
0x114: {  	v19 =	vadd.s32 s12, v19;
	v20 =	vld [tilespmem:s11+$0xFFFFFFD0];
	_ =	sdelay $0x4  }
0x115: {  	[tilespmem:v19+s9+$0x0] =	vst.idx.msk $0xffff, v20  }
0x116: {  	v18 =	vadd.s32 s12, v18;
	v19 =	vld [tilespmem:s11+$0xFFFFFFE0];
	_ =	sdelay $0x4  }
0x117: {  	[tilespmem:v18+s9+$0x0] =	vst.idx.msk $0xffff, v19  }
0x118: {  	v17 =	vadd.s32 s12, v17;
	v18 =	vld [tilespmem:s11+$0xFFFFFFF0];
	_ =	sdelay $0x4  }
0x119: {  	[tilespmem:v17+s9+$0x0] =	vst.idx.msk $0xffff, v18  }
0x11a: {  	v16 =	vadd.s32 s12, v16;
	v17 =	vld [tilespmem:s11+$0x0];
	_ =	sdelay $0x4  }
0x11b: {  	[tilespmem:v16+s9+$0x0] =	vst.idx.msk $0xffff, v17  }
0x11c: {  	v15 =	vadd.s32 s12, v15;
	v16 =	vld [tilespmem:s11+$0x10];
	_ =	sdelay $0x4  }
0x11d: {  	[tilespmem:v15+s9+$0x0] =	vst.idx.msk $0xffff, v16  }
0x11e: {  	v14 =	vadd.s32 s12, v14;
	v15 =	vld [tilespmem:s11+$0x20];
	_ =	sdelay $0x4  }
0x11f: {  	[tilespmem:v14+s9+$0x0] =	vst.idx.msk $0xffff, v15  }
0x120: {  	v13 =	vadd.s32 s12, v13;
	v14 =	vld [tilespmem:s11+$0x30];
	_ =	sdelay $0x4  }
0x121: {  	[tilespmem:v13+s9+$0x0] =	vst.idx.msk $0xffff, v14  }
0x122: {  	v12 =	vadd.s32 s12, v12;
	v13 =	vld [tilespmem:s11+$0x40];
	_ =	sdelay $0x4  }
0x123: {  	[tilespmem:v12+s9+$0x0] =	vst.idx.msk $0xffff, v13  }
0x124: {  	v11 =	vadd.s32 s12, v11;
	v12 =	vld [tilespmem:s11+$0x50];
	_ =	sdelay $0x4  }
0x125: {  	[tilespmem:v11+s9+$0x0] =	vst.idx.msk $0xffff, v12  }
0x126: {  	v10 =	vadd.s32 s12, v10;
	v11 =	vld [tilespmem:s11+$0x60];
	_ =	sdelay $0x4  }
0x127: {  	[tilespmem:v10+s9+$0x0] =	vst.idx.msk $0xffff, v11  }
0x128: {  	v9 =	vadd.s32 s12, v9;
	v10 =	vld [tilespmem:s11+$0x70];
	_ =	sdelay $0x4  }
0x129: {  	[tilespmem:v9+s9+$0x0] =	vst.idx.msk $0xffff, v10  }
0x12a: {  	v8 =	vadd.s32 s12, v8;
	v9 =	vld [tilespmem:s11+$0x80];
	_ =	sdelay $0x4  }
0x12b: {  	[tilespmem:v8+s9+$0x0] =	vst.idx.msk $0xffff, v9  }
0x12c: {  	v7 =	vadd.s32 s12, v7;
	v8 =	vld [tilespmem:s11+$0x90];
	_ =	sdelay $0x4  }
0x12d: {  	[tilespmem:v7+s9+$0x0] =	vst.idx.msk $0xffff, v8  }
0x12e: {  	v6 =	vadd.s32 s12, v6;
	v7 =	vld [tilespmem:s11+$0xA0];
	_ =	sdelay $0x4  }
0x12f: {  	[tilespmem:v6+s9+$0x0] =	vst.idx.msk $0xffff, v7  }
0x130: {  	v5 =	vadd.s32 s12, v5;
	v6 =	vld [tilespmem:s11+$0xB0];
	_ =	sdelay $0x4  }
0x131: {  	[tilespmem:v5+s9+$0x0] =	vst.idx.msk $0xffff, v6  }
0x132: {  	v4 =	vadd.s32 s12, v4;
	v5 =	vld [tilespmem:s11+$0xC0];
	_ =	sdelay $0x4  }
0x133: {  	[tilespmem:v4+s9+$0x0] =	vst.idx.msk $0xffff, v5  }
0x134: {  	v3 =	vadd.s32 s12, v3;
	v4 =	vld [tilespmem:s11+$0xD0];
	_ =	sdelay $0x4  }
0x135: {  	[tilespmem:v3+s9+$0x0] =	vst.idx.msk $0xffff, v4  }
0x136: {  	v2 =	vadd.s32 s12, v2;
	v3 =	vld [tilespmem:s11+$0xE0];
	_ =	sdelay $0x4  }
0x137: {  	[tilespmem:v2+s9+$0x0] =	vst.idx.msk $0xffff, v3  }
0x138: {  	v1 =	vadd.s32 s12, v1;
	v2 =	vld [tilespmem:s11+$0xF0];
	_ =	sdelay $0x2  }
0x139: {  	s10 =	sadd.s32 $0x1, s10  }
0x13a: {  	p0 =	sne.s32 s10, s6  }
.Ltmp3:
0x13b: {  	[tilespmem:v1+s9+$0x0] =	vst.idx.msk $0xffff, v2;
	(pc) =	sbr.rel @p0 .LBB2_2-.Ltmp3, $4  }
0x13c: {  	[hbm4b:s5+s3] =	stream.linear.scatter [tilespmem:s9], [sflag:$0x1], $0xA000, $0x38;
	[tilespmem:$0xF200] =	vst v63  }
0x13d: {  	_ =	swait.ge [sflag:s7], $0xA000  }
0x13e: {  	[sflag:s7] =	ssyncset.done $0x0  }
0x13f: {  	[sflag:s7] =	ssyncadd.s32 $0xFFFF6000  }
.LBB2_7:
0x140: {  	_ =	sfence.sel $0x180000  }
0x141: {  	[bflag:$0x0] =	sbarrier.arrive $0xFFFF  }
0x142: {  	p0 =	sne.s32 s0, $0x0;
	_ =	strace $0x90000047  }
0x143: {  	s0 =	sadd.s32 @!p0 $0x100000, s1;
	[bflag:$0x2] =	sbarrier.arrive $0xFFFF  }
0x144: {  	[sflag:s0] =	ssyncadd.tile.s32 @!p0 $0x1;
	_ =	shalt  }
.Lfunc_end2:
_tile_overlayer_lowered:
.L_overlay_start_2:
0x145: {  	(tag) =	ssettag $0x2  }
0x146: {  	s0 =	rddreg [dreg:$0x0];
	s2 =	stileid.u32  }
0x147: {  	s1 =	rddreg [dreg:$0x1];
	p0 =	sne.s32 s2, $0x0  }
0x148: {  	s3 =	rddreg [dreg:$0x2];
	[bflag:$0x3] =	sbarrier.arrive $0xFFFF;
	s2 =	simm.s32 @!p0 $0x1C01  }
0x149: {  	[timem:s3], [sflag:s2] =	dma.local @!p0 [hbm:s0], s1  }
0x14a: {  	s0 =	simm.s32 @!p0 $0x1  }
0x14b: {  	_ =	swait.ge @!p0 [sflag:s0], s1  }
0x14c: {  	s1 =	ssub.s32 @!p0 $0x0, s1;
	[sflag:s0] =	ssyncset.done @!p0 $0x0  }
0x14d: {  	[sflag:s0] =	ssyncadd.s32 @!p0 s1  }
0x14e: {  	[bflag:$0x3] =	sbarrier.arrive $0xFFFF  }
0x14f: {  	_ =	shalt  }

</sc_bundles>
